<compile_context>
chip_gen: v7x
topology: tpu7x:2x2x1
jax: 0.10.2.dev20260603
libtpu: 0.0.44.dev20260713+nightly
codegen_flags: <defaults>
</compile_context>

<pallas_src>
import numpy as np

import jax
import jax.numpy as jnp
from jax import lax
from jax.experimental import pallas as pl
from jax.experimental.pallas import tpu as pltpu
from jax.experimental.pallas import tpu_sc as plsc

TEMPERATURE = 2.0 / 3.0
K = 2048
ROWS = 64
COLS = 32768
L = 16
NV = COLS // L
NC = 2
NS = 16
HB = 4096
UNROLL = 8
MIN32 = np.int32(-(2 ** 31))


def _scan_desc(ref, nchunks, kk, acc0):
    lane = lax.broadcasted_iota(jnp.int32, (L,), 0)

    def body(j, carry):
        found, psel, above, acc = carry
        c = nchunks - 1 - j
        h = ref[pl.ds(c * L, L)]
        rev = lax.rev(h, (0,))
        cs = plsc.cumsum(rev)
        cum = cs + acc
        crossed = cum >= kk
        ncross = jnp.sum(crossed.astype(jnp.int32))
        any_crossed = ncross > 0
        t = L - ncross
        sel = lane == t
        above_here = jnp.sum(jnp.where(sel, cum - rev, 0))
        p_here = c * L + (L - 1 - t)
        is_here = jnp.logical_and(jnp.logical_not(found), any_crossed)
        psel = jnp.where(is_here, p_here, psel)
        above = jnp.where(is_here, above_here, above)
        found = jnp.logical_or(found, any_crossed)
        acc = acc + cs[L - 1]
        return found, psel, above, acc

    init = (jnp.bool_(False), jnp.int32(0), jnp.int32(0), acc0)
    _, psel, above, _ = lax.fori_loop(0, nchunks, body, init)
    return psel, above


def _find_bucket(hist, tot, nchunks, kk):
    lane = lax.broadcasted_iota(jnp.int32, (L,), 0)
    lane0 = lane == 0

    @plsc.parallel_loop(0, nchunks, unroll=UNROLL)
    def _(c):
        s = jnp.sum(hist[pl.ds(c * L, L)])
        plsc.store_compressed(tot.at[pl.ds(c, L)],
                              jnp.full((L,), s, jnp.int32), mask=lane0)

    cc, above_c = _scan_desc(tot, nchunks // L, kk, jnp.int32(0))
    h = hist[pl.ds(cc * L, L)]
    rev = lax.rev(h, (0,))
    cs = plsc.cumsum(rev)
    cum = cs + above_c
    crossed = cum >= kk
    ncross = jnp.sum(crossed.astype(jnp.int32))
    t = L - ncross
    sel = lane == t
    above = jnp.sum(jnp.where(sel, cum - rev, 0))
    b = cc * L + (L - 1 - t)
    return b, above


def _zero(ref, n):
    zero = jnp.zeros((L,), jnp.int32)

    @plsc.parallel_loop(0, n, step=L, unroll=UNROLL)
    def _(i):
        ref[pl.ds(i, L)] = zero


def _key_of(v):
    bits = lax.bitcast_convert_type(v, jnp.int32)
    m = lax.shift_right_arithmetic(bits, 31)
    return bits ^ jnp.bitwise_or(m, MIN32)


def _sc_body(x_hbm, mask_hbm, s_hbm, xa, xc, sb, hist, tot,
             sem_x, sem_s, sem_m0, sem_m1):
    wid = lax.axis_index("s") * NC + lax.axis_index("c")
    ones_i = jnp.ones((L,), jnp.int32)
    zero_i = jnp.zeros((L,), jnp.int32)
    one_f = jnp.ones((L,), jnp.float32)
    zero_f = jnp.zeros((L,), jnp.float32)
    tempv = jnp.full((L,), TEMPERATURE, jnp.float32)

    def process_row(xb, r, sem_m):
        _zero(hist, HB)

        @plsc.parallel_loop(0, COLS, step=L, unroll=UNROLL)
        def _(i):
            v = xb[pl.ds(i, L)]
            key_u = _key_of(v)
            y = (v + 1.0) / tempv
            sb[pl.ds(i, L)] = 1.0 / (1.0 + jnp.exp(-y))
            b = lax.shift_right_logical(key_u, 20)
            plsc.addupdate_scatter(hist, [b], ones_i)

        s_dma = pltpu.make_async_copy(sb, s_hbm.at[r], sem_s)
        s_dma.start()

        b1, above1 = _find_bucket(hist, tot, HB // L, jnp.int32(K))
        kk2 = jnp.int32(K) - above1

        _zero(hist, HB)
        b1v = jnp.full((L,), b1, jnp.int32)

        @plsc.parallel_loop(0, COLS, step=L, unroll=UNROLL)
        def _(i):
            ku = _key_of(xb[pl.ds(i, L)])
            top = lax.shift_right_logical(ku, 20)
            mid = jnp.bitwise_and(lax.shift_right_logical(ku, 8),
                                  jnp.int32(0xFFF))
            plsc.addupdate_scatter(hist, [mid], ones_i, mask=top == b1v)

        b2, above2 = _find_bucket(hist, tot, HB // L, kk2)
        kk3 = kk2 - above2

        _zero(hist, 256)
        pref = jnp.bitwise_or(lax.shift_left(b1, 12), b2)
        prefv = jnp.full((L,), pref, jnp.int32)

        @plsc.parallel_loop(0, COLS, step=L, unroll=UNROLL)
        def _(i):
            ku = _key_of(xb[pl.ds(i, L)])
            hi = lax.shift_right_logical(ku, 8)
            low = jnp.bitwise_and(ku, jnp.int32(0xFF))
            plsc.addupdate_scatter(hist, [low], ones_i, mask=hi == prefv)

        b3, _ = _scan_desc(hist, 256 // L, kk3, jnp.int32(0))

        t_u = jnp.bitwise_or(lax.shift_left(b1, 20),
                             jnp.bitwise_or(lax.shift_left(b2, 8), b3))
        t_i = t_u ^ MIN32
        tvi = jnp.full((L,), t_i, jnp.int32)
        bits_t = jnp.where(tvi < 0, tvi ^ jnp.int32(0x7FFFFFFF), tvi)
        xt = lax.bitcast_convert_type(bits_t, jnp.float32)
        zt = 1.0 / (1.0 + jnp.exp(-((xt + 1.0) / tempv)))

        @plsc.parallel_loop(0, COLS, step=L, unroll=UNROLL,
                            carry=jnp.int32(0))
        def n_ge(i, acc):
            zv = sb[pl.ds(i, L)]
            ge = zv >= zt
            xb[pl.ds(i, L)] = jnp.where(ge, one_f, zero_f)
            return acc + plsc.all_reduce_population_count(ge)[0]

        @pl.when(n_ge != jnp.int32(K))
        def _():
            @plsc.parallel_loop(0, COLS, step=L, unroll=UNROLL,
                                carry=jnp.int32(0))
            def c_gt(i, acc):
                gt = sb[pl.ds(i, L)] > zt
                return acc + plsc.all_reduce_population_count(gt)[0]

            def body(i, j_rem):
                zv = sb[pl.ds(i * L, L)]
                m1 = zv > zt
                tie = zv == zt
                cs = plsc.cumsum(jnp.where(tie, ones_i, zero_i))
                sel = jnp.logical_and(tie, cs <= j_rem)
                xb[pl.ds(i * L, L)] = jnp.where(
                    jnp.logical_or(m1, sel), one_f, zero_f)
                ntie = cs[L - 1]
                return j_rem - jnp.minimum(ntie, j_rem)

            lax.fori_loop(0, NV, body, jnp.int32(K) - c_gt)

        mask_dma = pltpu.make_async_copy(xb, mask_hbm.at[r], sem_m)
        mask_dma.start()
        return s_dma, mask_dma

    r0 = wid * 2
    pltpu.sync_copy(x_hbm.at[r0], xa)
    x1_dma = pltpu.make_async_copy(x_hbm.at[r0 + 1], xc, sem_x)
    x1_dma.start()
    s0_dma, m0_dma = process_row(xa, r0, sem_m0)
    s0_dma.wait()
    x1_dma.wait()
    s1_dma, m1_dma = process_row(xc, r0 + 1, sem_m1)
    s1_dma.wait()
    m0_dma.wait()
    m1_dma.wait()


@jax.jit
def kernel(x):
    mesh = plsc.VectorSubcoreMesh(core_axis_name="c", subcore_axis_name="s")
    out = pl.kernel(
        _sc_body,
        out_type=(
            jax.ShapeDtypeStruct((ROWS, COLS), jnp.float32),
            jax.ShapeDtypeStruct((ROWS, COLS), jnp.float32),
        ),
        mesh=mesh,
        compiler_params=pltpu.CompilerParams(needs_layout_passes=False),
        scratch_types=[
            pltpu.VMEM((COLS,), jnp.float32),
            pltpu.VMEM((COLS,), jnp.float32),
            pltpu.VMEM((COLS,), jnp.float32),
            pltpu.VMEM((HB,), jnp.int32),
            pltpu.VMEM((272,), jnp.int32),
            pltpu.SemaphoreType.DMA,
            pltpu.SemaphoreType.DMA,
            pltpu.SemaphoreType.DMA,
            pltpu.SemaphoreType.DMA,
        ],
    )(x)
    return out

# --- scband reference (transcript-rebuilt; emitter-appended) ---
"""Pipeline reference for scband-dds-79800492359694 (READ-ONLY COPY).

The authoritative reference and input builder live on the scoring server;
editing this copy changes nothing except your own understanding.
"""

import jax, jax.numpy as jnp
import numpy as np

TEMPERATURE = 2.0 / 3.0
N_FEATURES = 2048
LIMIT_A = 0.0
LIMIT_B = 1.0


def setup_inputs(seed: int = 0) -> dict:
    key = jax.random.key(seed)
    x = jax.random.normal(key, (64, 32768), dtype=jnp.float32)
    return {"x": x}


def reference(x):
    # Eval-mode (deterministic) path: sample=False -> z = sigmoid(u / temperature)
    u = x + 1.0
    z = jax.nn.sigmoid(u / TEMPERATURE)
    # top-k along last dim, largest=True
    _, indices = jax.lax.top_k(z, N_FEATURES)
    batch_idx = jnp.arange(z.shape[0])[:, None]
    mask = jnp.zeros_like(z).at[batch_idx, indices].set(1.0)
    s = z * (LIMIT_B - LIMIT_A) + LIMIT_A
    # F.hardtanh(s, min_val=limit_a, max_val=limit_b)
    s = jnp.clip(s, LIMIT_A, LIMIT_B)
    return (mask, s)

if __name__ == "__main__":
    import jax
    _d = setup_inputs()
    print(jax.jit(kernel)(*tuple(_d.values())))

</pallas_src>

<mosaic_0001>
#map = affine_map<(d0, d1) -> (0, 0)>
module attributes {stable_mosaic.version = 14 : i64} {
  func.func @_sc_body(%arg0: i32, %arg1: i32, %arg2: memref<64x32768xf32, #tpu.memory_space<hbm>>, %arg3: memref<64x32768xf32, #tpu.memory_space<hbm>>, %arg4: memref<64x32768xf32, #tpu.memory_space<hbm>>, %arg5: memref<32768xf32, #tpu.memory_space<vmem>>, %arg6: memref<32768xf32, #tpu.memory_space<vmem>>, %arg7: memref<32768xf32, #tpu.memory_space<vmem>>, %arg8: memref<4096xi32, #tpu.memory_space<vmem>>, %arg9: memref<272xi32, #tpu.memory_space<vmem>>, %arg10: memref<!tpu.dma_semaphore, #tpu.memory_space<semaphore_mem>>, %arg11: memref<!tpu.dma_semaphore, #tpu.memory_space<semaphore_mem>>, %arg12: memref<!tpu.dma_semaphore, #tpu.memory_space<semaphore_mem>>, %arg13: memref<!tpu.dma_semaphore, #tpu.memory_space<semaphore_mem>>) attributes {dimension_semantics = [#tpu.dimension_semantics<core_parallel>, #tpu.dimension_semantics<subcore_parallel>], iteration_bounds = array<i64: 2, 16>, scalar_prefetch = 0 : i64, scratch_operands = 9 : i64, tpu.core_type = #tpu.core_type<sc_vector_subcore>, window_params = [{transform_indices = #map}, {transform_indices = #map}, {transform_indices = #map}]} {
    %mul3A = arith.constant 2 : i32
    %mul3A_0 = arith.muli %arg1, %mul3A : i32
    %add3A = arith.addi %mul3A_0, %arg0 : i32
    %broadcast_in_dim3A = arith.constant 1 : i32
    %broadcast_in_dim3A_1 = vector.broadcast %broadcast_in_dim3A : i32 to vector<16xi32>
    %broadcast_in_dim3A_2 = arith.constant 0 : i32
    %broadcast_in_dim3A_3 = vector.broadcast %broadcast_in_dim3A_2 : i32 to vector<16xi32>
    %broadcast_in_dim3A_4 = arith.constant 1.000000e+00 : f32
    %broadcast_in_dim3A_5 = vector.broadcast %broadcast_in_dim3A_4 : f32 to vector<16xf32>
    %broadcast_in_dim3A_6 = arith.constant 0.000000e+00 : f32
    %broadcast_in_dim3A_7 = vector.broadcast %broadcast_in_dim3A_6 : f32 to vector<16xf32>
    %broadcast_in_dim3A_8 = arith.constant 0.666666686 : f32
    %broadcast_in_dim3A_9 = vector.broadcast %broadcast_in_dim3A_8 : f32 to vector<16xf32>
    %mul3A_10 = arith.constant 2 : i32
    %mul3A_11 = arith.muli %add3A, %mul3A_10 : i32
    "tpu.region"() ({
      %run_scoped3A = tpu.sem_alloc : memref<!tpu.dma_semaphore, #tpu.memory_space<semaphore_mem>>
      %dma_start3A_447 = arith.constant 0 : i32
      %dma_start3A_448 = tpu.memref_slice %arg2[%mul3A_11, %dma_start3A_447] : memref<64x32768xf32, #tpu.memory_space<hbm>> -> memref<1x32768xf32, #tpu.memory_space<hbm>>
      %dma_start3A_449 = tpu.memref_squeeze %dma_start3A_448 : memref<1x32768xf32, #tpu.memory_space<hbm>> -> memref<32768xf32, #tpu.memory_space<hbm>>
      %dma_start3A_450 = arith.constant 0 : i32
      %dma_start3A_451 = tpu.memref_slice %arg2[%mul3A_11, %dma_start3A_450] : memref<64x32768xf32, #tpu.memory_space<hbm>> -> memref<1x32768xf32, #tpu.memory_space<hbm>>
      %dma_start3A_452 = tpu.memref_squeeze %dma_start3A_451 : memref<1x32768xf32, #tpu.memory_space<hbm>> -> memref<32768xf32, #tpu.memory_space<hbm>>
      tpu.enqueue_dma source(%dma_start3A_452 : memref<32768xf32, #tpu.memory_space<hbm>>) target(%arg5 : memref<32768xf32, #tpu.memory_space<vmem>>) target_semaphore(%run_scoped3A : memref<!tpu.dma_semaphore, #tpu.memory_space<semaphore_mem>>)
      %dma_wait3A_453 = arith.constant 0 : i32
      %dma_wait3A_454 = tpu.memref_slice %arg2[%mul3A_11, %dma_wait3A_453] : memref<64x32768xf32, #tpu.memory_space<hbm>> -> memref<1x32768xf32, #tpu.memory_space<hbm>>
      %dma_wait3A_455 = tpu.memref_squeeze %dma_wait3A_454 : memref<1x32768xf32, #tpu.memory_space<hbm>> -> memref<32768xf32, #tpu.memory_space<hbm>>
      %dma_wait3A_456 = arith.constant 0 : i32
      %dma_wait3A_457 = tpu.memref_slice %arg2[%mul3A_11, %dma_wait3A_456] : memref<64x32768xf32, #tpu.memory_space<hbm>> -> memref<1x32768xf32, #tpu.memory_space<hbm>>
      %dma_wait3A_458 = tpu.memref_squeeze %dma_wait3A_457 : memref<1x32768xf32, #tpu.memory_space<hbm>> -> memref<32768xf32, #tpu.memory_space<hbm>>
      tpu.wait_dma2 semaphore(%run_scoped3A : memref<!tpu.dma_semaphore, #tpu.memory_space<semaphore_mem>>) src(%dma_wait3A_458 : memref<32768xf32, #tpu.memory_space<hbm>>) dst(%arg5 : memref<32768xf32, #tpu.memory_space<vmem>>)
      tpu.yield
    }) : () -> ()
    %add3A_12 = arith.constant 1 : i32
    %add3A_13 = arith.addi %mul3A_11, %add3A_12 : i32
    %dma_start3A = arith.constant 0 : i32
    %dma_start3A_14 = tpu.memref_slice %arg2[%add3A_13, %dma_start3A] : memref<64x32768xf32, #tpu.memory_space<hbm>> -> memref<1x32768xf32, #tpu.memory_space<hbm>>
    %dma_start3A_15 = tpu.memref_squeeze %dma_start3A_14 : memref<1x32768xf32, #tpu.memory_space<hbm>> -> memref<32768xf32, #tpu.memory_space<hbm>>
    %dma_start3A_16 = arith.constant 0 : i32
    %dma_start3A_17 = tpu.memref_slice %arg2[%add3A_13, %dma_start3A_16] : memref<64x32768xf32, #tpu.memory_space<hbm>> -> memref<1x32768xf32, #tpu.memory_space<hbm>>
    %dma_start3A_18 = tpu.memref_squeeze %dma_start3A_17 : memref<1x32768xf32, #tpu.memory_space<hbm>> -> memref<32768xf32, #tpu.memory_space<hbm>>
    tpu.enqueue_dma source(%dma_start3A_18 : memref<32768xf32, #tpu.memory_space<hbm>>) target(%arg6 : memref<32768xf32, #tpu.memory_space<vmem>>) target_semaphore(%arg10 : memref<!tpu.dma_semaphore, #tpu.memory_space<semaphore_mem>>)
    %broadcast_in_dim3A_19 = arith.constant 0 : i32
    %broadcast_in_dim3A_20 = vector.broadcast %broadcast_in_dim3A_19 : i32 to vector<16xi32>
    %parallel_loop3A = arith.constant 0 : i32
    %parallel_loop3A_21 = arith.constant 4096 : i32
    %parallel_loop3A_22 = arith.constant 16 : i32
    scf.for %parallel_loop3A_447 = %parallel_loop3A to %parallel_loop3A_21 step %parallel_loop3A_22  : i32 {
      %parallel_loop3A_448 = arith.index_cast %parallel_loop3A_447 : i32 to index
      %parallel_loop3A_449 = tpu.vector_load %arg8[%parallel_loop3A_448] {strides = array<i32>} : memref<4096xi32, #tpu.memory_space<vmem>>, vector<16xi32>,
      tpu.vector_store %arg8[%parallel_loop3A_448], %broadcast_in_dim3A_20 {strides = array<i32>} : memref<4096xi32, #tpu.memory_space<vmem>>, vector<16xi32>,
    } {sc.loop_unroll_factor = 8 : i64, sc.parallel_access}
    %parallel_loop3A_23 = arith.constant 0 : i32
    %parallel_loop3A_24 = arith.constant 32768 : i32
    %parallel_loop3A_25 = arith.constant 16 : i32
    scf.for %parallel_loop3A_447 = %parallel_loop3A_23 to %parallel_loop3A_24 step %parallel_loop3A_25  : i32 {
      %parallel_loop3A_448 = arith.index_cast %parallel_loop3A_447 : i32 to index
      %parallel_loop3A_449 = tpu.vector_load %arg5[%parallel_loop3A_448] {strides = array<i32>} : memref<32768xf32, #tpu.memory_space<vmem>>, vector<16xf32>,
      %parallel_loop3A_450 = tpu.bitcast %parallel_loop3A_449 : vector<16xf32> -> vector<16xi32>
      %parallel_loop3A_451 = arith.constant 31 : i32
      %parallel_loop3A_452 = vector.broadcast %parallel_loop3A_451 : i32 to vector<16xi32>
      %parallel_loop3A_453 = arith.shrsi %parallel_loop3A_450, %parallel_loop3A_452 : vector<16xi32>
      %parallel_loop3A_454 = arith.constant -2147483648 : i32
      %parallel_loop3A_455 = vector.broadcast %parallel_loop3A_454 : i32 to vector<16xi32>
      %parallel_loop3A_456 = arith.ori %parallel_loop3A_453, %parallel_loop3A_455 : vector<16xi32>
      %parallel_loop3A_457 = arith.xori %parallel_loop3A_450, %parallel_loop3A_456 : vector<16xi32>
      %parallel_loop3A_458 = arith.constant 1.000000e+00 : f32
      %parallel_loop3A_459 = vector.broadcast %parallel_loop3A_458 : f32 to vector<16xf32>
      %parallel_loop3A_460 = arith.addf %parallel_loop3A_449, %parallel_loop3A_459 : vector<16xf32>
      %parallel_loop3A_461 = arith.divf %parallel_loop3A_460, %broadcast_in_dim3A_9 : vector<16xf32>
      %parallel_loop3A_462 = arith.constant 0.000000e+00 : f32
      %parallel_loop3A_463 = vector.broadcast %parallel_loop3A_462 : f32 to vector<16xf32>
      %parallel_loop3A_464 = arith.subf %parallel_loop3A_463, %parallel_loop3A_461 : vector<16xf32>
      %parallel_loop3A_465 = math.exp %parallel_loop3A_464 : vector<16xf32>
      %parallel_loop3A_466 = arith.constant 1.000000e+00 : f32
      %parallel_loop3A_467 = vector.broadcast %parallel_loop3A_466 : f32 to vector<16xf32>
      %parallel_loop3A_468 = arith.addf %parallel_loop3A_467, %parallel_loop3A_465 : vector<16xf32>
      %parallel_loop3A_469 = arith.constant 1.000000e+00 : f32
      %parallel_loop3A_470 = vector.broadcast %parallel_loop3A_469 : f32 to vector<16xf32>
      %parallel_loop3A_471 = arith.divf %parallel_loop3A_470, %parallel_loop3A_468 : vector<16xf32>
      %parallel_loop3A_472 = arith.index_cast %parallel_loop3A_447 : i32 to index
      %parallel_loop3A_473 = tpu.vector_load %arg7[%parallel_loop3A_472] {strides = array<i32>} : memref<32768xf32, #tpu.memory_space<vmem>>, vector<16xf32>,
      tpu.vector_store %arg7[%parallel_loop3A_472], %parallel_loop3A_471 {strides = array<i32>} : memref<32768xf32, #tpu.memory_space<vmem>>, vector<16xf32>,
      %parallel_loop3A_474 = arith.constant 20 : i32
      %parallel_loop3A_475 = vector.broadcast %parallel_loop3A_474 : i32 to vector<16xi32>
      %parallel_loop3A_476 = arith.shrui %parallel_loop3A_457, %parallel_loop3A_475 : vector<16xi32>
      tpu.vector_store_idx %arg8[%parallel_loop3A_476], %broadcast_in_dim3A_1 {add = true} : memref<4096xi32, #tpu.memory_space<vmem>>[vector<16xi32>], vector<16xi32>,
    } {sc.loop_unroll_factor = 8 : i64, sc.parallel_access}
    %dma_start3A_26 = arith.constant 0 : i32
    %dma_start3A_27 = tpu.memref_slice %arg4[%mul3A_11, %dma_start3A_26] : memref<64x32768xf32, #tpu.memory_space<hbm>> -> memref<1x32768xf32, #tpu.memory_space<hbm>>
    %dma_start3A_28 = tpu.memref_squeeze %dma_start3A_27 : memref<1x32768xf32, #tpu.memory_space<hbm>> -> memref<32768xf32, #tpu.memory_space<hbm>>
    %dma_start3A_29 = arith.constant 0 : i32
    %dma_start3A_30 = tpu.memref_slice %arg4[%mul3A_11, %dma_start3A_29] : memref<64x32768xf32, #tpu.memory_space<hbm>> -> memref<1x32768xf32, #tpu.memory_space<hbm>>
    %dma_start3A_31 = tpu.memref_squeeze %dma_start3A_30 : memref<1x32768xf32, #tpu.memory_space<hbm>> -> memref<32768xf32, #tpu.memory_space<hbm>>
    tpu.enqueue_dma source(%arg7 : memref<32768xf32, #tpu.memory_space<vmem>>) target(%dma_start3A_31 : memref<32768xf32, #tpu.memory_space<hbm>>) target_semaphore(%arg11 : memref<!tpu.dma_semaphore, #tpu.memory_space<semaphore_mem>>)
    %iota3A = tpu.iota {dimensions = array<i32: 0>} : vector<16xi32>
    %eq3A = arith.constant 0 : i32
    %eq3A_32 = vector.broadcast %eq3A : i32 to vector<16xi32>
    %eq3A_33 = arith.cmpi eq, %iota3A, %eq3A_32 : vector<16xi32>
    %parallel_loop3A_34 = arith.constant 0 : i32
    %parallel_loop3A_35 = arith.constant 256 : i32
    %parallel_loop3A_36 = arith.constant 1 : i32
    scf.for %parallel_loop3A_447 = %parallel_loop3A_34 to %parallel_loop3A_35 step %parallel_loop3A_36  : i32 {
      %parallel_loop3A_448 = arith.constant 16 : i32
      %parallel_loop3A_449 = arith.muli %parallel_loop3A_447, %parallel_loop3A_448 : i32
      %parallel_loop3A_450 = arith.index_cast %parallel_loop3A_449 : i32 to index
      %parallel_loop3A_451 = tpu.vector_load %arg8[%parallel_loop3A_450] {strides = array<i32>} : memref<4096xi32, #tpu.memory_space<vmem>>, vector<16xi32>,
      %parallel_loop3A_452 = arith.constant true
      %parallel_loop3A_453 = vector.broadcast %parallel_loop3A_452 : i1 to vector<16xi1>
      %parallel_loop3A_454 = tpu.scan <sum>, %parallel_loop3A_451 masked %parallel_loop3A_453 : vector<16xi32>, vector<16xi1> -> vector<16xi32>
      %parallel_loop3A_455 = vector.extract %parallel_loop3A_454[15] : i32 from vector<16xi32>
      %parallel_loop3A_456 = vector.broadcast %parallel_loop3A_455 : i32 to vector<16xi32>
      %parallel_loop3A_457 = arith.index_cast %parallel_loop3A_447 : i32 to index
      %parallel_loop3A_458 = tpu.vector_load %arg9[%parallel_loop3A_457] masked %eq3A_33 {strides = array<i32>} : memref<272xi32, #tpu.memory_space<vmem>>, vector<16xi32>, vector<16xi1>
      tpu.vector_store %arg9[%parallel_loop3A_457], %parallel_loop3A_456 masked %eq3A_33 {strides = array<i32>} : memref<272xi32, #tpu.memory_space<vmem>>, vector<16xi32>, vector<16xi1>
    } {sc.loop_unroll_factor = 8 : i64, sc.parallel_access}
    %iota3A_37 = tpu.iota {dimensions = array<i32: 0>} : vector<16xi32>
    %scan3A = arith.constant 2048 : i32
    %scan3A_38 = arith.constant false
    %scan3A_39 = arith.constant 0 : i32
    %scan3A_40 = arith.constant 0 : i32
    %scan3A_41 = arith.constant 0 : i32
    %scan3A_42 = arith.constant 0 : i32
    %scan3A_43 = arith.constant 16 : i32
    %scan3A_44 = arith.addi %scan3A_42, %scan3A_43 : i32
    %scan3A_45 = arith.constant 1 : i32
    %scan3A_46:4 = scf.for %scan3A_447 = %scan3A_42 to %scan3A_44 step %scan3A_45 iter_args(%scan3A_448 = %scan3A_38, %scan3A_449 = %scan3A_39, %scan3A_450 = %scan3A_40, %scan3A_451 = %scan3A_41) -> (i1, i32, i32, i32)  : i32 {
      %sub3A_452 = arith.constant 15 : i32
      %sub3A_453 = arith.subi %sub3A_452, %scan3A_447 : i32
      %mul3A_454 = arith.constant 16 : i32
      %mul3A_455 = arith.muli %sub3A_453, %mul3A_454 : i32
      %get3A_456 = arith.index_cast %mul3A_455 : i32 to index
      %get3A_457 = tpu.vector_load %arg9[%get3A_456] {strides = array<i32>} : memref<272xi32, #tpu.memory_space<vmem>>, vector<16xi32>,
      %rev3A_458 = arith.constant 15 : i32
      %rev3A_459 = vector.broadcast %rev3A_458 : i32 to vector<16xi32>
      %rev3A_460 = tpu.iota {dimensions = array<i32: 0>} : vector<16xi32>
      %rev3A_461 = arith.subi %rev3A_459, %rev3A_460 : vector<16xi32>
      %rev3A_462 = tpu.dynamic_gather %get3A_457[%rev3A_461] in [0] : vector<16xi32>, vector<16xi32> -> vector<16xi32>
      %broadcast_in_dim3A_463 = arith.constant true
      %broadcast_in_dim3A_464 = vector.broadcast %broadcast_in_dim3A_463 : i1 to vector<16xi1>
      %masked_cumsum3A_465 = tpu.scan <sum>, %rev3A_462 masked %broadcast_in_dim3A_464 : vector<16xi32>, vector<16xi1> -> vector<16xi32>
      %add3A_466 = vector.broadcast %scan3A_451 : i32 to vector<16xi32>
      %add3A_467 = arith.addi %masked_cumsum3A_465, %add3A_466 : vector<16xi32>
      %ge3A_468 = vector.broadcast %scan3A : i32 to vector<16xi32>
      %ge3A_469 = arith.cmpi sge, %add3A_467, %ge3A_468 : vector<16xi32>
      %convert_element_type3A_470 = arith.extui %ge3A_469 : vector<16xi1> to vector<16xi32>
      %reduce_sum3A_471 = arith.constant true
      %reduce_sum3A_472 = vector.broadcast %reduce_sum3A_471 : i1 to vector<16xi1>
      %reduce_sum3A_473 = tpu.scan <sum>, %convert_element_type3A_470 masked %reduce_sum3A_472 : vector<16xi32>, vector<16xi1> -> vector<16xi32>
      %reduce_sum3A_474 = vector.extract %reduce_sum3A_473[15] : i32 from vector<16xi32>
      %gt3A = arith.constant 0 : i32
      %gt3A_475 = arith.cmpi sgt, %reduce_sum3A_474, %gt3A : i32
      %sub3A_476 = arith.constant 16 : i32
      %sub3A_477 = arith.subi %sub3A_476, %reduce_sum3A_474 : i32
      %eq3A_478 = vector.broadcast %sub3A_477 : i32 to vector<16xi32>
      %eq3A_479 = arith.cmpi eq, %iota3A_37, %eq3A_478 : vector<16xi32>
      %sub3A_480 = arith.subi %add3A_467, %rev3A_462 : vector<16xi32>
      %jit3A_481 = arith.constant 0 : i32
      %broadcast_in_dim3A_482 = vector.broadcast %jit3A_481 : i32 to vector<16xi32>
      %select_n3A_483 = arith.select %eq3A_479, %sub3A_480, %broadcast_in_dim3A_482 : vector<16xi1>, vector<16xi32>
      %reduce_sum3A_484 = arith.constant true
      %reduce_sum3A_485 = vector.broadcast %reduce_sum3A_484 : i1 to vector<16xi1>
      %reduce_sum3A_486 = tpu.scan <sum>, %select_n3A_483 masked %reduce_sum3A_485 : vector<16xi32>, vector<16xi1> -> vector<16xi32>
      %reduce_sum3A_487 = vector.extract %reduce_sum3A_486[15] : i32 from vector<16xi32>
      %mul3A_488 = arith.constant 16 : i32
      %mul3A_489 = arith.muli %sub3A_453, %mul3A_488 : i32
      %sub3A_490 = arith.constant 15 : i32
      %sub3A_491 = arith.subi %sub3A_490, %sub3A_477 : i32
      %add3A_492 = arith.addi %mul3A_489, %sub3A_491 : i32
      %not3A = arith.constant true
      %not3A_493 = arith.xori %scan3A_448, %not3A : i1
      %and3A = arith.andi %not3A_493, %gt3A_475 : i1
      %select_n3A_494 = arith.select %and3A, %add3A_492, %scan3A_449 : i32
      %select_n3A_495 = arith.select %and3A, %reduce_sum3A_487, %scan3A_450 : i32
      %or3A_496 = arith.ori %scan3A_448, %gt3A_475 : i1
      %slice3A = vector.extract_strided_slice %masked_cumsum3A_465 {offsets = [15], sizes = [1], strides = [1]} : vector<16xi32> to vector<1xi32>
      %squeeze3A = vector.extract %slice3A[0] : i32 from vector<1xi32>
      %add3A_497 = arith.addi %scan3A_451, %squeeze3A : i32
      scf.yield %or3A_496, %select_n3A_494, %select_n3A_495, %add3A_497 : i1, i32, i32, i32
    }
    %scan3A_47 = arith.constant 16 : i32
    %mul3A_48 = arith.constant 16 : i32
    %mul3A_49 = arith.muli %scan3A_46#1, %mul3A_48 : i32
    %get3A = arith.index_cast %mul3A_49 : i32 to index
    %get3A_50 = tpu.vector_load %arg8[%get3A] {strides = array<i32>} : memref<4096xi32, #tpu.memory_space<vmem>>, vector<16xi32>,
    %rev3A = arith.constant 15 : i32
    %rev3A_51 = vector.broadcast %rev3A : i32 to vector<16xi32>
    %rev3A_52 = tpu.iota {dimensions = array<i32: 0>} : vector<16xi32>
    %rev3A_53 = arith.subi %rev3A_51, %rev3A_52 : vector<16xi32>
    %rev3A_54 = tpu.dynamic_gather %get3A_50[%rev3A_53] in [0] : vector<16xi32>, vector<16xi32> -> vector<16xi32>
    %broadcast_in_dim3A_55 = arith.constant true
    %broadcast_in_dim3A_56 = vector.broadcast %broadcast_in_dim3A_55 : i1 to vector<16xi1>
    %masked_cumsum3A = tpu.scan <sum>, %rev3A_54 masked %broadcast_in_dim3A_56 : vector<16xi32>, vector<16xi1> -> vector<16xi32>
    %add3A_57 = vector.broadcast %scan3A_46#2 : i32 to vector<16xi32>
    %add3A_58 = arith.addi %masked_cumsum3A, %add3A_57 : vector<16xi32>
    %ge3A = arith.constant 2048 : i32
    %ge3A_59 = vector.broadcast %ge3A : i32 to vector<16xi32>
    %ge3A_60 = arith.cmpi sge, %add3A_58, %ge3A_59 : vector<16xi32>
    %convert_element_type3A = arith.extui %ge3A_60 : vector<16xi1> to vector<16xi32>
    %reduce_sum3A = arith.constant true
    %reduce_sum3A_61 = vector.broadcast %reduce_sum3A : i1 to vector<16xi1>
    %reduce_sum3A_62 = tpu.scan <sum>, %convert_element_type3A masked %reduce_sum3A_61 : vector<16xi32>, vector<16xi1> -> vector<16xi32>
    %reduce_sum3A_63 = vector.extract %reduce_sum3A_62[15] : i32 from vector<16xi32>
    %sub3A = arith.constant 16 : i32
    %sub3A_64 = arith.subi %sub3A, %reduce_sum3A_63 : i32
    %eq3A_65 = vector.broadcast %sub3A_64 : i32 to vector<16xi32>
    %eq3A_66 = arith.cmpi eq, %iota3A, %eq3A_65 : vector<16xi32>
    %sub3A_67 = arith.subi %add3A_58, %rev3A_54 : vector<16xi32>
    %jit3A = arith.constant 0 : i32
    %broadcast_in_dim3A_68 = vector.broadcast %jit3A : i32 to vector<16xi32>
    %select_n3A = arith.select %eq3A_66, %sub3A_67, %broadcast_in_dim3A_68 : vector<16xi1>, vector<16xi32>
    %reduce_sum3A_69 = arith.constant true
    %reduce_sum3A_70 = vector.broadcast %reduce_sum3A_69 : i1 to vector<16xi1>
    %reduce_sum3A_71 = tpu.scan <sum>, %select_n3A masked %reduce_sum3A_70 : vector<16xi32>, vector<16xi1> -> vector<16xi32>
    %reduce_sum3A_72 = vector.extract %reduce_sum3A_71[15] : i32 from vector<16xi32>
    %mul3A_73 = arith.constant 16 : i32
    %mul3A_74 = arith.muli %scan3A_46#1, %mul3A_73 : i32
    %sub3A_75 = arith.constant 15 : i32
    %sub3A_76 = arith.subi %sub3A_75, %sub3A_64 : i32
    %add3A_77 = arith.addi %mul3A_74, %sub3A_76 : i32
    %sub3A_78 = arith.constant 2048 : i32
    %sub3A_79 = arith.subi %sub3A_78, %reduce_sum3A_72 : i32
    %broadcast_in_dim3A_80 = arith.constant 0 : i32
    %broadcast_in_dim3A_81 = vector.broadcast %broadcast_in_dim3A_80 : i32 to vector<16xi32>
    %parallel_loop3A_82 = arith.constant 0 : i32
    %parallel_loop3A_83 = arith.constant 4096 : i32
    %parallel_loop3A_84 = arith.constant 16 : i32
    scf.for %parallel_loop3A_447 = %parallel_loop3A_82 to %parallel_loop3A_83 step %parallel_loop3A_84  : i32 {
      %parallel_loop3A_448 = arith.index_cast %parallel_loop3A_447 : i32 to index
      %parallel_loop3A_449 = tpu.vector_load %arg8[%parallel_loop3A_448] {strides = array<i32>} : memref<4096xi32, #tpu.memory_space<vmem>>, vector<16xi32>,
      tpu.vector_store %arg8[%parallel_loop3A_448], %broadcast_in_dim3A_81 {strides = array<i32>} : memref<4096xi32, #tpu.memory_space<vmem>>, vector<16xi32>,
    } {sc.loop_unroll_factor = 8 : i64, sc.parallel_access}
    %broadcast_in_dim3A_85 = vector.broadcast %add3A_77 : i32 to vector<16xi32>
    %parallel_loop3A_86 = arith.constant 0 : i32
    %parallel_loop3A_87 = arith.constant 32768 : i32
    %parallel_loop3A_88 = arith.constant 16 : i32
    scf.for %parallel_loop3A_447 = %parallel_loop3A_86 to %parallel_loop3A_87 step %parallel_loop3A_88  : i32 {
      %parallel_loop3A_448 = arith.index_cast %parallel_loop3A_447 : i32 to index
      %parallel_loop3A_449 = tpu.vector_load %arg5[%parallel_loop3A_448] {strides = array<i32>} : memref<32768xf32, #tpu.memory_space<vmem>>, vector<16xf32>,
      %parallel_loop3A_450 = tpu.bitcast %parallel_loop3A_449 : vector<16xf32> -> vector<16xi32>
      %parallel_loop3A_451 = arith.constant 31 : i32
      %parallel_loop3A_452 = vector.broadcast %parallel_loop3A_451 : i32 to vector<16xi32>
      %parallel_loop3A_453 = arith.shrsi %parallel_loop3A_450, %parallel_loop3A_452 : vector<16xi32>
      %parallel_loop3A_454 = arith.constant -2147483648 : i32
      %parallel_loop3A_455 = vector.broadcast %parallel_loop3A_454 : i32 to vector<16xi32>
      %parallel_loop3A_456 = arith.ori %parallel_loop3A_453, %parallel_loop3A_455 : vector<16xi32>
      %parallel_loop3A_457 = arith.xori %parallel_loop3A_450, %parallel_loop3A_456 : vector<16xi32>
      %parallel_loop3A_458 = arith.constant 20 : i32
      %parallel_loop3A_459 = vector.broadcast %parallel_loop3A_458 : i32 to vector<16xi32>
      %parallel_loop3A_460 = arith.shrui %parallel_loop3A_457, %parallel_loop3A_459 : vector<16xi32>
      %parallel_loop3A_461 = arith.constant 8 : i32
      %parallel_loop3A_462 = vector.broadcast %parallel_loop3A_461 : i32 to vector<16xi32>
      %parallel_loop3A_463 = arith.shrui %parallel_loop3A_457, %parallel_loop3A_462 : vector<16xi32>
      %parallel_loop3A_464 = arith.constant 4095 : i32
      %parallel_loop3A_465 = vector.broadcast %parallel_loop3A_464 : i32 to vector<16xi32>
      %parallel_loop3A_466 = arith.andi %parallel_loop3A_463, %parallel_loop3A_465 : vector<16xi32>
      %parallel_loop3A_467 = arith.cmpi eq, %parallel_loop3A_460, %broadcast_in_dim3A_85 : vector<16xi32>
      tpu.vector_store_idx %arg8[%parallel_loop3A_466], %broadcast_in_dim3A_1 masked %parallel_loop3A_467 {add = true} : memref<4096xi32, #tpu.memory_space<vmem>>[vector<16xi32>], vector<16xi32>, vector<16xi1>
    } {sc.loop_unroll_factor = 8 : i64, sc.parallel_access}
    %iota3A_89 = tpu.iota {dimensions = array<i32: 0>} : vector<16xi32>
    %eq3A_90 = arith.constant 0 : i32
    %eq3A_91 = vector.broadcast %eq3A_90 : i32 to vector<16xi32>
    %eq3A_92 = arith.cmpi eq, %iota3A_89, %eq3A_91 : vector<16xi32>
    %parallel_loop3A_93 = arith.constant 0 : i32
    %parallel_loop3A_94 = arith.constant 256 : i32
    %parallel_loop3A_95 = arith.constant 1 : i32
    scf.for %parallel_loop3A_447 = %parallel_loop3A_93 to %parallel_loop3A_94 step %parallel_loop3A_95  : i32 {
      %parallel_loop3A_448 = arith.constant 16 : i32
      %parallel_loop3A_449 = arith.muli %parallel_loop3A_447, %parallel_loop3A_448 : i32
      %parallel_loop3A_450 = arith.index_cast %parallel_loop3A_449 : i32 to index
      %parallel_loop3A_451 = tpu.vector_load %arg8[%parallel_loop3A_450] {strides = array<i32>} : memref<4096xi32, #tpu.memory_space<vmem>>, vector<16xi32>,
      %parallel_loop3A_452 = arith.constant true
      %parallel_loop3A_453 = vector.broadcast %parallel_loop3A_452 : i1 to vector<16xi1>
      %parallel_loop3A_454 = tpu.scan <sum>, %parallel_loop3A_451 masked %parallel_loop3A_453 : vector<16xi32>, vector<16xi1> -> vector<16xi32>
      %parallel_loop3A_455 = vector.extract %parallel_loop3A_454[15] : i32 from vector<16xi32>
      %parallel_loop3A_456 = vector.broadcast %parallel_loop3A_455 : i32 to vector<16xi32>
      %parallel_loop3A_457 = arith.index_cast %parallel_loop3A_447 : i32 to index
      %parallel_loop3A_458 = tpu.vector_load %arg9[%parallel_loop3A_457] masked %eq3A_92 {strides = array<i32>} : memref<272xi32, #tpu.memory_space<vmem>>, vector<16xi32>, vector<16xi1>
      tpu.vector_store %arg9[%parallel_loop3A_457], %parallel_loop3A_456 masked %eq3A_92 {strides = array<i32>} : memref<272xi32, #tpu.memory_space<vmem>>, vector<16xi32>, vector<16xi1>
    } {sc.loop_unroll_factor = 8 : i64, sc.parallel_access}
    %iota3A_96 = tpu.iota {dimensions = array<i32: 0>} : vector<16xi32>
    %scan3A_97 = arith.constant false
    %scan3A_98 = arith.constant 0 : i32
    %scan3A_99 = arith.constant 0 : i32
    %scan3A_100 = arith.constant 0 : i32
    %scan3A_101 = arith.constant 0 : i32
    %scan3A_102 = arith.constant 16 : i32
    %scan3A_103 = arith.addi %scan3A_101, %scan3A_102 : i32
    %scan3A_104 = arith.constant 1 : i32
    %scan3A_105:4 = scf.for %scan3A_447 = %scan3A_101 to %scan3A_103 step %scan3A_104 iter_args(%scan3A_448 = %scan3A_97, %scan3A_449 = %scan3A_98, %scan3A_450 = %scan3A_99, %scan3A_451 = %scan3A_100) -> (i1, i32, i32, i32)  : i32 {
      %sub3A_452 = arith.constant 15 : i32
      %sub3A_453 = arith.subi %sub3A_452, %scan3A_447 : i32
      %mul3A_454 = arith.constant 16 : i32
      %mul3A_455 = arith.muli %sub3A_453, %mul3A_454 : i32
      %get3A_456 = arith.index_cast %mul3A_455 : i32 to index
      %get3A_457 = tpu.vector_load %arg9[%get3A_456] {strides = array<i32>} : memref<272xi32, #tpu.memory_space<vmem>>, vector<16xi32>,
      %rev3A_458 = arith.constant 15 : i32
      %rev3A_459 = vector.broadcast %rev3A_458 : i32 to vector<16xi32>
      %rev3A_460 = tpu.iota {dimensions = array<i32: 0>} : vector<16xi32>
      %rev3A_461 = arith.subi %rev3A_459, %rev3A_460 : vector<16xi32>
      %rev3A_462 = tpu.dynamic_gather %get3A_457[%rev3A_461] in [0] : vector<16xi32>, vector<16xi32> -> vector<16xi32>
      %broadcast_in_dim3A_463 = arith.constant true
      %broadcast_in_dim3A_464 = vector.broadcast %broadcast_in_dim3A_463 : i1 to vector<16xi1>
      %masked_cumsum3A_465 = tpu.scan <sum>, %rev3A_462 masked %broadcast_in_dim3A_464 : vector<16xi32>, vector<16xi1> -> vector<16xi32>
      %add3A_466 = vector.broadcast %scan3A_451 : i32 to vector<16xi32>
      %add3A_467 = arith.addi %masked_cumsum3A_465, %add3A_466 : vector<16xi32>
      %ge3A_468 = vector.broadcast %sub3A_79 : i32 to vector<16xi32>
      %ge3A_469 = arith.cmpi sge, %add3A_467, %ge3A_468 : vector<16xi32>
      %convert_element_type3A_470 = arith.extui %ge3A_469 : vector<16xi1> to vector<16xi32>
      %reduce_sum3A_471 = arith.constant true
      %reduce_sum3A_472 = vector.broadcast %reduce_sum3A_471 : i1 to vector<16xi1>
      %reduce_sum3A_473 = tpu.scan <sum>, %convert_element_type3A_470 masked %reduce_sum3A_472 : vector<16xi32>, vector<16xi1> -> vector<16xi32>
      %reduce_sum3A_474 = vector.extract %reduce_sum3A_473[15] : i32 from vector<16xi32>
      %gt3A = arith.constant 0 : i32
      %gt3A_475 = arith.cmpi sgt, %reduce_sum3A_474, %gt3A : i32
      %sub3A_476 = arith.constant 16 : i32
      %sub3A_477 = arith.subi %sub3A_476, %reduce_sum3A_474 : i32
      %eq3A_478 = vector.broadcast %sub3A_477 : i32 to vector<16xi32>
      %eq3A_479 = arith.cmpi eq, %iota3A_96, %eq3A_478 : vector<16xi32>
      %sub3A_480 = arith.subi %add3A_467, %rev3A_462 : vector<16xi32>
      %jit3A_481 = arith.constant 0 : i32
      %broadcast_in_dim3A_482 = vector.broadcast %jit3A_481 : i32 to vector<16xi32>
      %select_n3A_483 = arith.select %eq3A_479, %sub3A_480, %broadcast_in_dim3A_482 : vector<16xi1>, vector<16xi32>
      %reduce_sum3A_484 = arith.constant true
      %reduce_sum3A_485 = vector.broadcast %reduce_sum3A_484 : i1 to vector<16xi1>
      %reduce_sum3A_486 = tpu.scan <sum>, %select_n3A_483 masked %reduce_sum3A_485 : vector<16xi32>, vector<16xi1> -> vector<16xi32>
      %reduce_sum3A_487 = vector.extract %reduce_sum3A_486[15] : i32 from vector<16xi32>
      %mul3A_488 = arith.constant 16 : i32
      %mul3A_489 = arith.muli %sub3A_453, %mul3A_488 : i32
      %sub3A_490 = arith.constant 15 : i32
      %sub3A_491 = arith.subi %sub3A_490, %sub3A_477 : i32
      %add3A_492 = arith.addi %mul3A_489, %sub3A_491 : i32
      %not3A = arith.constant true
      %not3A_493 = arith.xori %scan3A_448, %not3A : i1
      %and3A = arith.andi %not3A_493, %gt3A_475 : i1
      %select_n3A_494 = arith.select %and3A, %add3A_492, %scan3A_449 : i32
      %select_n3A_495 = arith.select %and3A, %reduce_sum3A_487, %scan3A_450 : i32
      %or3A_496 = arith.ori %scan3A_448, %gt3A_475 : i1
      %slice3A = vector.extract_strided_slice %masked_cumsum3A_465 {offsets = [15], sizes = [1], strides = [1]} : vector<16xi32> to vector<1xi32>
      %squeeze3A = vector.extract %slice3A[0] : i32 from vector<1xi32>
      %add3A_497 = arith.addi %scan3A_451, %squeeze3A : i32
      scf.yield %or3A_496, %select_n3A_494, %select_n3A_495, %add3A_497 : i1, i32, i32, i32
    }
    %scan3A_106 = arith.constant 16 : i32
    %mul3A_107 = arith.constant 16 : i32
    %mul3A_108 = arith.muli %scan3A_105#1, %mul3A_107 : i32
    %get3A_109 = arith.index_cast %mul3A_108 : i32 to index
    %get3A_110 = tpu.vector_load %arg8[%get3A_109] {strides = array<i32>} : memref<4096xi32, #tpu.memory_space<vmem>>, vector<16xi32>,
    %rev3A_111 = arith.constant 15 : i32
    %rev3A_112 = vector.broadcast %rev3A_111 : i32 to vector<16xi32>
    %rev3A_113 = tpu.iota {dimensions = array<i32: 0>} : vector<16xi32>
    %rev3A_114 = arith.subi %rev3A_112, %rev3A_113 : vector<16xi32>
    %rev3A_115 = tpu.dynamic_gather %get3A_110[%rev3A_114] in [0] : vector<16xi32>, vector<16xi32> -> vector<16xi32>
    %broadcast_in_dim3A_116 = arith.constant true
    %broadcast_in_dim3A_117 = vector.broadcast %broadcast_in_dim3A_116 : i1 to vector<16xi1>
    %masked_cumsum3A_118 = tpu.scan <sum>, %rev3A_115 masked %broadcast_in_dim3A_117 : vector<16xi32>, vector<16xi1> -> vector<16xi32>
    %add3A_119 = vector.broadcast %scan3A_105#2 : i32 to vector<16xi32>
    %add3A_120 = arith.addi %masked_cumsum3A_118, %add3A_119 : vector<16xi32>
    %ge3A_121 = vector.broadcast %sub3A_79 : i32 to vector<16xi32>
    %ge3A_122 = arith.cmpi sge, %add3A_120, %ge3A_121 : vector<16xi32>
    %convert_element_type3A_123 = arith.extui %ge3A_122 : vector<16xi1> to vector<16xi32>
    %reduce_sum3A_124 = arith.constant true
    %reduce_sum3A_125 = vector.broadcast %reduce_sum3A_124 : i1 to vector<16xi1>
    %reduce_sum3A_126 = tpu.scan <sum>, %convert_element_type3A_123 masked %reduce_sum3A_125 : vector<16xi32>, vector<16xi1> -> vector<16xi32>
    %reduce_sum3A_127 = vector.extract %reduce_sum3A_126[15] : i32 from vector<16xi32>
    %sub3A_128 = arith.constant 16 : i32
    %sub3A_129 = arith.subi %sub3A_128, %reduce_sum3A_127 : i32
    %eq3A_130 = vector.broadcast %sub3A_129 : i32 to vector<16xi32>
    %eq3A_131 = arith.cmpi eq, %iota3A_89, %eq3A_130 : vector<16xi32>
    %sub3A_132 = arith.subi %add3A_120, %rev3A_115 : vector<16xi32>
    %jit3A_133 = arith.constant 0 : i32
    %broadcast_in_dim3A_134 = vector.broadcast %jit3A_133 : i32 to vector<16xi32>
    %select_n3A_135 = arith.select %eq3A_131, %sub3A_132, %broadcast_in_dim3A_134 : vector<16xi1>, vector<16xi32>
    %reduce_sum3A_136 = arith.constant true
    %reduce_sum3A_137 = vector.broadcast %reduce_sum3A_136 : i1 to vector<16xi1>
    %reduce_sum3A_138 = tpu.scan <sum>, %select_n3A_135 masked %reduce_sum3A_137 : vector<16xi32>, vector<16xi1> -> vector<16xi32>
    %reduce_sum3A_139 = vector.extract %reduce_sum3A_138[15] : i32 from vector<16xi32>
    %mul3A_140 = arith.constant 16 : i32
    %mul3A_141 = arith.muli %scan3A_105#1, %mul3A_140 : i32
    %sub3A_142 = arith.constant 15 : i32
    %sub3A_143 = arith.subi %sub3A_142, %sub3A_129 : i32
    %add3A_144 = arith.addi %mul3A_141, %sub3A_143 : i32
    %sub3A_145 = arith.subi %sub3A_79, %reduce_sum3A_139 : i32
    %broadcast_in_dim3A_146 = arith.constant 0 : i32
    %broadcast_in_dim3A_147 = vector.broadcast %broadcast_in_dim3A_146 : i32 to vector<16xi32>
    %parallel_loop3A_148 = arith.constant 0 : i32
    %parallel_loop3A_149 = arith.constant 256 : i32
    %parallel_loop3A_150 = arith.constant 16 : i32
    scf.for %parallel_loop3A_447 = %parallel_loop3A_148 to %parallel_loop3A_149 step %parallel_loop3A_150  : i32 {
      %parallel_loop3A_448 = arith.index_cast %parallel_loop3A_447 : i32 to index
      %parallel_loop3A_449 = tpu.vector_load %arg8[%parallel_loop3A_448] {strides = array<i32>} : memref<4096xi32, #tpu.memory_space<vmem>>, vector<16xi32>,
      tpu.vector_store %arg8[%parallel_loop3A_448], %broadcast_in_dim3A_147 {strides = array<i32>} : memref<4096xi32, #tpu.memory_space<vmem>>, vector<16xi32>,
    } {sc.loop_unroll_factor = 8 : i64, sc.parallel_access}
    %shift_left3A = arith.constant 12 : i32
    %shift_left3A_151 = arith.shli %add3A_77, %shift_left3A : i32
    %or3A = arith.ori %shift_left3A_151, %add3A_144 : i32
    %broadcast_in_dim3A_152 = vector.broadcast %or3A : i32 to vector<16xi32>
    %parallel_loop3A_153 = arith.constant 0 : i32
    %parallel_loop3A_154 = arith.constant 32768 : i32
    %parallel_loop3A_155 = arith.constant 16 : i32
    scf.for %parallel_loop3A_447 = %parallel_loop3A_153 to %parallel_loop3A_154 step %parallel_loop3A_155  : i32 {
      %parallel_loop3A_448 = arith.index_cast %parallel_loop3A_447 : i32 to index
      %parallel_loop3A_449 = tpu.vector_load %arg5[%parallel_loop3A_448] {strides = array<i32>} : memref<32768xf32, #tpu.memory_space<vmem>>, vector<16xf32>,
      %parallel_loop3A_450 = tpu.bitcast %parallel_loop3A_449 : vector<16xf32> -> vector<16xi32>
      %parallel_loop3A_451 = arith.constant 31 : i32
      %parallel_loop3A_452 = vector.broadcast %parallel_loop3A_451 : i32 to vector<16xi32>
      %parallel_loop3A_453 = arith.shrsi %parallel_loop3A_450, %parallel_loop3A_452 : vector<16xi32>
      %parallel_loop3A_454 = arith.constant -2147483648 : i32
      %parallel_loop3A_455 = vector.broadcast %parallel_loop3A_454 : i32 to vector<16xi32>
      %parallel_loop3A_456 = arith.ori %parallel_loop3A_453, %parallel_loop3A_455 : vector<16xi32>
      %parallel_loop3A_457 = arith.xori %parallel_loop3A_450, %parallel_loop3A_456 : vector<16xi32>
      %parallel_loop3A_458 = arith.constant 8 : i32
      %parallel_loop3A_459 = vector.broadcast %parallel_loop3A_458 : i32 to vector<16xi32>
      %parallel_loop3A_460 = arith.shrui %parallel_loop3A_457, %parallel_loop3A_459 : vector<16xi32>
      %parallel_loop3A_461 = arith.constant 255 : i32
      %parallel_loop3A_462 = vector.broadcast %parallel_loop3A_461 : i32 to vector<16xi32>
      %parallel_loop3A_463 = arith.andi %parallel_loop3A_457, %parallel_loop3A_462 : vector<16xi32>
      %parallel_loop3A_464 = arith.cmpi eq, %parallel_loop3A_460, %broadcast_in_dim3A_152 : vector<16xi32>
      tpu.vector_store_idx %arg8[%parallel_loop3A_463], %broadcast_in_dim3A_1 masked %parallel_loop3A_464 {add = true} : memref<4096xi32, #tpu.memory_space<vmem>>[vector<16xi32>], vector<16xi32>, vector<16xi1>
    } {sc.loop_unroll_factor = 8 : i64, sc.parallel_access}
    %iota3A_156 = tpu.iota {dimensions = array<i32: 0>} : vector<16xi32>
    %scan3A_157 = arith.constant false
    %scan3A_158 = arith.constant 0 : i32
    %scan3A_159 = arith.constant 0 : i32
    %scan3A_160 = arith.constant 0 : i32
    %scan3A_161 = arith.constant 0 : i32
    %scan3A_162 = arith.constant 16 : i32
    %scan3A_163 = arith.addi %scan3A_161, %scan3A_162 : i32
    %scan3A_164 = arith.constant 1 : i32
    %scan3A_165:4 = scf.for %scan3A_447 = %scan3A_161 to %scan3A_163 step %scan3A_164 iter_args(%scan3A_448 = %scan3A_157, %scan3A_449 = %scan3A_158, %scan3A_450 = %scan3A_159, %scan3A_451 = %scan3A_160) -> (i1, i32, i32, i32)  : i32 {
      %sub3A_452 = arith.constant 15 : i32
      %sub3A_453 = arith.subi %sub3A_452, %scan3A_447 : i32
      %mul3A_454 = arith.constant 16 : i32
      %mul3A_455 = arith.muli %sub3A_453, %mul3A_454 : i32
      %get3A_456 = arith.index_cast %mul3A_455 : i32 to index
      %get3A_457 = tpu.vector_load %arg8[%get3A_456] {strides = array<i32>} : memref<4096xi32, #tpu.memory_space<vmem>>, vector<16xi32>,
      %rev3A_458 = arith.constant 15 : i32
      %rev3A_459 = vector.broadcast %rev3A_458 : i32 to vector<16xi32>
      %rev3A_460 = tpu.iota {dimensions = array<i32: 0>} : vector<16xi32>
      %rev3A_461 = arith.subi %rev3A_459, %rev3A_460 : vector<16xi32>
      %rev3A_462 = tpu.dynamic_gather %get3A_457[%rev3A_461] in [0] : vector<16xi32>, vector<16xi32> -> vector<16xi32>
      %broadcast_in_dim3A_463 = arith.constant true
      %broadcast_in_dim3A_464 = vector.broadcast %broadcast_in_dim3A_463 : i1 to vector<16xi1>
      %masked_cumsum3A_465 = tpu.scan <sum>, %rev3A_462 masked %broadcast_in_dim3A_464 : vector<16xi32>, vector<16xi1> -> vector<16xi32>
      %add3A_466 = vector.broadcast %scan3A_451 : i32 to vector<16xi32>
      %add3A_467 = arith.addi %masked_cumsum3A_465, %add3A_466 : vector<16xi32>
      %ge3A_468 = vector.broadcast %sub3A_145 : i32 to vector<16xi32>
      %ge3A_469 = arith.cmpi sge, %add3A_467, %ge3A_468 : vector<16xi32>
      %convert_element_type3A_470 = arith.extui %ge3A_469 : vector<16xi1> to vector<16xi32>
      %reduce_sum3A_471 = arith.constant true
      %reduce_sum3A_472 = vector.broadcast %reduce_sum3A_471 : i1 to vector<16xi1>
      %reduce_sum3A_473 = tpu.scan <sum>, %convert_element_type3A_470 masked %reduce_sum3A_472 : vector<16xi32>, vector<16xi1> -> vector<16xi32>
      %reduce_sum3A_474 = vector.extract %reduce_sum3A_473[15] : i32 from vector<16xi32>
      %gt3A = arith.constant 0 : i32
      %gt3A_475 = arith.cmpi sgt, %reduce_sum3A_474, %gt3A : i32
      %sub3A_476 = arith.constant 16 : i32
      %sub3A_477 = arith.subi %sub3A_476, %reduce_sum3A_474 : i32
      %eq3A_478 = vector.broadcast %sub3A_477 : i32 to vector<16xi32>
      %eq3A_479 = arith.cmpi eq, %iota3A_156, %eq3A_478 : vector<16xi32>
      %sub3A_480 = arith.subi %add3A_467, %rev3A_462 : vector<16xi32>
      %jit3A_481 = arith.constant 0 : i32
      %broadcast_in_dim3A_482 = vector.broadcast %jit3A_481 : i32 to vector<16xi32>
      %select_n3A_483 = arith.select %eq3A_479, %sub3A_480, %broadcast_in_dim3A_482 : vector<16xi1>, vector<16xi32>
      %reduce_sum3A_484 = arith.constant true
      %reduce_sum3A_485 = vector.broadcast %reduce_sum3A_484 : i1 to vector<16xi1>
      %reduce_sum3A_486 = tpu.scan <sum>, %select_n3A_483 masked %reduce_sum3A_485 : vector<16xi32>, vector<16xi1> -> vector<16xi32>
      %reduce_sum3A_487 = vector.extract %reduce_sum3A_486[15] : i32 from vector<16xi32>
      %mul3A_488 = arith.constant 16 : i32
      %mul3A_489 = arith.muli %sub3A_453, %mul3A_488 : i32
      %sub3A_490 = arith.constant 15 : i32
      %sub3A_491 = arith.subi %sub3A_490, %sub3A_477 : i32
      %add3A_492 = arith.addi %mul3A_489, %sub3A_491 : i32
      %not3A = arith.constant true
      %not3A_493 = arith.xori %scan3A_448, %not3A : i1
      %and3A = arith.andi %not3A_493, %gt3A_475 : i1
      %select_n3A_494 = arith.select %and3A, %add3A_492, %scan3A_449 : i32
      %select_n3A_495 = arith.select %and3A, %reduce_sum3A_487, %scan3A_450 : i32
      %or3A_496 = arith.ori %scan3A_448, %gt3A_475 : i1
      %slice3A = vector.extract_strided_slice %masked_cumsum3A_465 {offsets = [15], sizes = [1], strides = [1]} : vector<16xi32> to vector<1xi32>
      %squeeze3A = vector.extract %slice3A[0] : i32 from vector<1xi32>
      %add3A_497 = arith.addi %scan3A_451, %squeeze3A : i32
      scf.yield %or3A_496, %select_n3A_494, %select_n3A_495, %add3A_497 : i1, i32, i32, i32
    }
    %scan3A_166 = arith.constant 16 : i32
    %shift_left3A_167 = arith.constant 20 : i32
    %shift_left3A_168 = arith.shli %add3A_77, %shift_left3A_167 : i32
    %shift_left3A_169 = arith.constant 8 : i32
    %shift_left3A_170 = arith.shli %add3A_144, %shift_left3A_169 : i32
    %or3A_171 = arith.ori %shift_left3A_170, %scan3A_165#1 : i32
    %or3A_172 = arith.ori %shift_left3A_168, %or3A_171 : i32
    %xor3A = arith.constant -2147483648 : i32
    %xor3A_173 = arith.xori %or3A_172, %xor3A : i32
    %broadcast_in_dim3A_174 = vector.broadcast %xor3A_173 : i32 to vector<16xi32>
    %lt3A = arith.constant 0 : i32
    %lt3A_175 = vector.broadcast %lt3A : i32 to vector<16xi32>
    %lt3A_176 = arith.cmpi slt, %broadcast_in_dim3A_174, %lt3A_175 : vector<16xi32>
    %xor3A_177 = arith.constant 2147483647 : i32
    %xor3A_178 = vector.broadcast %xor3A_177 : i32 to vector<16xi32>
    %xor3A_179 = arith.xori %broadcast_in_dim3A_174, %xor3A_178 : vector<16xi32>
    %select_n3A_180 = arith.select %lt3A_176, %xor3A_179, %broadcast_in_dim3A_174 : vector<16xi1>, vector<16xi32>
    %bitcast_convert_type3A = tpu.bitcast %select_n3A_180 : vector<16xi32> -> vector<16xf32>
    %add3A_181 = arith.constant 1.000000e+00 : f32
    %add3A_182 = vector.broadcast %add3A_181 : f32 to vector<16xf32>
    %add3A_183 = arith.addf %bitcast_convert_type3A, %add3A_182 : vector<16xf32>
    %div3A = arith.divf %add3A_183, %broadcast_in_dim3A_9 : vector<16xf32>
    %neg3A = arith.constant 0.000000e+00 : f32
    %neg3A_184 = vector.broadcast %neg3A : f32 to vector<16xf32>
    %neg3A_185 = arith.subf %neg3A_184, %div3A : vector<16xf32>
    %exp3A = math.exp %neg3A_185 : vector<16xf32>
    %add3A_186 = arith.constant 1.000000e+00 : f32
    %add3A_187 = vector.broadcast %add3A_186 : f32 to vector<16xf32>
    %add3A_188 = arith.addf %add3A_187, %exp3A : vector<16xf32>
    %div3A_189 = arith.constant 1.000000e+00 : f32
    %div3A_190 = vector.broadcast %div3A_189 : f32 to vector<16xf32>
    %div3A_191 = arith.divf %div3A_190, %add3A_188 : vector<16xf32>
    %parallel_loop3A_192 = arith.constant 0 : i32
    %parallel_loop3A_193 = arith.constant 32768 : i32
    %parallel_loop3A_194 = arith.constant 16 : i32
    %parallel_loop3A_195 = arith.constant 0 : i32
    %parallel_loop3A_196 = scf.for %parallel_loop3A_447 = %parallel_loop3A_192 to %parallel_loop3A_193 step %parallel_loop3A_194 iter_args(%parallel_loop3A_448 = %parallel_loop3A_195) -> (i32)  : i32 {
      %parallel_loop3A_449 = arith.index_cast %parallel_loop3A_447 : i32 to index
      %parallel_loop3A_450 = tpu.vector_load %arg7[%parallel_loop3A_449] {strides = array<i32>} : memref<32768xf32, #tpu.memory_space<vmem>>, vector<16xf32>,
      %parallel_loop3A_451 = arith.cmpf oge, %parallel_loop3A_450, %div3A_191 : vector<16xf32>
      %parallel_loop3A_452 = arith.select %parallel_loop3A_451, %broadcast_in_dim3A_5, %broadcast_in_dim3A_7 : vector<16xi1>, vector<16xf32>
      %parallel_loop3A_453 = arith.index_cast %parallel_loop3A_447 : i32 to index
      %parallel_loop3A_454 = tpu.vector_load %arg5[%parallel_loop3A_453] {strides = array<i32>} : memref<32768xf32, #tpu.memory_space<vmem>>, vector<16xf32>,
      tpu.vector_store %arg5[%parallel_loop3A_453], %parallel_loop3A_452 {strides = array<i32>} : memref<32768xf32, #tpu.memory_space<vmem>>, vector<16xf32>,
      %parallel_loop3A_455 = tpu.all_reduce %parallel_loop3A_451 {dim = 0 : i64, kind = #tpu.reduction_kind<sum>} : vector<16xi1> -> vector<16xi32>
      %parallel_loop3A_456 = vector.extract_strided_slice %parallel_loop3A_455 {offsets = [0], sizes = [1], strides = [1]} : vector<16xi32> to vector<1xi32>
      %parallel_loop3A_457 = vector.extract %parallel_loop3A_456[0] : i32 from vector<1xi32>
      %parallel_loop3A_458 = arith.addi %parallel_loop3A_448, %parallel_loop3A_457 : i32
      scf.yield %parallel_loop3A_458 : i32
    } {sc.loop_unroll_factor = 8 : i64, sc.parallel_access}
    %ne3A = arith.constant 2048 : i32
    %ne3A_197 = arith.cmpi ne, %parallel_loop3A_196, %ne3A : i32
    %convert_element_type3A_198 = arith.extui %ne3A_197 : i1 to i32
    %cond3A = arith.constant 0 : i32
    %cond3A_199 = arith.cmpi ne, %convert_element_type3A_198, %cond3A : i32
    scf.if %cond3A_199 {
      %parallel_loop3A_447 = arith.constant 0 : i32
      %parallel_loop3A_448 = arith.constant 32768 : i32
      %parallel_loop3A_449 = arith.constant 16 : i32
      %parallel_loop3A_450 = arith.constant 0 : i32
      %parallel_loop3A_451 = scf.for %parallel_loop3A_460 = %parallel_loop3A_447 to %parallel_loop3A_448 step %parallel_loop3A_449 iter_args(%parallel_loop3A_461 = %parallel_loop3A_450) -> (i32)  : i32 {
        %parallel_loop3A_462 = arith.index_cast %parallel_loop3A_460 : i32 to index
        %parallel_loop3A_463 = tpu.vector_load %arg7[%parallel_loop3A_462] {strides = array<i32>} : memref<32768xf32, #tpu.memory_space<vmem>>, vector<16xf32>,
        %parallel_loop3A_464 = arith.cmpf ogt, %parallel_loop3A_463, %div3A_191 : vector<16xf32>
        %parallel_loop3A_465 = tpu.all_reduce %parallel_loop3A_464 {dim = 0 : i64, kind = #tpu.reduction_kind<sum>} : vector<16xi1> -> vector<16xi32>
        %parallel_loop3A_466 = vector.extract_strided_slice %parallel_loop3A_465 {offsets = [0], sizes = [1], strides = [1]} : vector<16xi32> to vector<1xi32>
        %parallel_loop3A_467 = vector.extract %parallel_loop3A_466[0] : i32 from vector<1xi32>
        %parallel_loop3A_468 = arith.addi %parallel_loop3A_461, %parallel_loop3A_467 : i32
        scf.yield %parallel_loop3A_468 : i32
      } {sc.loop_unroll_factor = 8 : i64, sc.parallel_access}
      %sub3A_452 = arith.constant 2048 : i32
      %sub3A_453 = arith.subi %sub3A_452, %parallel_loop3A_451 : i32
      %scan3A_454 = arith.constant 0 : i32
      %scan3A_455 = arith.constant 2048 : i32
      %scan3A_456 = arith.addi %scan3A_454, %scan3A_455 : i32
      %scan3A_457 = arith.constant 1 : i32
      %scan3A_458 = scf.for %scan3A_460 = %scan3A_454 to %scan3A_456 step %scan3A_457 iter_args(%scan3A_461 = %sub3A_453) -> (i32)  : i32 {
        %mul3A_462 = arith.constant 16 : i32
        %mul3A_463 = arith.muli %scan3A_460, %mul3A_462 : i32
        %get3A_464 = arith.index_cast %mul3A_463 : i32 to index
        %get3A_465 = tpu.vector_load %arg7[%get3A_464] {strides = array<i32>} : memref<32768xf32, #tpu.memory_space<vmem>>, vector<16xf32>,
        %gt3A = arith.cmpf ogt, %get3A_465, %div3A_191 : vector<16xf32>
        %eq3A_466 = arith.cmpf oeq, %get3A_465, %div3A_191 : vector<16xf32>
        %select_n3A_467 = arith.select %eq3A_466, %broadcast_in_dim3A_1, %broadcast_in_dim3A_3 : vector<16xi1>, vector<16xi32>
        %broadcast_in_dim3A_468 = arith.constant true
        %broadcast_in_dim3A_469 = vector.broadcast %broadcast_in_dim3A_468 : i1 to vector<16xi1>
        %masked_cumsum3A_470 = tpu.scan <sum>, %select_n3A_467 masked %broadcast_in_dim3A_469 : vector<16xi32>, vector<16xi1> -> vector<16xi32>
        %le3A = vector.broadcast %scan3A_461 : i32 to vector<16xi32>
        %le3A_471 = arith.cmpi sle, %masked_cumsum3A_470, %le3A : vector<16xi32>
        %and3A = arith.andi %eq3A_466, %le3A_471 : vector<16xi1>
        %or3A_472 = arith.ori %gt3A, %and3A : vector<16xi1>
        %select_n3A_473 = arith.select %or3A_472, %broadcast_in_dim3A_5, %broadcast_in_dim3A_7 : vector<16xi1>, vector<16xf32>
        %mul3A_474 = arith.constant 16 : i32
        %mul3A_475 = arith.muli %scan3A_460, %mul3A_474 : i32
        %swap3A = arith.index_cast %mul3A_475 : i32 to index
        %swap3A_476 = tpu.vector_load %arg5[%swap3A] {strides = array<i32>} : memref<32768xf32, #tpu.memory_space<vmem>>, vector<16xf32>,
        tpu.vector_store %arg5[%swap3A], %select_n3A_473 {strides = array<i32>} : memref<32768xf32, #tpu.memory_space<vmem>>, vector<16xf32>,
        %slice3A = vector.extract_strided_slice %masked_cumsum3A_470 {offsets = [15], sizes = [1], strides = [1]} : vector<16xi32> to vector<1xi32>
        %squeeze3A = vector.extract %slice3A[0] : i32 from vector<1xi32>
        %min3A = arith.minsi %squeeze3A, %scan3A_461 : i32
        %sub3A_477 = arith.subi %scan3A_461, %min3A : i32
        scf.yield %sub3A_477 : i32
      }
      %scan3A_459 = arith.constant 2048 : i32
    } else {
    }
    %dma_start3A_200 = arith.constant 0 : i32
    %dma_start3A_201 = tpu.memref_slice %arg3[%mul3A_11, %dma_start3A_200] : memref<64x32768xf32, #tpu.memory_space<hbm>> -> memref<1x32768xf32, #tpu.memory_space<hbm>>
    %dma_start3A_202 = tpu.memref_squeeze %dma_start3A_201 : memref<1x32768xf32, #tpu.memory_space<hbm>> -> memref<32768xf32, #tpu.memory_space<hbm>>
    %dma_start3A_203 = arith.constant 0 : i32
    %dma_start3A_204 = tpu.memref_slice %arg3[%mul3A_11, %dma_start3A_203] : memref<64x32768xf32, #tpu.memory_space<hbm>> -> memref<1x32768xf32, #tpu.memory_space<hbm>>
    %dma_start3A_205 = tpu.memref_squeeze %dma_start3A_204 : memref<1x32768xf32, #tpu.memory_space<hbm>> -> memref<32768xf32, #tpu.memory_space<hbm>>
    tpu.enqueue_dma source(%arg5 : memref<32768xf32, #tpu.memory_space<vmem>>) target(%dma_start3A_205 : memref<32768xf32, #tpu.memory_space<hbm>>) target_semaphore(%arg12 : memref<!tpu.dma_semaphore, #tpu.memory_space<semaphore_mem>>)
    %dma_wait3A = arith.constant 0 : i32
    %dma_wait3A_206 = tpu.memref_slice %arg4[%mul3A_11, %dma_wait3A] : memref<64x32768xf32, #tpu.memory_space<hbm>> -> memref<1x32768xf32, #tpu.memory_space<hbm>>
    %dma_wait3A_207 = tpu.memref_squeeze %dma_wait3A_206 : memref<1x32768xf32, #tpu.memory_space<hbm>> -> memref<32768xf32, #tpu.memory_space<hbm>>
    %dma_wait3A_208 = arith.constant 0 : i32
    %dma_wait3A_209 = tpu.memref_slice %arg4[%mul3A_11, %dma_wait3A_208] : memref<64x32768xf32, #tpu.memory_space<hbm>> -> memref<1x32768xf32, #tpu.memory_space<hbm>>
    %dma_wait3A_210 = tpu.memref_squeeze %dma_wait3A_209 : memref<1x32768xf32, #tpu.memory_space<hbm>> -> memref<32768xf32, #tpu.memory_space<hbm>>
    tpu.wait_dma2 semaphore(%arg11 : memref<!tpu.dma_semaphore, #tpu.memory_space<semaphore_mem>>) src(%arg7 : memref<32768xf32, #tpu.memory_space<vmem>>) dst(%dma_wait3A_210 : memref<32768xf32, #tpu.memory_space<hbm>>)
    %dma_wait3A_211 = arith.constant 0 : i32
    %dma_wait3A_212 = tpu.memref_slice %arg2[%add3A_13, %dma_wait3A_211] : memref<64x32768xf32, #tpu.memory_space<hbm>> -> memref<1x32768xf32, #tpu.memory_space<hbm>>
    %dma_wait3A_213 = tpu.memref_squeeze %dma_wait3A_212 : memref<1x32768xf32, #tpu.memory_space<hbm>> -> memref<32768xf32, #tpu.memory_space<hbm>>
    %dma_wait3A_214 = arith.constant 0 : i32
    %dma_wait3A_215 = tpu.memref_slice %arg2[%add3A_13, %dma_wait3A_214] : memref<64x32768xf32, #tpu.memory_space<hbm>> -> memref<1x32768xf32, #tpu.memory_space<hbm>>
    %dma_wait3A_216 = tpu.memref_squeeze %dma_wait3A_215 : memref<1x32768xf32, #tpu.memory_space<hbm>> -> memref<32768xf32, #tpu.memory_space<hbm>>
    tpu.wait_dma2 semaphore(%arg10 : memref<!tpu.dma_semaphore, #tpu.memory_space<semaphore_mem>>) src(%dma_wait3A_216 : memref<32768xf32, #tpu.memory_space<hbm>>) dst(%arg6 : memref<32768xf32, #tpu.memory_space<vmem>>)
    %add3A_217 = arith.constant 1 : i32
    %add3A_218 = arith.addi %mul3A_11, %add3A_217 : i32
    %broadcast_in_dim3A_219 = arith.constant 0 : i32
    %broadcast_in_dim3A_220 = vector.broadcast %broadcast_in_dim3A_219 : i32 to vector<16xi32>
    %parallel_loop3A_221 = arith.constant 0 : i32
    %parallel_loop3A_222 = arith.constant 4096 : i32
    %parallel_loop3A_223 = arith.constant 16 : i32
    scf.for %parallel_loop3A_447 = %parallel_loop3A_221 to %parallel_loop3A_222 step %parallel_loop3A_223  : i32 {
      %parallel_loop3A_448 = arith.index_cast %parallel_loop3A_447 : i32 to index
      %parallel_loop3A_449 = tpu.vector_load %arg8[%parallel_loop3A_448] {strides = array<i32>} : memref<4096xi32, #tpu.memory_space<vmem>>, vector<16xi32>,
      tpu.vector_store %arg8[%parallel_loop3A_448], %broadcast_in_dim3A_220 {strides = array<i32>} : memref<4096xi32, #tpu.memory_space<vmem>>, vector<16xi32>,
    } {sc.loop_unroll_factor = 8 : i64, sc.parallel_access}
    %parallel_loop3A_224 = arith.constant 0 : i32
    %parallel_loop3A_225 = arith.constant 32768 : i32
    %parallel_loop3A_226 = arith.constant 16 : i32
    scf.for %parallel_loop3A_447 = %parallel_loop3A_224 to %parallel_loop3A_225 step %parallel_loop3A_226  : i32 {
      %parallel_loop3A_448 = arith.index_cast %parallel_loop3A_447 : i32 to index
      %parallel_loop3A_449 = tpu.vector_load %arg6[%parallel_loop3A_448] {strides = array<i32>} : memref<32768xf32, #tpu.memory_space<vmem>>, vector<16xf32>,
      %parallel_loop3A_450 = tpu.bitcast %parallel_loop3A_449 : vector<16xf32> -> vector<16xi32>
      %parallel_loop3A_451 = arith.constant 31 : i32
      %parallel_loop3A_452 = vector.broadcast %parallel_loop3A_451 : i32 to vector<16xi32>
      %parallel_loop3A_453 = arith.shrsi %parallel_loop3A_450, %parallel_loop3A_452 : vector<16xi32>
      %parallel_loop3A_454 = arith.constant -2147483648 : i32
      %parallel_loop3A_455 = vector.broadcast %parallel_loop3A_454 : i32 to vector<16xi32>
      %parallel_loop3A_456 = arith.ori %parallel_loop3A_453, %parallel_loop3A_455 : vector<16xi32>
      %parallel_loop3A_457 = arith.xori %parallel_loop3A_450, %parallel_loop3A_456 : vector<16xi32>
      %parallel_loop3A_458 = arith.constant 1.000000e+00 : f32
      %parallel_loop3A_459 = vector.broadcast %parallel_loop3A_458 : f32 to vector<16xf32>
      %parallel_loop3A_460 = arith.addf %parallel_loop3A_449, %parallel_loop3A_459 : vector<16xf32>
      %parallel_loop3A_461 = arith.divf %parallel_loop3A_460, %broadcast_in_dim3A_9 : vector<16xf32>
      %parallel_loop3A_462 = arith.constant 0.000000e+00 : f32
      %parallel_loop3A_463 = vector.broadcast %parallel_loop3A_462 : f32 to vector<16xf32>
      %parallel_loop3A_464 = arith.subf %parallel_loop3A_463, %parallel_loop3A_461 : vector<16xf32>
      %parallel_loop3A_465 = math.exp %parallel_loop3A_464 : vector<16xf32>
      %parallel_loop3A_466 = arith.constant 1.000000e+00 : f32
      %parallel_loop3A_467 = vector.broadcast %parallel_loop3A_466 : f32 to vector<16xf32>
      %parallel_loop3A_468 = arith.addf %parallel_loop3A_467, %parallel_loop3A_465 : vector<16xf32>
      %parallel_loop3A_469 = arith.constant 1.000000e+00 : f32
      %parallel_loop3A_470 = vector.broadcast %parallel_loop3A_469 : f32 to vector<16xf32>
      %parallel_loop3A_471 = arith.divf %parallel_loop3A_470, %parallel_loop3A_468 : vector<16xf32>
      %parallel_loop3A_472 = arith.index_cast %parallel_loop3A_447 : i32 to index
      %parallel_loop3A_473 = tpu.vector_load %arg7[%parallel_loop3A_472] {strides = array<i32>} : memref<32768xf32, #tpu.memory_space<vmem>>, vector<16xf32>,
      tpu.vector_store %arg7[%parallel_loop3A_472], %parallel_loop3A_471 {strides = array<i32>} : memref<32768xf32, #tpu.memory_space<vmem>>, vector<16xf32>,
      %parallel_loop3A_474 = arith.constant 20 : i32
      %parallel_loop3A_475 = vector.broadcast %parallel_loop3A_474 : i32 to vector<16xi32>
      %parallel_loop3A_476 = arith.shrui %parallel_loop3A_457, %parallel_loop3A_475 : vector<16xi32>
      tpu.vector_store_idx %arg8[%parallel_loop3A_476], %broadcast_in_dim3A_1 {add = true} : memref<4096xi32, #tpu.memory_space<vmem>>[vector<16xi32>], vector<16xi32>,
    } {sc.loop_unroll_factor = 8 : i64, sc.parallel_access}
    %dma_start3A_227 = arith.constant 0 : i32
    %dma_start3A_228 = tpu.memref_slice %arg4[%add3A_218, %dma_start3A_227] : memref<64x32768xf32, #tpu.memory_space<hbm>> -> memref<1x32768xf32, #tpu.memory_space<hbm>>
    %dma_start3A_229 = tpu.memref_squeeze %dma_start3A_228 : memref<1x32768xf32, #tpu.memory_space<hbm>> -> memref<32768xf32, #tpu.memory_space<hbm>>
    %dma_start3A_230 = arith.constant 0 : i32
    %dma_start3A_231 = tpu.memref_slice %arg4[%add3A_218, %dma_start3A_230] : memref<64x32768xf32, #tpu.memory_space<hbm>> -> memref<1x32768xf32, #tpu.memory_space<hbm>>
    %dma_start3A_232 = tpu.memref_squeeze %dma_start3A_231 : memref<1x32768xf32, #tpu.memory_space<hbm>> -> memref<32768xf32, #tpu.memory_space<hbm>>
    tpu.enqueue_dma source(%arg7 : memref<32768xf32, #tpu.memory_space<vmem>>) target(%dma_start3A_232 : memref<32768xf32, #tpu.memory_space<hbm>>) target_semaphore(%arg11 : memref<!tpu.dma_semaphore, #tpu.memory_space<semaphore_mem>>)
    %iota3A_233 = tpu.iota {dimensions = array<i32: 0>} : vector<16xi32>
    %eq3A_234 = arith.constant 0 : i32
    %eq3A_235 = vector.broadcast %eq3A_234 : i32 to vector<16xi32>
    %eq3A_236 = arith.cmpi eq, %iota3A_233, %eq3A_235 : vector<16xi32>
    %parallel_loop3A_237 = arith.constant 0 : i32
    %parallel_loop3A_238 = arith.constant 256 : i32
    %parallel_loop3A_239 = arith.constant 1 : i32
    scf.for %parallel_loop3A_447 = %parallel_loop3A_237 to %parallel_loop3A_238 step %parallel_loop3A_239  : i32 {
      %parallel_loop3A_448 = arith.constant 16 : i32
      %parallel_loop3A_449 = arith.muli %parallel_loop3A_447, %parallel_loop3A_448 : i32
      %parallel_loop3A_450 = arith.index_cast %parallel_loop3A_449 : i32 to index
      %parallel_loop3A_451 = tpu.vector_load %arg8[%parallel_loop3A_450] {strides = array<i32>} : memref<4096xi32, #tpu.memory_space<vmem>>, vector<16xi32>,
      %parallel_loop3A_452 = arith.constant true
      %parallel_loop3A_453 = vector.broadcast %parallel_loop3A_452 : i1 to vector<16xi1>
      %parallel_loop3A_454 = tpu.scan <sum>, %parallel_loop3A_451 masked %parallel_loop3A_453 : vector<16xi32>, vector<16xi1> -> vector<16xi32>
      %parallel_loop3A_455 = vector.extract %parallel_loop3A_454[15] : i32 from vector<16xi32>
      %parallel_loop3A_456 = vector.broadcast %parallel_loop3A_455 : i32 to vector<16xi32>
      %parallel_loop3A_457 = arith.index_cast %parallel_loop3A_447 : i32 to index
      %parallel_loop3A_458 = tpu.vector_load %arg9[%parallel_loop3A_457] masked %eq3A_236 {strides = array<i32>} : memref<272xi32, #tpu.memory_space<vmem>>, vector<16xi32>, vector<16xi1>
      tpu.vector_store %arg9[%parallel_loop3A_457], %parallel_loop3A_456 masked %eq3A_236 {strides = array<i32>} : memref<272xi32, #tpu.memory_space<vmem>>, vector<16xi32>, vector<16xi1>
    } {sc.loop_unroll_factor = 8 : i64, sc.parallel_access}
    %iota3A_240 = tpu.iota {dimensions = array<i32: 0>} : vector<16xi32>
    %scan3A_241 = arith.constant 2048 : i32
    %scan3A_242 = arith.constant false
    %scan3A_243 = arith.constant 0 : i32
    %scan3A_244 = arith.constant 0 : i32
    %scan3A_245 = arith.constant 0 : i32
    %scan3A_246 = arith.constant 0 : i32
    %scan3A_247 = arith.constant 16 : i32
    %scan3A_248 = arith.addi %scan3A_246, %scan3A_247 : i32
    %scan3A_249 = arith.constant 1 : i32
    %scan3A_250:4 = scf.for %scan3A_447 = %scan3A_246 to %scan3A_248 step %scan3A_249 iter_args(%scan3A_448 = %scan3A_242, %scan3A_449 = %scan3A_243, %scan3A_450 = %scan3A_244, %scan3A_451 = %scan3A_245) -> (i1, i32, i32, i32)  : i32 {
      %sub3A_452 = arith.constant 15 : i32
      %sub3A_453 = arith.subi %sub3A_452, %scan3A_447 : i32
      %mul3A_454 = arith.constant 16 : i32
      %mul3A_455 = arith.muli %sub3A_453, %mul3A_454 : i32
      %get3A_456 = arith.index_cast %mul3A_455 : i32 to index
      %get3A_457 = tpu.vector_load %arg9[%get3A_456] {strides = array<i32>} : memref<272xi32, #tpu.memory_space<vmem>>, vector<16xi32>,
      %rev3A_458 = arith.constant 15 : i32
      %rev3A_459 = vector.broadcast %rev3A_458 : i32 to vector<16xi32>
      %rev3A_460 = tpu.iota {dimensions = array<i32: 0>} : vector<16xi32>
      %rev3A_461 = arith.subi %rev3A_459, %rev3A_460 : vector<16xi32>
      %rev3A_462 = tpu.dynamic_gather %get3A_457[%rev3A_461] in [0] : vector<16xi32>, vector<16xi32> -> vector<16xi32>
      %broadcast_in_dim3A_463 = arith.constant true
      %broadcast_in_dim3A_464 = vector.broadcast %broadcast_in_dim3A_463 : i1 to vector<16xi1>
      %masked_cumsum3A_465 = tpu.scan <sum>, %rev3A_462 masked %broadcast_in_dim3A_464 : vector<16xi32>, vector<16xi1> -> vector<16xi32>
      %add3A_466 = vector.broadcast %scan3A_451 : i32 to vector<16xi32>
      %add3A_467 = arith.addi %masked_cumsum3A_465, %add3A_466 : vector<16xi32>
      %ge3A_468 = vector.broadcast %scan3A_241 : i32 to vector<16xi32>
      %ge3A_469 = arith.cmpi sge, %add3A_467, %ge3A_468 : vector<16xi32>
      %convert_element_type3A_470 = arith.extui %ge3A_469 : vector<16xi1> to vector<16xi32>
      %reduce_sum3A_471 = arith.constant true
      %reduce_sum3A_472 = vector.broadcast %reduce_sum3A_471 : i1 to vector<16xi1>
      %reduce_sum3A_473 = tpu.scan <sum>, %convert_element_type3A_470 masked %reduce_sum3A_472 : vector<16xi32>, vector<16xi1> -> vector<16xi32>
      %reduce_sum3A_474 = vector.extract %reduce_sum3A_473[15] : i32 from vector<16xi32>
      %gt3A = arith.constant 0 : i32
      %gt3A_475 = arith.cmpi sgt, %reduce_sum3A_474, %gt3A : i32
      %sub3A_476 = arith.constant 16 : i32
      %sub3A_477 = arith.subi %sub3A_476, %reduce_sum3A_474 : i32
      %eq3A_478 = vector.broadcast %sub3A_477 : i32 to vector<16xi32>
      %eq3A_479 = arith.cmpi eq, %iota3A_240, %eq3A_478 : vector<16xi32>
      %sub3A_480 = arith.subi %add3A_467, %rev3A_462 : vector<16xi32>
      %jit3A_481 = arith.constant 0 : i32
      %broadcast_in_dim3A_482 = vector.broadcast %jit3A_481 : i32 to vector<16xi32>
      %select_n3A_483 = arith.select %eq3A_479, %sub3A_480, %broadcast_in_dim3A_482 : vector<16xi1>, vector<16xi32>
      %reduce_sum3A_484 = arith.constant true
      %reduce_sum3A_485 = vector.broadcast %reduce_sum3A_484 : i1 to vector<16xi1>
      %reduce_sum3A_486 = tpu.scan <sum>, %select_n3A_483 masked %reduce_sum3A_485 : vector<16xi32>, vector<16xi1> -> vector<16xi32>
      %reduce_sum3A_487 = vector.extract %reduce_sum3A_486[15] : i32 from vector<16xi32>
      %mul3A_488 = arith.constant 16 : i32
      %mul3A_489 = arith.muli %sub3A_453, %mul3A_488 : i32
      %sub3A_490 = arith.constant 15 : i32
      %sub3A_491 = arith.subi %sub3A_490, %sub3A_477 : i32
      %add3A_492 = arith.addi %mul3A_489, %sub3A_491 : i32
      %not3A = arith.constant true
      %not3A_493 = arith.xori %scan3A_448, %not3A : i1
      %and3A = arith.andi %not3A_493, %gt3A_475 : i1
      %select_n3A_494 = arith.select %and3A, %add3A_492, %scan3A_449 : i32
      %select_n3A_495 = arith.select %and3A, %reduce_sum3A_487, %scan3A_450 : i32
      %or3A_496 = arith.ori %scan3A_448, %gt3A_475 : i1
      %slice3A = vector.extract_strided_slice %masked_cumsum3A_465 {offsets = [15], sizes = [1], strides = [1]} : vector<16xi32> to vector<1xi32>
      %squeeze3A = vector.extract %slice3A[0] : i32 from vector<1xi32>
      %add3A_497 = arith.addi %scan3A_451, %squeeze3A : i32
      scf.yield %or3A_496, %select_n3A_494, %select_n3A_495, %add3A_497 : i1, i32, i32, i32
    }
    %scan3A_251 = arith.constant 16 : i32
    %mul3A_252 = arith.constant 16 : i32
    %mul3A_253 = arith.muli %scan3A_250#1, %mul3A_252 : i32
    %get3A_254 = arith.index_cast %mul3A_253 : i32 to index
    %get3A_255 = tpu.vector_load %arg8[%get3A_254] {strides = array<i32>} : memref<4096xi32, #tpu.memory_space<vmem>>, vector<16xi32>,
    %rev3A_256 = arith.constant 15 : i32
    %rev3A_257 = vector.broadcast %rev3A_256 : i32 to vector<16xi32>
    %rev3A_258 = tpu.iota {dimensions = array<i32: 0>} : vector<16xi32>
    %rev3A_259 = arith.subi %rev3A_257, %rev3A_258 : vector<16xi32>
    %rev3A_260 = tpu.dynamic_gather %get3A_255[%rev3A_259] in [0] : vector<16xi32>, vector<16xi32> -> vector<16xi32>
    %broadcast_in_dim3A_261 = arith.constant true
    %broadcast_in_dim3A_262 = vector.broadcast %broadcast_in_dim3A_261 : i1 to vector<16xi1>
    %masked_cumsum3A_263 = tpu.scan <sum>, %rev3A_260 masked %broadcast_in_dim3A_262 : vector<16xi32>, vector<16xi1> -> vector<16xi32>
    %add3A_264 = vector.broadcast %scan3A_250#2 : i32 to vector<16xi32>
    %add3A_265 = arith.addi %masked_cumsum3A_263, %add3A_264 : vector<16xi32>
    %ge3A_266 = arith.constant 2048 : i32
    %ge3A_267 = vector.broadcast %ge3A_266 : i32 to vector<16xi32>
    %ge3A_268 = arith.cmpi sge, %add3A_265, %ge3A_267 : vector<16xi32>
    %convert_element_type3A_269 = arith.extui %ge3A_268 : vector<16xi1> to vector<16xi32>
    %reduce_sum3A_270 = arith.constant true
    %reduce_sum3A_271 = vector.broadcast %reduce_sum3A_270 : i1 to vector<16xi1>
    %reduce_sum3A_272 = tpu.scan <sum>, %convert_element_type3A_269 masked %reduce_sum3A_271 : vector<16xi32>, vector<16xi1> -> vector<16xi32>
    %reduce_sum3A_273 = vector.extract %reduce_sum3A_272[15] : i32 from vector<16xi32>
    %sub3A_274 = arith.constant 16 : i32
    %sub3A_275 = arith.subi %sub3A_274, %reduce_sum3A_273 : i32
    %eq3A_276 = vector.broadcast %sub3A_275 : i32 to vector<16xi32>
    %eq3A_277 = arith.cmpi eq, %iota3A_233, %eq3A_276 : vector<16xi32>
    %sub3A_278 = arith.subi %add3A_265, %rev3A_260 : vector<16xi32>
    %jit3A_279 = arith.constant 0 : i32
    %broadcast_in_dim3A_280 = vector.broadcast %jit3A_279 : i32 to vector<16xi32>
    %select_n3A_281 = arith.select %eq3A_277, %sub3A_278, %broadcast_in_dim3A_280 : vector<16xi1>, vector<16xi32>
    %reduce_sum3A_282 = arith.constant true
    %reduce_sum3A_283 = vector.broadcast %reduce_sum3A_282 : i1 to vector<16xi1>
    %reduce_sum3A_284 = tpu.scan <sum>, %select_n3A_281 masked %reduce_sum3A_283 : vector<16xi32>, vector<16xi1> -> vector<16xi32>
    %reduce_sum3A_285 = vector.extract %reduce_sum3A_284[15] : i32 from vector<16xi32>
    %mul3A_286 = arith.constant 16 : i32
    %mul3A_287 = arith.muli %scan3A_250#1, %mul3A_286 : i32
    %sub3A_288 = arith.constant 15 : i32
    %sub3A_289 = arith.subi %sub3A_288, %sub3A_275 : i32
    %add3A_290 = arith.addi %mul3A_287, %sub3A_289 : i32
    %sub3A_291 = arith.constant 2048 : i32
    %sub3A_292 = arith.subi %sub3A_291, %reduce_sum3A_285 : i32
    %broadcast_in_dim3A_293 = arith.constant 0 : i32
    %broadcast_in_dim3A_294 = vector.broadcast %broadcast_in_dim3A_293 : i32 to vector<16xi32>
    %parallel_loop3A_295 = arith.constant 0 : i32
    %parallel_loop3A_296 = arith.constant 4096 : i32
    %parallel_loop3A_297 = arith.constant 16 : i32
    scf.for %parallel_loop3A_447 = %parallel_loop3A_295 to %parallel_loop3A_296 step %parallel_loop3A_297  : i32 {
      %parallel_loop3A_448 = arith.index_cast %parallel_loop3A_447 : i32 to index
      %parallel_loop3A_449 = tpu.vector_load %arg8[%parallel_loop3A_448] {strides = array<i32>} : memref<4096xi32, #tpu.memory_space<vmem>>, vector<16xi32>,
      tpu.vector_store %arg8[%parallel_loop3A_448], %broadcast_in_dim3A_294 {strides = array<i32>} : memref<4096xi32, #tpu.memory_space<vmem>>, vector<16xi32>,
    } {sc.loop_unroll_factor = 8 : i64, sc.parallel_access}
    %broadcast_in_dim3A_298 = vector.broadcast %add3A_290 : i32 to vector<16xi32>
    %parallel_loop3A_299 = arith.constant 0 : i32
    %parallel_loop3A_300 = arith.constant 32768 : i32
    %parallel_loop3A_301 = arith.constant 16 : i32
    scf.for %parallel_loop3A_447 = %parallel_loop3A_299 to %parallel_loop3A_300 step %parallel_loop3A_301  : i32 {
      %parallel_loop3A_448 = arith.index_cast %parallel_loop3A_447 : i32 to index
      %parallel_loop3A_449 = tpu.vector_load %arg6[%parallel_loop3A_448] {strides = array<i32>} : memref<32768xf32, #tpu.memory_space<vmem>>, vector<16xf32>,
      %parallel_loop3A_450 = tpu.bitcast %parallel_loop3A_449 : vector<16xf32> -> vector<16xi32>
      %parallel_loop3A_451 = arith.constant 31 : i32
      %parallel_loop3A_452 = vector.broadcast %parallel_loop3A_451 : i32 to vector<16xi32>
      %parallel_loop3A_453 = arith.shrsi %parallel_loop3A_450, %parallel_loop3A_452 : vector<16xi32>
      %parallel_loop3A_454 = arith.constant -2147483648 : i32
      %parallel_loop3A_455 = vector.broadcast %parallel_loop3A_454 : i32 to vector<16xi32>
      %parallel_loop3A_456 = arith.ori %parallel_loop3A_453, %parallel_loop3A_455 : vector<16xi32>
      %parallel_loop3A_457 = arith.xori %parallel_loop3A_450, %parallel_loop3A_456 : vector<16xi32>
      %parallel_loop3A_458 = arith.constant 20 : i32
      %parallel_loop3A_459 = vector.broadcast %parallel_loop3A_458 : i32 to vector<16xi32>
      %parallel_loop3A_460 = arith.shrui %parallel_loop3A_457, %parallel_loop3A_459 : vector<16xi32>
      %parallel_loop3A_461 = arith.constant 8 : i32
      %parallel_loop3A_462 = vector.broadcast %parallel_loop3A_461 : i32 to vector<16xi32>
      %parallel_loop3A_463 = arith.shrui %parallel_loop3A_457, %parallel_loop3A_462 : vector<16xi32>
      %parallel_loop3A_464 = arith.constant 4095 : i32
      %parallel_loop3A_465 = vector.broadcast %parallel_loop3A_464 : i32 to vector<16xi32>
      %parallel_loop3A_466 = arith.andi %parallel_loop3A_463, %parallel_loop3A_465 : vector<16xi32>
      %parallel_loop3A_467 = arith.cmpi eq, %parallel_loop3A_460, %broadcast_in_dim3A_298 : vector<16xi32>
      tpu.vector_store_idx %arg8[%parallel_loop3A_466], %broadcast_in_dim3A_1 masked %parallel_loop3A_467 {add = true} : memref<4096xi32, #tpu.memory_space<vmem>>[vector<16xi32>], vector<16xi32>, vector<16xi1>
    } {sc.loop_unroll_factor = 8 : i64, sc.parallel_access}
    %iota3A_302 = tpu.iota {dimensions = array<i32: 0>} : vector<16xi32>
    %eq3A_303 = arith.constant 0 : i32
    %eq3A_304 = vector.broadcast %eq3A_303 : i32 to vector<16xi32>
    %eq3A_305 = arith.cmpi eq, %iota3A_302, %eq3A_304 : vector<16xi32>
    %parallel_loop3A_306 = arith.constant 0 : i32
    %parallel_loop3A_307 = arith.constant 256 : i32
    %parallel_loop3A_308 = arith.constant 1 : i32
    scf.for %parallel_loop3A_447 = %parallel_loop3A_306 to %parallel_loop3A_307 step %parallel_loop3A_308  : i32 {
      %parallel_loop3A_448 = arith.constant 16 : i32
      %parallel_loop3A_449 = arith.muli %parallel_loop3A_447, %parallel_loop3A_448 : i32
      %parallel_loop3A_450 = arith.index_cast %parallel_loop3A_449 : i32 to index
      %parallel_loop3A_451 = tpu.vector_load %arg8[%parallel_loop3A_450] {strides = array<i32>} : memref<4096xi32, #tpu.memory_space<vmem>>, vector<16xi32>,
      %parallel_loop3A_452 = arith.constant true
      %parallel_loop3A_453 = vector.broadcast %parallel_loop3A_452 : i1 to vector<16xi1>
      %parallel_loop3A_454 = tpu.scan <sum>, %parallel_loop3A_451 masked %parallel_loop3A_453 : vector<16xi32>, vector<16xi1> -> vector<16xi32>
      %parallel_loop3A_455 = vector.extract %parallel_loop3A_454[15] : i32 from vector<16xi32>
      %parallel_loop3A_456 = vector.broadcast %parallel_loop3A_455 : i32 to vector<16xi32>
      %parallel_loop3A_457 = arith.index_cast %parallel_loop3A_447 : i32 to index
      %parallel_loop3A_458 = tpu.vector_load %arg9[%parallel_loop3A_457] masked %eq3A_305 {strides = array<i32>} : memref<272xi32, #tpu.memory_space<vmem>>, vector<16xi32>, vector<16xi1>
      tpu.vector_store %arg9[%parallel_loop3A_457], %parallel_loop3A_456 masked %eq3A_305 {strides = array<i32>} : memref<272xi32, #tpu.memory_space<vmem>>, vector<16xi32>, vector<16xi1>
    } {sc.loop_unroll_factor = 8 : i64, sc.parallel_access}
    %iota3A_309 = tpu.iota {dimensions = array<i32: 0>} : vector<16xi32>
    %scan3A_310 = arith.constant false
    %scan3A_311 = arith.constant 0 : i32
    %scan3A_312 = arith.constant 0 : i32
    %scan3A_313 = arith.constant 0 : i32
    %scan3A_314 = arith.constant 0 : i32
    %scan3A_315 = arith.constant 16 : i32
    %scan3A_316 = arith.addi %scan3A_314, %scan3A_315 : i32
    %scan3A_317 = arith.constant 1 : i32
    %scan3A_318:4 = scf.for %scan3A_447 = %scan3A_314 to %scan3A_316 step %scan3A_317 iter_args(%scan3A_448 = %scan3A_310, %scan3A_449 = %scan3A_311, %scan3A_450 = %scan3A_312, %scan3A_451 = %scan3A_313) -> (i1, i32, i32, i32)  : i32 {
      %sub3A_452 = arith.constant 15 : i32
      %sub3A_453 = arith.subi %sub3A_452, %scan3A_447 : i32
      %mul3A_454 = arith.constant 16 : i32
      %mul3A_455 = arith.muli %sub3A_453, %mul3A_454 : i32
      %get3A_456 = arith.index_cast %mul3A_455 : i32 to index
      %get3A_457 = tpu.vector_load %arg9[%get3A_456] {strides = array<i32>} : memref<272xi32, #tpu.memory_space<vmem>>, vector<16xi32>,
      %rev3A_458 = arith.constant 15 : i32
      %rev3A_459 = vector.broadcast %rev3A_458 : i32 to vector<16xi32>
      %rev3A_460 = tpu.iota {dimensions = array<i32: 0>} : vector<16xi32>
      %rev3A_461 = arith.subi %rev3A_459, %rev3A_460 : vector<16xi32>
      %rev3A_462 = tpu.dynamic_gather %get3A_457[%rev3A_461] in [0] : vector<16xi32>, vector<16xi32> -> vector<16xi32>
      %broadcast_in_dim3A_463 = arith.constant true
      %broadcast_in_dim3A_464 = vector.broadcast %broadcast_in_dim3A_463 : i1 to vector<16xi1>
      %masked_cumsum3A_465 = tpu.scan <sum>, %rev3A_462 masked %broadcast_in_dim3A_464 : vector<16xi32>, vector<16xi1> -> vector<16xi32>
      %add3A_466 = vector.broadcast %scan3A_451 : i32 to vector<16xi32>
      %add3A_467 = arith.addi %masked_cumsum3A_465, %add3A_466 : vector<16xi32>
      %ge3A_468 = vector.broadcast %sub3A_292 : i32 to vector<16xi32>
      %ge3A_469 = arith.cmpi sge, %add3A_467, %ge3A_468 : vector<16xi32>
      %convert_element_type3A_470 = arith.extui %ge3A_469 : vector<16xi1> to vector<16xi32>
      %reduce_sum3A_471 = arith.constant true
      %reduce_sum3A_472 = vector.broadcast %reduce_sum3A_471 : i1 to vector<16xi1>
      %reduce_sum3A_473 = tpu.scan <sum>, %convert_element_type3A_470 masked %reduce_sum3A_472 : vector<16xi32>, vector<16xi1> -> vector<16xi32>
      %reduce_sum3A_474 = vector.extract %reduce_sum3A_473[15] : i32 from vector<16xi32>
      %gt3A = arith.constant 0 : i32
      %gt3A_475 = arith.cmpi sgt, %reduce_sum3A_474, %gt3A : i32
      %sub3A_476 = arith.constant 16 : i32
      %sub3A_477 = arith.subi %sub3A_476, %reduce_sum3A_474 : i32
      %eq3A_478 = vector.broadcast %sub3A_477 : i32 to vector<16xi32>
      %eq3A_479 = arith.cmpi eq, %iota3A_309, %eq3A_478 : vector<16xi32>
      %sub3A_480 = arith.subi %add3A_467, %rev3A_462 : vector<16xi32>
      %jit3A_481 = arith.constant 0 : i32
      %broadcast_in_dim3A_482 = vector.broadcast %jit3A_481 : i32 to vector<16xi32>
      %select_n3A_483 = arith.select %eq3A_479, %sub3A_480, %broadcast_in_dim3A_482 : vector<16xi1>, vector<16xi32>
      %reduce_sum3A_484 = arith.constant true
      %reduce_sum3A_485 = vector.broadcast %reduce_sum3A_484 : i1 to vector<16xi1>
      %reduce_sum3A_486 = tpu.scan <sum>, %select_n3A_483 masked %reduce_sum3A_485 : vector<16xi32>, vector<16xi1> -> vector<16xi32>
      %reduce_sum3A_487 = vector.extract %reduce_sum3A_486[15] : i32 from vector<16xi32>
      %mul3A_488 = arith.constant 16 : i32
      %mul3A_489 = arith.muli %sub3A_453, %mul3A_488 : i32
      %sub3A_490 = arith.constant 15 : i32
      %sub3A_491 = arith.subi %sub3A_490, %sub3A_477 : i32
      %add3A_492 = arith.addi %mul3A_489, %sub3A_491 : i32
      %not3A = arith.constant true
      %not3A_493 = arith.xori %scan3A_448, %not3A : i1
      %and3A = arith.andi %not3A_493, %gt3A_475 : i1
      %select_n3A_494 = arith.select %and3A, %add3A_492, %scan3A_449 : i32
      %select_n3A_495 = arith.select %and3A, %reduce_sum3A_487, %scan3A_450 : i32
      %or3A_496 = arith.ori %scan3A_448, %gt3A_475 : i1
      %slice3A = vector.extract_strided_slice %masked_cumsum3A_465 {offsets = [15], sizes = [1], strides = [1]} : vector<16xi32> to vector<1xi32>
      %squeeze3A = vector.extract %slice3A[0] : i32 from vector<1xi32>
      %add3A_497 = arith.addi %scan3A_451, %squeeze3A : i32
      scf.yield %or3A_496, %select_n3A_494, %select_n3A_495, %add3A_497 : i1, i32, i32, i32
    }
    %scan3A_319 = arith.constant 16 : i32
    %mul3A_320 = arith.constant 16 : i32
    %mul3A_321 = arith.muli %scan3A_318#1, %mul3A_320 : i32
    %get3A_322 = arith.index_cast %mul3A_321 : i32 to index
    %get3A_323 = tpu.vector_load %arg8[%get3A_322] {strides = array<i32>} : memref<4096xi32, #tpu.memory_space<vmem>>, vector<16xi32>,
    %rev3A_324 = arith.constant 15 : i32
    %rev3A_325 = vector.broadcast %rev3A_324 : i32 to vector<16xi32>
    %rev3A_326 = tpu.iota {dimensions = array<i32: 0>} : vector<16xi32>
    %rev3A_327 = arith.subi %rev3A_325, %rev3A_326 : vector<16xi32>
    %rev3A_328 = tpu.dynamic_gather %get3A_323[%rev3A_327] in [0] : vector<16xi32>, vector<16xi32> -> vector<16xi32>
    %broadcast_in_dim3A_329 = arith.constant true
    %broadcast_in_dim3A_330 = vector.broadcast %broadcast_in_dim3A_329 : i1 to vector<16xi1>
    %masked_cumsum3A_331 = tpu.scan <sum>, %rev3A_328 masked %broadcast_in_dim3A_330 : vector<16xi32>, vector<16xi1> -> vector<16xi32>
    %add3A_332 = vector.broadcast %scan3A_318#2 : i32 to vector<16xi32>
    %add3A_333 = arith.addi %masked_cumsum3A_331, %add3A_332 : vector<16xi32>
    %ge3A_334 = vector.broadcast %sub3A_292 : i32 to vector<16xi32>
    %ge3A_335 = arith.cmpi sge, %add3A_333, %ge3A_334 : vector<16xi32>
    %convert_element_type3A_336 = arith.extui %ge3A_335 : vector<16xi1> to vector<16xi32>
    %reduce_sum3A_337 = arith.constant true
    %reduce_sum3A_338 = vector.broadcast %reduce_sum3A_337 : i1 to vector<16xi1>
    %reduce_sum3A_339 = tpu.scan <sum>, %convert_element_type3A_336 masked %reduce_sum3A_338 : vector<16xi32>, vector<16xi1> -> vector<16xi32>
    %reduce_sum3A_340 = vector.extract %reduce_sum3A_339[15] : i32 from vector<16xi32>
    %sub3A_341 = arith.constant 16 : i32
    %sub3A_342 = arith.subi %sub3A_341, %reduce_sum3A_340 : i32
    %eq3A_343 = vector.broadcast %sub3A_342 : i32 to vector<16xi32>
    %eq3A_344 = arith.cmpi eq, %iota3A_302, %eq3A_343 : vector<16xi32>
    %sub3A_345 = arith.subi %add3A_333, %rev3A_328 : vector<16xi32>
    %jit3A_346 = arith.constant 0 : i32
    %broadcast_in_dim3A_347 = vector.broadcast %jit3A_346 : i32 to vector<16xi32>
    %select_n3A_348 = arith.select %eq3A_344, %sub3A_345, %broadcast_in_dim3A_347 : vector<16xi1>, vector<16xi32>
    %reduce_sum3A_349 = arith.constant true
    %reduce_sum3A_350 = vector.broadcast %reduce_sum3A_349 : i1 to vector<16xi1>
    %reduce_sum3A_351 = tpu.scan <sum>, %select_n3A_348 masked %reduce_sum3A_350 : vector<16xi32>, vector<16xi1> -> vector<16xi32>
    %reduce_sum3A_352 = vector.extract %reduce_sum3A_351[15] : i32 from vector<16xi32>
    %mul3A_353 = arith.constant 16 : i32
    %mul3A_354 = arith.muli %scan3A_318#1, %mul3A_353 : i32
    %sub3A_355 = arith.constant 15 : i32
    %sub3A_356 = arith.subi %sub3A_355, %sub3A_342 : i32
    %add3A_357 = arith.addi %mul3A_354, %sub3A_356 : i32
    %sub3A_358 = arith.subi %sub3A_292, %reduce_sum3A_352 : i32
    %broadcast_in_dim3A_359 = arith.constant 0 : i32
    %broadcast_in_dim3A_360 = vector.broadcast %broadcast_in_dim3A_359 : i32 to vector<16xi32>
    %parallel_loop3A_361 = arith.constant 0 : i32
    %parallel_loop3A_362 = arith.constant 256 : i32
    %parallel_loop3A_363 = arith.constant 16 : i32
    scf.for %parallel_loop3A_447 = %parallel_loop3A_361 to %parallel_loop3A_362 step %parallel_loop3A_363  : i32 {
      %parallel_loop3A_448 = arith.index_cast %parallel_loop3A_447 : i32 to index
      %parallel_loop3A_449 = tpu.vector_load %arg8[%parallel_loop3A_448] {strides = array<i32>} : memref<4096xi32, #tpu.memory_space<vmem>>, vector<16xi32>,
      tpu.vector_store %arg8[%parallel_loop3A_448], %broadcast_in_dim3A_360 {strides = array<i32>} : memref<4096xi32, #tpu.memory_space<vmem>>, vector<16xi32>,
    } {sc.loop_unroll_factor = 8 : i64, sc.parallel_access}
    %shift_left3A_364 = arith.constant 12 : i32
    %shift_left3A_365 = arith.shli %add3A_290, %shift_left3A_364 : i32
    %or3A_366 = arith.ori %shift_left3A_365, %add3A_357 : i32
    %broadcast_in_dim3A_367 = vector.broadcast %or3A_366 : i32 to vector<16xi32>
    %parallel_loop3A_368 = arith.constant 0 : i32
    %parallel_loop3A_369 = arith.constant 32768 : i32
    %parallel_loop3A_370 = arith.constant 16 : i32
    scf.for %parallel_loop3A_447 = %parallel_loop3A_368 to %parallel_loop3A_369 step %parallel_loop3A_370  : i32 {
      %parallel_loop3A_448 = arith.index_cast %parallel_loop3A_447 : i32 to index
      %parallel_loop3A_449 = tpu.vector_load %arg6[%parallel_loop3A_448] {strides = array<i32>} : memref<32768xf32, #tpu.memory_space<vmem>>, vector<16xf32>,
      %parallel_loop3A_450 = tpu.bitcast %parallel_loop3A_449 : vector<16xf32> -> vector<16xi32>
      %parallel_loop3A_451 = arith.constant 31 : i32
      %parallel_loop3A_452 = vector.broadcast %parallel_loop3A_451 : i32 to vector<16xi32>
      %parallel_loop3A_453 = arith.shrsi %parallel_loop3A_450, %parallel_loop3A_452 : vector<16xi32>
      %parallel_loop3A_454 = arith.constant -2147483648 : i32
      %parallel_loop3A_455 = vector.broadcast %parallel_loop3A_454 : i32 to vector<16xi32>
      %parallel_loop3A_456 = arith.ori %parallel_loop3A_453, %parallel_loop3A_455 : vector<16xi32>
      %parallel_loop3A_457 = arith.xori %parallel_loop3A_450, %parallel_loop3A_456 : vector<16xi32>
      %parallel_loop3A_458 = arith.constant 8 : i32
      %parallel_loop3A_459 = vector.broadcast %parallel_loop3A_458 : i32 to vector<16xi32>
      %parallel_loop3A_460 = arith.shrui %parallel_loop3A_457, %parallel_loop3A_459 : vector<16xi32>
      %parallel_loop3A_461 = arith.constant 255 : i32
      %parallel_loop3A_462 = vector.broadcast %parallel_loop3A_461 : i32 to vector<16xi32>
      %parallel_loop3A_463 = arith.andi %parallel_loop3A_457, %parallel_loop3A_462 : vector<16xi32>
      %parallel_loop3A_464 = arith.cmpi eq, %parallel_loop3A_460, %broadcast_in_dim3A_367 : vector<16xi32>
      tpu.vector_store_idx %arg8[%parallel_loop3A_463], %broadcast_in_dim3A_1 masked %parallel_loop3A_464 {add = true} : memref<4096xi32, #tpu.memory_space<vmem>>[vector<16xi32>], vector<16xi32>, vector<16xi1>
    } {sc.loop_unroll_factor = 8 : i64, sc.parallel_access}
    %iota3A_371 = tpu.iota {dimensions = array<i32: 0>} : vector<16xi32>
    %scan3A_372 = arith.constant false
    %scan3A_373 = arith.constant 0 : i32
    %scan3A_374 = arith.constant 0 : i32
    %scan3A_375 = arith.constant 0 : i32
    %scan3A_376 = arith.constant 0 : i32
    %scan3A_377 = arith.constant 16 : i32
    %scan3A_378 = arith.addi %scan3A_376, %scan3A_377 : i32
    %scan3A_379 = arith.constant 1 : i32
    %scan3A_380:4 = scf.for %scan3A_447 = %scan3A_376 to %scan3A_378 step %scan3A_379 iter_args(%scan3A_448 = %scan3A_372, %scan3A_449 = %scan3A_373, %scan3A_450 = %scan3A_374, %scan3A_451 = %scan3A_375) -> (i1, i32, i32, i32)  : i32 {
      %sub3A_452 = arith.constant 15 : i32
      %sub3A_453 = arith.subi %sub3A_452, %scan3A_447 : i32
      %mul3A_454 = arith.constant 16 : i32
      %mul3A_455 = arith.muli %sub3A_453, %mul3A_454 : i32
      %get3A_456 = arith.index_cast %mul3A_455 : i32 to index
      %get3A_457 = tpu.vector_load %arg8[%get3A_456] {strides = array<i32>} : memref<4096xi32, #tpu.memory_space<vmem>>, vector<16xi32>,
      %rev3A_458 = arith.constant 15 : i32
      %rev3A_459 = vector.broadcast %rev3A_458 : i32 to vector<16xi32>
      %rev3A_460 = tpu.iota {dimensions = array<i32: 0>} : vector<16xi32>
      %rev3A_461 = arith.subi %rev3A_459, %rev3A_460 : vector<16xi32>
      %rev3A_462 = tpu.dynamic_gather %get3A_457[%rev3A_461] in [0] : vector<16xi32>, vector<16xi32> -> vector<16xi32>
      %broadcast_in_dim3A_463 = arith.constant true
      %broadcast_in_dim3A_464 = vector.broadcast %broadcast_in_dim3A_463 : i1 to vector<16xi1>
      %masked_cumsum3A_465 = tpu.scan <sum>, %rev3A_462 masked %broadcast_in_dim3A_464 : vector<16xi32>, vector<16xi1> -> vector<16xi32>
      %add3A_466 = vector.broadcast %scan3A_451 : i32 to vector<16xi32>
      %add3A_467 = arith.addi %masked_cumsum3A_465, %add3A_466 : vector<16xi32>
      %ge3A_468 = vector.broadcast %sub3A_358 : i32 to vector<16xi32>
      %ge3A_469 = arith.cmpi sge, %add3A_467, %ge3A_468 : vector<16xi32>
      %convert_element_type3A_470 = arith.extui %ge3A_469 : vector<16xi1> to vector<16xi32>
      %reduce_sum3A_471 = arith.constant true
      %reduce_sum3A_472 = vector.broadcast %reduce_sum3A_471 : i1 to vector<16xi1>
      %reduce_sum3A_473 = tpu.scan <sum>, %convert_element_type3A_470 masked %reduce_sum3A_472 : vector<16xi32>, vector<16xi1> -> vector<16xi32>
      %reduce_sum3A_474 = vector.extract %reduce_sum3A_473[15] : i32 from vector<16xi32>
      %gt3A = arith.constant 0 : i32
      %gt3A_475 = arith.cmpi sgt, %reduce_sum3A_474, %gt3A : i32
      %sub3A_476 = arith.constant 16 : i32
      %sub3A_477 = arith.subi %sub3A_476, %reduce_sum3A_474 : i32
      %eq3A_478 = vector.broadcast %sub3A_477 : i32 to vector<16xi32>
      %eq3A_479 = arith.cmpi eq, %iota3A_371, %eq3A_478 : vector<16xi32>
      %sub3A_480 = arith.subi %add3A_467, %rev3A_462 : vector<16xi32>
      %jit3A_481 = arith.constant 0 : i32
      %broadcast_in_dim3A_482 = vector.broadcast %jit3A_481 : i32 to vector<16xi32>
      %select_n3A_483 = arith.select %eq3A_479, %sub3A_480, %broadcast_in_dim3A_482 : vector<16xi1>, vector<16xi32>
      %reduce_sum3A_484 = arith.constant true
      %reduce_sum3A_485 = vector.broadcast %reduce_sum3A_484 : i1 to vector<16xi1>
      %reduce_sum3A_486 = tpu.scan <sum>, %select_n3A_483 masked %reduce_sum3A_485 : vector<16xi32>, vector<16xi1> -> vector<16xi32>
      %reduce_sum3A_487 = vector.extract %reduce_sum3A_486[15] : i32 from vector<16xi32>
      %mul3A_488 = arith.constant 16 : i32
      %mul3A_489 = arith.muli %sub3A_453, %mul3A_488 : i32
      %sub3A_490 = arith.constant 15 : i32
      %sub3A_491 = arith.subi %sub3A_490, %sub3A_477 : i32
      %add3A_492 = arith.addi %mul3A_489, %sub3A_491 : i32
      %not3A = arith.constant true
      %not3A_493 = arith.xori %scan3A_448, %not3A : i1
      %and3A = arith.andi %not3A_493, %gt3A_475 : i1
      %select_n3A_494 = arith.select %and3A, %add3A_492, %scan3A_449 : i32
      %select_n3A_495 = arith.select %and3A, %reduce_sum3A_487, %scan3A_450 : i32
      %or3A_496 = arith.ori %scan3A_448, %gt3A_475 : i1
      %slice3A = vector.extract_strided_slice %masked_cumsum3A_465 {offsets = [15], sizes = [1], strides = [1]} : vector<16xi32> to vector<1xi32>
      %squeeze3A = vector.extract %slice3A[0] : i32 from vector<1xi32>
      %add3A_497 = arith.addi %scan3A_451, %squeeze3A : i32
      scf.yield %or3A_496, %select_n3A_494, %select_n3A_495, %add3A_497 : i1, i32, i32, i32
    }
    %scan3A_381 = arith.constant 16 : i32
    %shift_left3A_382 = arith.constant 20 : i32
    %shift_left3A_383 = arith.shli %add3A_290, %shift_left3A_382 : i32
    %shift_left3A_384 = arith.constant 8 : i32
    %shift_left3A_385 = arith.shli %add3A_357, %shift_left3A_384 : i32
    %or3A_386 = arith.ori %shift_left3A_385, %scan3A_380#1 : i32
    %or3A_387 = arith.ori %shift_left3A_383, %or3A_386 : i32
    %xor3A_388 = arith.constant -2147483648 : i32
    %xor3A_389 = arith.xori %or3A_387, %xor3A_388 : i32
    %broadcast_in_dim3A_390 = vector.broadcast %xor3A_389 : i32 to vector<16xi32>
    %lt3A_391 = arith.constant 0 : i32
    %lt3A_392 = vector.broadcast %lt3A_391 : i32 to vector<16xi32>
    %lt3A_393 = arith.cmpi slt, %broadcast_in_dim3A_390, %lt3A_392 : vector<16xi32>
    %xor3A_394 = arith.constant 2147483647 : i32
    %xor3A_395 = vector.broadcast %xor3A_394 : i32 to vector<16xi32>
    %xor3A_396 = arith.xori %broadcast_in_dim3A_390, %xor3A_395 : vector<16xi32>
    %select_n3A_397 = arith.select %lt3A_393, %xor3A_396, %broadcast_in_dim3A_390 : vector<16xi1>, vector<16xi32>
    %bitcast_convert_type3A_398 = tpu.bitcast %select_n3A_397 : vector<16xi32> -> vector<16xf32>
    %add3A_399 = arith.constant 1.000000e+00 : f32
    %add3A_400 = vector.broadcast %add3A_399 : f32 to vector<16xf32>
    %add3A_401 = arith.addf %bitcast_convert_type3A_398, %add3A_400 : vector<16xf32>
    %div3A_402 = arith.divf %add3A_401, %broadcast_in_dim3A_9 : vector<16xf32>
    %neg3A_403 = arith.constant 0.000000e+00 : f32
    %neg3A_404 = vector.broadcast %neg3A_403 : f32 to vector<16xf32>
    %neg3A_405 = arith.subf %neg3A_404, %div3A_402 : vector<16xf32>
    %exp3A_406 = math.exp %neg3A_405 : vector<16xf32>
    %add3A_407 = arith.constant 1.000000e+00 : f32
    %add3A_408 = vector.broadcast %add3A_407 : f32 to vector<16xf32>
    %add3A_409 = arith.addf %add3A_408, %exp3A_406 : vector<16xf32>
    %div3A_410 = arith.constant 1.000000e+00 : f32
    %div3A_411 = vector.broadcast %div3A_410 : f32 to vector<16xf32>
    %div3A_412 = arith.divf %div3A_411, %add3A_409 : vector<16xf32>
    %parallel_loop3A_413 = arith.constant 0 : i32
    %parallel_loop3A_414 = arith.constant 32768 : i32
    %parallel_loop3A_415 = arith.constant 16 : i32
    %parallel_loop3A_416 = arith.constant 0 : i32
    %parallel_loop3A_417 = scf.for %parallel_loop3A_447 = %parallel_loop3A_413 to %parallel_loop3A_414 step %parallel_loop3A_415 iter_args(%parallel_loop3A_448 = %parallel_loop3A_416) -> (i32)  : i32 {
      %parallel_loop3A_449 = arith.index_cast %parallel_loop3A_447 : i32 to index
      %parallel_loop3A_450 = tpu.vector_load %arg7[%parallel_loop3A_449] {strides = array<i32>} : memref<32768xf32, #tpu.memory_space<vmem>>, vector<16xf32>,
      %parallel_loop3A_451 = arith.cmpf oge, %parallel_loop3A_450, %div3A_412 : vector<16xf32>
      %parallel_loop3A_452 = arith.select %parallel_loop3A_451, %broadcast_in_dim3A_5, %broadcast_in_dim3A_7 : vector<16xi1>, vector<16xf32>
      %parallel_loop3A_453 = arith.index_cast %parallel_loop3A_447 : i32 to index
      %parallel_loop3A_454 = tpu.vector_load %arg6[%parallel_loop3A_453] {strides = array<i32>} : memref<32768xf32, #tpu.memory_space<vmem>>, vector<16xf32>,
      tpu.vector_store %arg6[%parallel_loop3A_453], %parallel_loop3A_452 {strides = array<i32>} : memref<32768xf32, #tpu.memory_space<vmem>>, vector<16xf32>,
      %parallel_loop3A_455 = tpu.all_reduce %parallel_loop3A_451 {dim = 0 : i64, kind = #tpu.reduction_kind<sum>} : vector<16xi1> -> vector<16xi32>
      %parallel_loop3A_456 = vector.extract_strided_slice %parallel_loop3A_455 {offsets = [0], sizes = [1], strides = [1]} : vector<16xi32> to vector<1xi32>
      %parallel_loop3A_457 = vector.extract %parallel_loop3A_456[0] : i32 from vector<1xi32>
      %parallel_loop3A_458 = arith.addi %parallel_loop3A_448, %parallel_loop3A_457 : i32
      scf.yield %parallel_loop3A_458 : i32
    } {sc.loop_unroll_factor = 8 : i64, sc.parallel_access}
    %ne3A_418 = arith.constant 2048 : i32
    %ne3A_419 = arith.cmpi ne, %parallel_loop3A_417, %ne3A_418 : i32
    %convert_element_type3A_420 = arith.extui %ne3A_419 : i1 to i32
    %cond3A_421 = arith.constant 0 : i32
    %cond3A_422 = arith.cmpi ne, %convert_element_type3A_420, %cond3A_421 : i32
    scf.if %cond3A_422 {
      %parallel_loop3A_447 = arith.constant 0 : i32
      %parallel_loop3A_448 = arith.constant 32768 : i32
      %parallel_loop3A_449 = arith.constant 16 : i32
      %parallel_loop3A_450 = arith.constant 0 : i32
      %parallel_loop3A_451 = scf.for %parallel_loop3A_460 = %parallel_loop3A_447 to %parallel_loop3A_448 step %parallel_loop3A_449 iter_args(%parallel_loop3A_461 = %parallel_loop3A_450) -> (i32)  : i32 {
        %parallel_loop3A_462 = arith.index_cast %parallel_loop3A_460 : i32 to index
        %parallel_loop3A_463 = tpu.vector_load %arg7[%parallel_loop3A_462] {strides = array<i32>} : memref<32768xf32, #tpu.memory_space<vmem>>, vector<16xf32>,
        %parallel_loop3A_464 = arith.cmpf ogt, %parallel_loop3A_463, %div3A_412 : vector<16xf32>
        %parallel_loop3A_465 = tpu.all_reduce %parallel_loop3A_464 {dim = 0 : i64, kind = #tpu.reduction_kind<sum>} : vector<16xi1> -> vector<16xi32>
        %parallel_loop3A_466 = vector.extract_strided_slice %parallel_loop3A_465 {offsets = [0], sizes = [1], strides = [1]} : vector<16xi32> to vector<1xi32>
        %parallel_loop3A_467 = vector.extract %parallel_loop3A_466[0] : i32 from vector<1xi32>
        %parallel_loop3A_468 = arith.addi %parallel_loop3A_461, %parallel_loop3A_467 : i32
        scf.yield %parallel_loop3A_468 : i32
      } {sc.loop_unroll_factor = 8 : i64, sc.parallel_access}
      %sub3A_452 = arith.constant 2048 : i32
      %sub3A_453 = arith.subi %sub3A_452, %parallel_loop3A_451 : i32
      %scan3A_454 = arith.constant 0 : i32
      %scan3A_455 = arith.constant 2048 : i32
      %scan3A_456 = arith.addi %scan3A_454, %scan3A_455 : i32
      %scan3A_457 = arith.constant 1 : i32
      %scan3A_458 = scf.for %scan3A_460 = %scan3A_454 to %scan3A_456 step %scan3A_457 iter_args(%scan3A_461 = %sub3A_453) -> (i32)  : i32 {
        %mul3A_462 = arith.constant 16 : i32
        %mul3A_463 = arith.muli %scan3A_460, %mul3A_462 : i32
        %get3A_464 = arith.index_cast %mul3A_463 : i32 to index
        %get3A_465 = tpu.vector_load %arg7[%get3A_464] {strides = array<i32>} : memref<32768xf32, #tpu.memory_space<vmem>>, vector<16xf32>,
        %gt3A = arith.cmpf ogt, %get3A_465, %div3A_412 : vector<16xf32>
        %eq3A_466 = arith.cmpf oeq, %get3A_465, %div3A_412 : vector<16xf32>
        %select_n3A_467 = arith.select %eq3A_466, %broadcast_in_dim3A_1, %broadcast_in_dim3A_3 : vector<16xi1>, vector<16xi32>
        %broadcast_in_dim3A_468 = arith.constant true
        %broadcast_in_dim3A_469 = vector.broadcast %broadcast_in_dim3A_468 : i1 to vector<16xi1>
        %masked_cumsum3A_470 = tpu.scan <sum>, %select_n3A_467 masked %broadcast_in_dim3A_469 : vector<16xi32>, vector<16xi1> -> vector<16xi32>
        %le3A = vector.broadcast %scan3A_461 : i32 to vector<16xi32>
        %le3A_471 = arith.cmpi sle, %masked_cumsum3A_470, %le3A : vector<16xi32>
        %and3A = arith.andi %eq3A_466, %le3A_471 : vector<16xi1>
        %or3A_472 = arith.ori %gt3A, %and3A : vector<16xi1>
        %select_n3A_473 = arith.select %or3A_472, %broadcast_in_dim3A_5, %broadcast_in_dim3A_7 : vector<16xi1>, vector<16xf32>
        %mul3A_474 = arith.constant 16 : i32
        %mul3A_475 = arith.muli %scan3A_460, %mul3A_474 : i32
        %swap3A = arith.index_cast %mul3A_475 : i32 to index
        %swap3A_476 = tpu.vector_load %arg6[%swap3A] {strides = array<i32>} : memref<32768xf32, #tpu.memory_space<vmem>>, vector<16xf32>,
        tpu.vector_store %arg6[%swap3A], %select_n3A_473 {strides = array<i32>} : memref<32768xf32, #tpu.memory_space<vmem>>, vector<16xf32>,
        %slice3A = vector.extract_strided_slice %masked_cumsum3A_470 {offsets = [15], sizes = [1], strides = [1]} : vector<16xi32> to vector<1xi32>
        %squeeze3A = vector.extract %slice3A[0] : i32 from vector<1xi32>
        %min3A = arith.minsi %squeeze3A, %scan3A_461 : i32
        %sub3A_477 = arith.subi %scan3A_461, %min3A : i32
        scf.yield %sub3A_477 : i32
      }
      %scan3A_459 = arith.constant 2048 : i32
    } else {
    }
    %dma_start3A_423 = arith.constant 0 : i32
    %dma_start3A_424 = tpu.memref_slice %arg3[%add3A_218, %dma_start3A_423] : memref<64x32768xf32, #tpu.memory_space<hbm>> -> memref<1x32768xf32, #tpu.memory_space<hbm>>
    %dma_start3A_425 = tpu.memref_squeeze %dma_start3A_424 : memref<1x32768xf32, #tpu.memory_space<hbm>> -> memref<32768xf32, #tpu.memory_space<hbm>>
    %dma_start3A_426 = arith.constant 0 : i32
    %dma_start3A_427 = tpu.memref_slice %arg3[%add3A_218, %dma_start3A_426] : memref<64x32768xf32, #tpu.memory_space<hbm>> -> memref<1x32768xf32, #tpu.memory_space<hbm>>
    %dma_start3A_428 = tpu.memref_squeeze %dma_start3A_427 : memref<1x32768xf32, #tpu.memory_space<hbm>> -> memref<32768xf32, #tpu.memory_space<hbm>>
    tpu.enqueue_dma source(%arg6 : memref<32768xf32, #tpu.memory_space<vmem>>) target(%dma_start3A_428 : memref<32768xf32, #tpu.memory_space<hbm>>) target_semaphore(%arg13 : memref<!tpu.dma_semaphore, #tpu.memory_space<semaphore_mem>>)
    %dma_wait3A_429 = arith.constant 0 : i32
    %dma_wait3A_430 = tpu.memref_slice %arg4[%add3A_218, %dma_wait3A_429] : memref<64x32768xf32, #tpu.memory_space<hbm>> -> memref<1x32768xf32, #tpu.memory_space<hbm>>
    %dma_wait3A_431 = tpu.memref_squeeze %dma_wait3A_430 : memref<1x32768xf32, #tpu.memory_space<hbm>> -> memref<32768xf32, #tpu.memory_space<hbm>>
    %dma_wait3A_432 = arith.constant 0 : i32
    %dma_wait3A_433 = tpu.memref_slice %arg4[%add3A_218, %dma_wait3A_432] : memref<64x32768xf32, #tpu.memory_space<hbm>> -> memref<1x32768xf32, #tpu.memory_space<hbm>>
    %dma_wait3A_434 = tpu.memref_squeeze %dma_wait3A_433 : memref<1x32768xf32, #tpu.memory_space<hbm>> -> memref<32768xf32, #tpu.memory_space<hbm>>
    tpu.wait_dma2 semaphore(%arg11 : memref<!tpu.dma_semaphore, #tpu.memory_space<semaphore_mem>>) src(%arg7 : memref<32768xf32, #tpu.memory_space<vmem>>) dst(%dma_wait3A_434 : memref<32768xf32, #tpu.memory_space<hbm>>)
    %dma_wait3A_435 = arith.constant 0 : i32
    %dma_wait3A_436 = tpu.memref_slice %arg3[%mul3A_11, %dma_wait3A_435] : memref<64x32768xf32, #tpu.memory_space<hbm>> -> memref<1x32768xf32, #tpu.memory_space<hbm>>
    %dma_wait3A_437 = tpu.memref_squeeze %dma_wait3A_436 : memref<1x32768xf32, #tpu.memory_space<hbm>> -> memref<32768xf32, #tpu.memory_space<hbm>>
    %dma_wait3A_438 = arith.constant 0 : i32
    %dma_wait3A_439 = tpu.memref_slice %arg3[%mul3A_11, %dma_wait3A_438] : memref<64x32768xf32, #tpu.memory_space<hbm>> -> memref<1x32768xf32, #tpu.memory_space<hbm>>
    %dma_wait3A_440 = tpu.memref_squeeze %dma_wait3A_439 : memref<1x32768xf32, #tpu.memory_space<hbm>> -> memref<32768xf32, #tpu.memory_space<hbm>>
    tpu.wait_dma2 semaphore(%arg12 : memref<!tpu.dma_semaphore, #tpu.memory_space<semaphore_mem>>) src(%arg5 : memref<32768xf32, #tpu.memory_space<vmem>>) dst(%dma_wait3A_440 : memref<32768xf32, #tpu.memory_space<hbm>>)
    %dma_wait3A_441 = arith.constant 0 : i32
    %dma_wait3A_442 = tpu.memref_slice %arg3[%add3A_218, %dma_wait3A_441] : memref<64x32768xf32, #tpu.memory_space<hbm>> -> memref<1x32768xf32, #tpu.memory_space<hbm>>
    %dma_wait3A_443 = tpu.memref_squeeze %dma_wait3A_442 : memref<1x32768xf32, #tpu.memory_space<hbm>> -> memref<32768xf32, #tpu.memory_space<hbm>>
    %dma_wait3A_444 = arith.constant 0 : i32
    %dma_wait3A_445 = tpu.memref_slice %arg3[%add3A_218, %dma_wait3A_444] : memref<64x32768xf32, #tpu.memory_space<hbm>> -> memref<1x32768xf32, #tpu.memory_space<hbm>>
    %dma_wait3A_446 = tpu.memref_squeeze %dma_wait3A_445 : memref<1x32768xf32, #tpu.memory_space<hbm>> -> memref<32768xf32, #tpu.memory_space<hbm>>
    tpu.wait_dma2 semaphore(%arg13 : memref<!tpu.dma_semaphore, #tpu.memory_space<semaphore_mem>>) src(%arg6 : memref<32768xf32, #tpu.memory_space<vmem>>) dst(%dma_wait3A_446 : memref<32768xf32, #tpu.memory_space<hbm>>)
    return
  }
}

</mosaic_0001>

<sc_bundles>
// kernel: kernel.3.cloned.1.call-start
scs
__scs_entry_jumppad:
0x0: {  	(pc) =	sbr.rel $0x88, $3  }
0x1: {  	(tag) =	ssettag $0x0;
	lr =	simm.s32 $0x1  }
0x2: {  	[smem:$0x3FA0] =	sst lr;
	_ =	strace $0xD0000000  }
0x3: {  	_ = 	snop  }
0x4: {  	_ = 	snop  }
0x5: {  	_ = 	snop  }
0x6: {  	_ = 	snop  }
0x7: {  	_ = 	snop  }
__scs_overlays_trampoline_lowered:
0x8: {  	[smem:$0x3FAF] =	sst s0  }
0x9: {  	[smem:$0x3FB0] =	sst s1  }
0xa: {  	[smem:$0x3FB1] =	sst s2  }
0xb: {  	[smem:$0x3FB2] =	sst s3  }
0xc: {  	[smem:$0x3FB3] =	sst s4  }
0xd: {  	[smem:$0x3FB4] =	sst s5  }
0xe: {  	[smem:$0x3FB5] =	sst s6  }
0xf: {  	[smem:$0x3FB6] =	sst s7  }
0x10: {  	[smem:$0x3FB7] =	sst s8  }
0x11: {  	[smem:$0x3FB8] =	sst s9;
	s0 =	simm.s32 @!p0 $0x0  }
0x12: {  	s1 =	sld [smem:$0x3F9E];
	s0 =	simm.s32 @p0 $0x1  }
0x13: {  	[smem:$0x3FB9] =	sst s0;
	s0 =	simm.s32 @!p1 $0x0  }
0x14: {  	s2 =	sld [smem:$0x3F9D];
	s0 =	simm.s32 @p1 $0x1  }
0x15: {  	[smem:$0x3FBA] =	sst s0;
	s0 =	simm.s32 @!p2 $0x0  }
0x16: {  	s3 =	sld [smem:$0x3FDB];
	s0 =	simm.s32 @p2 $0x1  }
0x17: {  	s4 =	simm.s32 $0x1BF5;
	[smem:$0x3FBC] =	sst s0  }
0x18: {  	s0 =	sld [smem:$0x3F9F];
	_ =	swait.ge [sflag:s4], $0x0  }
0x19: {  	s7 =	sld [smem:$0x3FA0]  }
0x1a: {  	s8 =	sadd.s32 $0xFFFFE003, lr  }
0x1b: {  	s9 =	sadd.s32 $0xFFFFFEF7, lr;
	s5 =	simm.s32 $0xFFFFFFFF;
	p2 =	slt.u32 s8, $0xFFFFF086  }
0x1c: {  	p1 =	slt.u32 s9, $0xF7A;
	s5 =	simm.s32 @!p2 $0x0  }
0x1d: {  	s5 =	simm.s32 @p1 $0x1;
	p0 =	seq.s32 s7, s2  }
0x1e: {  	s7 =	smul.u32 @!p0 $0xF7A, s2;
	p2 =	seq.s32 @!p0 s5, $0x0  }
0x1f: {  	s9 =	smul.u32 $0xF7A, s1;
	s8 =	simm.s32 @!p0 $0x1BF5;
	p2 =	por !p2, p0  }
0x20: {  	[sflag:s8] =	ssyncset.s32 @!p0 $0xFFFFF086;
	s6 =	sadd.s32 @!p0 s3, s7;
	s7 =	simm.s32 @!p0 $0x108  }
0x21: {  	s3 =	sadd.s32 s3, s9;
	s6 =	sadd.s32 @!p0 $0x88, s6;
	s7 =	simm.s32 @p2 $0x1082  }
0x22: {  	[simem:s7], [sflag:s8] =	dma.local @!p0 [hbm:s6], $0xF7A  }
0x23: {  	s9 =	sor.u32 $0xD0000000, s2;
	s6 =	simm.s32 $0x108;
	_ =	swait.ge @!p0 [sflag:s8], $0x0  }
0x24: {  	s3 =	sadd.s32 $0x88, s3;
	s6 =	simm.s32 @!p1 $0x1082;
	[sflag:s4] =	ssyncset.s32 $0xFFFFF086  }
0x25: {  	[simem:s6], [sflag:s4] =	dma.local [hbm:s3], $0xF7A  }
0x26: {  	[smem:$0x3FA0] =	sst s1;
	(tag) =	ssettag s2;
	_ =	strace s9  }
0x27: {  	s1 =	sld [smem:$0x3FB0]  }
0x28: {  	s2 =	sld [smem:$0x3FB1]  }
0x29: {  	s4 =	sld [smem:$0x3FB3]  }
0x2a: {  	p0 =	seq.s32 s5, $0x0;
	s5 =	sld [smem:$0x3FB4]  }
0x2b: {  	s6 =	sld [smem:$0x3FB5]  }
0x2c: {  	s7 =	sld [smem:$0x3FB6]  }
0x2d: {  	s3 =	simm.s32 $0x108;
	s8 =	sld [smem:$0x3FB7]  }
0x2e: {  	s3 =	simm.s32 @!p0 $0x1082;
	s9 =	sld [smem:$0x3FB8]  }
0x2f: {  	lr =	sadd.s32 s0, s3;
	s0 =	sld [smem:$0x3FAF]  }
0x30: {  	s3 =	sld [smem:$0x3FB2]  }
0x31: {  	[smem:$0x3FBB] =	sst s10  }
0x32: {  	s10 =	sld [smem:$0x3FB9];
	_ =	sdelay $0x3  }
0x33: {  	p0 =	seq.s32 s10, $0x1;
	s10 =	sld [smem:$0x3FBB];
	_ =	sdelay $0x3  }
0x34: {  	[smem:$0x3FBB] =	sst s10  }
0x35: {  	s10 =	sld [smem:$0x3FBA];
	_ =	sdelay $0x3  }
0x36: {  	p1 =	seq.s32 s10, $0x1;
	s10 =	sld [smem:$0x3FBB];
	_ =	sdelay $0x3  }
0x37: {  	[smem:$0x3FBB] =	sst s10  }
0x38: {  	s10 =	sld [smem:$0x3FBC]  }
0x39: {  	_ = 	snop;
	(pc) =	sbr.ind lr, $3  }
0x3a: {  	_ = 	snop  }
0x3b: {  	_ = 	snop  }
0x3c: {  	p2 =	seq.s32 s10, $0x1;
	s10 =	sld [smem:$0x3FBB]  }
0x3d: {  	_ =	shalt  }
0x3e: {  	_ =	shalt  }
0x3f: {  	_ =	shalt  }
0x40: {  	_ =	shalt  }
0x41: {  	_ =	shalt  }
0x42: {  	_ =	shalt  }
0x43: {  	_ =	shalt  }
0x44: {  	_ =	shalt  }
0x45: {  	_ =	shalt  }
0x46: {  	_ =	shalt  }
0x47: {  	_ =	shalt  }
0x48: {  	_ =	shalt  }
0x49: {  	_ =	shalt  }
0x4a: {  	_ =	shalt  }
0x4b: {  	_ =	shalt  }
0x4c: {  	_ =	shalt  }
0x4d: {  	_ =	shalt  }
0x4e: {  	_ =	shalt  }
0x4f: {  	_ =	shalt  }
0x50: {  	_ =	shalt  }
0x51: {  	_ =	shalt  }
0x52: {  	_ =	shalt  }
0x53: {  	_ =	shalt  }
0x54: {  	_ =	shalt  }
0x55: {  	_ =	shalt  }
0x56: {  	_ =	shalt  }
0x57: {  	_ =	shalt  }
0x58: {  	_ =	shalt  }
0x59: {  	_ =	shalt  }
0x5a: {  	_ =	shalt  }
0x5b: {  	_ =	shalt  }
0x5c: {  	_ =	shalt  }
0x5d: {  	_ =	shalt  }
0x5e: {  	_ =	shalt  }
0x5f: {  	_ =	shalt  }
0x60: {  	_ =	shalt  }
0x61: {  	_ =	shalt  }
0x62: {  	_ =	shalt  }
0x63: {  	_ =	shalt  }
0x64: {  	_ =	shalt  }
0x65: {  	_ =	shalt  }
0x66: {  	_ =	shalt  }
0x67: {  	_ =	shalt  }
0x68: {  	_ =	shalt  }
0x69: {  	_ =	shalt  }
0x6a: {  	_ =	shalt  }
0x6b: {  	_ =	shalt  }
0x6c: {  	_ =	shalt  }
0x6d: {  	_ =	shalt  }
0x6e: {  	_ =	shalt  }
0x6f: {  	_ =	shalt  }
0x70: {  	_ =	shalt  }
0x71: {  	_ =	shalt  }
0x72: {  	_ =	shalt  }
0x73: {  	_ =	shalt  }
0x74: {  	_ =	shalt  }
0x75: {  	_ =	shalt  }
0x76: {  	_ =	shalt  }
0x77: {  	_ =	shalt  }
0x78: {  	_ =	shalt  }
0x79: {  	_ =	shalt  }
0x7a: {  	_ =	shalt  }
0x7b: {  	_ =	shalt  }
0x7c: {  	_ =	shalt  }
0x7d: {  	_ =	shalt  }
0x7e: {  	_ =	shalt  }
0x7f: {  	_ =	shalt  }
0x80: {  	_ =	shalt  }
0x81: {  	_ =	shalt  }
0x82: {  	_ =	shalt  }
0x83: {  	_ =	shalt  }
0x84: {  	_ =	shalt  }
0x85: {  	_ =	shalt  }
0x86: {  	_ =	shalt  }
0x87: {  	_ =	shalt  }
.Lfunc_end0:
.L_simem_size_0:
called_computation_lowered:
.L_overlay_start_0:
0x88: {  	s2 =	sld [smem:$0x3FD9]  }
0x89: {  	s3 =	sld [smem:$0x3FFE];
	_ =	sdelay $0x1  }
0x8a: {  	s1 =	srdreg.scid  }
0x8b: {  	s0 =	sand.u32 $0x1, s1  }
0x8c: {  	s15 =	sshll.u32 s0, $0xA;
	s2 =	sadd.s32 s3, s2  }
0x8d: {  	s2 =	sadd.s32 s2, s15  }
0x8e: {  	[smem:$0x3FC7] =	sst s2  }
0x8f: {  	_ = 	snop  }
0x90: {  	s2 =	sld [smem:$0x3FD0];
	_ =	sdelay $0x2  }
0x91: {  	s4 =	simm.s32 $0xA;
	s5 =	simm.s32 $0x10;
	s16 =	sld [smem:$0x3FC9]  }
0x92: {  	[smem:s5], [sflag:s4] =	dma.local [hbm:s2], $0x1  }
0x93: {  	_ =	swait.eq [sflag:s4], $0x1  }
0x94: {  	[sflag:s4] =	ssyncset.done $0x0  }
0x95: {  	s17 =	sld [smem:$0x10];
	[sflag:s4] =	ssyncadd.s32 $0xFFFFFFFF  }
0x96: {  	s18 =	sld [smem:$0x11];
	(tm) =	ssettm $0x1  }
0x97: {  	s19 =	sld [smem:$0x3FFB];
	_ =	sdelay $0x3  }
0x98: {  	_ =	strace s19  }
0x99: {  	s5 =	sld [smem:$0x3FFC];
	_ =	sdelay $0x3  }
0x9a: {  	_ =	strace s5  }
0x9b: {  	s5 =	sld [smem:$0x3FFD];
	_ =	sdelay $0x3  }
0x9c: {  	_ =	strace s5  }
0x9d: {  	_ =	strace $0x8FFFFFFF  }
0x9e: {  	s20 =	sld [smem:$0x3FDB];
	_ =	sdelay $0x1  }
0x9f: {  	s6 =	simm.s32 $_scs_section_size  }
0xa0: {  	s7 =	simm.s32 $_size__tile_overlayer_lowered;
	s8 =	simm.s32 $_tile_overlayer_lowered  }
0xa1: {  	s23 =	simm.s32 $0x1BFF;
	s22 =	sshll.u32 s8, $0x1;
	s5 =	sadd.s32 s6, s20  }
0xa2: {  	s9 =	simm.s32 $0x0;
	s21 =	sshll.u32 s7, $0x1;
	s7 =	sadd.s32 s22, s5  }
0xa3: {  	[timem:s9], [sflag:s23] =	dma.local [hbm:s7], s21  }
0xa4: {  	_ =	swait.ge [sflag:s23], s21  }
0xa5: {  	s6 =	ssub.s32 $0x0, s21;
	[sflag:s23] =	ssyncset.done $0x0  }
0xa6: {  	[sflag:s23] =	ssyncadd.s32 s6;
	_ =	sdelay $0x1  }
0xa7: {  	s24 =	simm.s32 $0x1B8B  }
0xa8: {  	_ =	swait.ge [sflag:s24], $0x1  }
0xa9: {  	[sflag:s24] =	ssyncset.done $0x0  }
0xaa: {  	s25 =	simm.s32 $0x1B8E;
	[sflag:s24] =	ssyncadd.s32 $0xFFFFFFFF  }
0xab: {  	s26 =	simm.s32 $execute0_lowered;
	[smem:$0x3FD2] =	sst s25  }
0xac: {  	s6 =	sshll.u32 s26, $0x1;
	_ =	strace $0x80000046;
	[dreg:$0x1] =	wrdreg $0xFFFFFFFF  }
0xad: {  	s28 =	simm.s32 $_size_execute0_lowered;
	s5 =	sadd.s32 s5, s6;
	[dreg:$0x0] =	wrdreg $0x0  }
0xae: {  	s6 =	sshll.u32 s28, $0x1;
	[dreg:$0x2] =	wrdreg s5  }
0xaf: {  	[dreg:$0x3] =	wrdreg s6  }
0xb0: {  	[dreg:$0x4] =	wrdreg $0xC0  }
0xb1: {  	_ =	task [dreg:s9], $0x5FFFF  }
0xb2: {  	[dreg:$0x1] =	wrdreg $0xFFFFFFFF  }
0xb3: {  	[dreg:$0x0] =	wrdreg $0x60  }
0xb4: {  	[dreg:$0x2] =	wrdreg s16  }
0xb5: {  	[dreg:$0x3] =	wrdreg s17  }
0xb6: {  	[dreg:$0x4] =	wrdreg s18  }
0xb7: {  	[dreg:$0x5] =	wrdreg $0x9  }
0xb8: {  	_ =	task.clear_ibuf [dreg:s9], $0x6FFFF;
	_ =	strace $0x90000046  }
0xb9: {  	s29 =	simm.s32 $0x9;
	_ =	strace $0x80000048  }
0xba: {  	_ =	swait.ge [sflag:s29], $0x1  }
0xbb: {  	[sflag:s29] =	ssyncadd.s32 $0xFFFFFFFF  }
0xbc: {  	_ =	strace $0x90000048  }
0xbd: {  	_ =	sfence  }
0xbe: {  	s30 =	sld [smem:$0x0];
	_ =	sdelay $0x2  }
0xbf: {  	s31 =	sshll.u32 s1, $0xD;
	s1 =	sshrl.u32 s1, $0x2  }
0xc0: {  	s3 =	sand.u32 $0x4000, s31;
	s1 =	sadd.s32 s1, s30  }
0xc1: {  	s0 =	sor.u32 s3, s0;
	s1 =	sshll.u32 s1, $0x11  }
0xc2: {  	s0 =	sor.u32 s1, s0  }
0xc3: {  	s0 =	sadd.s32 $0x8F2B, s0  }
0xc4: {  	[sflag:s0] =	ssyncadd.remote.s32 $0x1  }
0xc5: {  	_ =	sfence.sel $0xFFFF  }
0xc6: {  	[dreg:$0x0] =	wrdreg $0xFFFFFFFF;
	(pc) =	sbr.abs _section_cstart, $3  }
0xc7: {  	[dreg:$0x1] =	wrdreg $0xFFFFFFFF  }
0xc8: {  	_ =	task.clear_ibuf [dreg:s9], $0x2FFFF;
	_ =	strace $0x9FFFFFFF  }
0xc9: {  	(tm) =	ssettm $0x7FFFFFFF  }
tec
execute0_lowered:
.L_overlay_start_1:
0x0: {  	(tag) =	ssettag $0x1  }
0x1: {  	s0 =	rddreg [dreg:$0x0]  }
0x2: {  	s1 =	rddreg [dreg:$0x1]  }
0x3: {  	s2 =	rddreg [dreg:$0x2];
	s3 =	simm.s32 $0x0;
	s23 =	srdreg.scid  }
0x4: {  	s6 =	stileid.u32;
	[smem:$0x7FF] =	sst s3  }
0x5: {  	s3 =	sand.u32 $0x1, s23;
	s4 =	sshll.u32 s6, $0x6;
	s6 =	sshll.u32 s6, $0xE  }
0x6: {  	v0 =	vimm.f32 $6.666666860e-01;
	_ =	strace $0x80000047;
	s5 =	sshll.u32 s3, $0x5;
	s4 =	sand.u32 $0x40, s4  }
0x7: {  	s6 =	sand.u32 $0x38000, s6;
	(erf) = vrcp.f32 v0;
	s4 =	sor.u32 s5, s4  }
0x8: {  	s3 =	ssub.s32 $0x2, s3;
	s4 =	sor.u32 s6, s4  }
0x9: {  	s24 =	sshrl.u32 s3, $0x1;
	s6 =	sadd.s32 s0, s4  }
0xa: {  	s3 =	ssub.s32 s3, s24;
	s26 =	sadd.s32 s2, s4;
	[dreg:$0x4] =	wrdreg s6  }
0xb: {  	s25 =	sor.u32 $0x10, s4;
	s28 =	sadd.s32 s1, s4;
	[dreg:$0x6] =	wrdreg s26  }
.Ltmp0:
0xc: {  	s31 =	smax.u32 s3, $0x1;
	[dreg:$0x7] =	wrdreg s28;
	(pc) =	sbr.rel .LBB2_1-.Ltmp0, $4  }
0xd: {  	s14 =	simm.s32 $0x18000;
	v0 =	vlaneseq.u32;
	s0 =	sadd.s32 s0, s25;
	[dreg:$0xa] =	wrdreg s31  }
0xe: {  	s20 =	simm.s32 $0x0;
	v4 =	vmul.u32 $0xFFFFFFFF, v0;
	s29 =	sadd.s32 s2, s25;
	[dreg:$0x5] =	wrdreg s0  }
0xf: {  	v1 =	vimm.s32 $0x0;
	s5 =	simm.s32 $0x400;
	s30 =	sadd.s32 s1, s25;
	[dreg:$0x8] =	wrdreg s29  }
0x10: {  	v3 =	vimm.s32 $0x1;
	v5 =	vimm.f32 $0.0e+00;
	s4 =	simm.s32 $0x80;
	s2 =	simm.s32 $0x8000;
	v4 =	vadd.s32 $0xF, v4;
	[dreg:$0x9] =	wrdreg s30;
	v2 =	vpop (erf)  }
.LBB2_60:
0x11: {  	vm9 =	veq.f32 v9, v6;
	v10, _, _ =	vpop (xrf0)  }
0x12: {  	v11 =	vsel vm9, $0x1, v1;
	(v2sf) =	vpush v10, $0xF  }
0x13: {  	(xrf0) =	vadd.scan.msk.s32 $0xffff, v11;
	_ =	sdelay $0x4  }
0x14: {  	s6 =	spop (v2sf)  }
0x15: {  	s7 =	smov.u32 s5;
	p0 =	slt.s32 s6, s5;
	v11, _, _ =	vpop (xrf0)  }
0x16: {  	vm2 =	vmand vm2, vm8;
	s7 =	smov.u32 @p0 s6;
	(v2sf) =	vpush v11, $0xF  }
0x17: {  	vm15 =	vgt.f32 v9, v6;
	vm0 =	vmmov vm0;
	vm11 =	vmmov vm7;
	s6 =	spop (v2sf);
	s30 =	ssub.s32 s5, s7  }
0x18: {  	vm13 =	vmmov vm3;
	vm1 =	vmmov vm1;
	vm14 =	vmmov vm4;
	p0 =	slt.s32 s6, s30;
	s7 =	smov.u32 s30  }
0x19: {  	vm6 =	vmmov vm6;
	vm2 =	vmor vm5, vm2;
	vm15 =	vmmov vm15;
	s7 =	smov.u32 @p0 s6  }
0x1a: {  	vm10 =	vmmov vm9;
	vm5 =	vmmov vm11;
	vm11 =	vmmov vm6;
	s5 =	ssub.s32 s30, s7;
	s6 =	spop (v2sf)  }
0x1b: {  	vm14 =	vmmov vm14;
	v6 =	vsel vm2, $0x3F800000, v5;
	vm15 =	vmmov vm15;
	s7 =	smov.u32 s5;
	p0 =	slt.s32 s6, s5  }
0x1c: {  	vm8 =	vmmov vm10;
	vm2 =	vmmov vm11;
	vm12 =	vle.s32 v7, s30;
	s7 =	smov.u32 @p0 s6  }
0x1d: {  	vm10 =	vmmov vm14;
	vm0 =	vmand vm0, vm12;
	vm12 =	vle.s32 v8, s5;
	s5 =	ssub.s32 s5, s7;
	s6 =	spop (v2sf)  }
0x1e: {  	vm4 =	vmmov vm8;
	vm11 =	vmmov vm15;
	vm0 =	vmor vm13, vm0;
	s7 =	smov.u32 s5;
	p0 =	slt.s32 s6, s5  }
0x1f: {  	vm13 =	vmmov vm1;
	vm1 =	vmmov vm11;
	v7 =	vsel vm0, $0x3F800000, v5;
	s7 =	smov.u32 @p0 s6  }
0x20: {  	vm5 =	vmand vm5, vm12;
	vm12 =	vmmov vm4;
	vm9 =	vle.s32 v10, s5;
	s5 =	ssub.s32 s5, s7  }
0x21: {  	[tilespmem:s0+$0x8000] =	vst v6;
	vm0 =	vmor vm13, vm5;
	vm2 =	vmand vm2, vm9;
	vm13 =	vle.s32 v11, s5  }
0x22: {  	[tilespmem:s1+$0x8000] =	vst v7;
	v63 =	vsel vm0, $0x3F800000, v5;
	vm0 =	vmor vm10, vm2;
	vm14 =	vmand vm12, vm13  }
0x23: {  	[tilespmem:s2+$0x8000] =	vst v63;
	v6 =	vsel vm0, $0x3F800000, v5;
	vm15 =	vmor vm1, vm14  }
0x24: {  	[tilespmem:s3+$0x8000] =	vst v6;
	v6 =	vsel vm15, $0x3F800000, v5  }
0x25: {  	s31 =	spop (v2sf);
	[tilespmem:s4+$0x8000] =	vst v6  }
.LBB2_61:
0x26: {  	s0 =	rddreg [dreg:$0x9];
	s4 =	simm.s32 $0x80  }
0x27: {  	s5 =	simm.s32 $0x400;
	s2 =	simm.s32 $0x8000;
	s29 =	simm.s32 $0x2  }
0x28: {  	[hbm4b:s0+s4] =	stream.strided.scatter [tilespmem:s2], [sflag:$0x4], $0x8000, s5, s4, $0x38;
	[tilespmem:$0x19180] =	vst v63  }
0x29: {  	_ =	swait.ge [sflag:s29], $0x8000  }
0x2a: {  	[sflag:s29] =	ssyncset.done $0x0  }
0x2b: {  	s30 =	simm.s32 $0x3;
	[sflag:s29] =	ssyncadd.s32 $0xFFFF8000  }
0x2c: {  	_ =	swait.ge [sflag:s30], $0x8000  }
0x2d: {  	[sflag:s30] =	ssyncset.done $0x0  }
0x2e: {  	s1 =	simm.s32 $0x4;
	[sflag:s30] =	ssyncadd.s32 $0xFFFF8000  }
0x2f: {  	_ =	swait.ge [sflag:s1], $0x8000  }
0x30: {  	s20 =	sadd.s32 $0x1, s20;
	s31 =	rddreg [dreg:$0xa]  }
0x31: {  	p0 =	sne.s32 s20, s31  }
.Ltmp1:
0x32: {  	_ = 	snop;
	(pc) =	sbr.rel @!p0 .LBB2_62-.Ltmp1, $3  }
0x33: {  	_ =	sdelay $0x1  }
0x34: {  	[sflag:s1] =	ssyncset.done $0x0  }
0x35: {  	[sflag:s1] =	ssyncadd.s32 $0xFFFF8000  }
.LBB2_1:
0x36: {  	s0 =	simm.s32 $0x0;
	s1 =	rddreg [dreg:$0x4];
	s30 =	simm.s32 $0x5  }
0x37: {  	[tilespmem:s0], [sflag:$0x5] =	stream.strided.gather [hbm4b:s1+s4], $0x8000, s5, s4, $0x38;
	[tilespmem:$0x19180] =	vst v63  }
0x38: {  	_ =	swait.ge [sflag:s30], $0x8000  }
0x39: {  	[sflag:s30] =	ssyncset.done $0x0  }
0x3a: {  	s1 =	simm.s32 $0x18040;
	s31 =	rddreg [dreg:$0x5];
	[sflag:s30] =	ssyncadd.s32 $0xFFFF8000  }
0x3b: {  	[tilespmem:s2], [sflag:$0x1] =	stream.strided.gather [hbm4b:s31+s4], $0x8000, s5, s4, $0x38;
	[tilespmem:$0x19180] =	vst v63  }
0x3c: {  	[tilespmem:s1+$0xFFFFFFC0] =	vst v1  }
0x3d: {  	[tilespmem:s1+$0x30] =	vst v1  }
0x3e: {  	[tilespmem:s1+$0x20] =	vst v1  }
0x3f: {  	[tilespmem:s1+$0x10] =	vst v1  }
0x40: {  	[tilespmem:s1+$0x0] =	vst v1  }
0x41: {  	[tilespmem:s1+$0xFFFFFFF0] =	vst v1  }
0x42: {  	s3 =	simm.s32 $0x0;
	s0 =	simm.s32 $0x10040;
	[tilespmem:s1+$0xFFFFFFE0] =	vst v1  }
.LBB2_2:
0x43: {  	s3 =	sadd.s32 $0x80, s3;
	[tilespmem:s1+$0xFFFFFFD0] =	vst v1;
	s1 =	sadd.s32 $0x80, s1;
	s2 =	simm.s32 $0x40  }
0x44: {  	[tilespmem:s1+$0xFFFFFFC0] =	vst v1;
	p0 =	slt.u32 s3, $0xF80  }
0x45: {  	[tilespmem:s1+$0x30] =	vst v1  }
.Ltmp2:
0x46: {  	[tilespmem:s1+$0x20] =	vst v1;
	(pc) =	sbr.rel @p0 .LBB2_2-.Ltmp2, $4  }
0x47: {  	[tilespmem:s1+$0x10] =	vst v1  }
0x48: {  	[tilespmem:s1+$0x0] =	vst v1  }
0x49: {  	[tilespmem:s1+$0xFFFFFFF0] =	vst v1  }
0x4a: {  	[tilespmem:s1+$0xFFFFFFE0] =	vst v1  }
0x4b: {  	[tilespmem:s1+$0xFFFFFFD0] =	vst v1  }
0x4c: {  	v7 =	vld [tilespmem:s2+$0x30]  }
0x4d: {  	v6 =	vld [tilespmem:s2+$0xFFFFFFD0]  }
0x4e: {  	v8 =	vld [tilespmem:s2+$0xFFFFFFE0]  }
0x4f: {  	v9 =	vld [tilespmem:s2+$0xFFFFFFF0]  }
0x50: {  	v10 =	vld [tilespmem:s2+$0x0]  }
0x51: {  	v11 =	vld [tilespmem:s2+$0x10]  }
0x52: {  	v16 =	vld [tilespmem:s2+$0x20];
	v12 =	vadd.f32 $1.000000000e+00, v7  }
0x53: {  	v17 =	vld [tilespmem:s2+$0xFFFFFFC0]  }
0x54: {  	v13 =	vadd.f32 $1.000000000e+00, v6;
	v14 =	vshra.s32 v6, $0x1F;
	v12 =	vmul.f32 v12, v2  }
0x55: {  	v15 =	vadd.f32 $1.000000000e+00, v8;
	v18 =	vadd.f32 $1.000000000e+00, v9;
	v19 =	vshra.s32 v8, $0x1F  }
0x56: {  	v20 =	vadd.f32 $1.000000000e+00, v10;
	v21 =	vshra.s32 v9, $0x1F;
	v12 =	vsub.f32 $0.0e+00, v12  }
0x57: {  	v22 =	vadd.f32 $1.000000000e+00, v11;
	v23 =	vadd.f32 $1.000000000e+00, v16;
	v13 =	vmul.f32 v13, v2  }
0x58: {  	v24 =	vadd.f32 $1.000000000e+00, v17;
	v15 =	vmul.f32 v15, v2;
	v12 =	vmul.f32 $1.442695020e+00, v12  }
0x59: {  	v49 =	vshra.s32 v17, $0x1F;
	v18 =	vmul.f32 v18, v2;
	v20 =	vmul.f32 v20, v2  }
0x5a: {  	s31 =	simm.s32 $0xC0;
	v22 =	vmul.f32 v22, v2;
	v13 =	vsub.f32 $0.0e+00, v13;
	(erf) = vpow2.f32 v12  }
0x5b: {  	v53 =	vld [tilespmem:s31+$0xFFFFFFF0];
	v47 =	vmul.f32 v23, v2;
	v15 =	vsub.f32 $0.0e+00, v15;
	v18 =	vsub.f32 $0.0e+00, v18  }
0x5c: {  	v25 =	vld [tilespmem:s31+$0x20];
	v48 =	vmul.f32 v24, v2;
	v20 =	vsub.f32 $0.0e+00, v20;
	v12 =	vmul.f32 $1.442695020e+00, v13  }
0x5d: {  	v26 =	vld [tilespmem:s31+$0xFFFFFFC0];
	v15 =	vmul.f32 $1.442695020e+00, v15;
	v18 =	vmul.f32 $1.442695020e+00, v18;
	v13 =	vsub.f32 $0.0e+00, v22  }
0x5e: {  	v23 =	vsub.f32 $0.0e+00, v48;
	v20 =	vmul.f32 $1.442695020e+00, v20;
	(erf) = vpow2.f32 v12  }
0x5f: {  	v52 =	vshra.s32 v16, $0x1F;
	v13 =	vmul.f32 $1.442695020e+00, v13;
	(erf) = vpow2.f32 v15  }
0x60: {  	v27 =	vshra.s32 v53, $0x1F;
	v50 =	vmul.f32 $1.442695020e+00, v23;
	(erf) = vpow2.f32 v18  }
0x61: {  	v28 =	vadd.f32 $1.000000000e+00, v53;
	v31 =	vadd.f32 $1.000000000e+00, v25;
	(erf) = vpow2.f32 v20  }
0x62: {  	v58 =	vshra.s32 v26, $0x1F;
	v61 =	vshra.s32 v25, $0x1F;
	(erf) = vpow2.f32 v50  }
0x63: {  	v51 =	vor.u32 $0x80000000, v49;
	v12 =	vsub.f32 $0.0e+00, v47;
	(erf) = vpow2.f32 v13;
	v13 =	vpop (erf)  }
0x64: {  	v14 =	vor.u32 $0x80000000, v14;
	v19 =	vor.u32 $0x80000000, v19;
	v13 =	vadd.f32 $1.000000000e+00, v13  }
0x65: {  	v21 =	vor.u32 $0x80000000, v21;
	v15 =	vshra.s32 v10, $0x1F;
	v12 =	vmul.f32 $1.442695020e+00, v12  }
0x66: {  	v60 =	vor.u32 $0x80000000, v58;
	v63 =	vor.u32 $0x80000000, v61;
	v15 =	vor.u32 $0x80000000, v15  }
0x67: {  	v6 =	vxor.u32 v6, v14;
	v14 =	vor.u32 $0x80000000, v52;
	(erf) = vpow2.f32 v12  }
0x68: {  	v8 =	vxor.u32 v8, v19;
	v28 =	vmul.f32 v28, v2;
	(erf) = vrcp.f32 v13;
	v13 =	vpop (erf)  }
0x69: {  	v14 =	vxor.u32 v16, v14;
	v18 =	vshra.s32 v11, $0x1F;
	v10 =	vxor.u32 v10, v15;
	v15 =	vpop (erf)  }
0x6a: {  	v16 =	vshrl.u32 v6, $0x14;
	v18 =	vor.u32 $0x80000000, v18;
	v13 =	vadd.f32 $1.000000000e+00, v13;
	v6 =	vpop (erf)  }
0x6b: {  	v11 =	vxor.u32 v11, v18;
	v15 =	vadd.f32 $1.000000000e+00, v15;
	v18 =	vadd.f32 $1.000000000e+00, v6;
	v6 =	vld [tilespmem:s31+$0x30]  }
0x6c: {  	v9 =	vxor.u32 v9, v21;
	v31 =	vmul.f32 v31, v2;
	(erf) = vrcp.f32 v13  }
0x6d: {  	v12 =	vxor.u32 v17, v51;
	v17 =	vshra.s32 v7, $0x1F;
	v19 =	vpop (erf);
	(erf) = vrcp.f32 v15;
	v15 =	vld [tilespmem:s31+$0xFFFFFFD0]  }
0x6e: {  	v55 =	vshrl.u32 v14, $0x14;
	v17 =	vor.u32 $0x80000000, v17;
	v13 =	vadd.f32 $1.000000000e+00, v19;
	v19 =	vpop (erf)  }
0x6f: {  	v7 =	vxor.u32 v7, v17;
	v17 =	vadd.f32 $1.000000000e+00, v19;
	(erf) = vrcp.f32 v18;
	v18 =	vpop (erf)  }
0x70: {  	v19 =	vld [tilespmem:s31+$0xFFFFFFE0];
	(erf) = vrcp.f32 v13;
	v18 =	vadd.f32 $1.000000000e+00, v18;
	v14 =	vadd.f32 $1.000000000e+00, v6  }
0x71: {  	v8 =	vshrl.u32 v8, $0x14;
	v9 =	vshrl.u32 v9, $0x14;
	(erf) = vrcp.f32 v17  }
0x72: {  	v17 =	vld [tilespmem:s31+$0x0];
	(erf) = vrcp.f32 v18;
	v18 =	vadd.f32 $1.000000000e+00, v15;
	v14 =	vmul.f32 v14, v2  }
0x73: {  	v28 =	vsub.f32 $0.0e+00, v28;
	v31 =	vsub.f32 $0.0e+00, v31;
	v54 =	vshrl.u32 v11, $0x14  }
0x74: {  	v11 =	vld [tilespmem:s31+$0x10];
	v7 =	vshrl.u32 v7, $0x14;
	v13 =	vpop (erf);
	v18 =	vmul.f32 v18, v2;
	v14 =	vsub.f32 $0.0e+00, v14  }
0x75: {  	v28 =	vmul.f32 $1.442695020e+00, v28;
	v13 =	vadd.f32 $1.000000000e+00, v13;
	v57 =	vadd.f32 $1.000000000e+00, v19  }
0x76: {  	v31 =	vmul.f32 $1.442695020e+00, v31;
	v18 =	vsub.f32 $0.0e+00, v18;
	v14 =	vmul.f32 $1.442695020e+00, v14  }
0x77: {  	v32 =	vpop (erf);
	(erf) = vrcp.f32 v13;
	v24 =	vmul.f32 v57, v2;
	v29 =	vadd.f32 $1.000000000e+00, v17  }
0x78: {  	[tilespmem:s0+$0x30] =	vst v32;
	(erf) = vpow2.f32 v14;
	v14 =	vadd.f32 $1.000000000e+00, v26;
	v18 =	vmul.f32 $1.442695020e+00, v18  }
0x79: {  	v30 =	vadd.f32 $1.000000000e+00, v11;
	[tilespmem:v7+s14+$0x0] =	vst.idx.add.s32.msk $0xffff, v3;
	v7 =	vpop (erf);
	v24 =	vsub.f32 $0.0e+00, v24;
	v29 =	vmul.f32 v29, v2  }
0x7a: {  	v10 =	vshrl.u32 v10, $0x14;
	[tilespmem:s0+$0xFFFFFFD0] =	vst v7;
	v14 =	vmul.f32 v14, v2;
	(erf) = vpow2.f32 v18  }
0x7b: {  	v30 =	vmul.f32 v30, v2;
	v7 =	vpop (erf);
	[tilespmem:v16+s14+$0x0] =	vst.idx.add.s32.msk $0xffff, v3;
	v29 =	vsub.f32 $0.0e+00, v29;
	v24 =	vmul.f32 $1.442695020e+00, v24  }
0x7c: {  	v12 =	vshrl.u32 v12, $0x14;
	v59 =	vshra.s32 v11, $0x1F;
	v16 =	vpop (erf);
	[tilespmem:s0+$0xFFFFFFE0] =	vst v7;
	v14 =	vsub.f32 $0.0e+00, v14  }
0x7d: {  	v30 =	vsub.f32 $0.0e+00, v30;
	v7 =	vpop (erf);
	[tilespmem:v8+s14+$0x0] =	vst.idx.add.s32.msk $0xffff, v3;
	v29 =	vmul.f32 $1.442695020e+00, v29;
	(erf) = vpow2.f32 v24  }
0x7e: {  	[tilespmem:s0+$0xFFFFFFF0] =	vst v16;
	v8 =	vpop (erf);
	v18 =	vshra.s32 v17, $0x1F;
	(erf) = vpow2.f32 v28;
	v14 =	vmul.f32 $1.442695020e+00, v14  }
0x7f: {  	v30 =	vmul.f32 $1.442695020e+00, v30;
	v56 =	vshra.s32 v19, $0x1F;
	[tilespmem:s0+$0xFFFFFFC0] =	vst v8;
	v8 =	vpop (erf);
	(erf) = vpow2.f32 v29  }
0x80: {  	v13 =	vshra.s32 v15, $0x1F;
	[tilespmem:v9+s14+$0x0] =	vst.idx.add.s32.msk $0xffff, v3;
	v9 =	vor.u32 $0x80000000, v59;
	v62 =	vpop (erf);
	(erf) = vpow2.f32 v14  }
0x81: {  	[tilespmem:s0+$0x0] =	vst v7;
	v7 =	vxor.u32 v26, v60;
	v16 =	vor.u32 $0x80000000, v18;
	(erf) = vpow2.f32 v30;
	v18 =	vpop (erf)  }
0x82: {  	[tilespmem:v12+s14+$0x0] =	vst.idx.add.s32.msk $0xffff, v3;
	v12 =	vor.u32 $0x80000000, v13;
	v18 =	vadd.f32 $1.000000000e+00, v18;
	(erf) = vpow2.f32 v31  }
0x83: {  	v11 =	vxor.u32 v11, v9;
	v13 =	vor.u32 $0x80000000, v56;
	v15 =	vxor.u32 v15, v12;
	[tilespmem:s0+$0x10] =	vst v8;
	v8 =	vpop (erf)  }
0x84: {  	v12 =	vxor.u32 v17, v16;
	(erf) = vrcp.f32 v18;
	v17 =	vadd.f32 $1.000000000e+00, v8  }
0x85: {  	[tilespmem:v10+s14+$0x0] =	vst.idx.add.s32.msk $0xffff, v3;
	v10 =	vxor.u32 v25, v63;
	v7 =	vshrl.u32 v7, $0x14;
	v19 =	vxor.u32 v19, v13  }
0x86: {  	v9 =	vshrl.u32 v15, $0x14;
	v16 =	vshra.s32 v6, $0x1F;
	[tilespmem:v54+s14+$0x0] =	vst.idx.add.s32.msk $0xffff, v3;
	v14 =	vor.u32 $0x80000000, v27;
	v8 =	vpop (erf)  }
0x87: {  	[tilespmem:s0+$0x20] =	vst v62;
	v16 =	vor.u32 $0x80000000, v16;
	v13 =	vxor.u32 v53, v14;
	v14 =	vadd.f32 $1.000000000e+00, v8;
	v15 =	vpop (erf)  }
0x88: {  	s1 =	simm.s32 $0x80;
	s2 =	simm.s32 $0x140;
	[tilespmem:v55+s14+$0x0] =	vst.idx.add.s32.msk $0xffff, v3;
	v8 =	vshrl.u32 v19, $0x14;
	v15 =	vadd.f32 $1.000000000e+00, v15;
	(erf) = vrcp.f32 v17;
	v17 =	vpop (erf)  }
.LBB2_4:
0x89: {  	v20 =	vadd.f32 $1.000000000e+00, v17;
	v16 =	vxor.u32 v6, v16;
	v6 =	vld [tilespmem:s2+$0x30];
	v18 =	vpop (erf);
	(erf) = vrcp.f32 v14  }
0x8a: {  	s1 =	sadd.s32 $0x80, s1;
	v14 =	vld [tilespmem:s2+$0xFFFFFFD0];
	v18 =	vadd.f32 $1.000000000e+00, v18;
	v16 =	vshrl.u32 v16, $0x14;
	(erf) = vrcp.f32 v15;
	v15 =	vpop (erf)  }
0x8b: {  	v13 =	vshrl.u32 v13, $0x14;
	p0 =	slt.u32 s1, $0x7F80;
	v19 =	vld [tilespmem:s2+$0xFFFFFFE0];
	v21 =	vadd.f32 $1.000000000e+00, v15;
	(erf) = vrcp.f32 v20;
	v17 =	vpop (erf)  }
0x8c: {  	v12 =	vshrl.u32 v12, $0x14;
	v20 =	vld [tilespmem:s2+$0xFFFFFFF0];
	v17 =	vadd.f32 $1.000000000e+00, v17;
	(erf) = vrcp.f32 v18  }
0x8d: {  	v11 =	vshrl.u32 v11, $0x14;
	v10 =	vshrl.u32 v10, $0x14;
	s0 =	sadd.s32 $0x80, s0;
	v18 =	vld [tilespmem:s2+$0x0];
	(erf) = vrcp.f32 v21;
	v15 =	vpop (erf)  }
0x8e: {  	v21 =	vld [tilespmem:s2+$0x10];
	v22 =	vadd.f32 $1.000000000e+00, v6;
	[tilespmem:s0+$0x30] =	vst v15;
	(erf) = vrcp.f32 v17  }
0x8f: {  	v15 =	vshra.s32 v14, $0x1F;
	v17 =	vadd.f32 $1.000000000e+00, v14;
	[tilespmem:v16+s14+$0x0] =	vst.idx.add.s32.msk $0xffff, v3  }
0x90: {  	v16 =	vshra.s32 v19, $0x1F;
	v23 =	vadd.f32 $1.000000000e+00, v19;
	v24 =	vld [tilespmem:s2+$0x20];
	v22 =	vmul.f32 v22, v2  }
0x91: {  	v25 =	vld [tilespmem:s2+$0xFFFFFFC0];
	v17 =	vmul.f32 v17, v2;
	v26 =	vshra.s32 v20, $0x1F;
	v27 =	vadd.f32 $1.000000000e+00, v20;
	v28 =	vpop (erf)  }
0x92: {  	v23 =	vmul.f32 v23, v2;
	v29 =	vadd.f32 $1.000000000e+00, v18;
	v22 =	vsub.f32 $0.0e+00, v22;
	[tilespmem:s0+$0xFFFFFFD0] =	vst v28;
	v28 =	vpop (erf)  }
0x93: {  	v17 =	vsub.f32 $0.0e+00, v17;
	v27 =	vmul.f32 v27, v2;
	v30 =	vadd.f32 $1.000000000e+00, v21;
	[tilespmem:v9+s14+$0x0] =	vst.idx.add.s32.msk $0xffff, v3;
	v9 =	vpop (erf)  }
0x94: {  	v23 =	vsub.f32 $0.0e+00, v23;
	v29 =	vmul.f32 v29, v2;
	v22 =	vmul.f32 $1.442695020e+00, v22;
	[tilespmem:s0+$0xFFFFFFE0] =	vst v28;
	v28 =	vpop (erf)  }
0x95: {  	v27 =	vsub.f32 $0.0e+00, v27;
	v30 =	vmul.f32 v30, v2;
	v31 =	vadd.f32 $1.000000000e+00, v24;
	[tilespmem:v8+s14+$0x0] =	vst.idx.add.s32.msk $0xffff, v3;
	v8 =	vpop (erf)  }
0x96: {  	v32 =	vadd.f32 $1.000000000e+00, v25;
	v29 =	vsub.f32 $0.0e+00, v29;
	(erf) = vpow2.f32 v22;
	[tilespmem:s0+$0xFFFFFFC0] =	vst v8;
	v8 =	vpop (erf)  }
0x97: {  	v17 =	vmul.f32 $1.442695020e+00, v17;
	v22 =	vsub.f32 $0.0e+00, v30;
	v30 =	vmul.f32 v31, v2;
	[tilespmem:v7+s14+$0x0] =	vst.idx.add.s32.msk $0xffff, v3;
	v7 =	vpop (erf)  }
0x98: {  	v23 =	vmul.f32 $1.442695020e+00, v23;
	v31 =	vshra.s32 v25, $0x1F;
	v32 =	vmul.f32 v32, v2;
	[tilespmem:s0+$0xFFFFFFF0] =	vst v9  }
0x99: {  	v9 =	vmul.f32 $1.442695020e+00, v27;
	v27 =	vmul.f32 $1.442695020e+00, v29;
	v29 =	vsub.f32 $0.0e+00, v30;
	[tilespmem:v13+s14+$0x0] =	vst.idx.add.s32.msk $0xffff, v3  }
0x9a: {  	v22 =	vmul.f32 $1.442695020e+00, v22;
	v13 =	vsub.f32 $0.0e+00, v32;
	(erf) = vpow2.f32 v17;
	[tilespmem:s0+$0x0] =	vst v28  }
0x9b: {  	v17 =	vshra.s32 v18, $0x1F;
	v28 =	vmul.f32 $1.442695020e+00, v29;
	(erf) = vpow2.f32 v23;
	[tilespmem:v12+s14+$0x0] =	vst.idx.add.s32.msk $0xffff, v3  }
0x9c: {  	v12 =	vmul.f32 $1.442695020e+00, v13;
	v13 =	vshra.s32 v21, $0x1F;
	(erf) = vpow2.f32 v9;
	[tilespmem:s0+$0x10] =	vst v8  }
0x9d: {  	v8 =	vor.u32 $0x80000000, v31;
	v9 =	vshra.s32 v24, $0x1F;
	(erf) = vpow2.f32 v27;
	[tilespmem:v11+s14+$0x0] =	vst.idx.add.s32.msk $0xffff, v3  }
0x9e: {  	v11 =	vor.u32 $0x80000000, v15;
	v15 =	vor.u32 $0x80000000, v16;
	(erf) = vpow2.f32 v12;
	[tilespmem:s0+$0x20] =	vst v7  }
0x9f: {  	v7 =	vor.u32 $0x80000000, v26;
	v12 =	vor.u32 $0x80000000, v17;
	(erf) = vpow2.f32 v22;
	v16 =	vpop (erf);
	[tilespmem:v10+s14+$0x0] =	vst.idx.add.s32.msk $0xffff, v3  }
0xa0: {  	v10 =	vor.u32 $0x80000000, v13;
	v16 =	vadd.f32 $1.000000000e+00, v16;
	(erf) = vpow2.f32 v28  }
0xa1: {  	v8 =	vxor.u32 v25, v8;
	v14 =	vxor.u32 v14, v11;
	v17 =	vor.u32 $0x80000000, v9  }
.Ltmp3:
0xa2: {  	v15 =	vxor.u32 v19, v15;
	v13 =	vxor.u32 v20, v7;
	(erf) = vrcp.f32 v16;
	(pc) =	sbr.rel @p0 .LBB2_4-.Ltmp3, $4  }
0xa3: {  	v12 =	vxor.u32 v18, v12;
	v11 =	vxor.u32 v21, v10;
	v10 =	vxor.u32 v24, v17;
	v9 =	vpop (erf)  }
0xa4: {  	v7 =	vshrl.u32 v8, $0x14;
	v18 =	vadd.f32 $1.000000000e+00, v9;
	v9 =	vshrl.u32 v14, $0x14;
	v8 =	vpop (erf)  }
0xa5: {  	v16 =	vshra.s32 v6, $0x1F;
	v14 =	vadd.f32 $1.000000000e+00, v8;
	v8 =	vshrl.u32 v15, $0x14;
	v15 =	vpop (erf)  }
0xa6: {  	s2 =	sadd.s32 $0x80, s2;
	v16 =	vor.u32 $0x80000000, v16;
	v15 =	vadd.f32 $1.000000000e+00, v15;
	(erf) = vrcp.f32 v18;
	v17 =	vpop (erf)  }
0xa7: {  	(erf) = vrcp.f32 v14;
	v14 =	vpop (erf)  }
0xa8: {  	v14 =	vadd.f32 $1.000000000e+00, v14  }
0xa9: {  	v17 =	vadd.f32 $1.000000000e+00, v17  }
0xaa: {  	v6 =	vxor.u32 v6, v16;
	(erf) = vrcp.f32 v15  }
0xab: {  	v6 =	vshrl.u32 v6, $0x14;
	(erf) = vrcp.f32 v17  }
0xac: {  	(erf) = vrcp.f32 v14;
	v14 =	vpop (erf)  }
0xad: {  	v15 =	vpop (erf)  }
0xae: {  	s0 =	sadd.s32 $0x80, s0;
	v63 =	vpop (erf)  }
0xaf: {  	v14 =	vadd.f32 $1.000000000e+00, v14;
	[tilespmem:s0+$0x30] =	vst v63  }
0xb0: {  	v15 =	vadd.f32 $1.000000000e+00, v15;
	[tilespmem:v6+s14+$0x0] =	vst.idx.add.s32.msk $0xffff, v3;
	v6 =	vpop (erf)  }
0xb1: {  	v13 =	vshrl.u32 v13, $0x14;
	(erf) = vrcp.f32 v14;
	[tilespmem:s0+$0xFFFFFFD0] =	vst v6  }
0xb2: {  	(erf) = vrcp.f32 v15;
	v6 =	vpop (erf);
	[tilespmem:v9+s14+$0x0] =	vst.idx.add.s32.msk $0xffff, v3  }
0xb3: {  	[tilespmem:s0+$0xFFFFFFE0] =	vst v6  }
0xb4: {  	v9 =	vpop (erf);
	[tilespmem:v8+s14+$0x0] =	vst.idx.add.s32.msk $0xffff, v3  }
0xb5: {  	v12 =	vshrl.u32 v12, $0x14;
	v6 =	vpop (erf);
	[tilespmem:s0+$0xFFFFFFF0] =	vst v9  }
0xb6: {  	v8 =	vpop (erf);
	[tilespmem:v13+s14+$0x0] =	vst.idx.add.s32.msk $0xffff, v3  }
0xb7: {  	[tilespmem:s0+$0xFFFFFFC0] =	vst v8  }
0xb8: {  	[tilespmem:v7+s14+$0x0] =	vst.idx.add.s32.msk $0xffff, v3;
	v7 =	vshrl.u32 v11, $0x14  }
0xb9: {  	[tilespmem:s0+$0x0] =	vst v6;
	v8 =	vshrl.u32 v10, $0x14  }
0xba: {  	[tilespmem:v12+s14+$0x0] =	vst.idx.add.s32.msk $0xffff, v3;
	v6 =	vpop (erf)  }
0xbb: {  	[tilespmem:s0+$0x10] =	vst v6;
	v6 =	vpop (erf)  }
0xbc: {  	[tilespmem:s0+$0x20] =	vst v6  }
0xbd: {  	[tilespmem:v7+s14+$0x0] =	vst.idx.add.s32.msk $0xffff, v3  }
0xbe: {  	[tilespmem:v8+s14+$0x0] =	vst.idx.add.s32.msk $0xffff, v3  }
0xbf: {  	s1 =	simm.s32 $0x10000;
	s15 =	simm.s32 $0x18040;
	s0 =	rddreg [dreg:$0x6]  }
0xc0: {  	[hbm4b:s0+s4] =	stream.strided.scatter [tilespmem:s1], [sflag:$0x2], $0x8000, s5, s4, $0x38;
	[tilespmem:$0x19180] =	vst v63  }
0xc1: {  	v6 =	vld [tilespmem:s15+$0xFFFFFFC0];
	_ =	sdelay $0x4  }
0xc2: {  	(xrf0) =	vadd.scan.msk.s32 $0xffff, v6;
	_ =	sdelay $0x3  }
0xc3: {  	s17 =	simm.s32 $0x180C0  }
0xc4: {  	v6 =	vld [tilespmem:s17+$0xFFFFFFC0]  }
0xc5: {  	v7, _, _ =	vpop (xrf0)  }
0xc6: {  	v7 =	vbroadcast v7, $0xF  }
0xc7: {  	s21 =	simm.s32 $0x19004  }
0xc8: {  	[tilespmem:s21+$0xFFFFFFFC] =	vst.msk $0x1, v7  }
0xc9: {  	(xrf0) =	vadd.scan.msk.s32 $0xffff, v6;
	v7 =	vld [tilespmem:s15+$0xFFFFFFD0];
	_ =	sdelay $0x3  }
0xca: {  	s12 =	simm.s32 $0x18140  }
0xcb: {  	v6 =	vld [tilespmem:s12+$0xFFFFFFC0];
	(xrf0) =	vadd.scan.msk.s32 $0xffff, v7  }
0xcc: {  	v7, _, _ =	vpop (xrf0)  }
0xcd: {  	v7 =	vbroadcast v7, $0xF  }
0xce: {  	s22 =	simm.s32 $0x1900C  }
0xcf: {  	[tilespmem:s22+$0xFFFFFFFC] =	vst.msk $0x1, v7  }
0xd0: {  	(xrf0) =	vadd.scan.msk.s32 $0xffff, v6;
	v6 =	vld [tilespmem:s17+$0xFFFFFFD0]  }
0xd1: {  	v7, _, _ =	vpop (xrf0)  }
0xd2: {  	v7 =	vbroadcast v7, $0xF  }
0xd3: {  	s7 =	simm.s32 $0x181C0  }
0xd4: {  	[tilespmem:s21+$0xFFFFFFFD] =	vst.msk $0x1, v7;
	v7 =	vld [tilespmem:s7+$0xFFFFFFC0]  }
0xd5: {  	(xrf0) =	vadd.scan.msk.s32 $0xffff, v6;
	v8 =	vld [tilespmem:s15+$0xFFFFFFE0]  }
0xd6: {  	v6, _, _ =	vpop (xrf0)  }
0xd7: {  	v6 =	vbroadcast v6, $0xF  }
0xd8: {  	s23 =	simm.s32 $0x19014  }
0xd9: {  	[tilespmem:s23+$0xFFFFFFFC] =	vst.msk $0x1, v6;
	(xrf0) =	vadd.scan.msk.s32 $0xffff, v7  }
0xda: {  	v6 =	vld [tilespmem:s12+$0xFFFFFFD0];
	(xrf0) =	vadd.scan.msk.s32 $0xffff, v8  }
0xdb: {  	v7, _, _ =	vpop (xrf0)  }
0xdc: {  	v7 =	vbroadcast v7, $0xF  }
0xdd: {  	s4 =	simm.s32 $0x18240  }
0xde: {  	[tilespmem:s22+$0xFFFFFFFD] =	vst.msk $0x1, v7;
	v7 =	vld [tilespmem:s4+$0xFFFFFFC0]  }
0xdf: {  	(xrf0) =	vadd.scan.msk.s32 $0xffff, v6;
	v6 =	vld [tilespmem:s17+$0xFFFFFFE0];
	v8, _, _ =	vpop (xrf0)  }
0xe0: {  	v8 =	vbroadcast v8, $0xF;
	v9, _, _ =	vpop (xrf0)  }
0xe1: {  	s24 =	simm.s32 $0x1901C;
	v9 =	vbroadcast v9, $0xF  }
0xe2: {  	[tilespmem:s24+$0xFFFFFFFC] =	vst.msk $0x1, v8  }
0xe3: {  	(xrf0) =	vadd.scan.msk.s32 $0xffff, v7;
	v8 =	vld [tilespmem:s7+$0xFFFFFFD0];
	[tilespmem:s21+$0xFFFFFFFE] =	vst.msk $0x1, v9  }
0xe4: {  	(xrf0) =	vadd.scan.msk.s32 $0xffff, v6;
	v7 =	vld [tilespmem:s15+$0xFFFFFFF0]  }
0xe5: {  	v6, _, _ =	vpop (xrf0)  }
0xe6: {  	v6 =	vbroadcast v6, $0xF  }
0xe7: {  	s2 =	simm.s32 $0x182C0  }
0xe8: {  	[tilespmem:s23+$0xFFFFFFFD] =	vst.msk $0x1, v6;
	v6 =	vld [tilespmem:s2+$0xFFFFFFC0];
	(xrf0) =	vadd.scan.msk.s32 $0xffff, v8  }
0xe9: {  	(xrf0) =	vadd.scan.msk.s32 $0xffff, v7;
	v7, _, _ =	vpop (xrf0)  }
0xea: {  	v8 =	vld [tilespmem:s12+$0xFFFFFFE0];
	v7 =	vbroadcast v7, $0xF;
	v9, _, _ =	vpop (xrf0)  }
0xeb: {  	s25 =	simm.s32 $0x19024;
	v9 =	vbroadcast v9, $0xF  }
0xec: {  	[tilespmem:s25+$0xFFFFFFFC] =	vst.msk $0x1, v7  }
0xed: {  	(xrf0) =	vadd.scan.msk.s32 $0xffff, v6;
	v6 =	vld [tilespmem:s4+$0xFFFFFFD0]  }
0xee: {  	[tilespmem:s22+$0xFFFFFFFE] =	vst.msk $0x1, v9;
	v7, _, _ =	vpop (xrf0)  }
0xef: {  	(xrf0) =	vadd.scan.msk.s32 $0xffff, v8;
	v8 =	vld [tilespmem:s17+$0xFFFFFFF0];
	v7 =	vbroadcast v7, $0xF;
	v9, _, _ =	vpop (xrf0)  }
0xf0: {  	s3 =	simm.s32 $0x18340;
	v9 =	vbroadcast v9, $0xF  }
0xf1: {  	[tilespmem:s24+$0xFFFFFFFD] =	vst.msk $0x1, v7;
	v7 =	vld [tilespmem:s3+$0xFFFFFFC0]  }
0xf2: {  	[tilespmem:s21+$0xFFFFFFFF] =	vst.msk $0x1, v9;
	v9 =	vld [tilespmem:s7+$0xFFFFFFE0];
	(xrf0) =	vadd.scan.msk.s32 $0xffff, v6  }
0xf3: {  	v10, _, _ =	vpop (xrf0);
	v6 =	vld [tilespmem:s15+$0x0]  }
0xf4: {  	(xrf0) =	vadd.scan.msk.s32 $0xffff, v8;
	v8 =	vbroadcast v10, $0xF  }
0xf5: {  	s26 =	simm.s32 $0x1902C;
	v10, _, _ =	vpop (xrf0)  }
0xf6: {  	v10 =	vbroadcast v10, $0xF;
	[tilespmem:s26+$0xFFFFFFFC] =	vst.msk $0x1, v8;
	(xrf0) =	vadd.scan.msk.s32 $0xffff, v7  }
0xf7: {  	v7 =	vld [tilespmem:s2+$0xFFFFFFD0];
	(xrf0) =	vadd.scan.msk.s32 $0xffff, v9  }
0xf8: {  	[tilespmem:s23+$0xFFFFFFFE] =	vst.msk $0x1, v10;
	(xrf0) =	vadd.scan.msk.s32 $0xffff, v6;
	v6, _, _ =	vpop (xrf0)  }
0xf9: {  	v8 =	vld [tilespmem:s12+$0xFFFFFFF0];
	v6 =	vbroadcast v6, $0xF  }
0xfa: {  	s1 =	simm.s32 $0x183C0;
	v9, _, _ =	vpop (xrf0)  }
0xfb: {  	v9 =	vbroadcast v9, $0xF;
	[tilespmem:s25+$0xFFFFFFFD] =	vst.msk $0x1, v6;
	v6 =	vld [tilespmem:s1+$0xFFFFFFC0]  }
0xfc: {  	(xrf0) =	vadd.scan.msk.s32 $0xffff, v7;
	v10, _, _ =	vpop (xrf0);
	v7 =	vld [tilespmem:s4+$0xFFFFFFE0]  }
0xfd: {  	[tilespmem:s22+$0xFFFFFFFF] =	vst.msk $0x1, v9;
	v9 =	vbroadcast v10, $0xF;
	v10, _, _ =	vpop (xrf0)  }
0xfe: {  	s28 =	simm.s32 $0x19034;
	(xrf0) =	vadd.scan.msk.s32 $0xffff, v8;
	v10 =	vbroadcast v10, $0xF;
	v11, _, _ =	vpop (xrf0)  }
0xff: {  	v8 =	vld [tilespmem:s17+$0x0];
	[tilespmem:s28+$0xFFFFFFFC] =	vst.msk $0x1, v9;
	v9 =	vbroadcast v11, $0xF  }
0x100: {  	v11 =	vld [tilespmem:s3+$0xFFFFFFD0];
	[tilespmem:s24+$0xFFFFFFFE] =	vst.msk $0x1, v10;
	(xrf0) =	vadd.scan.msk.s32 $0xffff, v6  }
0x101: {  	v6 =	vld [tilespmem:s7+$0xFFFFFFF0];
	[tilespmem:s21+$0x0] =	vst.msk $0x1, v9;
	(xrf0) =	vadd.scan.msk.s32 $0xffff, v7  }
0x102: {  	v7 =	vld [tilespmem:s15+$0x10]  }
0x103: {  	v9, _, _ =	vpop (xrf0)  }
0x104: {  	(xrf0) =	vadd.scan.msk.s32 $0xffff, v8;
	v8 =	vbroadcast v9, $0xF;
	v9, _, _ =	vpop (xrf0)  }
0x105: {  	s5 =	simm.s32 $0x18440;
	v9 =	vbroadcast v9, $0xF;
	(xrf0) =	vadd.scan.msk.s32 $0xffff, v11  }
0x106: {  	[tilespmem:s26+$0xFFFFFFFD] =	vst.msk $0x1, v8;
	v8 =	vld [tilespmem:s5+$0xFFFFFFC0];
	(xrf0) =	vadd.scan.msk.s32 $0xffff, v6;
	v6, _, _ =	vpop (xrf0)  }
0x107: {  	[tilespmem:s23+$0xFFFFFFFF] =	vst.msk $0x1, v9;
	v9 =	vld [tilespmem:s2+$0xFFFFFFE0];
	(xrf0) =	vadd.scan.msk.s32 $0xffff, v7;
	v7, _, _ =	vpop (xrf0)  }
0x108: {  	v10 =	vld [tilespmem:s12+$0x0];
	v7 =	vbroadcast v7, $0xF  }
0x109: {  	v6 =	vbroadcast v6, $0xF  }
0x10a: {  	s0 =	simm.s32 $0x1903C;
	v11, _, _ =	vpop (xrf0)  }
0x10b: {  	[tilespmem:s0+$0xFFFFFFFC] =	vst.msk $0x1, v6;
	v6 =	vbroadcast v11, $0xF;
	(xrf0) =	vadd.scan.msk.s32 $0xffff, v8  }
0x10c: {  	[tilespmem:s25+$0xFFFFFFFE] =	vst.msk $0x1, v7;
	v8 =	vld [tilespmem:s1+$0xFFFFFFD0];
	v7, _, _ =	vpop (xrf0);
	(xrf0) =	vadd.scan.msk.s32 $0xffff, v9  }
0x10d: {  	[tilespmem:s22+$0x0] =	vst.msk $0x1, v6;
	v9 =	vld [tilespmem:s4+$0xFFFFFFF0];
	v6 =	vbroadcast v7, $0xF;
	v7, _, _ =	vpop (xrf0);
	(xrf0) =	vadd.scan.msk.s32 $0xffff, v10  }
0x10e: {  	s8 =	simm.s32 $0x184C0;
	v10 =	vld [tilespmem:s17+$0x10];
	v7 =	vbroadcast v7, $0xF;
	v11, _, _ =	vpop (xrf0)  }
0x10f: {  	[tilespmem:s28+$0xFFFFFFFD] =	vst.msk $0x1, v6;
	v6 =	vbroadcast v11, $0xF;
	v11 =	vld [tilespmem:s8+$0xFFFFFFC0]  }
0x110: {  	[tilespmem:s24+$0xFFFFFFFF] =	vst.msk $0x1, v7;
	v7 =	vld [tilespmem:s3+$0xFFFFFFE0]  }
0x111: {  	(xrf0) =	vadd.scan.msk.s32 $0xffff, v8;
	[tilespmem:s21+$0x1] =	vst.msk $0x1, v6;
	v6 =	vld [tilespmem:s7+$0x0];
	v8, _, _ =	vpop (xrf0)  }
0x112: {  	(xrf0) =	vadd.scan.msk.s32 $0xffff, v9;
	v9 =	vld [tilespmem:s15+$0x20];
	v8 =	vbroadcast v8, $0xF;
	v12, _, _ =	vpop (xrf0)  }
0x113: {  	s6 =	simm.s32 $0x19044;
	(xrf0) =	vadd.scan.msk.s32 $0xffff, v10;
	v10 =	vbroadcast v12, $0xF;
	v12, _, _ =	vpop (xrf0)  }
0x114: {  	(xrf0) =	vadd.scan.msk.s32 $0xffff, v11;
	[tilespmem:s6+$0xFFFFFFFC] =	vst.msk $0x1, v8;
	v8 =	vbroadcast v12, $0xF  }
0x115: {  	(xrf0) =	vadd.scan.msk.s32 $0xffff, v7  }
0x116: {  	v7 =	vld [tilespmem:s5+$0xFFFFFFD0];
	[tilespmem:s26+$0xFFFFFFFE] =	vst.msk $0x1, v10;
	(xrf0) =	vadd.scan.msk.s32 $0xffff, v6  }
0x117: {  	v6, _, _ =	vpop (xrf0);
	v10 =	vld [tilespmem:s2+$0xFFFFFFF0];
	[tilespmem:s23+$0x0] =	vst.msk $0x1, v8;
	(xrf0) =	vadd.scan.msk.s32 $0xffff, v9  }
0x118: {  	v6 =	vbroadcast v6, $0xF;
	v9 =	vld [tilespmem:s12+$0x10];
	v8, _, _ =	vpop (xrf0)  }
0x119: {  	v8 =	vbroadcast v8, $0xF;
	v11, _, _ =	vpop (xrf0)  }
0x11a: {  	s13 =	simm.s32 $0x18540;
	[tilespmem:s0+$0xFFFFFFFD] =	vst.msk $0x1, v6;
	v6 =	vbroadcast v11, $0xF;
	v12, _, _ =	vpop (xrf0)  }
0x11b: {  	v11 =	vld [tilespmem:s13+$0xFFFFFFC0];
	(xrf0) =	vadd.scan.msk.s32 $0xffff, v7;
	[tilespmem:s25+$0xFFFFFFFF] =	vst.msk $0x1, v8;
	v8 =	vbroadcast v12, $0xF;
	v12, _, _ =	vpop (xrf0)  }
0x11c: {  	s9 =	simm.s32 $0x1904C;
	v7 =	vld [tilespmem:s1+$0xFFFFFFE0];
	(xrf0) =	vadd.scan.msk.s32 $0xffff, v10;
	[tilespmem:s22+$0x1] =	vst.msk $0x1, v6;
	v10 =	vbroadcast v12, $0xF;
	v12, _, _ =	vpop (xrf0)  }
0x11d: {  	v6 =	vld [tilespmem:s4+$0x0];
	(xrf0) =	vadd.scan.msk.s32 $0xffff, v9;
	[tilespmem:s9+$0xFFFFFFFC] =	vst.msk $0x1, v8;
	v8 =	vbroadcast v12, $0xF;
	v12, _, _ =	vpop (xrf0)  }
0x11e: {  	v9 =	vld [tilespmem:s17+$0x20];
	[tilespmem:s28+$0xFFFFFFFE] =	vst.msk $0x1, v10;
	v10 =	vbroadcast v12, $0xF;
	_ =	sdelay $0x1  }
0x11f: {  	(xrf0) =	vadd.scan.msk.s32 $0xffff, v11  }
0x120: {  	v13 =	vld [tilespmem:s8+$0xFFFFFFD0];
	[tilespmem:s24+$0x0] =	vst.msk $0x1, v8;
	(xrf0) =	vadd.scan.msk.s32 $0xffff, v7;
	v8, _, _ =	vpop (xrf0)  }
0x121: {  	v11 =	vld [tilespmem:s3+$0xFFFFFFF0];
	[tilespmem:s21+$0x2] =	vst.msk $0x1, v10;
	(xrf0) =	vadd.scan.msk.s32 $0xffff, v6;
	v8 =	vbroadcast v8, $0xF;
	v10, _, _ =	vpop (xrf0)  }
0x122: {  	v7 =	vld [tilespmem:s7+$0x10];
	(xrf0) =	vadd.scan.msk.s32 $0xffff, v9;
	v9 =	vbroadcast v10, $0xF;
	v10, _, _ =	vpop (xrf0)  }
0x123: {  	[tilespmem:s6+$0xFFFFFFFD] =	vst.msk $0x1, v8;
	v8 =	vbroadcast v10, $0xF;
	_ =	sdelay $0x1  }
0x124: {  	v6 =	vld [tilespmem:s15+$0x30];
	(xrf0) =	vadd.scan.msk.s32 $0xffff, v13  }
0x125: {  	(xrf0) =	vadd.scan.msk.s32 $0xffff, v11;
	[tilespmem:s26+$0xFFFFFFFF] =	vst.msk $0x1, v9;
	v9, _, _ =	vpop (xrf0)  }
0x126: {  	[tilespmem:s23+$0x1] =	vst.msk $0x1, v8;
	(xrf0) =	vadd.scan.msk.s32 $0xffff, v7;
	v7 =	vbroadcast v9, $0xF;
	v8, _, _ =	vpop (xrf0)  }
0x127: {  	s15 =	simm.s32 $0x185C0;
	v12 =	vbroadcast v8, $0xF  }
0x128: {  	v10 =	vld [tilespmem:s15+$0xFFFFFFC0]  }
0x129: {  	s10 =	simm.s32 $0x19054;
	v11 =	vld [tilespmem:s5+$0xFFFFFFE0];
	(xrf0) =	vadd.scan.msk.s32 $0xffff, v6;
	v6, _, _ =	vpop (xrf0)  }
0x12a: {  	v9 =	vld [tilespmem:s2+$0x0];
	[tilespmem:s10+$0xFFFFFFFC] =	vst.msk $0x1, v7;
	v6 =	vbroadcast v6, $0xF;
	v7, _, _ =	vpop (xrf0)  }
0x12b: {  	v13 =	vld [tilespmem:s12+$0x20];
	[tilespmem:s0+$0xFFFFFFFE] =	vst.msk $0x1, v12;
	v12, _, _ =	vpop (xrf0)  }
0x12c: {  	[tilespmem:s25+$0x0] =	vst.msk $0x1, v6;
	v6 =	vbroadcast v12, $0xF  }
0x12d: {  	(xrf0) =	vadd.scan.msk.s32 $0xffff, v10;
	v8 =	vld [tilespmem:s13+$0xFFFFFFD0];
	v10 =	vbroadcast v7, $0xF  }
0x12e: {  	(xrf0) =	vadd.scan.msk.s32 $0xffff, v11;
	v7 =	vld [tilespmem:s1+$0xFFFFFFF0];
	v11, _, _ =	vpop (xrf0)  }
0x12f: {  	(xrf0) =	vadd.scan.msk.s32 $0xffff, v9;
	v9 =	vld [tilespmem:s4+$0x10];
	[tilespmem:s22+$0x2] =	vst.msk $0x1, v10;
	v14, _, _ =	vpop (xrf0)  }
0x130: {  	s19 =	simm.s32 $0x58;
	s11 =	simm.s32 $0x18640;
	(xrf0) =	vadd.scan.msk.s32 $0xffff, v13;
	v12 =	vbroadcast v11, $0xF;
	v10 =	vld [tilespmem:s17+$0x30];
	[tilespmem:s9+$0xFFFFFFFD] =	vst.msk $0x1, v6;
	v11 =	vbroadcast v14, $0xF;
	s17 =	simm.s32 $0x19054;
	v6, _, _ =	vpop (xrf0)  }
.LBB2_6:
0x131: {  	s16 =	smov.u32 s1;
	s1 =	smov.u32 s5;
	s5 =	smov.u32 s8  }
0x132: {  	v13 =	vld [tilespmem:s11+$0xFFFFFFC0];
	(xrf0) =	vadd.scan.msk.s32 $0xffff, v8;
	[tilespmem:s28+$0xFFFFFFFF] =	vst.msk $0x1, v12;
	v6 =	vbroadcast v6, $0xF;
	s8 =	smov.u32 s13;
	s13 =	smov.u32 s15;
	s15 =	smov.u32 s11  }
0x133: {  	s18 =	simm.s32 $0x190F0;
	v8, _, _ =	vpop (xrf0);
	v12 =	vld [tilespmem:s5+$0xFFFFFFE0];
	(xrf0) =	vadd.scan.msk.s32 $0xffff, v7;
	[tilespmem:s24+$0x1] =	vst.msk $0x1, v11  }
0x134: {  	p0 =	por $0x0, $0x0;
	v15 =	vbroadcast v8, $0xF;
	v8, _, _ =	vpop (xrf0);
	v11 =	vld [tilespmem:s3+$0x0];
	(xrf0) =	vadd.scan.msk.s32 $0xffff, v9;
	[tilespmem:s21+$0x3] =	vst.msk $0x1, v6  }
0x135: {  	s19 =	sadd.s32 $0x8, s19;
	s10 =	sadd.s32 $0x8, s10;
	s21 =	smov.u32 s22;
	v6 =	vbroadcast v8, $0xF;
	v8, _, _ =	vpop (xrf0);
	v14 =	vld [tilespmem:s7+$0x20];
	(xrf0) =	vadd.scan.msk.s32 $0xffff, v10  }
0x136: {  	p1 =	slt.u32 s19, $0xF8;
	s22 =	smov.u32 s23;
	s23 =	smov.u32 s24;
	[tilespmem:s10+$0xFFFFFFFC] =	vst.msk $0x1, v15;
	v9 =	vbroadcast v8, $0xF;
	v7, _, _ =	vpop (xrf0)  }
.Ltmp4:
0x137: {  	s24 =	smov.u32 s25;
	s25 =	smov.u32 s26;
	(xrf0) =	vadd.scan.msk.s32 $0xffff, v13;
	v8 =	vld [tilespmem:s13+$0xFFFFFFD0];
	[tilespmem:s6+$0xFFFFFFFE] =	vst.msk $0x1, v6;
	v15 =	vbroadcast v7, $0xF;
	(pc) =	sbr.rel @p1 .LBB2_6-.Ltmp4, $4  }
0x138: {  	s26 =	smov.u32 s28;
	s28 =	smov.u32 s0;
	s0 =	smov.u32 s6;
	v10, _, _ =	vpop (xrf0);
	(xrf0) =	vadd.scan.msk.s32 $0xffff, v12;
	v7 =	vld [tilespmem:s1+$0xFFFFFFF0];
	[tilespmem:s25+$0x0] =	vst.msk $0x1, v9  }
0x139: {  	s6 =	smov.u32 s9;
	s9 =	smov.u32 s17;
	s17 =	smov.u32 s10;
	v13 =	vbroadcast v10, $0xF;
	v10, _, _ =	vpop (xrf0);
	(xrf0) =	vadd.scan.msk.s32 $0xffff, v11;
	v9 =	vld [tilespmem:s2+$0x10];
	[tilespmem:s22+$0x2] =	vst.msk $0x1, v15  }
0x13a: {  	v12 =	vbroadcast v10, $0xF;
	v6, _, _ =	vpop (xrf0);
	(xrf0) =	vadd.scan.msk.s32 $0xffff, v14;
	v10 =	vld [tilespmem:s12+$0x30];
	s12 =	smov.u32 s7;
	s7 =	smov.u32 s4;
	s4 =	smov.u32 s2  }
0x13b: {  	s11 =	sadd.s32 $0x80, s11;
	s2 =	smov.u32 s3;
	s3 =	smov.u32 s16;
	[tilespmem:s9+$0xFFFFFFFD] =	vst.msk $0x1, v13;
	v11 =	vbroadcast v6, $0xF;
	v6, _, _ =	vpop (xrf0)  }
0x13c: {  	_ = 	snop  }
0x13d: {  	[tilespmem:s28+$0xFFFFFFFF] =	vst.msk $0x1, v12;
	v12 =	vld [tilespmem:s8+$0xFFFFFFE0];
	v13, _, _ =	vpop (xrf0)  }
0x13e: {  	(xrf0) =	vadd.scan.msk.s32 $0xffff, v8;
	[tilespmem:s24+$0x1] =	vst.msk $0x1, v11;
	v8 =	vld [tilespmem:s3+$0x0];
	v13 =	vbroadcast v13, $0xF  }
0x13f: {  	s19 =	sadd.s32 $0x8, s10;
	(xrf0) =	vadd.scan.msk.s32 $0xffff, v7;
	v7 =	vld [tilespmem:s7+$0x20]  }
0x140: {  	(xrf0) =	vadd.scan.msk.s32 $0xffff, v9;
	[tilespmem:s19+$0xFFFFFFFC] =	vst.msk $0x1, v13  }
0x141: {  	v11, _, _ =	vpop (xrf0);
	(xrf0) =	vadd.scan.msk.s32 $0xffff, v10;
	v9 =	vld [tilespmem:s15+$0xFFFFFFD0]  }
0x142: {  	v11 =	vbroadcast v11, $0xF;
	v10, _, _ =	vpop (xrf0);
	(xrf0) =	vadd.scan.msk.s32 $0xffff, v12  }
0x143: {  	v12, _, _ =	vpop (xrf0);
	(xrf0) =	vadd.scan.msk.s32 $0xffff, v8  }
0x144: {  	v8 =	vbroadcast v10, $0xF;
	v10, _, _ =	vpop (xrf0);
	(xrf0) =	vadd.scan.msk.s32 $0xffff, v7;
	v7 =	vbroadcast v12, $0xF;
	_ =	sdelay $0x1  }
0x145: {  	[tilespmem:s6+$0xFFFFFFFE] =	vst.msk $0x1, v11;
	v11, _, _ =	vpop (xrf0);
	(xrf0) =	vadd.scan.msk.s32 $0xffff, v9  }
0x146: {  	[tilespmem:s26+$0x0] =	vst.msk $0x1, v8;
	v8 =	vbroadcast v10, $0xF;
	v10, _, _ =	vpop (xrf0);
	v9 =	vld [tilespmem:s5+$0xFFFFFFF0]  }
0x147: {  	v12 =	vld [tilespmem:s2+$0x10];
	[tilespmem:s23+$0x2] =	vst.msk $0x1, v7;
	v11 =	vbroadcast v11, $0xF;
	v7, _, _ =	vpop (xrf0)  }
0x148: {  	v13 =	vld [tilespmem:s12+$0x30];
	[tilespmem:s17+$0xFFFFFFFD] =	vst.msk $0x1, v8;
	v8 =	vbroadcast v10, $0xF;
	v10, _, _ =	vpop (xrf0)  }
0x149: {  	[tilespmem:s0+$0xFFFFFFFF] =	vst.msk $0x1, v11;
	v11 =	vld [tilespmem:s13+$0xFFFFFFE0];
	v10 =	vbroadcast v10, $0xF;
	v14, _, _ =	vpop (xrf0)  }
0x14a: {  	[tilespmem:s25+$0x1] =	vst.msk $0x1, v8;
	v8 =	vld [tilespmem:s1+$0x0];
	v14 =	vbroadcast v14, $0xF;
	v15, _, _ =	vpop (xrf0)  }
0x14b: {  	(xrf0) =	vadd.scan.msk.s32 $0xffff, v9;
	v9 =	vld [tilespmem:s4+$0x20];
	[tilespmem:s9+$0xFFFFFFFE] =	vst.msk $0x1, v10;
	v10 =	vbroadcast v15, $0xF;
	v15, _, _ =	vpop (xrf0)  }
0x14c: {  	(xrf0) =	vadd.scan.msk.s32 $0xffff, v12;
	v12 =	vld [tilespmem:s8+$0xFFFFFFF0];
	[tilespmem:s28+$0x0] =	vst.msk $0x1, v14;
	v14 =	vbroadcast v15, $0xF  }
0x14d: {  	(xrf0) =	vadd.scan.msk.s32 $0xffff, v13;
	v13 =	vld [tilespmem:s3+$0x10];
	[tilespmem:s24+$0x2] =	vst.msk $0x1, v10  }
0x14e: {  	(xrf0) =	vadd.scan.msk.s32 $0xffff, v11;
	v10 =	vld [tilespmem:s7+$0x30];
	[tilespmem:s19+$0xFFFFFFFD] =	vst.msk $0x1, v14  }
0x14f: {  	(xrf0) =	vadd.scan.msk.s32 $0xffff, v8;
	v11 =	vld [tilespmem:s15+$0xFFFFFFE0]  }
0x150: {  	(xrf0) =	vadd.scan.msk.s32 $0xffff, v9  }
0x151: {  	v9, _, _ =	vpop (xrf0);
	(xrf0) =	vadd.scan.msk.s32 $0xffff, v12  }
0x152: {  	v12, _, _ =	vpop (xrf0);
	(xrf0) =	vadd.scan.msk.s32 $0xffff, v13  }
0x153: {  	v8, _, _ =	vpop (xrf0);
	(xrf0) =	vadd.scan.msk.s32 $0xffff, v10  }
0x154: {  	v9 =	vbroadcast v9, $0xF;
	v10, _, _ =	vpop (xrf0);
	(xrf0) =	vadd.scan.msk.s32 $0xffff, v11  }
0x155: {  	v11 =	vbroadcast v12, $0xF;
	v12, _, _ =	vpop (xrf0)  }
0x156: {  	[tilespmem:s6+$0xFFFFFFFF] =	vst.msk $0x1, v9;
	v9 =	vbroadcast v10, $0xF;
	v10, _, _ =	vpop (xrf0)  }
0x157: {  	v12 =	vbroadcast v12, $0xF;
	[tilespmem:s26+$0x1] =	vst.msk $0x1, v11;
	v11 =	vld [tilespmem:s5+$0x0];
	v13, _, _ =	vpop (xrf0)  }
0x158: {  	[tilespmem:s17+$0xFFFFFFFE] =	vst.msk $0x1, v9;
	v9 =	vbroadcast v10, $0xF;
	v14 =	vld [tilespmem:s2+$0x20];
	v10, _, _ =	vpop (xrf0)  }
0x159: {  	v15 =	vld [tilespmem:s13+$0xFFFFFFF0];
	[tilespmem:s0+$0x0] =	vst.msk $0x1, v12;
	v12 =	vbroadcast v13, $0xF;
	v13, _, _ =	vpop (xrf0)  }
0x15a: {  	v16 =	vld [tilespmem:s1+$0x10];
	[tilespmem:s25+$0x2] =	vst.msk $0x1, v9;
	v9 =	vbroadcast v10, $0xF;
	v10, _, _ =	vpop (xrf0)  }
0x15b: {  	v17 =	vld [tilespmem:s4+$0x30];
	[tilespmem:s9+$0xFFFFFFFF] =	vst.msk $0x1, v12;
	v10 =	vbroadcast v10, $0xF  }
0x15c: {  	[tilespmem:s28+$0x1] =	vst.msk $0x1, v9;
	v9 =	vld [tilespmem:s8+$0x0];
	(xrf0) =	vadd.scan.msk.s32 $0xffff, v11  }
0x15d: {  	v11 =	vld [tilespmem:s3+$0x20];
	(xrf0) =	vadd.scan.msk.s32 $0xffff, v14;
	[tilespmem:s19+$0xFFFFFFFE] =	vst.msk $0x1, v10  }
0x15e: {  	(xrf0) =	vadd.scan.msk.s32 $0xffff, v15;
	v10 =	vld [tilespmem:s15+$0xFFFFFFF0]  }
0x15f: {  	(xrf0) =	vadd.scan.msk.s32 $0xffff, v16  }
0x160: {  	(xrf0) =	vadd.scan.msk.s32 $0xffff, v17  }
0x161: {  	(xrf0) =	vadd.scan.msk.s32 $0xffff, v9  }
0x162: {  	v9, _, _ =	vpop (xrf0);
	(xrf0) =	vadd.scan.msk.s32 $0xffff, v11  }
0x163: {  	v11, _, _ =	vpop (xrf0);
	(xrf0) =	vadd.scan.msk.s32 $0xffff, v10  }
0x164: {  	v9 =	vbroadcast v9, $0xF;
	v10, _, _ =	vpop (xrf0)  }
0x165: {  	v11 =	vbroadcast v11, $0xF;
	v12, _, _ =	vpop (xrf0)  }
0x166: {  	[tilespmem:s6+$0x0] =	vst.msk $0x1, v9;
	v9 =	vbroadcast v10, $0xF;
	v10, _, _ =	vpop (xrf0)  }
0x167: {  	v14 =	vld [tilespmem:s5+$0x10];
	[tilespmem:s26+$0x2] =	vst.msk $0x1, v11;
	v11 =	vbroadcast v12, $0xF;
	v12, _, _ =	vpop (xrf0)  }
0x168: {  	v15 =	vld [tilespmem:s2+$0x30];
	[tilespmem:s17+$0xFFFFFFFF] =	vst.msk $0x1, v9;
	v9 =	vbroadcast v12, $0xF;
	v12, _, _ =	vpop (xrf0)  }
0x169: {  	[tilespmem:s0+$0x1] =	vst.msk $0x1, v11;
	v11 =	vld [tilespmem:s13+$0x0];
	v12 =	vbroadcast v12, $0xF;
	v16, _, _ =	vpop (xrf0)  }
0x16a: {  	v17 =	vld [tilespmem:s1+$0x20];
	[tilespmem:s9+$0x0] =	vst.msk $0x1, v9;
	v9 =	vbroadcast v16, $0xF  }
0x16b: {  	v16 =	vld [tilespmem:s8+$0x10];
	[tilespmem:s28+$0x2] =	vst.msk $0x1, v12  }
0x16c: {  	(xrf0) =	vadd.scan.msk.s32 $0xffff, v14;
	v12 =	vld [tilespmem:s3+$0x30];
	[tilespmem:s19+$0xFFFFFFFF] =	vst.msk $0x1, v9  }
0x16d: {  	(xrf0) =	vadd.scan.msk.s32 $0xffff, v15;
	v9 =	vld [tilespmem:s15+$0x0]  }
0x16e: {  	(xrf0) =	vadd.scan.msk.s32 $0xffff, v11  }
0x16f: {  	(xrf0) =	vadd.scan.msk.s32 $0xffff, v17  }
0x170: {  	(xrf0) =	vadd.scan.msk.s32 $0xffff, v16  }
0x171: {  	(xrf0) =	vadd.scan.msk.s32 $0xffff, v12  }
0x172: {  	v11, _, _ =	vpop (xrf0);
	(xrf0) =	vadd.scan.msk.s32 $0xffff, v9  }
0x173: {  	v9, _, _ =	vpop (xrf0)  }
0x174: {  	v12, _, _ =	vpop (xrf0)  }
0x175: {  	v11 =	vbroadcast v11, $0xF;
	v14, _, _ =	vpop (xrf0)  }
0x176: {  	v12 =	vbroadcast v12, $0xF;
	v15, _, _ =	vpop (xrf0)  }
0x177: {  	[tilespmem:s6+$0x1] =	vst.msk $0x1, v11;
	v11 =	vbroadcast v14, $0xF;
	v14, _, _ =	vpop (xrf0)  }
0x178: {  	v16 =	vld [tilespmem:s5+$0x20];
	[tilespmem:s17+$0x0] =	vst.msk $0x1, v12;
	v12 =	vbroadcast v15, $0xF;
	v15, _, _ =	vpop (xrf0)  }
0x179: {  	v17 =	vld [tilespmem:s13+$0x10];
	[tilespmem:s0+$0x2] =	vst.msk $0x1, v11;
	v11 =	vbroadcast v15, $0xF  }
0x17a: {  	[tilespmem:s9+$0x1] =	vst.msk $0x1, v12;
	v15 =	vld [tilespmem:s1+$0x30]  }
0x17b: {  	v12 =	vld [tilespmem:s8+$0x20];
	[tilespmem:s19+$0x0] =	vst.msk $0x1, v11  }
0x17c: {  	v11 =	vld [tilespmem:s15+$0x10]  }
0x17d: {  	(xrf0) =	vadd.scan.msk.s32 $0xffff, v16  }
0x17e: {  	(xrf0) =	vadd.scan.msk.s32 $0xffff, v17  }
0x17f: {  	(xrf0) =	vadd.scan.msk.s32 $0xffff, v15  }
0x180: {  	(xrf0) =	vadd.scan.msk.s32 $0xffff, v12  }
0x181: {  	(xrf0) =	vadd.scan.msk.s32 $0xffff, v11;
	_ =	sdelay $0x1  }
0x182: {  	v11, _, _ =	vpop (xrf0)  }
0x183: {  	v12, _, _ =	vpop (xrf0)  }
0x184: {  	v11 =	vbroadcast v11, $0xF;
	v15, _, _ =	vpop (xrf0)  }
0x185: {  	v12 =	vbroadcast v12, $0xF;
	v16, _, _ =	vpop (xrf0)  }
0x186: {  	[tilespmem:s6+$0x2] =	vst.msk $0x1, v11;
	v11 =	vbroadcast v16, $0xF;
	v16, _, _ =	vpop (xrf0)  }
0x187: {  	v17 =	vld [tilespmem:s5+$0x30];
	[tilespmem:s17+$0x1] =	vst.msk $0x1, v12;
	v12 =	vbroadcast v16, $0xF  }
0x188: {  	v16 =	vld [tilespmem:s13+$0x20];
	[tilespmem:s9+$0x2] =	vst.msk $0x1, v11  }
0x189: {  	v11 =	vld [tilespmem:s8+$0x30];
	[tilespmem:s19+$0x1] =	vst.msk $0x1, v12  }
0x18a: {  	v12 =	vld [tilespmem:s15+$0x20];
	_ =	sdelay $0x1  }
0x18b: {  	(xrf0) =	vadd.scan.msk.s32 $0xffff, v17  }
0x18c: {  	(xrf0) =	vadd.scan.msk.s32 $0xffff, v16  }
0x18d: {  	(xrf0) =	vadd.scan.msk.s32 $0xffff, v11  }
0x18e: {  	(xrf0) =	vadd.scan.msk.s32 $0xffff, v12;
	_ =	sdelay $0x2  }
0x18f: {  	v11, _, _ =	vpop (xrf0)  }
0x190: {  	v12, _, _ =	vpop (xrf0)  }
0x191: {  	v16, _, _ =	vpop (xrf0)  }
0x192: {  	v12 =	vbroadcast v12, $0xF;
	v17, _, _ =	vpop (xrf0)  }
0x193: {  	v17 =	vbroadcast v17, $0xF  }
0x194: {  	[tilespmem:s17+$0x2] =	vst.msk $0x1, v12  }
0x195: {  	v12 =	vld [tilespmem:s13+$0x30];
	[tilespmem:s19+$0x2] =	vst.msk $0x1, v17  }
0x196: {  	v17 =	vld [tilespmem:s15+$0x30]  }
0x197: {  	v6 =	vbroadcast v6, $0xF  }
0x198: {  	v7 =	vbroadcast v7, $0xF  }
0x199: {  	[tilespmem:s21+$0x3] =	vst.msk $0x1, v6;
	v6 =	vbroadcast v8, $0xF  }
0x19a: {  	[tilespmem:s22+$0x3] =	vst.msk $0x1, v7;
	v7 =	vbroadcast v13, $0xF;
	(xrf0) =	vadd.scan.msk.s32 $0xffff, v12  }
0x19b: {  	[tilespmem:s23+$0x3] =	vst.msk $0x1, v6;
	v6 =	vbroadcast v10, $0xF;
	(xrf0) =	vadd.scan.msk.s32 $0xffff, v17  }
0x19c: {  	[tilespmem:s24+$0x3] =	vst.msk $0x1, v7;
	v7 =	vbroadcast v9, $0xF  }
0x19d: {  	[tilespmem:s25+$0x3] =	vst.msk $0x1, v6;
	v6 =	vbroadcast v14, $0xF  }
0x19e: {  	[tilespmem:s26+$0x3] =	vst.msk $0x1, v7;
	v7 =	vbroadcast v15, $0xF  }
0x19f: {  	[tilespmem:s28+$0x3] =	vst.msk $0x1, v6;
	v6 =	vbroadcast v11, $0xF  }
0x1a0: {  	[tilespmem:s0+$0x3] =	vst.msk $0x1, v7;
	v7 =	vbroadcast v16, $0xF;
	v8, _, _ =	vpop (xrf0)  }
0x1a1: {  	[tilespmem:s6+$0x3] =	vst.msk $0x1, v6;
	v6 =	vbroadcast v8, $0xF;
	v8, _, _ =	vpop (xrf0)  }
0x1a2: {  	[tilespmem:s9+$0x3] =	vst.msk $0x1, v7;
	v7 =	vbroadcast v8, $0xF  }
0x1a3: {  	[tilespmem:s17+$0x3] =	vst.msk $0x1, v6  }
0x1a4: {  	[tilespmem:s19+$0x3] =	vst.msk $0x1, v7  }
0x1a5: {  	v6 =	vld [tilespmem:s18+$0x0];
	_ =	sdelay $0x2  }
0x1a6: {  	s15 =	simm.s32 $0x190E0  }
0x1a7: {  	v7 =	vld [tilespmem:s15+$0x0]  }
0x1a8: {  	v6 =	vperm.xlane v6, v4;
	_ =	sdelay $0x1  }
0x1a9: {  	(xrf0) =	vadd.scan.msk.s32 $0xffff, v6;
	_ =	sdelay $0x1  }
0x1aa: {  	v9 =	vperm.xlane v7, v4;
	_ =	sdelay $0x1  }
0x1ab: {  	(xrf0) =	vadd.scan.msk.s32 $0xffff, v9;
	_ =	sdelay $0x1  }
0x1ac: {  	v7, _, _ =	vpop (xrf0)  }
0x1ad: {  	(v2sf) =	vpush v7, $0xF  }
0x1ae: {  	s16 =	simm.s32 $0x190D0;
	s0 =	simm.s32 $0x0  }
0x1af: {  	v8 =	vld [tilespmem:s16+$0x0];
	v10 =	vadd.s32 s0, v7  }
0x1b0: {  	v7, _, _ =	vpop (xrf0);
	vm0 =	vgt.s32 v10, $0x7FF  }
0x1b1: {  	(v2sf) =	vpush v7, $0xF;
	v11 =	vsel vm0, $0x1, v1  }
0x1b2: {  	(xrf0) =	vadd.scan.msk.s32 $0xffff, v11;
	_ =	sdelay $0x1  }
0x1b3: {  	v12 =	vperm.xlane v8, v4;
	_ =	sdelay $0x1  }
0x1b4: {  	(xrf0) =	vadd.scan.msk.s32 $0xffff, v12;
	_ =	sdelay $0x1  }
0x1b5: {  	v8, _, _ =	vpop (xrf0)  }
0x1b6: {  	(v2sf) =	vpush v8, $0xF;
	_ =	sdelay $0x2  }
0x1b7: {  	s17 =	simm.s32 $0x190C0;
	v8, _, _ =	vpop (xrf0);
	s18 =	spop (v2sf)  }
0x1b8: {  	v11 =	vld [tilespmem:s17+$0x0];
	(v2sf) =	vpush v8, $0xF;
	s1 =	sadd.s32 $0x0, s18  }
0x1b9: {  	v13 =	vadd.s32 s1, v7  }
0x1ba: {  	vm8 =	vgt.s32 v13, $0x7FF  }
0x1bb: {  	s19 =	spop (v2sf);
	v14 =	vsel vm8, $0x1, v1  }
0x1bc: {  	s1 =	sadd.s32 s1, s19;
	(xrf0) =	vadd.scan.msk.s32 $0xffff, v14  }
0x1bd: {  	s21 =	simm.s32 $0x190B0;
	v7 =	vperm.xlane v11, v4;
	v14 =	vadd.s32 s1, v8  }
0x1be: {  	v8 =	vld [tilespmem:s21+$0x0];
	vm9 =	vgt.s32 v14, $0x7FF  }
0x1bf: {  	(xrf0) =	vadd.scan.msk.s32 $0xffff, v7;
	v11 =	vsel vm9, $0x1, v1;
	_ =	sdelay $0x2  }
0x1c0: {  	(xrf0) =	vadd.scan.msk.s32 $0xffff, v11;
	v11, _, _ =	vpop (xrf0)  }
0x1c1: {  	v8 =	vperm.xlane v8, v4;
	s22 =	spop (v2sf);
	(v2sf) =	vpush v11, $0xF  }
0x1c2: {  	s23 =	ssub.s32 $0x10, s22  }
0x1c3: {  	v11, _, _ =	vpop (xrf0);
	(xrf0) =	vadd.scan.msk.s32 $0xffff, v8;
	v15 =	vmov s23  }
0x1c4: {  	(v2sf) =	vpush v11, $0xF  }
0x1c5: {  	s24 =	spop (v2sf)  }
0x1c6: {  	s1 =	sadd.s32 s1, s24;
	vm10 =	veq.s32 v15, v0;
	v15, _, _ =	vpop (xrf0)  }
0x1c7: {  	v6 =	vsub.s32 v10, v6;
	v10 =	vadd.s32 s1, v11;
	(v2sf) =	vpush v15, $0xF  }
0x1c8: {  	v6 =	vnsel vm10, $0x0, v6;
	vm11 =	vgt.s32 v10, $0x7FF  }
0x1c9: {  	s25 =	simm.s32 $0x190A0;
	(xrf0) =	vadd.scan.msk.s32 $0xffff, v6;
	v6 =	vsel vm11, $0x1, v1;
	v11, _, _ =	vpop (xrf0)  }
0x1ca: {  	(xrf0) =	vadd.scan.msk.s32 $0xffff, v6;
	v6 =	vld [tilespmem:s25+$0x0];
	(v2sf) =	vpush v11, $0xF;
	_ =	sdelay $0x4  }
0x1cb: {  	v6 =	vperm.xlane v6, v4  }
0x1cc: {  	v15, _, _ =	vpop (xrf0);
	s5 =	spop (v2sf)  }
0x1cd: {  	s26 =	simm.s32 $0x19090;
	(v2sf) =	vpush v15, $0xF;
	v15, _, _ =	vpop (xrf0);
	(xrf0) =	vadd.scan.msk.s32 $0xffff, v6;
	s28 =	ssub.s32 $0x10, s5  }
0x1ce: {  	(v2sf) =	vpush v15, $0xF;
	v15 =	vld [tilespmem:s26+$0x0];
	v16 =	vmov s28  }
0x1cf: {  	v9 =	vsub.s32 v13, v9;
	s29 =	spop (v2sf);
	vm12 =	veq.s32 v16, v0  }
0x1d0: {  	s4 =	sadd.s32 s1, s29;
	v9 =	vnsel vm12, $0x0, v9  }
0x1d1: {  	v11 =	vadd.s32 s4, v11;
	(xrf0) =	vadd.scan.msk.s32 $0xffff, v9  }
0x1d2: {  	s8 =	spop (v2sf);
	vm13 =	vgt.s32 v11, $0x7FF  }
0x1d3: {  	v12 =	vsub.s32 v14, v12;
	v14, _, _ =	vpop (xrf0);
	s30 =	ssub.s32 $0x10, s8;
	v13 =	vsel vm13, $0x1, v1;
	v9 =	vperm.xlane v15, v4  }
0x1d4: {  	(v2sf) =	vpush v14, $0xF;
	v15 =	vmov s30;
	(xrf0) =	vadd.scan.msk.s32 $0xffff, v13  }
0x1d5: {  	vm14 =	veq.s32 v15, v0;
	(xrf0) =	vadd.scan.msk.s32 $0xffff, v9;
	s31 =	spop (v2sf)  }
0x1d6: {  	v12 =	vnsel vm14, $0x0, v12;
	s15 =	sadd.s32 s4, s31  }
0x1d7: {  	(xrf0) =	vadd.scan.msk.s32 $0xffff, v12;
	v12 =	vadd.s32 s15, v14;
	v14, _, _ =	vpop (xrf0)  }
0x1d8: {  	(v2sf) =	vpush v14, $0xF  }
0x1d9: {  	s10 =	simm.s32 $0x19080  }
0x1da: {  	v13 =	vld [tilespmem:s10+$0x0];
	v14, _, _ =	vpop (xrf0)  }
0x1db: {  	p2 =	por !p0, !p0;
	p1 =	sgt.s32 s22, $0x0;
	(v2sf) =	vpush v14, $0xF;
	v14, _, _ =	vpop (xrf0)  }
0x1dc: {  	s2 =	simm.s32 $0x0;
	p2 =	por !p1, !p2;
	vm15 =	vgt.s32 v12, $0x7FF;
	(v2sf) =	vpush v14, $0xF  }
0x1dd: {  	s3 =	simm.s32 $0x9F;
	s9 =	sadd.s32 $0xEF, s22;
	p2 =	por !p2, !p2;
	v15 =	vsel vm15, $0x1, v1  }
0x1de: {  	s6 =	simm.s32 $0x7F;
	s2 =	smov.u32 @p2 s9;
	s7 =	sadd.s32 $0xDF, s5;
	(xrf0) =	vadd.scan.msk.s32 $0xffff, v15  }
0x1df: {  	s1 =	simm.s32 $0xAF;
	s9 =	sadd.s32 $0xCF, s8;
	s11 =	spop (v2sf);
	v13 =	vperm.xlane v13, v4  }
0x1e0: {  	s4 =	simm.s32 $0x8F;
	s0 =	smov.u32 @p2 s11;
	s13 =	spop (v2sf)  }
0x1e1: {  	s11 =	simm.s32 $0x6F;
	s16 =	ssub.s32 $0x10, s13;
	s12 =	sadd.s32 $0xBF, s13;
	(xrf0) =	vadd.scan.msk.s32 $0xffff, v13;
	v15, _, _ =	vpop (xrf0)  }
.LBB2_8:
0x1e2: {  	p2 =	sne.s32 s11, $0xFFFFFFFF;
	v16 =	vmov s16;
	(v2sf) =	vpush v15, $0xF;
	s17 =	smov.u32 s1;
	s1 =	smov.u32 s3  }
0x1e3: {  	s10 =	sadd.s32 $0xFFFFFFF0, s10;
	v15 =	vsub.s32 v10, v7;
	v10 =	vmovc v11;
	v11 =	vmovc v12;
	v7 =	vmov v8;
	s3 =	smov.u32 s4;
	s16 =	spop (v2sf);
	vm0 =	veq.s32 v16, v0  }
0x1e4: {  	p0 =	por p0, p1;
	v8 =	vmov v6;
	v6 =	vmov v9;
	s4 =	smov.u32 s6;
	v16 =	vld [tilespmem:s10+$0x0];
	s15 =	sadd.s32 s15, s16;
	v17, _, _ =	vpop (xrf0);
	v15 =	vnsel vm0, $0x0, v15  }
0x1e5: {  	p1 =	sgt.s32 s5, $0x0;
	v9 =	vmovc v13;
	s5 =	smov.u32 s8;
	p3 =	por !p0, !p0;
	v12 =	vadd.s32 s15, v14;
	(v2sf) =	vpush v17, $0xF;
	(xrf0) =	vadd.scan.msk.s32 $0xffff, v15  }
0x1e6: {  	s8 =	smov.u32 s13;
	s6 =	smov.u32 s11;
	p3 =	por !p1, !p3;
	vm0 =	vgt.s32 v12, $0x7FF  }
.Ltmp5:
0x1e7: {  	p3 =	por !p3, !p3;
	v14, _, _ =	vpop (xrf0);
	v13 =	vsel vm0, $0x1, v1;
	s13 =	spop (v2sf);
	(pc) =	sbr.rel @p2 .LBB2_8-.Ltmp5, $4  }
0x1e8: {  	s2 =	smov.u32 @p3 s7;
	s7 =	smov.u32 s9;
	(v2sf) =	vpush v14, $0xF;
	(xrf0) =	vadd.scan.msk.s32 $0xffff, v13;
	s0 =	smov.u32 @p3 s13  }
0x1e9: {  	s9 =	smov.u32 s12;
	v13 =	vperm.xlane v16, v4  }
0x1ea: {  	s13 =	spop (v2sf)  }
0x1eb: {  	s11 =	sadd.s32 $0xFFFFFFF0, s11;
	(xrf0) =	vadd.scan.msk.s32 $0xffff, v13;
	s16 =	ssub.s32 $0x10, s13;
	s12 =	sadd.s32 s17, s13;
	v15, _, _ =	vpop (xrf0)  }
0x1ec: {  	_ =	sdelay $0x7  }
0x1ed: {  	s10 =	spop (v2sf)  }
0x1ee: {  	s11 =	sadd.s32 s15, s10;
	s10 =	spop (v2sf)  }
0x1ef: {  	v16 =	vmov s16;
	v14 =	vadd.s32 s11, v14;
	s24 =	spop (v2sf)  }
0x1f0: {  	v7 =	vsub.s32 v10, v7;
	vm0 =	veq.s32 v16, v0;
	v60, _, _ =	vpop (xrf0);
	vm1 =	vgt.s32 v14, $0x7FF;
	s25 =	ssub.s32 $0x10, s24;
	s17 =	spop (v2sf)  }
0x1f1: {  	v7 =	vnsel vm0, $0x0, v7;
	v17 =	vsel vm1, $0x1, v1;
	v61, _, _ =	vpop (xrf0);
	v18 =	vmov s25;
	s11 =	sadd.s32 s11, s17  }
0x1f2: {  	(xrf0) =	vadd.scan.msk.s32 $0xffff, v7;
	v7 =	vsub.s32 v11, v8;
	vm11 =	veq.s32 v18, v0;
	v8 =	vadd.s32 s11, v61  }
0x1f3: {  	(xrf0) =	vadd.scan.msk.s32 $0xffff, v17;
	v7 =	vnsel vm11, $0x0, v7;
	vm12 =	vgt.s32 v8, $0x7FF  }
0x1f4: {  	(xrf0) =	vadd.scan.msk.s32 $0xffff, v7;
	v7 =	vsel vm12, $0x1, v1  }
0x1f5: {  	(xrf0) =	vadd.scan.msk.s32 $0xffff, v7  }
0x1f6: {  	(v2sf) =	vpush v15, $0xF  }
0x1f7: {  	(v2sf) =	vpush v60, $0xF  }
0x1f8: {  	(v2sf) =	vpush v61, $0xF;
	v7, _, _ =	vpop (xrf0)  }
0x1f9: {  	(v2sf) =	vpush v7, $0xF;
	v7, _, _ =	vpop (xrf0)  }
0x1fa: {  	(v2sf) =	vpush v7, $0xF;
	v7, _, _ =	vpop (xrf0)  }
0x1fb: {  	(v2sf) =	vpush v7, $0xF;
	v7, _, _ =	vpop (xrf0)  }
0x1fc: {  	(v2sf) =	vpush v7, $0xF;
	_ =	sdelay $0x8  }
0x1fd: {  	s11 =	spop (v2sf)  }
0x1fe: {  	s19 =	spop (v2sf)  }
0x1ff: {  	s26 =	spop (v2sf)  }
0x200: {  	s17 =	spop (v2sf)  }
0x201: {  	p2 =	sgt.s32 s5, $0x0;
	p3 =	sgt.s32 s8, $0x0;
	s18 =	spop (v2sf)  }
0x202: {  	p0 =	por p0, p1;
	s22 =	ssub.s32 $0x10, s19;
	s16 =	spop (v2sf)  }
0x203: {  	v6 =	vsub.s32 v12, v6;
	p1 =	por !p0, !p0;
	v7 =	vmov s22;
	s23 =	ssub.s32 $0x10, s18;
	s21 =	spop (v2sf)  }
0x204: {  	p0 =	por p0, p2;
	p1 =	por !p2, !p1;
	vm13 =	veq.s32 v7, v0;
	v7 =	vsub.s32 v14, v9;
	v62 =	vmov s23;
	s28 =	ssub.s32 $0x10, s21  }
0x205: {  	p4 =	sgt.s32 s13, $0x0;
	p6 =	por !p0, !p0;
	p1 =	por !p1, !p1;
	v6 =	vnsel vm13, $0x0, v6;
	vm14 =	veq.s32 v62, v0;
	v63 =	vmov s28  }
0x206: {  	p0 =	por p0, p3;
	p2 =	por !p3, !p6;
	s5 =	simm.s32 @!p1 $0x0;
	(xrf0) =	vadd.scan.msk.s32 $0xffff, v6;
	v6 =	vnsel vm14, $0x0, v7;
	v7 =	vsub.s32 v8, v13;
	vm15 =	veq.s32 v63, v0  }
0x207: {  	p5 =	por !p0, !p0;
	p0 =	por p0, p4;
	s5 =	simm.s32 @p1 $0x1;
	(xrf0) =	vadd.scan.msk.s32 $0xffff, v6;
	v6 =	vnsel vm15, $0x0, v7  }
0x208: {  	p1 =	por !p4, !p5;
	p4 =	por !p0, !p0;
	p6 =	sgt.s32 s24, $0x0;
	(xrf0) =	vadd.scan.msk.s32 $0xffff, v6  }
0x209: {  	p2 =	por !p2, !p2;
	[smem:$0x7FB] =	sst s5;
	p3 =	por !p6, !p4  }
0x20a: {  	s29 =	sld [smem:$0x7FB];
	p0 =	por p0, p6;
	s5 =	simm.s32 @!p3 $0x0  }
0x20b: {  	s5 =	simm.s32 @p3 $0x1;
	p3 =	por !p0, !p0;
	p5 =	sgt.s32 s19, $0x0  }
0x20c: {  	p1 =	por !p1, !p1;
	p6 =	por p0, p5;
	p0 =	por !p5, !p3;
	v6, _, _ =	vpop (xrf0)  }
0x20d: {  	s1 =	sadd.s32 s1, s24;
	[smem:$0x7FC] =	sst s5;
	s5 =	simm.s32 @!p0 $0x0;
	(v2sf) =	vpush v6, $0xF;
	v6, _, _ =	vpop (xrf0)  }
0x20e: {  	s30 =	sld [smem:$0x7FC];
	s5 =	simm.s32 @p0 $0x1;
	p0 =	seq.s32 s29, $0x1;
	(v2sf) =	vpush v6, $0xF;
	v6, _, _ =	vpop (xrf0)  }
0x20f: {  	p4 =	por !p6, !p6;
	[smem:$0x7FD] =	sst s5;
	s2 =	smov.u32 @p0 s7;
	(v2sf) =	vpush v6, $0xF  }
0x210: {  	s2 =	smov.u32 @p2 s9;
	s31 =	sld [smem:$0x7FD];
	p3 =	sgt.s32 s18, $0x0  }
0x211: {  	s2 =	smov.u32 @p1 s12;
	p4 =	por !p3, !p4;
	p5 =	por p6, p3  }
0x212: {  	p6 =	seq.s32 s30, $0x1;
	p5 =	por !p5, !p5;
	p3 =	sgt.s32 s21, $0x0  }
0x213: {  	p6 =	por !p6, !p6;
	p3 =	por !p3, !p5;
	p5 =	seq.s32 s31, $0x1  }
0x214: {  	s3 =	sadd.s32 s3, s19;
	s2 =	smov.u32 @p6 s1;
	p5 =	por !p5, !p5  }
0x215: {  	p4 =	por !p4, !p4;
	s1 =	sadd.s32 s4, s18;
	s2 =	smov.u32 @p5 s3  }
0x216: {  	p3 =	por !p3, !p3;
	s3 =	sadd.s32 s6, s21;
	s2 =	smov.u32 @p4 s1  }
0x217: {  	s2 =	smov.u32 @p3 s3  }
0x218: {  	s1 =	sshll.u32 s2, $0x4;
	s2 =	simm.s32 $0x18040  }
0x219: {  	s0 =	smov.u32 @p0 s10;
	v6 =	vld [tilespmem:s1+$0x18000];
	[tilespmem:s2+$0xFFFFFFC0] =	vst v1  }
0x21a: {  	s0 =	smov.u32 @p2 s11;
	[tilespmem:s2+$0x30] =	vst v1  }
0x21b: {  	s0 =	smov.u32 @p1 s17;
	[tilespmem:s2+$0x20] =	vst v1  }
0x21c: {  	s0 =	smov.u32 @p6 s16;
	[tilespmem:s2+$0x10] =	vst v1;
	s3 =	spop (v2sf)  }
0x21d: {  	[tilespmem:s2+$0x0] =	vst v1;
	s0 =	smov.u32 @p5 s3;
	s3 =	spop (v2sf)  }
0x21e: {  	[tilespmem:s2+$0xFFFFFFF0] =	vst v1;
	s0 =	smov.u32 @p4 s3;
	s3 =	spop (v2sf)  }
0x21f: {  	[tilespmem:s2+$0xFFFFFFE0] =	vst v1;
	v6 =	vperm.xlane v6, v4;
	s0 =	smov.u32 @p3 s3;
	s3 =	simm.s32 $0x0  }
.LBB2_10:
0x220: {  	s3 =	sadd.s32 $0x80, s3;
	[tilespmem:s2+$0xFFFFFFD0] =	vst v1;
	s2 =	sadd.s32 $0x80, s2  }
0x221: {  	[tilespmem:s2+$0xFFFFFFC0] =	vst v1;
	p0 =	slt.u32 s3, $0xF80  }
0x222: {  	[tilespmem:s2+$0x30] =	vst v1  }
.Ltmp6:
0x223: {  	[tilespmem:s2+$0x20] =	vst v1;
	(pc) =	sbr.rel @p0 .LBB2_10-.Ltmp6, $4  }
0x224: {  	[tilespmem:s2+$0x10] =	vst v1  }
0x225: {  	[tilespmem:s2+$0x0] =	vst v1  }
0x226: {  	[tilespmem:s2+$0xFFFFFFF0] =	vst v1  }
0x227: {  	[tilespmem:s2+$0xFFFFFFE0] =	vst v1  }
0x228: {  	(xrf0) =	vadd.scan.msk.s32 $0xffff, v6;
	_ =	sdelay $0x5  }
0x229: {  	v7, _, _ =	vpop (xrf0)  }
0x22a: {  	v7 =	vadd.s32 s0, v7  }
0x22b: {  	vm0 =	vgt.s32 v7, $0x7FF  }
0x22c: {  	v8 =	vsel vm0, $0x1, v1  }
0x22d: {  	(xrf0) =	vadd.scan.msk.s32 $0xffff, v8;
	_ =	sdelay $0x5  }
0x22e: {  	v8, _, _ =	vpop (xrf0)  }
0x22f: {  	(v2sf) =	vpush v8, $0xF;
	_ =	sdelay $0x3  }
0x230: {  	[tilespmem:s2+$0xFFFFFFD0] =	vst v1;
	s31 =	simm.s32 $0x40  }
0x231: {  	v9 =	vld [tilespmem:s31+$0x30]  }
0x232: {  	v10 =	vld [tilespmem:s31+$0xFFFFFFD0]  }
0x233: {  	v11 =	vld [tilespmem:s31+$0xFFFFFFE0]  }
0x234: {  	v13 =	vld [tilespmem:s31+$0x0]  }
0x235: {  	v18 =	vld [tilespmem:s31+$0xFFFFFFC0]  }
0x236: {  	v12 =	vld [tilespmem:s31+$0xFFFFFFF0];
	_ =	sdelay $0x1  }
0x237: {  	v15 =	vshra.s32 v9, $0x1F  }
0x238: {  	v17 =	vld [tilespmem:s31+$0x20];
	v16 =	vshra.s32 v10, $0x1F;
	v19 =	vshra.s32 v11, $0x1F;
	v21 =	vshra.s32 v13, $0x1F  }
0x239: {  	v23 =	vshra.s32 v18, $0x1F;
	v15 =	vor.u32 $0x80000000, v15;
	v16 =	vor.u32 $0x80000000, v16  }
0x23a: {  	v9 =	vxor.u32 v9, v15;
	v15 =	vor.u32 $0x80000000, v19;
	v19 =	vshra.s32 v12, $0x1F;
	s22 =	spop (v2sf)  }
0x23b: {  	v24 =	vxor.u32 v10, v16;
	v20 =	vshrl.u32 v9, $0x14;
	v9 =	vshrl.u32 v9, $0x8;
	s1 =	sadd.s32 s22, s1  }
0x23c: {  	v14 =	vld [tilespmem:s31+$0x10];
	v10 =	vor.u32 $0x80000000, v23;
	v19 =	vor.u32 $0x80000000, v19;
	v22 =	vand.u32 $0xFFF, v9;
	s21 =	sadd.s32 $0xFFFFFFFF, s1  }
0x23d: {  	v9 =	vor.u32 $0x80000000, v21;
	v21 =	vshra.s32 v17, $0x1F;
	v8 =	vmov s21  }
0x23e: {  	v23 =	vxor.u32 v12, v19;
	v12 =	vxor.u32 v18, v10;
	vm15 =	veq.s32 v20, v8  }
0x23f: {  	v16 =	vor.u32 $0x80000000, v21;
	v21 =	vxor.u32 v11, v15;
	v10 =	vxor.u32 v13, v9  }
0x240: {  	v13 =	vshrl.u32 v12, $0x14;
	v19 =	vshrl.u32 v12, $0x8;
	v11 =	vxor.u32 v17, v16  }
0x241: {  	v18 =	vshrl.u32 v21, $0x14;
	v16 =	vshrl.u32 v23, $0x14;
	v20 =	vshra.s32 v14, $0x1F  }
0x242: {  	v15 =	vshrl.u32 v10, $0x14;
	v21 =	vshrl.u32 v21, $0x8;
	v20 =	vor.u32 $0x80000000, v20  }
0x243: {  	v12 =	vshrl.u32 v11, $0x14;
	v9 =	vxor.u32 v14, v20;
	v14 =	vshrl.u32 v24, $0x14  }
0x244: {  	s0 =	simm.s32 $0x0;
	s1 =	simm.s32 $0xC0;
	v20 =	vshrl.u32 v23, $0x8;
	v17 =	vshrl.u32 v9, $0x14;
	[tilespmem:v22+s14+$0x0] =	vst.idx.add.s32.msk vm15, v3;
	v22 =	vshrl.u32 v24, $0x8  }
.LBB2_12:
0x245: {  	v23 =	vld [tilespmem:s1+$0x30];
	s0 =	sadd.s32 $0x80, s0;
	v10 =	vshrl.u32 v10, $0x8;
	v9 =	vshrl.u32 v9, $0x8;
	v11 =	vshrl.u32 v11, $0x8  }
0x246: {  	vm6 =	veq.s32 v13, v8;
	vm5 =	veq.s32 v14, v8;
	vm4 =	veq.s32 v18, v8;
	v24 =	vld [tilespmem:s1+$0xFFFFFFD0];
	p0 =	slt.u32 s0, $0x7F80  }
0x247: {  	vm3 =	veq.s32 v16, v8;
	vm2 =	veq.s32 v15, v8;
	vm1 =	veq.s32 v17, v8;
	v13 =	vld [tilespmem:s1+$0xFFFFFFE0]  }
0x248: {  	v15 =	vand.u32 $0xFFF, v19;
	v16 =	vand.u32 $0xFFF, v22;
	vm0 =	veq.s32 v12, v8;
	v14 =	vld [tilespmem:s1+$0xFFFFFFF0]  }
0x249: {  	v17 =	vand.u32 $0xFFF, v21;
	v18 =	vand.u32 $0xFFF, v20;
	v10 =	vand.u32 $0xFFF, v10;
	v12 =	vld [tilespmem:s1+$0x0]  }
0x24a: {  	v9 =	vand.u32 $0xFFF, v9;
	v21 =	vand.u32 $0xFFF, v11;
	v19 =	vld [tilespmem:s1+$0x10];
	v20 =	vshra.s32 v23, $0x1F  }
0x24b: {  	v11 =	vshra.s32 v24, $0x1F;
	v22 =	vld [tilespmem:s1+$0x20];
	v20 =	vor.u32 $0x80000000, v20  }
0x24c: {  	v25 =	vld [tilespmem:s1+$0xFFFFFFC0];
	v11 =	vor.u32 $0x80000000, v11;
	v26 =	vshra.s32 v13, $0x1F;
	v20 =	vxor.u32 v23, v20  }
0x24d: {  	v23 =	vor.u32 $0x80000000, v26;
	v26 =	vshra.s32 v14, $0x1F;
	v27 =	vshrl.u32 v20, $0x14;
	[tilespmem:v15+s14+$0x0] =	vst.idx.add.s32.msk vm6, v3  }
0x24e: {  	v20 =	vshrl.u32 v20, $0x8;
	v15 =	vshra.s32 v12, $0x1F;
	vm6 =	veq.s32 v27, v8;
	[tilespmem:v16+s14+$0x0] =	vst.idx.add.s32.msk vm5, v3  }
0x24f: {  	v16 =	vor.u32 $0x80000000, v26;
	v20 =	vand.u32 $0xFFF, v20;
	v26 =	vshra.s32 v19, $0x1F;
	[tilespmem:v17+s14+$0x0] =	vst.idx.add.s32.msk vm4, v3  }
0x250: {  	v15 =	vor.u32 $0x80000000, v15;
	v17 =	vor.u32 $0x80000000, v26;
	v26 =	vshra.s32 v22, $0x1F;
	[tilespmem:v18+s14+$0x0] =	vst.idx.add.s32.msk vm3, v3  }
0x251: {  	v24 =	vxor.u32 v24, v11;
	v18 =	vshra.s32 v25, $0x1F;
	v11 =	vor.u32 $0x80000000, v26;
	[tilespmem:v10+s14+$0x0] =	vst.idx.add.s32.msk vm2, v3  }
0x252: {  	v23 =	vxor.u32 v13, v23;
	v26 =	vxor.u32 v14, v16;
	v10 =	vor.u32 $0x80000000, v18;
	[tilespmem:v9+s14+$0x0] =	vst.idx.add.s32.msk vm1, v3  }
.Ltmp7:
0x253: {  	v9 =	vxor.u32 v19, v17;
	v25 =	vxor.u32 v25, v10;
	v10 =	vxor.u32 v12, v15;
	(pc) =	sbr.rel @p0 .LBB2_12-.Ltmp7, $4  }
0x254: {  	s18 =	simm.s32 $0x18040;
	s23 =	simm.s32 $0x19004;
	v14 =	vshrl.u32 v24, $0x14;
	v11 =	vxor.u32 v22, v11;
	v13 =	vshrl.u32 v25, $0x14;
	[tilespmem:v20+s14+$0x0] =	vst.idx.add.s32.msk vm6, v3  }
0x255: {  	v18 =	vshrl.u32 v23, $0x14;
	v16 =	vshrl.u32 v26, $0x14;
	v15 =	vshrl.u32 v10, $0x14;
	[tilespmem:v21+s14+$0x0] =	vst.idx.add.s32.msk vm0, v3  }
0x256: {  	v17 =	vshrl.u32 v9, $0x14;
	v12 =	vshrl.u32 v11, $0x14;
	v19 =	vshrl.u32 v25, $0x8  }
0x257: {  	s1 =	sadd.s32 $0x80, s1;
	v22 =	vshrl.u32 v24, $0x8;
	v20 =	vshrl.u32 v26, $0x8;
	v21 =	vshrl.u32 v23, $0x8  }
0x258: {  	vm0 =	veq.s32 v13, v8  }
0x259: {  	vm1 =	veq.s32 v14, v8;
	v13 =	vand.u32 $0xFFF, v19  }
0x25a: {  	vm2 =	veq.s32 v18, v8;
	v14 =	vand.u32 $0xFFF, v22  }
0x25b: {  	vm3 =	veq.s32 v16, v8;
	v16 =	vand.u32 $0xFFF, v21  }
0x25c: {  	v10 =	vshrl.u32 v10, $0x8;
	vm4 =	veq.s32 v15, v8;
	v15 =	vand.u32 $0xFFF, v20  }
0x25d: {  	v9 =	vshrl.u32 v9, $0x8;
	vm5 =	veq.s32 v17, v8;
	v10 =	vand.u32 $0xFFF, v10  }
0x25e: {  	v11 =	vshrl.u32 v11, $0x8;
	vm6 =	veq.s32 v12, v8;
	v8 =	vand.u32 $0xFFF, v9;
	[tilespmem:v13+s14+$0x0] =	vst.idx.add.s32.msk vm0, v3  }
0x25f: {  	v9 =	vand.u32 $0xFFF, v11;
	[tilespmem:v14+s14+$0x0] =	vst.idx.add.s32.msk vm1, v3  }
0x260: {  	[tilespmem:v16+s14+$0x0] =	vst.idx.add.s32.msk vm2, v3  }
0x261: {  	[tilespmem:v15+s14+$0x0] =	vst.idx.add.s32.msk vm3, v3  }
0x262: {  	[tilespmem:v10+s14+$0x0] =	vst.idx.add.s32.msk vm4, v3  }
0x263: {  	[tilespmem:v8+s14+$0x0] =	vst.idx.add.s32.msk vm5, v3  }
0x264: {  	[tilespmem:v9+s14+$0x0] =	vst.idx.add.s32.msk vm6, v3  }
0x265: {  	v8 =	vld [tilespmem:s18+$0xFFFFFFC0];
	_ =	sdelay $0x4  }
0x266: {  	(xrf0) =	vadd.scan.msk.s32 $0xffff, v8;
	_ =	sdelay $0x2  }
0x267: {  	s19 =	simm.s32 $0x180C0  }
0x268: {  	v8 =	vld [tilespmem:s19+$0xFFFFFFC0];
	_ =	sdelay $0x1  }
0x269: {  	v9, _, _ =	vpop (xrf0)  }
0x26a: {  	v9 =	vbroadcast v9, $0xF;
	_ =	sdelay $0x1  }
0x26b: {  	(xrf0) =	vadd.scan.msk.s32 $0xffff, v8;
	[tilespmem:s23+$0xFFFFFFFC] =	vst.msk $0x1, v9  }
0x26c: {  	v8 =	vld [tilespmem:s18+$0xFFFFFFD0];
	_ =	sdelay $0x1  }
0x26d: {  	s8 =	simm.s32 $0x18140  }
0x26e: {  	v9 =	vld [tilespmem:s8+$0xFFFFFFC0];
	_ =	sdelay $0x1  }
0x26f: {  	v10, _, _ =	vpop (xrf0);
	(xrf0) =	vadd.scan.msk.s32 $0xffff, v8  }
0x270: {  	v8 =	vbroadcast v10, $0xF  }
0x271: {  	s24 =	simm.s32 $0x1900C  }
0x272: {  	(xrf0) =	vadd.scan.msk.s32 $0xffff, v9;
	[tilespmem:s24+$0xFFFFFFFC] =	vst.msk $0x1, v8  }
0x273: {  	v8 =	vld [tilespmem:s19+$0xFFFFFFD0]  }
0x274: {  	s6 =	simm.s32 $0x181C0  }
0x275: {  	v10 =	vld [tilespmem:s6+$0xFFFFFFC0];
	v9, _, _ =	vpop (xrf0)  }
0x276: {  	v9 =	vbroadcast v9, $0xF;
	_ =	sdelay $0x1  }
0x277: {  	(xrf0) =	vadd.scan.msk.s32 $0xffff, v8;
	v8, _, _ =	vpop (xrf0);
	[tilespmem:s23+$0xFFFFFFFD] =	vst.msk $0x1, v9  }
0x278: {  	v8 =	vbroadcast v8, $0xF;
	v9 =	vld [tilespmem:s18+$0xFFFFFFE0]  }
0x279: {  	s25 =	simm.s32 $0x19014;
	(xrf0) =	vadd.scan.msk.s32 $0xffff, v10  }
0x27a: {  	[tilespmem:s25+$0xFFFFFFFC] =	vst.msk $0x1, v8  }
0x27b: {  	s3 =	simm.s32 $0x18240;
	v8 =	vld [tilespmem:s8+$0xFFFFFFD0]  }
0x27c: {  	v11 =	vld [tilespmem:s3+$0xFFFFFFC0]  }
0x27d: {  	v10, _, _ =	vpop (xrf0);
	(xrf0) =	vadd.scan.msk.s32 $0xffff, v9  }
0x27e: {  	v10 =	vbroadcast v10, $0xF  }
0x27f: {  	v9, _, _ =	vpop (xrf0)  }
0x280: {  	[tilespmem:s24+$0xFFFFFFFD] =	vst.msk $0x1, v10;
	(xrf0) =	vadd.scan.msk.s32 $0xffff, v8;
	v8 =	vbroadcast v9, $0xF  }
0x281: {  	s26 =	simm.s32 $0x1901C;
	v9 =	vld [tilespmem:s19+$0xFFFFFFE0];
	(xrf0) =	vadd.scan.msk.s32 $0xffff, v11  }
0x282: {  	[tilespmem:s26+$0xFFFFFFFC] =	vst.msk $0x1, v8  }
0x283: {  	v8 =	vld [tilespmem:s6+$0xFFFFFFD0];
	v10, _, _ =	vpop (xrf0)  }
0x284: {  	v10 =	vbroadcast v10, $0xF  }
0x285: {  	s15 =	simm.s32 $0x182C0  }
0x286: {  	v11 =	vld [tilespmem:s15+$0xFFFFFFC0];
	(xrf0) =	vadd.scan.msk.s32 $0xffff, v9;
	v9, _, _ =	vpop (xrf0);
	[tilespmem:s23+$0xFFFFFFFE] =	vst.msk $0x1, v10  }
0x287: {  	v9 =	vbroadcast v9, $0xF;
	v12, _, _ =	vpop (xrf0);
	v10 =	vld [tilespmem:s18+$0xFFFFFFF0]  }
0x288: {  	(xrf0) =	vadd.scan.msk.s32 $0xffff, v8;
	v8 =	vbroadcast v12, $0xF  }
0x289: {  	s28 =	simm.s32 $0x19024;
	[tilespmem:s25+$0xFFFFFFFD] =	vst.msk $0x1, v9  }
0x28a: {  	v9 =	vld [tilespmem:s8+$0xFFFFFFE0];
	[tilespmem:s28+$0xFFFFFFFC] =	vst.msk $0x1, v8  }
0x28b: {  	(xrf0) =	vadd.scan.msk.s32 $0xffff, v11;
	v11 =	vld [tilespmem:s3+$0xFFFFFFD0]  }
0x28c: {  	v8, _, _ =	vpop (xrf0);
	(xrf0) =	vadd.scan.msk.s32 $0xffff, v10  }
0x28d: {  	s1 =	simm.s32 $0x18340;
	v8 =	vbroadcast v8, $0xF  }
0x28e: {  	v12 =	vld [tilespmem:s1+$0xFFFFFFC0];
	v10, _, _ =	vpop (xrf0)  }
0x28f: {  	[tilespmem:s24+$0xFFFFFFFE] =	vst.msk $0x1, v8;
	v8 =	vbroadcast v10, $0xF;
	(xrf0) =	vadd.scan.msk.s32 $0xffff, v9  }
0x290: {  	v9 =	vld [tilespmem:s19+$0xFFFFFFF0];
	(xrf0) =	vadd.scan.msk.s32 $0xffff, v11  }
0x291: {  	v10, _, _ =	vpop (xrf0);
	[tilespmem:s26+$0xFFFFFFFD] =	vst.msk $0x1, v8  }
0x292: {  	v8 =	vbroadcast v10, $0xF;
	v11 =	vld [tilespmem:s6+$0xFFFFFFE0];
	v10, _, _ =	vpop (xrf0)  }
0x293: {  	s29 =	simm.s32 $0x1902C;
	(xrf0) =	vadd.scan.msk.s32 $0xffff, v12;
	v10 =	vbroadcast v10, $0xF  }
0x294: {  	[tilespmem:s29+$0xFFFFFFFC] =	vst.msk $0x1, v8  }
0x295: {  	v8 =	vld [tilespmem:s15+$0xFFFFFFD0];
	(xrf0) =	vadd.scan.msk.s32 $0xffff, v9;
	v9, _, _ =	vpop (xrf0);
	[tilespmem:s23+$0xFFFFFFFF] =	vst.msk $0x1, v10  }
0x296: {  	s13 =	simm.s32 $0x183C0;
	v12, _, _ =	vpop (xrf0);
	v10 =	vld [tilespmem:s18+$0x0]  }
0x297: {  	(xrf0) =	vadd.scan.msk.s32 $0xffff, v11;
	v11 =	vld [tilespmem:s13+$0xFFFFFFC0];
	v12 =	vbroadcast v12, $0xF  }
0x298: {  	v9 =	vbroadcast v9, $0xF  }
0x299: {  	v13, _, _ =	vpop (xrf0)  }
0x29a: {  	[tilespmem:s25+$0xFFFFFFFE] =	vst.msk $0x1, v9;
	(xrf0) =	vadd.scan.msk.s32 $0xffff, v8;
	v8 =	vbroadcast v13, $0xF  }
0x29b: {  	s30 =	simm.s32 $0x19034;
	v9 =	vld [tilespmem:s8+$0xFFFFFFF0];
	[tilespmem:s28+$0xFFFFFFFD] =	vst.msk $0x1, v12;
	v12, _, _ =	vpop (xrf0);
	(xrf0) =	vadd.scan.msk.s32 $0xffff, v10  }
0x29c: {  	[tilespmem:s30+$0xFFFFFFFC] =	vst.msk $0x1, v8;
	v10 =	vld [tilespmem:s3+$0xFFFFFFE0];
	v12 =	vbroadcast v12, $0xF;
	(xrf0) =	vadd.scan.msk.s32 $0xffff, v11  }
0x29d: {  	v8 =	vld [tilespmem:s1+$0xFFFFFFD0];
	_ =	sdelay $0x1  }
0x29e: {  	v11, _, _ =	vpop (xrf0)  }
0x29f: {  	[tilespmem:s24+$0xFFFFFFFF] =	vst.msk $0x1, v12;
	(xrf0) =	vadd.scan.msk.s32 $0xffff, v9;
	v9 =	vbroadcast v11, $0xF;
	v12, _, _ =	vpop (xrf0)  }
0x2a0: {  	s2 =	simm.s32 $0x18440;
	v11 =	vld [tilespmem:s19+$0x0];
	(xrf0) =	vadd.scan.msk.s32 $0xffff, v10;
	v10, _, _ =	vpop (xrf0)  }
0x2a1: {  	v13 =	vld [tilespmem:s2+$0xFFFFFFC0];
	[tilespmem:s26+$0xFFFFFFFE] =	vst.msk $0x1, v9;
	v9 =	vbroadcast v12, $0xF;
	(xrf0) =	vadd.scan.msk.s32 $0xffff, v8;
	v8, _, _ =	vpop (xrf0)  }
0x2a2: {  	v12 =	vld [tilespmem:s6+$0xFFFFFFF0];
	v10 =	vbroadcast v10, $0xF;
	v8 =	vbroadcast v8, $0xF  }
0x2a3: {  	[tilespmem:s29+$0xFFFFFFFD] =	vst.msk $0x1, v9  }
0x2a4: {  	[tilespmem:s23+$0x0] =	vst.msk $0x1, v10;
	v10 =	vld [tilespmem:s15+$0xFFFFFFE0]  }
0x2a5: {  	s31 =	simm.s32 $0x1903C;
	(xrf0) =	vadd.scan.msk.s32 $0xffff, v11;
	v9, _, _ =	vpop (xrf0);
	v11 =	vld [tilespmem:s18+$0x10]  }
0x2a6: {  	(xrf0) =	vadd.scan.msk.s32 $0xffff, v13;
	v9 =	vbroadcast v9, $0xF;
	[tilespmem:s31+$0xFFFFFFFC] =	vst.msk $0x1, v8;
	v8, _, _ =	vpop (xrf0)  }
0x2a7: {  	(xrf0) =	vadd.scan.msk.s32 $0xffff, v12;
	v8 =	vbroadcast v8, $0xF  }
0x2a8: {  	v12 =	vld [tilespmem:s13+$0xFFFFFFD0];
	[tilespmem:s25+$0xFFFFFFFF] =	vst.msk $0x1, v9  }
0x2a9: {  	s4 =	simm.s32 $0x184C0;
	v9 =	vld [tilespmem:s8+$0x0];
	(xrf0) =	vadd.scan.msk.s32 $0xffff, v10  }
0x2aa: {  	v14 =	vld [tilespmem:s4+$0xFFFFFFC0];
	v13, _, _ =	vpop (xrf0);
	(xrf0) =	vadd.scan.msk.s32 $0xffff, v11  }
0x2ab: {  	v13 =	vbroadcast v13, $0xF;
	[tilespmem:s28+$0xFFFFFFFE] =	vst.msk $0x1, v8;
	v8, _, _ =	vpop (xrf0)  }
0x2ac: {  	v10 =	vld [tilespmem:s3+$0xFFFFFFF0];
	v8 =	vbroadcast v8, $0xF;
	v11, _, _ =	vpop (xrf0)  }
0x2ad: {  	[tilespmem:s30+$0xFFFFFFFD] =	vst.msk $0x1, v13;
	(xrf0) =	vadd.scan.msk.s32 $0xffff, v12;
	v11 =	vbroadcast v11, $0xF;
	v12, _, _ =	vpop (xrf0)  }
0x2ae: {  	s0 =	simm.s32 $0x19044;
	(xrf0) =	vadd.scan.msk.s32 $0xffff, v9;
	[tilespmem:s24+$0x0] =	vst.msk $0x1, v8;
	v8 =	vld [tilespmem:s1+$0xFFFFFFE0];
	v9 =	vbroadcast v12, $0xF  }
0x2af: {  	(xrf0) =	vadd.scan.msk.s32 $0xffff, v14;
	v13, _, _ =	vpop (xrf0);
	v12 =	vld [tilespmem:s19+$0x10];
	[tilespmem:s0+$0xFFFFFFFC] =	vst.msk $0x1, v11  }
0x2b0: {  	v11 =	vld [tilespmem:s2+$0xFFFFFFD0];
	[tilespmem:s26+$0xFFFFFFFF] =	vst.msk $0x1, v9;
	v9 =	vbroadcast v13, $0xF;
	v13, _, _ =	vpop (xrf0)  }
0x2b1: {  	(xrf0) =	vadd.scan.msk.s32 $0xffff, v10;
	v13 =	vbroadcast v13, $0xF;
	_ =	sdelay $0x1  }
0x2b2: {  	s7 =	simm.s32 $0x18540;
	v10 =	vld [tilespmem:s6+$0x0];
	(xrf0) =	vadd.scan.msk.s32 $0xffff, v8;
	v8, _, _ =	vpop (xrf0)  }
0x2b3: {  	v14 =	vld [tilespmem:s7+$0xFFFFFFC0];
	[tilespmem:s29+$0xFFFFFFFE] =	vst.msk $0x1, v9;
	(xrf0) =	vadd.scan.msk.s32 $0xffff, v12;
	v8 =	vbroadcast v8, $0xF;
	v9, _, _ =	vpop (xrf0)  }
0x2b4: {  	[tilespmem:s23+$0x1] =	vst.msk $0x1, v13;
	v12 =	vld [tilespmem:s15+$0xFFFFFFF0];
	v9 =	vbroadcast v9, $0xF;
	v13, _, _ =	vpop (xrf0);
	(xrf0) =	vadd.scan.msk.s32 $0xffff, v11  }
0x2b5: {  	v11 =	vld [tilespmem:s18+$0x20];
	[tilespmem:s31+$0xFFFFFFFD] =	vst.msk $0x1, v8  }
0x2b6: {  	v8 =	vbroadcast v13, $0xF;
	v13, _, _ =	vpop (xrf0);
	[tilespmem:s25+$0x0] =	vst.msk $0x1, v9;
	v9 =	vld [tilespmem:s13+$0xFFFFFFE0]  }
0x2b7: {  	s5 =	simm.s32 $0x1904C;
	(xrf0) =	vadd.scan.msk.s32 $0xffff, v10;
	v10 =	vbroadcast v13, $0xF  }
0x2b8: {  	(xrf0) =	vadd.scan.msk.s32 $0xffff, v14;
	[tilespmem:s5+$0xFFFFFFFC] =	vst.msk $0x1, v8;
	v8 =	vld [tilespmem:s8+$0x10];
	v13, _, _ =	vpop (xrf0)  }
0x2b9: {  	v14 =	vld [tilespmem:s4+$0xFFFFFFD0];
	(xrf0) =	vadd.scan.msk.s32 $0xffff, v12;
	[tilespmem:s28+$0xFFFFFFFF] =	vst.msk $0x1, v10;
	v10 =	vbroadcast v13, $0xF;
	v12, _, _ =	vpop (xrf0)  }
0x2ba: {  	s12 =	simm.s32 $0x185C0;
	v13 =	vld [tilespmem:s3+$0x0];
	(xrf0) =	vadd.scan.msk.s32 $0xffff, v11;
	v11 =	vbroadcast v12, $0xF;
	v12, _, _ =	vpop (xrf0)  }
0x2bb: {  	v15 =	vld [tilespmem:s12+$0xFFFFFFC0];
	[tilespmem:s30+$0xFFFFFFFE] =	vst.msk $0x1, v10;
	v10 =	vbroadcast v12, $0xF;
	(xrf0) =	vadd.scan.msk.s32 $0xffff, v9  }
0x2bc: {  	v12 =	vld [tilespmem:s1+$0xFFFFFFF0]  }
0x2bd: {  	v9, _, _ =	vpop (xrf0);
	(xrf0) =	vadd.scan.msk.s32 $0xffff, v8  }
0x2be: {  	[tilespmem:s24+$0x1] =	vst.msk $0x1, v11;
	v8, _, _ =	vpop (xrf0);
	(xrf0) =	vadd.scan.msk.s32 $0xffff, v14  }
0x2bf: {  	v9 =	vbroadcast v9, $0xF;
	[tilespmem:s0+$0xFFFFFFFD] =	vst.msk $0x1, v10;
	(xrf0) =	vadd.scan.msk.s32 $0xffff, v13;
	v10, _, _ =	vpop (xrf0)  }
0x2c0: {  	v11 =	vld [tilespmem:s19+$0x20];
	(xrf0) =	vadd.scan.msk.s32 $0xffff, v15;
	v10 =	vbroadcast v10, $0xF;
	v13, _, _ =	vpop (xrf0)  }
0x2c1: {  	v8 =	vbroadcast v8, $0xF;
	[tilespmem:s26+$0x0] =	vst.msk $0x1, v9;
	v13 =	vbroadcast v13, $0xF;
	(xrf0) =	vadd.scan.msk.s32 $0xffff, v12;
	v12, _, _ =	vpop (xrf0)  }
0x2c2: {  	s9 =	simm.s32 $0x19054;
	v9 =	vld [tilespmem:s2+$0xFFFFFFE0];
	[tilespmem:s29+$0xFFFFFFFF] =	vst.msk $0x1, v10;
	v10 =	vbroadcast v12, $0xF  }
0x2c3: {  	[tilespmem:s9+$0xFFFFFFFC] =	vst.msk $0x1, v8;
	v8 =	vld [tilespmem:s6+$0x10];
	v12, _, _ =	vpop (xrf0)  }
0x2c4: {  	v14 =	vld [tilespmem:s7+$0xFFFFFFD0];
	v12 =	vbroadcast v12, $0xF  }
0x2c5: {  	(xrf0) =	vadd.scan.msk.s32 $0xffff, v11;
	[tilespmem:s23+$0x2] =	vst.msk $0x1, v13;
	v13, _, _ =	vpop (xrf0)  }
0x2c6: {  	v11 =	vld [tilespmem:s15+$0x0];
	[tilespmem:s31+$0xFFFFFFFE] =	vst.msk $0x1, v10;
	v10, _, _ =	vpop (xrf0)  }
0x2c7: {  	s17 =	simm.s32 $0x18640;
	v15 =	vld [tilespmem:s18+$0x30];
	(xrf0) =	vadd.scan.msk.s32 $0xffff, v9;
	v10 =	vbroadcast v10, $0xF  }
0x2c8: {  	v9 =	vld [tilespmem:s17+$0xFFFFFFC0];
	[tilespmem:s25+$0x1] =	vst.msk $0x1, v12;
	v13 =	vbroadcast v13, $0xF;
	(xrf0) =	vadd.scan.msk.s32 $0xffff, v8;
	v12, _, _ =	vpop (xrf0)  }
0x2c9: {  	v8 =	vld [tilespmem:s13+$0xFFFFFFF0];
	(xrf0) =	vadd.scan.msk.s32 $0xffff, v14;
	v16, _, _ =	vpop (xrf0)  }
0x2ca: {  	[tilespmem:s5+$0xFFFFFFFD] =	vst.msk $0x1, v13;
	v13 =	vld [tilespmem:s8+$0x20];
	v14 =	vbroadcast v12, $0xF;
	v16 =	vbroadcast v16, $0xF  }
0x2cb: {  	s10 =	simm.s32 $0x1905C;
	(xrf0) =	vadd.scan.msk.s32 $0xffff, v11;
	[tilespmem:s28+$0x0] =	vst.msk $0x1, v10;
	v12 =	vld [tilespmem:s4+$0xFFFFFFE0];
	v10, _, _ =	vpop (xrf0)  }
0x2cc: {  	(xrf0) =	vadd.scan.msk.s32 $0xffff, v15;
	[tilespmem:s10+$0xFFFFFFFC] =	vst.msk $0x1, v14;
	v11 =	vld [tilespmem:s3+$0x10];
	v14 =	vbroadcast v10, $0xF  }
0x2cd: {  	(xrf0) =	vadd.scan.msk.s32 $0xffff, v9;
	[tilespmem:s30+$0xFFFFFFFF] =	vst.msk $0x1, v16;
	v10 =	vld [tilespmem:s12+$0xFFFFFFD0];
	v15, _, _ =	vpop (xrf0)  }
0x2ce: {  	(xrf0) =	vadd.scan.msk.s32 $0xffff, v8;
	v9 =	vld [tilespmem:s1+$0x0];
	v16, _, _ =	vpop (xrf0);
	[tilespmem:s24+$0x2] =	vst.msk $0x1, v14  }
0x2cf: {  	s11 =	simm.s32 $0x60;
	s16 =	simm.s32 $0x186C0;
	s18 =	simm.s32 $0x1905C;
	v8 =	vbroadcast v15, $0xF;
	(xrf0) =	vadd.scan.msk.s32 $0xffff, v13;
	v15, _, _ =	vpop (xrf0);
	v14 =	vbroadcast v16, $0xF;
	v13 =	vld [tilespmem:s19+$0x30]  }
.LBB2_14:
0x2d0: {  	s19 =	smov.u32 s8;
	s8 =	smov.u32 s6;
	s6 =	smov.u32 s3  }
0x2d1: {  	v16 =	vld [tilespmem:s16+$0xFFFFFFC0];
	v18 =	vbroadcast v15, $0xF;
	(xrf0) =	vadd.scan.msk.s32 $0xffff, v12;
	[tilespmem:s0+$0xFFFFFFFE] =	vst.msk $0x1, v8;
	v8, _, _ =	vpop (xrf0);
	s3 =	smov.u32 s15;
	s15 =	smov.u32 s1;
	s1 =	smov.u32 s13  }
0x2d2: {  	s13 =	smov.u32 s2;
	v17 =	vld [tilespmem:s2+$0xFFFFFFF0];
	v8 =	vbroadcast v8, $0xF;
	(xrf0) =	vadd.scan.msk.s32 $0xffff, v11;
	[tilespmem:s26+$0x1] =	vst.msk $0x1, v14;
	v11, _, _ =	vpop (xrf0);
	s2 =	smov.u32 s4;
	s4 =	smov.u32 s7  }
0x2d3: {  	s11 =	sadd.s32 $0x8, s11;
	s7 =	smov.u32 s12;
	s12 =	smov.u32 s17;
	v12, _, _ =	vpop (xrf0);
	(xrf0) =	vadd.scan.msk.s32 $0xffff, v10;
	[tilespmem:s9+$0xFFFFFFFD] =	vst.msk $0x1, v18;
	v14 =	vld [tilespmem:s8+$0x20];
	v10 =	vbroadcast v11, $0xF  }
0x2d4: {  	p0 =	slt.u32 s11, $0xF8;
	s17 =	smov.u32 s16;
	v11 =	vbroadcast v12, $0xF;
	v15, _, _ =	vpop (xrf0);
	(xrf0) =	vadd.scan.msk.s32 $0xffff, v9;
	[tilespmem:s29+$0x0] =	vst.msk $0x1, v8  }
.Ltmp8:
0x2d5: {  	s10 =	sadd.s32 $0x8, s10;
	v12 =	vld [tilespmem:s4+$0xFFFFFFE0];
	v8 =	vbroadcast v15, $0xF;
	v9, _, _ =	vpop (xrf0);
	(xrf0) =	vadd.scan.msk.s32 $0xffff, v13;
	[tilespmem:s23+$0x3] =	vst.msk $0x1, v10;
	s23 =	smov.u32 s24;
	(pc) =	sbr.rel @p0 .LBB2_14-.Ltmp8, $4  }
0x2d6: {  	s24 =	smov.u32 s25;
	s25 =	smov.u32 s26;
	s26 =	smov.u32 s28;
	(xrf0) =	vadd.scan.msk.s32 $0xffff, v16;
	[tilespmem:s10+$0xFFFFFFFC] =	vst.msk $0x1, v11;
	v11 =	vld [tilespmem:s3+$0x10];
	v13 =	vbroadcast v9, $0xF  }
0x2d7: {  	s28 =	smov.u32 s29;
	s29 =	smov.u32 s30;
	s30 =	smov.u32 s31;
	v10 =	vld [tilespmem:s12+$0xFFFFFFD0];
	v9, _, _ =	vpop (xrf0);
	(xrf0) =	vadd.scan.msk.s32 $0xffff, v17;
	[tilespmem:s31+$0xFFFFFFFF] =	vst.msk $0x1, v8  }
0x2d8: {  	s31 =	smov.u32 s0;
	s0 =	smov.u32 s5;
	s5 =	smov.u32 s9;
	v8 =	vbroadcast v9, $0xF;
	v9 =	vld [tilespmem:s1+$0x0];
	v16, _, _ =	vpop (xrf0);
	(xrf0) =	vadd.scan.msk.s32 $0xffff, v14;
	[tilespmem:s24+$0x2] =	vst.msk $0x1, v13  }
0x2d9: {  	s16 =	sadd.s32 $0x80, s16;
	s9 =	smov.u32 s18;
	s18 =	smov.u32 s10;
	v15, _, _ =	vpop (xrf0);
	v14 =	vbroadcast v16, $0xF;
	v13 =	vld [tilespmem:s19+$0x30]  }
0x2da: {  	v16, _, _ =	vpop (xrf0)  }
0x2db: {  	[tilespmem:s0+$0xFFFFFFFE] =	vst.msk $0x1, v8;
	v8, _, _ =	vpop (xrf0)  }
0x2dc: {  	[tilespmem:s26+$0x1] =	vst.msk $0x1, v14;
	v14, _, _ =	vpop (xrf0)  }
0x2dd: {  	(xrf0) =	vadd.scan.msk.s32 $0xffff, v12;
	v12 =	vld [tilespmem:s2+$0xFFFFFFF0];
	v14 =	vbroadcast v14, $0xF  }
0x2de: {  	v15 =	vbroadcast v15, $0xF;
	(xrf0) =	vadd.scan.msk.s32 $0xffff, v11;
	v11 =	vld [tilespmem:s6+$0x20]  }
0x2df: {  	(xrf0) =	vadd.scan.msk.s32 $0xffff, v10  }
0x2e0: {  	s19 =	sadd.s32 $0x8, s10;
	v16 =	vbroadcast v16, $0xF;
	[tilespmem:s9+$0xFFFFFFFD] =	vst.msk $0x1, v15;
	(xrf0) =	vadd.scan.msk.s32 $0xffff, v9  }
0x2e1: {  	v10 =	vld [tilespmem:s7+$0xFFFFFFE0];
	[tilespmem:s19+$0xFFFFFFFC] =	vst.msk $0x1, v14;
	v14, _, _ =	vpop (xrf0);
	(xrf0) =	vadd.scan.msk.s32 $0xffff, v13  }
0x2e2: {  	[tilespmem:s29+$0x0] =	vst.msk $0x1, v16;
	v15, _, _ =	vpop (xrf0);
	(xrf0) =	vadd.scan.msk.s32 $0xffff, v12;
	v12 =	vbroadcast v14, $0xF  }
0x2e3: {  	v9 =	vld [tilespmem:s15+$0x10];
	v14, _, _ =	vpop (xrf0);
	(xrf0) =	vadd.scan.msk.s32 $0xffff, v11;
	v11 =	vbroadcast v15, $0xF  }
0x2e4: {  	v13 =	vld [tilespmem:s17+$0xFFFFFFD0];
	v15, _, _ =	vpop (xrf0)  }
0x2e5: {  	[tilespmem:s25+$0x2] =	vst.msk $0x1, v11;
	v11 =	vbroadcast v15, $0xF  }
0x2e6: {  	(xrf0) =	vadd.scan.msk.s32 $0xffff, v10;
	[tilespmem:s31+$0xFFFFFFFF] =	vst.msk $0x1, v12;
	v10 =	vbroadcast v14, $0xF;
	v12, _, _ =	vpop (xrf0)  }
0x2e7: {  	v15, _, _ =	vpop (xrf0)  }
0x2e8: {  	v14 =	vld [tilespmem:s13+$0x0];
	(xrf0) =	vadd.scan.msk.s32 $0xffff, v9;
	[tilespmem:s5+$0xFFFFFFFE] =	vst.msk $0x1, v10;
	v9, _, _ =	vpop (xrf0)  }
0x2e9: {  	(xrf0) =	vadd.scan.msk.s32 $0xffff, v13;
	v13 =	vld [tilespmem:s8+$0x30];
	v12 =	vbroadcast v12, $0xF;
	[tilespmem:s28+$0x1] =	vst.msk $0x1, v11;
	v11, _, _ =	vpop (xrf0)  }
0x2ea: {  	v10 =	vld [tilespmem:s4+$0xFFFFFFF0];
	v15 =	vbroadcast v15, $0xF;
	v16, _, _ =	vpop (xrf0)  }
0x2eb: {  	[tilespmem:s18+$0xFFFFFFFD] =	vst.msk $0x1, v12;
	v12 =	vld [tilespmem:s3+$0x20];
	v11 =	vbroadcast v11, $0xF;
	v16 =	vbroadcast v16, $0xF  }
0x2ec: {  	[tilespmem:s30+$0x0] =	vst.msk $0x1, v15;
	v15 =	vld [tilespmem:s12+$0xFFFFFFE0];
	v17, _, _ =	vpop (xrf0)  }
0x2ed: {  	(xrf0) =	vadd.scan.msk.s32 $0xffff, v14;
	v14 =	vld [tilespmem:s1+$0x10];
	[tilespmem:s0+$0xFFFFFFFF] =	vst.msk $0x1, v11;
	v11 =	vbroadcast v17, $0xF  }
0x2ee: {  	v17, _, _ =	vpop (xrf0);
	(xrf0) =	vadd.scan.msk.s32 $0xffff, v13;
	v13 =	vld [tilespmem:s2+$0x0];
	[tilespmem:s26+$0x2] =	vst.msk $0x1, v16  }
0x2ef: {  	v17 =	vbroadcast v17, $0xF;
	(xrf0) =	vadd.scan.msk.s32 $0xffff, v10;
	v18 =	vld [tilespmem:s6+$0x30];
	[tilespmem:s9+$0xFFFFFFFE] =	vst.msk $0x1, v11;
	v16, _, _ =	vpop (xrf0)  }
0x2f0: {  	(xrf0) =	vadd.scan.msk.s32 $0xffff, v12;
	v11 =	vld [tilespmem:s7+$0xFFFFFFF0];
	v10 =	vbroadcast v16, $0xF  }
0x2f1: {  	[tilespmem:s29+$0x1] =	vst.msk $0x1, v17;
	(xrf0) =	vadd.scan.msk.s32 $0xffff, v15  }
0x2f2: {  	v12 =	vld [tilespmem:s15+$0x20];
	(xrf0) =	vadd.scan.msk.s32 $0xffff, v14;
	[tilespmem:s19+$0xFFFFFFFD] =	vst.msk $0x1, v10  }
0x2f3: {  	v15, _, _ =	vpop (xrf0);
	(xrf0) =	vadd.scan.msk.s32 $0xffff, v13;
	v14 =	vld [tilespmem:s17+$0xFFFFFFE0]  }
0x2f4: {  	v10, _, _ =	vpop (xrf0);
	(xrf0) =	vadd.scan.msk.s32 $0xffff, v18  }
0x2f5: {  	v13, _, _ =	vpop (xrf0);
	(xrf0) =	vadd.scan.msk.s32 $0xffff, v11;
	v11 =	vbroadcast v15, $0xF  }
0x2f6: {  	v15, _, _ =	vpop (xrf0)  }
0x2f7: {  	(xrf0) =	vadd.scan.msk.s32 $0xffff, v12;
	v12 =	vbroadcast v13, $0xF;
	v13, _, _ =	vpop (xrf0);
	[tilespmem:s31+$0x0] =	vst.msk $0x1, v11;
	v11 =	vbroadcast v15, $0xF  }
0x2f8: {  	(xrf0) =	vadd.scan.msk.s32 $0xffff, v14;
	v14, _, _ =	vpop (xrf0)  }
0x2f9: {  	v14 =	vbroadcast v14, $0xF  }
0x2fa: {  	v15 =	vld [tilespmem:s13+$0x10];
	[tilespmem:s5+$0xFFFFFFFF] =	vst.msk $0x1, v12;
	v12 =	vbroadcast v13, $0xF;
	v13, _, _ =	vpop (xrf0)  }
0x2fb: {  	v16 =	vld [tilespmem:s4+$0x0];
	[tilespmem:s28+$0x2] =	vst.msk $0x1, v11;
	v11, _, _ =	vpop (xrf0)  }
0x2fc: {  	v17 =	vld [tilespmem:s3+$0x30];
	[tilespmem:s18+$0xFFFFFFFE] =	vst.msk $0x1, v12;
	v12 =	vbroadcast v13, $0xF;
	v13, _, _ =	vpop (xrf0)  }
0x2fd: {  	v18 =	vld [tilespmem:s12+$0xFFFFFFF0];
	[tilespmem:s30+$0x1] =	vst.msk $0x1, v14;
	v13 =	vbroadcast v13, $0xF;
	v14, _, _ =	vpop (xrf0)  }
0x2fe: {  	v19 =	vld [tilespmem:s1+$0x20];
	[tilespmem:s0+$0x0] =	vst.msk $0x1, v12;
	v12 =	vbroadcast v14, $0xF;
	v14, _, _ =	vpop (xrf0)  }
0x2ff: {  	(xrf0) =	vadd.scan.msk.s32 $0xffff, v15;
	v15 =	vld [tilespmem:s2+$0x10];
	[tilespmem:s9+$0xFFFFFFFF] =	vst.msk $0x1, v13;
	v13 =	vbroadcast v14, $0xF  }
0x300: {  	(xrf0) =	vadd.scan.msk.s32 $0xffff, v16;
	v14 =	vld [tilespmem:s7+$0x0];
	[tilespmem:s29+$0x2] =	vst.msk $0x1, v12  }
0x301: {  	(xrf0) =	vadd.scan.msk.s32 $0xffff, v17;
	v12 =	vld [tilespmem:s15+$0x30];
	[tilespmem:s19+$0xFFFFFFFE] =	vst.msk $0x1, v13  }
0x302: {  	(xrf0) =	vadd.scan.msk.s32 $0xffff, v18;
	v13 =	vld [tilespmem:s17+$0xFFFFFFF0]  }
0x303: {  	(xrf0) =	vadd.scan.msk.s32 $0xffff, v19  }
0x304: {  	(xrf0) =	vadd.scan.msk.s32 $0xffff, v15  }
0x305: {  	v15, _, _ =	vpop (xrf0);
	(xrf0) =	vadd.scan.msk.s32 $0xffff, v14  }
0x306: {  	v14, _, _ =	vpop (xrf0);
	(xrf0) =	vadd.scan.msk.s32 $0xffff, v12  }
0x307: {  	v12, _, _ =	vpop (xrf0);
	(xrf0) =	vadd.scan.msk.s32 $0xffff, v13  }
0x308: {  	v13 =	vbroadcast v15, $0xF;
	v15, _, _ =	vpop (xrf0)  }
0x309: {  	v14 =	vbroadcast v14, $0xF;
	v16, _, _ =	vpop (xrf0)  }
0x30a: {  	[tilespmem:s31+$0x1] =	vst.msk $0x1, v13;
	v13 =	vbroadcast v15, $0xF;
	v15, _, _ =	vpop (xrf0)  }
0x30b: {  	[tilespmem:s5+$0x0] =	vst.msk $0x1, v14;
	v14 =	vbroadcast v16, $0xF;
	v17 =	vld [tilespmem:s13+$0x20];
	v16, _, _ =	vpop (xrf0)  }
0x30c: {  	v18 =	vld [tilespmem:s4+$0x10];
	[tilespmem:s18+$0xFFFFFFFF] =	vst.msk $0x1, v13;
	v13 =	vbroadcast v15, $0xF;
	v15, _, _ =	vpop (xrf0)  }
0x30d: {  	[tilespmem:s30+$0x2] =	vst.msk $0x1, v14;
	v19 =	vld [tilespmem:s12+$0x0];
	v14 =	vbroadcast v16, $0xF;
	v16, _, _ =	vpop (xrf0)  }
0x30e: {  	v20 =	vld [tilespmem:s1+$0x30];
	[tilespmem:s0+$0x1] =	vst.msk $0x1, v13;
	v13 =	vbroadcast v16, $0xF  }
0x30f: {  	v16 =	vld [tilespmem:s2+$0x20];
	[tilespmem:s9+$0x0] =	vst.msk $0x1, v14  }
0x310: {  	(xrf0) =	vadd.scan.msk.s32 $0xffff, v17;
	v14 =	vld [tilespmem:s7+$0x10];
	[tilespmem:s19+$0xFFFFFFFF] =	vst.msk $0x1, v13  }
0x311: {  	(xrf0) =	vadd.scan.msk.s32 $0xffff, v18;
	v13 =	vld [tilespmem:s17+$0x0]  }
0x312: {  	(xrf0) =	vadd.scan.msk.s32 $0xffff, v19  }
0x313: {  	(xrf0) =	vadd.scan.msk.s32 $0xffff, v20  }
0x314: {  	(xrf0) =	vadd.scan.msk.s32 $0xffff, v16  }
0x315: {  	(xrf0) =	vadd.scan.msk.s32 $0xffff, v14  }
0x316: {  	v14, _, _ =	vpop (xrf0);
	(xrf0) =	vadd.scan.msk.s32 $0xffff, v13  }
0x317: {  	v13, _, _ =	vpop (xrf0)  }
0x318: {  	v14 =	vbroadcast v14, $0xF;
	v16, _, _ =	vpop (xrf0)  }
0x319: {  	v13 =	vbroadcast v13, $0xF;
	v17, _, _ =	vpop (xrf0)  }
0x31a: {  	[tilespmem:s31+$0x2] =	vst.msk $0x1, v14;
	v14 =	vbroadcast v16, $0xF;
	v16, _, _ =	vpop (xrf0)  }
0x31b: {  	v18 =	vld [tilespmem:s13+$0x30];
	[tilespmem:s5+$0x1] =	vst.msk $0x1, v13;
	v13 =	vbroadcast v16, $0xF;
	v16, _, _ =	vpop (xrf0)  }
0x31c: {  	v19 =	vld [tilespmem:s4+$0x20];
	[tilespmem:s18+$0x0] =	vst.msk $0x1, v14;
	v14 =	vbroadcast v16, $0xF;
	v16, _, _ =	vpop (xrf0)  }
0x31d: {  	v61 =	vld [tilespmem:s12+$0x10];
	[tilespmem:s0+$0x2] =	vst.msk $0x1, v13;
	v13 =	vbroadcast v16, $0xF  }
0x31e: {  	v16 =	vld [tilespmem:s2+$0x30];
	[tilespmem:s9+$0x1] =	vst.msk $0x1, v14  }
0x31f: {  	v14 =	vld [tilespmem:s7+$0x20];
	[tilespmem:s19+$0x0] =	vst.msk $0x1, v13  }
0x320: {  	(xrf0) =	vadd.scan.msk.s32 $0xffff, v18;
	v13 =	vld [tilespmem:s17+$0x10]  }
0x321: {  	(xrf0) =	vadd.scan.msk.s32 $0xffff, v19  }
0x322: {  	(xrf0) =	vadd.scan.msk.s32 $0xffff, v61  }
0x323: {  	(xrf0) =	vadd.scan.msk.s32 $0xffff, v16  }
0x324: {  	(xrf0) =	vadd.scan.msk.s32 $0xffff, v14  }
0x325: {  	(xrf0) =	vadd.scan.msk.s32 $0xffff, v13  }
0x326: {  	v13, _, _ =	vpop (xrf0)  }
0x327: {  	v14, _, _ =	vpop (xrf0)  }
0x328: {  	v16, _, _ =	vpop (xrf0)  }
0x329: {  	v14 =	vbroadcast v14, $0xF;
	v18, _, _ =	vpop (xrf0)  }
0x32a: {  	v16 =	vbroadcast v16, $0xF;
	v19, _, _ =	vpop (xrf0)  }
0x32b: {  	[tilespmem:s5+$0x2] =	vst.msk $0x1, v14;
	v14 =	vbroadcast v19, $0xF;
	v19, _, _ =	vpop (xrf0)  }
0x32c: {  	v62 =	vld [tilespmem:s4+$0x30];
	[tilespmem:s18+$0x1] =	vst.msk $0x1, v16;
	v16 =	vbroadcast v19, $0xF  }
0x32d: {  	v19 =	vld [tilespmem:s12+$0x20];
	[tilespmem:s9+$0x2] =	vst.msk $0x1, v14  }
0x32e: {  	v14 =	vld [tilespmem:s7+$0x30];
	[tilespmem:s19+$0x1] =	vst.msk $0x1, v16  }
0x32f: {  	v16 =	vld [tilespmem:s17+$0x20];
	_ =	sdelay $0x1  }
0x330: {  	(xrf0) =	vadd.scan.msk.s32 $0xffff, v62  }
0x331: {  	(xrf0) =	vadd.scan.msk.s32 $0xffff, v19  }
0x332: {  	(xrf0) =	vadd.scan.msk.s32 $0xffff, v14  }
0x333: {  	(xrf0) =	vadd.scan.msk.s32 $0xffff, v16;
	_ =	sdelay $0x2  }
0x334: {  	v14, _, _ =	vpop (xrf0)  }
0x335: {  	v16, _, _ =	vpop (xrf0)  }
0x336: {  	v19, _, _ =	vpop (xrf0)  }
0x337: {  	v16 =	vbroadcast v16, $0xF;
	v63, _, _ =	vpop (xrf0)  }
0x338: {  	v20 =	vbroadcast v63, $0xF  }
0x339: {  	[tilespmem:s18+$0x2] =	vst.msk $0x1, v16  }
0x33a: {  	v16 =	vld [tilespmem:s12+$0x30];
	[tilespmem:s19+$0x2] =	vst.msk $0x1, v20  }
0x33b: {  	v8 =	vbroadcast v8, $0xF;
	v20 =	vld [tilespmem:s17+$0x30]  }
0x33c: {  	v9 =	vbroadcast v9, $0xF  }
0x33d: {  	[tilespmem:s23+$0x3] =	vst.msk $0x1, v8;
	v8 =	vbroadcast v10, $0xF  }
0x33e: {  	[tilespmem:s24+$0x3] =	vst.msk $0x1, v9;
	v9 =	vbroadcast v11, $0xF  }
0x33f: {  	[tilespmem:s25+$0x3] =	vst.msk $0x1, v8;
	v8 =	vbroadcast v12, $0xF;
	(xrf0) =	vadd.scan.msk.s32 $0xffff, v16  }
0x340: {  	[tilespmem:s26+$0x3] =	vst.msk $0x1, v9;
	v9 =	vbroadcast v15, $0xF;
	(xrf0) =	vadd.scan.msk.s32 $0xffff, v20  }
0x341: {  	[tilespmem:s28+$0x3] =	vst.msk $0x1, v8;
	v8 =	vbroadcast v17, $0xF  }
0x342: {  	[tilespmem:s29+$0x3] =	vst.msk $0x1, v9;
	v9 =	vbroadcast v13, $0xF  }
0x343: {  	[tilespmem:s30+$0x3] =	vst.msk $0x1, v8;
	v8 =	vbroadcast v18, $0xF  }
0x344: {  	[tilespmem:s31+$0x3] =	vst.msk $0x1, v9;
	v9 =	vbroadcast v14, $0xF  }
0x345: {  	[tilespmem:s0+$0x3] =	vst.msk $0x1, v8;
	v8 =	vbroadcast v19, $0xF;
	v10, _, _ =	vpop (xrf0)  }
0x346: {  	[tilespmem:s5+$0x3] =	vst.msk $0x1, v9;
	v9 =	vbroadcast v10, $0xF;
	v10, _, _ =	vpop (xrf0)  }
0x347: {  	[tilespmem:s9+$0x3] =	vst.msk $0x1, v8;
	v8 =	vbroadcast v10, $0xF  }
0x348: {  	s9 =	ssub.s32 $0x10, s22  }
0x349: {  	[tilespmem:s19+$0x3] =	vst.msk $0x1, v8;
	v8 =	vmov s9  }
0x34a: {  	v6 =	vsub.s32 v7, v6;
	vm0 =	veq.s32 v8, v0  }
0x34b: {  	v6 =	vnsel vm0, $0x0, v6  }
0x34c: {  	(xrf0) =	vadd.scan.msk.s32 $0xffff, v6;
	_ =	sdelay $0x5  }
0x34d: {  	v6, _, _ =	vpop (xrf0)  }
0x34e: {  	s11 =	simm.s32 $0x190F0;
	[tilespmem:s18+$0x3] =	vst.msk $0x1, v9;
	(v2sf) =	vpush v6, $0xF  }
0x34f: {  	v7 =	vld [tilespmem:s11+$0x0];
	_ =	sdelay $0x2  }
0x350: {  	s12 =	simm.s32 $0x190E0  }
0x351: {  	v8 =	vld [tilespmem:s12+$0x0]  }
0x352: {  	v7 =	vperm.xlane v7, v4;
	_ =	sdelay $0x1  }
0x353: {  	(xrf0) =	vadd.scan.msk.s32 $0xffff, v7;
	_ =	sdelay $0x1  }
0x354: {  	v10 =	vperm.xlane v8, v4;
	_ =	sdelay $0x1  }
0x355: {  	(xrf0) =	vadd.scan.msk.s32 $0xffff, v10;
	_ =	sdelay $0x1  }
0x356: {  	v8, _, _ =	vpop (xrf0)  }
0x357: {  	(v2sf) =	vpush v8, $0xF;
	s10 =	spop (v2sf)  }
0x358: {  	s13 =	simm.s32 $0x190D0;
	s0 =	simm.s32 $0x0;
	s22 =	ssub.s32 $0x800, s10  }
0x359: {  	v9 =	vld [tilespmem:s13+$0x0];
	v11 =	vadd.s32 s0, v8;
	v6 =	vmov s22  }
0x35a: {  	v8, _, _ =	vpop (xrf0);
	vm7 =	vge.s32 v11, v6  }
0x35b: {  	(v2sf) =	vpush v8, $0xF;
	v12 =	vsel vm7, $0x1, v1  }
0x35c: {  	(xrf0) =	vadd.scan.msk.s32 $0xffff, v12;
	_ =	sdelay $0x1  }
0x35d: {  	v13 =	vperm.xlane v9, v4;
	_ =	sdelay $0x1  }
0x35e: {  	(xrf0) =	vadd.scan.msk.s32 $0xffff, v13;
	_ =	sdelay $0x1  }
0x35f: {  	v9, _, _ =	vpop (xrf0)  }
0x360: {  	(v2sf) =	vpush v9, $0xF;
	_ =	sdelay $0x2  }
0x361: {  	s15 =	simm.s32 $0x190C0;
	s16 =	spop (v2sf);
	v9, _, _ =	vpop (xrf0)  }
0x362: {  	v12 =	vld [tilespmem:s15+$0x0];
	s1 =	sadd.s32 $0x0, s16;
	(v2sf) =	vpush v9, $0xF  }
0x363: {  	v14 =	vadd.s32 s1, v8  }
0x364: {  	vm8 =	vge.s32 v14, v6  }
0x365: {  	s17 =	spop (v2sf);
	v15 =	vsel vm8, $0x1, v1  }
0x366: {  	s1 =	sadd.s32 s1, s17;
	(xrf0) =	vadd.scan.msk.s32 $0xffff, v15  }
0x367: {  	v8 =	vperm.xlane v12, v4;
	v15 =	vadd.s32 s1, v9  }
0x368: {  	vm9 =	vge.s32 v15, v6  }
0x369: {  	(xrf0) =	vadd.scan.msk.s32 $0xffff, v8;
	v12 =	vsel vm9, $0x1, v1  }
0x36a: {  	s18 =	simm.s32 $0x190B0  }
0x36b: {  	v9 =	vld [tilespmem:s18+$0x0]  }
0x36c: {  	(xrf0) =	vadd.scan.msk.s32 $0xffff, v12;
	v12, _, _ =	vpop (xrf0)  }
0x36d: {  	(v2sf) =	vpush v12, $0xF;
	s19 =	spop (v2sf)  }
0x36e: {  	s23 =	ssub.s32 $0x10, s19  }
0x36f: {  	v12, _, _ =	vpop (xrf0);
	v16 =	vmov s23  }
0x370: {  	v9 =	vperm.xlane v9, v4;
	(v2sf) =	vpush v12, $0xF  }
0x371: {  	s24 =	spop (v2sf)  }
0x372: {  	(xrf0) =	vadd.scan.msk.s32 $0xffff, v9;
	s1 =	sadd.s32 s1, s24;
	vm10 =	veq.s32 v16, v0;
	v16, _, _ =	vpop (xrf0)  }
0x373: {  	v7 =	vsub.s32 v11, v7;
	v11 =	vadd.s32 s1, v12;
	(v2sf) =	vpush v16, $0xF  }
0x374: {  	v7 =	vnsel vm10, $0x0, v7;
	vm11 =	vge.s32 v11, v6  }
0x375: {  	s25 =	simm.s32 $0x190A0;
	(xrf0) =	vadd.scan.msk.s32 $0xffff, v7;
	v7 =	vsel vm11, $0x1, v1  }
0x376: {  	(xrf0) =	vadd.scan.msk.s32 $0xffff, v7;
	v7 =	vld [tilespmem:s25+$0x0];
	_ =	sdelay $0x1  }
0x377: {  	v12, _, _ =	vpop (xrf0)  }
0x378: {  	(v2sf) =	vpush v12, $0xF;
	_ =	sdelay $0x1  }
0x379: {  	v7 =	vperm.xlane v7, v4  }
0x37a: {  	s5 =	spop (v2sf);
	v16, _, _ =	vpop (xrf0)  }
0x37b: {  	s26 =	simm.s32 $0x19090;
	s28 =	ssub.s32 $0x10, s5;
	(v2sf) =	vpush v16, $0xF;
	v16, _, _ =	vpop (xrf0);
	(xrf0) =	vadd.scan.msk.s32 $0xffff, v7  }
0x37c: {  	v17 =	vmov s28;
	(v2sf) =	vpush v16, $0xF;
	v16 =	vld [tilespmem:s26+$0x0]  }
0x37d: {  	v10 =	vsub.s32 v14, v10;
	s29 =	spop (v2sf);
	vm12 =	veq.s32 v17, v0  }
0x37e: {  	s4 =	sadd.s32 s1, s29;
	v10 =	vnsel vm12, $0x0, v10  }
0x37f: {  	v12 =	vadd.s32 s4, v12;
	(xrf0) =	vadd.scan.msk.s32 $0xffff, v10  }
0x380: {  	vm13 =	vge.s32 v12, v6;
	s8 =	spop (v2sf)  }
0x381: {  	v13 =	vsub.s32 v15, v13;
	v14 =	vsel vm13, $0x1, v1;
	v10 =	vperm.xlane v16, v4;
	v15, _, _ =	vpop (xrf0);
	s30 =	ssub.s32 $0x10, s8  }
0x382: {  	(xrf0) =	vadd.scan.msk.s32 $0xffff, v14;
	(v2sf) =	vpush v15, $0xF;
	v16 =	vmov s30  }
0x383: {  	(xrf0) =	vadd.scan.msk.s32 $0xffff, v10;
	_ =	sdelay $0x1  }
0x384: {  	vm14 =	veq.s32 v16, v0;
	v16, _, _ =	vpop (xrf0)  }
0x385: {  	s31 =	spop (v2sf);
	(v2sf) =	vpush v16, $0xF  }
0x386: {  	s10 =	simm.s32 $0x19080;
	s15 =	sadd.s32 s4, s31;
	v13 =	vnsel vm14, $0x0, v13  }
0x387: {  	p0 =	por $0x0, $0x0;
	v14 =	vld [tilespmem:s10+$0x0];
	(xrf0) =	vadd.scan.msk.s32 $0xffff, v13;
	v13 =	vadd.s32 s15, v15;
	v15, _, _ =	vpop (xrf0)  }
0x388: {  	p2 =	por !p0, !p0;
	p1 =	sgt.s32 s19, $0x0;
	(v2sf) =	vpush v15, $0xF;
	v15, _, _ =	vpop (xrf0)  }
0x389: {  	s6 =	simm.s32 $0x7F;
	p2 =	por !p1, !p2;
	vm15 =	vge.s32 v13, v6;
	(v2sf) =	vpush v15, $0xF  }
0x38a: {  	s2 =	simm.s32 $0x0;
	s9 =	sadd.s32 $0xEF, s19;
	p2 =	por !p2, !p2;
	v16 =	vsel vm15, $0x1, v1  }
0x38b: {  	s3 =	simm.s32 $0x9F;
	s2 =	smov.u32 @p2 s9;
	s7 =	sadd.s32 $0xDF, s5;
	(xrf0) =	vadd.scan.msk.s32 $0xffff, v16  }
0x38c: {  	s1 =	simm.s32 $0xAF;
	v14 =	vperm.xlane v14, v4;
	s9 =	sadd.s32 $0xCF, s8;
	s11 =	spop (v2sf)  }
0x38d: {  	s4 =	simm.s32 $0x8F;
	s0 =	smov.u32 @p2 s11;
	s13 =	spop (v2sf)  }
0x38e: {  	s11 =	simm.s32 $0x6F;
	s16 =	ssub.s32 $0x10, s13;
	s12 =	sadd.s32 $0xBF, s13;
	(xrf0) =	vadd.scan.msk.s32 $0xffff, v14;
	v16, _, _ =	vpop (xrf0)  }
.LBB2_16:
0x38f: {  	p2 =	sne.s32 s11, $0xFFFFFFFF;
	v17 =	vmov s16;
	(v2sf) =	vpush v16, $0xF;
	s17 =	smov.u32 s1;
	s1 =	smov.u32 s3  }
0x390: {  	s10 =	sadd.s32 $0xFFFFFFF0, s10;
	v16 =	vsub.s32 v11, v8;
	v11 =	vmovc v12;
	v12 =	vmovc v13;
	v8 =	vmov v9;
	s3 =	smov.u32 s4;
	s16 =	spop (v2sf);
	vm0 =	veq.s32 v17, v0  }
0x391: {  	p0 =	por p0, p1;
	v9 =	vmov v7;
	v7 =	vmov v10;
	s4 =	smov.u32 s6;
	v17 =	vld [tilespmem:s10+$0x0];
	s15 =	sadd.s32 s15, s16;
	v18, _, _ =	vpop (xrf0);
	v16 =	vnsel vm0, $0x0, v16  }
0x392: {  	p1 =	sgt.s32 s5, $0x0;
	v10 =	vmovc v14;
	s5 =	smov.u32 s8;
	p3 =	por !p0, !p0;
	v13 =	vadd.s32 s15, v15;
	(v2sf) =	vpush v18, $0xF;
	(xrf0) =	vadd.scan.msk.s32 $0xffff, v16  }
0x393: {  	s8 =	smov.u32 s13;
	s6 =	smov.u32 s11;
	p3 =	por !p1, !p3;
	vm0 =	vge.s32 v13, v6  }
.Ltmp9:
0x394: {  	p3 =	por !p3, !p3;
	v15, _, _ =	vpop (xrf0);
	v14 =	vsel vm0, $0x1, v1;
	s13 =	spop (v2sf);
	(pc) =	sbr.rel @p2 .LBB2_16-.Ltmp9, $4  }
0x395: {  	s2 =	smov.u32 @p3 s7;
	s7 =	smov.u32 s9;
	(v2sf) =	vpush v15, $0xF;
	(xrf0) =	vadd.scan.msk.s32 $0xffff, v14;
	s0 =	smov.u32 @p3 s13  }
0x396: {  	s9 =	smov.u32 s12;
	v14 =	vperm.xlane v17, v4  }
0x397: {  	s13 =	spop (v2sf)  }
0x398: {  	s11 =	sadd.s32 $0xFFFFFFF0, s11;
	(xrf0) =	vadd.scan.msk.s32 $0xffff, v14;
	s16 =	ssub.s32 $0x10, s13;
	s12 =	sadd.s32 s17, s13;
	v16, _, _ =	vpop (xrf0)  }
0x399: {  	_ =	sdelay $0x7  }
0x39a: {  	s10 =	spop (v2sf)  }
0x39b: {  	s11 =	sadd.s32 s15, s10;
	s10 =	spop (v2sf)  }
0x39c: {  	v17 =	vmov s16;
	v15 =	vadd.s32 s11, v15;
	s26 =	spop (v2sf)  }
0x39d: {  	v8 =	vsub.s32 v11, v8;
	vm0 =	veq.s32 v17, v0;
	v59, _, _ =	vpop (xrf0);
	vm1 =	vge.s32 v15, v6;
	s28 =	ssub.s32 $0x10, s26;
	s17 =	spop (v2sf)  }
0x39e: {  	v8 =	vnsel vm0, $0x0, v8;
	v18 =	vsel vm1, $0x1, v1;
	v60, _, _ =	vpop (xrf0);
	v19 =	vmov s28;
	s11 =	sadd.s32 s11, s17  }
0x39f: {  	(xrf0) =	vadd.scan.msk.s32 $0xffff, v8;
	v8 =	vsub.s32 v12, v9;
	vm11 =	veq.s32 v19, v0;
	v61 =	vadd.s32 s11, v60  }
0x3a0: {  	(xrf0) =	vadd.scan.msk.s32 $0xffff, v18;
	v8 =	vnsel vm11, $0x0, v8;
	vm12 =	vge.s32 v61, v6  }
0x3a1: {  	(xrf0) =	vadd.scan.msk.s32 $0xffff, v8;
	v8 =	vsel vm12, $0x1, v1  }
0x3a2: {  	(xrf0) =	vadd.scan.msk.s32 $0xffff, v8  }
0x3a3: {  	(v2sf) =	vpush v16, $0xF  }
0x3a4: {  	(v2sf) =	vpush v59, $0xF  }
0x3a5: {  	(v2sf) =	vpush v60, $0xF;
	v8, _, _ =	vpop (xrf0)  }
0x3a6: {  	(v2sf) =	vpush v8, $0xF;
	v8, _, _ =	vpop (xrf0)  }
0x3a7: {  	(v2sf) =	vpush v8, $0xF;
	v8, _, _ =	vpop (xrf0)  }
0x3a8: {  	(v2sf) =	vpush v8, $0xF;
	v8, _, _ =	vpop (xrf0)  }
0x3a9: {  	(v2sf) =	vpush v8, $0xF;
	_ =	sdelay $0x8  }
0x3aa: {  	s11 =	spop (v2sf)  }
0x3ab: {  	s19 =	spop (v2sf)  }
0x3ac: {  	s29 =	spop (v2sf)  }
0x3ad: {  	s16 =	spop (v2sf)  }
0x3ae: {  	s18 =	spop (v2sf)  }
0x3af: {  	s24 =	ssub.s32 $0x10, s19;
	s17 =	spop (v2sf)  }
0x3b0: {  	v7 =	vsub.s32 v13, v7;
	v8 =	vmov s24;
	s25 =	ssub.s32 $0x10, s18;
	s23 =	spop (v2sf)  }
0x3b1: {  	vm13 =	veq.s32 v8, v0;
	v8 =	vsub.s32 v15, v10;
	v62 =	vmov s25;
	s30 =	ssub.s32 $0x10, s23  }
0x3b2: {  	v7 =	vnsel vm13, $0x0, v7;
	vm14 =	veq.s32 v62, v0;
	v63 =	vmov s30  }
0x3b3: {  	(xrf0) =	vadd.scan.msk.s32 $0xffff, v7;
	v7 =	vnsel vm14, $0x0, v8;
	v8 =	vsub.s32 v61, v14;
	vm15 =	veq.s32 v63, v0  }
0x3b4: {  	p2 =	sgt.s32 s5, $0x0;
	p3 =	sgt.s32 s8, $0x0;
	p0 =	por p0, p1;
	(xrf0) =	vadd.scan.msk.s32 $0xffff, v7;
	v7 =	vnsel vm15, $0x0, v8  }
0x3b5: {  	p4 =	sgt.s32 s13, $0x0;
	p1 =	por !p0, !p0;
	p0 =	por p0, p2;
	(xrf0) =	vadd.scan.msk.s32 $0xffff, v7  }
0x3b6: {  	p1 =	por !p2, !p1;
	p6 =	por !p0, !p0;
	p5 =	por p0, p3  }
0x3b7: {  	p0 =	por !p1, !p1;
	p2 =	por !p3, !p6;
	p6 =	por !p5, !p5  }
0x3b8: {  	s5 =	simm.s32 @!p0 $0x0;
	p1 =	por !p4, !p6;
	p2 =	por !p2, !p2  }
0x3b9: {  	s5 =	simm.s32 @p0 $0x1;
	p0 =	por p5, p4;
	p1 =	por !p1, !p1;
	v7, _, _ =	vpop (xrf0)  }
0x3ba: {  	[smem:$0x7FA] =	sst s5;
	p5 =	por !p0, !p0;
	p4 =	sgt.s32 s26, $0x0;
	(v2sf) =	vpush v7, $0xF;
	v7, _, _ =	vpop (xrf0)  }
0x3bb: {  	s5 =	sld [smem:$0x7FA];
	p6 =	por p0, p4;
	p0 =	sgt.s32 s19, $0x0;
	(v2sf) =	vpush v7, $0xF;
	v7, _, _ =	vpop (xrf0)  }
0x3bc: {  	p3 =	por !p4, !p5;
	p5 =	por !p6, !p6;
	p6 =	por p6, p0;
	(v2sf) =	vpush v7, $0xF  }
0x3bd: {  	p5 =	por !p0, !p5;
	p4 =	por !p6, !p6;
	p0 =	sgt.s32 s18, $0x0  }
0x3be: {  	p4 =	por !p0, !p4;
	p0 =	por p6, p0;
	p6 =	seq.s32 s5, $0x1  }
0x3bf: {  	s31 =	sld [smem:$0x7FA];
	s1 =	sadd.s32 s1, s26;
	s2 =	smov.u32 @p6 s7  }
0x3c0: {  	p3 =	por !p3, !p3;
	s3 =	sadd.s32 s3, s19;
	s2 =	smov.u32 @p2 s9  }
0x3c1: {  	p5 =	por !p5, !p5;
	p0 =	por !p0, !p0;
	s2 =	smov.u32 @p1 s12  }
0x3c2: {  	p4 =	por !p4, !p4;
	p6 =	sgt.s32 s23, $0x0;
	s2 =	smov.u32 @p3 s1  }
0x3c3: {  	p0 =	por !p6, !p0;
	s1 =	sadd.s32 s4, s18;
	s2 =	smov.u32 @p5 s3  }
0x3c4: {  	p0 =	por !p0, !p0;
	s3 =	sadd.s32 s6, s23;
	s2 =	smov.u32 @p4 s1  }
0x3c5: {  	p6 =	seq.s32 s31, $0x1;
	s2 =	smov.u32 @p0 s3  }
0x3c6: {  	s0 =	smov.u32 @p6 s10;
	s2 =	sshll.u32 s2, $0x4  }
0x3c7: {  	s0 =	smov.u32 @p2 s11;
	v7 =	vld [tilespmem:s2+$0x18000]  }
0x3c8: {  	s0 =	smov.u32 @p1 s16  }
0x3c9: {  	s0 =	smov.u32 @p3 s17;
	s1 =	spop (v2sf)  }
0x3ca: {  	s0 =	smov.u32 @p5 s1;
	s1 =	spop (v2sf)  }
0x3cb: {  	s0 =	smov.u32 @p4 s1;
	s1 =	spop (v2sf)  }
0x3cc: {  	v7 =	vperm.xlane v7, v4;
	s0 =	smov.u32 @p0 s1;
	s1 =	simm.s32 $0x0;
	p0 =	por $0x1, $0x1  }
.LBB2_18:
0x3cd: {  	[tilespmem:s1+$0x18000] =	vst v1  }
0x3ce: {  	[tilespmem:s1+$0x18010] =	vst v1  }
0x3cf: {  	[tilespmem:s1+$0x18020] =	vst v1;
	p1 =	por p0, p0  }
.Ltmp10:
0x3d0: {  	[tilespmem:s1+$0x18030] =	vst v1;
	(pc) =	sbr.rel @p1 .LBB2_18-.Ltmp10, $4  }
0x3d1: {  	[tilespmem:s1+$0x18040] =	vst v1  }
0x3d2: {  	[tilespmem:s1+$0x18050] =	vst v1  }
0x3d3: {  	[tilespmem:s1+$0x18060] =	vst v1  }
0x3d4: {  	[tilespmem:s1+$0x18070] =	vst v1;
	s1 =	simm.s32 $0x80;
	p0 =	por $0x0, $0x0  }
0x3d5: {  	(xrf0) =	vadd.scan.msk.s32 $0xffff, v7;
	_ =	sdelay $0x5  }
0x3d6: {  	v8, _, _ =	vpop (xrf0)  }
0x3d7: {  	v8 =	vadd.s32 s0, v8  }
0x3d8: {  	vm0 =	vge.s32 v8, v6  }
0x3d9: {  	v6 =	vsel vm0, $0x1, v1  }
0x3da: {  	(xrf0) =	vadd.scan.msk.s32 $0xffff, v6;
	_ =	sdelay $0x5  }
0x3db: {  	v6, _, _ =	vpop (xrf0)  }
0x3dc: {  	(v2sf) =	vpush v6, $0xF;
	_ =	sdelay $0x9  }
0x3dd: {  	s31 =	simm.s32 $0x40  }
0x3de: {  	v12 =	vld [tilespmem:s31+$0x20]  }
0x3df: {  	v9 =	vld [tilespmem:s31+$0xFFFFFFE0]  }
0x3e0: {  	v13 =	vld [tilespmem:s31+$0xFFFFFFC0]  }
0x3e1: {  	v10 =	vld [tilespmem:s31+$0xFFFFFFF0]  }
0x3e2: {  	v18 =	vld [tilespmem:s31+$0x0];
	s1 =	spop (v2sf)  }
0x3e3: {  	v11 =	vshra.s32 v12, $0x1F;
	s29 =	sadd.s32 s1, s2  }
0x3e4: {  	s30 =	sshll.u32 s21, $0xC;
	v14 =	vld [tilespmem:s31+$0x30];
	v15 =	vor.u32 $0x80000000, v11;
	s0 =	sadd.s32 $0xFFFFFFFF, s29  }
0x3e5: {  	v16 =	vshra.s32 v13, $0x1F;
	v11 =	vld [tilespmem:s31+$0x10];
	v15 =	vxor.u32 v12, v15;
	s2 =	sor.u32 s30, s0  }
0x3e6: {  	v17 =	vshra.s32 v10, $0x1F;
	v19 =	vshrl.u32 v15, $0x8;
	v6 =	vmov s2  }
0x3e7: {  	v20 =	vshra.s32 v9, $0x1F;
	v21 =	vshra.s32 v18, $0x1F;
	v12 =	vld [tilespmem:s31+$0xFFFFFFD0];
	vm1 =	veq.s32 v19, v6  }
0x3e8: {  	v16 =	vor.u32 $0x80000000, v16;
	v17 =	vor.u32 $0x80000000, v17;
	v22 =	vand.u32 $0xFF, v15  }
0x3e9: {  	v13 =	vxor.u32 v13, v16;
	v16 =	vor.u32 $0x80000000, v20;
	v19 =	vshra.s32 v14, $0x1F  }
0x3ea: {  	v20 =	vshrl.u32 v13, $0x8;
	v15 =	vshra.s32 v11, $0x1F;
	v19 =	vor.u32 $0x80000000, v19  }
0x3eb: {  	vm0 =	veq.s32 v20, v6;
	v20 =	vor.u32 $0x80000000, v21;
	v19 =	vxor.u32 v14, v19  }
0x3ec: {  	v21 =	vshra.s32 v12, $0x1F;
	v14 =	vxor.u32 v18, v20;
	v23 =	vshrl.u32 v19, $0x8  }
0x3ed: {  	s3 =	simm.s32 $0xC0;
	s2 =	simm.s32 $0x0;
	v18 =	vor.u32 $0x80000000, v21;
	v20 =	vshrl.u32 v14, $0x8;
	[tilespmem:v22+s14+$0x0] =	vst.idx.add.s32.msk vm1, v3;
	vm1 =	veq.s32 v23, v6  }
.LBB2_20:
0x3ee: {  	v21 =	vld [tilespmem:s3+$0x20];
	s2 =	sadd.s32 $0x80, s2;
	v16 =	vxor.u32 v9, v16;
	v17 =	vxor.u32 v10, v17;
	v19 =	vand.u32 $0xFF, v19  }
0x3ef: {  	v15 =	vor.u32 $0x80000000, v15;
	v9 =	vld [tilespmem:s3+$0xFFFFFFE0];
	p0 =	slt.u32 s2, $0x7F80;
	v10 =	vshrl.u32 v16, $0x8;
	v22 =	vshrl.u32 v17, $0x8  }
0x3f0: {  	v13 =	vand.u32 $0xFF, v13;
	v11 =	vxor.u32 v11, v15;
	v23 =	vld [tilespmem:s3+$0xFFFFFFC0];
	vm2 =	veq.s32 v10, v6  }
0x3f1: {  	v12 =	vxor.u32 v12, v18;
	vm4 =	veq.s32 v20, v6;
	v15 =	vshrl.u32 v11, $0x8;
	v10 =	vld [tilespmem:s3+$0xFFFFFFF0]  }
0x3f2: {  	v14 =	vand.u32 $0xFF, v14;
	v20 =	vand.u32 $0xFF, v12;
	v24 =	vand.u32 $0xFF, v16;
	v18 =	vld [tilespmem:s3+$0x30]  }
0x3f3: {  	vm5 =	veq.s32 v15, v6;
	v15 =	vand.u32 $0xFF, v11;
	v25 =	vld [tilespmem:s3+$0x0];
	v16 =	vshra.s32 v21, $0x1F  }
0x3f4: {  	v26 =	vshrl.u32 v12, $0x8;
	vm3 =	veq.s32 v22, v6;
	v11 =	vld [tilespmem:s3+$0x10];
	v16 =	vor.u32 $0x80000000, v16  }
0x3f5: {  	vm6 =	veq.s32 v26, v6;
	v12 =	vld [tilespmem:s3+$0xFFFFFFD0];
	v16 =	vxor.u32 v21, v16;
	v21 =	vand.u32 $0xFF, v17  }
0x3f6: {  	v17 =	vshra.s32 v23, $0x1F;
	v22 =	vshra.s32 v10, $0x1F;
	v26 =	vshrl.u32 v16, $0x8;
	[tilespmem:v13+s14+$0x0] =	vst.idx.add.s32.msk vm0, v3  }
0x3f7: {  	v27 =	vshra.s32 v9, $0x1F;
	vm7 =	veq.s32 v26, v6;
	v26 =	vshra.s32 v18, $0x1F;
	[tilespmem:v14+s14+$0x0] =	vst.idx.add.s32.msk vm4, v3  }
0x3f8: {  	v13 =	vor.u32 $0x80000000, v17;
	v28 =	vand.u32 $0xFF, v16;
	v14 =	vshra.s32 v25, $0x1F;
	[tilespmem:v19+s14+$0x0] =	vst.idx.add.s32.msk vm1, v3  }
.Ltmp11:
0x3f9: {  	v16 =	vor.u32 $0x80000000, v27;
	v13 =	vxor.u32 v23, v13;
	v17 =	vor.u32 $0x80000000, v22;
	[tilespmem:v15+s14+$0x0] =	vst.idx.add.s32.msk vm5, v3;
	(pc) =	sbr.rel @p0 .LBB2_20-.Ltmp11, $4  }
0x3fa: {  	v19 =	vshrl.u32 v13, $0x8;
	v22 =	vor.u32 $0x80000000, v26;
	v15 =	vshra.s32 v11, $0x1F;
	[tilespmem:v24+s14+$0x0] =	vst.idx.add.s32.msk vm2, v3  }
0x3fb: {  	vm0 =	veq.s32 v19, v6;
	v14 =	vor.u32 $0x80000000, v14;
	v19 =	vxor.u32 v18, v22;
	[tilespmem:v20+s14+$0x0] =	vst.idx.add.s32.msk vm6, v3  }
0x3fc: {  	v18 =	vshra.s32 v12, $0x1F;
	v14 =	vxor.u32 v25, v14;
	v22 =	vshrl.u32 v19, $0x8;
	[tilespmem:v21+s14+$0x0] =	vst.idx.add.s32.msk vm3, v3  }
0x3fd: {  	s3 =	sadd.s32 $0x80, s3;
	v18 =	vor.u32 $0x80000000, v18;
	v20 =	vshrl.u32 v14, $0x8;
	vm1 =	veq.s32 v22, v6;
	[tilespmem:v28+s14+$0x0] =	vst.idx.add.s32.msk vm7, v3  }
0x3fe: {  	v9 =	vxor.u32 v9, v16;
	v10 =	vxor.u32 v10, v17;
	v15 =	vor.u32 $0x80000000, v15  }
0x3ff: {  	vm2 =	veq.s32 v20, v6;
	v12 =	vxor.u32 v12, v18;
	v11 =	vxor.u32 v11, v15  }
0x400: {  	v61 =	vshrl.u32 v9, $0x8;
	v62 =	vshrl.u32 v12, $0x8;
	v63 =	vshrl.u32 v10, $0x8  }
0x401: {  	v60 =	vshrl.u32 v11, $0x8;
	vm4 =	veq.s32 v61, v6;
	vm6 =	veq.s32 v63, v6  }
0x402: {  	vm5 =	veq.s32 v62, v6;
	vm3 =	veq.s32 v60, v6;
	v6 =	vand.u32 $0xFF, v10;
	_ =	sdelay $0x3  }
0x403: {  	s1 =	ssub.s32 $0x10, s1  }
0x404: {  	v13 =	vand.u32 $0xFF, v13;
	[tilespmem:v6+s14+$0x0] =	vst.idx.add.s32.msk vm6, v3;
	v6 =	vmov s1  }
0x405: {  	v59 =	vand.u32 $0xFF, v19;
	vm11 =	veq.s32 v6, v0;
	v6 =	vsub.s32 v8, v7  }
0x406: {  	v14 =	vand.u32 $0xFF, v14;
	v6 =	vnsel vm11, $0x0, v6  }
0x407: {  	v9 =	vand.u32 $0xFF, v9;
	(xrf0) =	vadd.scan.msk.s32 $0xffff, v6  }
0x408: {  	v12 =	vand.u32 $0xFF, v12  }
0x409: {  	v11 =	vand.u32 $0xFF, v11;
	[tilespmem:v13+s14+$0x0] =	vst.idx.add.s32.msk vm0, v3  }
0x40a: {  	[tilespmem:v59+s14+$0x0] =	vst.idx.add.s32.msk vm1, v3  }
0x40b: {  	[tilespmem:v14+s14+$0x0] =	vst.idx.add.s32.msk vm2, v3  }
0x40c: {  	[tilespmem:v9+s14+$0x0] =	vst.idx.add.s32.msk vm4, v3  }
0x40d: {  	[tilespmem:v12+s14+$0x0] =	vst.idx.add.s32.msk vm5, v3;
	v6, _, _ =	vpop (xrf0)  }
0x40e: {  	s2 =	simm.s32 $0x180F0;
	[tilespmem:v11+s14+$0x0] =	vst.idx.add.s32.msk vm3, v3;
	(v2sf) =	vpush v6, $0xF  }
0x40f: {  	v7 =	vld [tilespmem:s2+$0x0]  }
0x410: {  	s24 =	simm.s32 $0x180E0  }
0x411: {  	v8 =	vld [tilespmem:s24+$0x0];
	_ =	sdelay $0x2  }
0x412: {  	v7 =	vperm.xlane v7, v4;
	_ =	sdelay $0x1  }
0x413: {  	(xrf0) =	vadd.scan.msk.s32 $0xffff, v7;
	v7 =	vperm.xlane v8, v4;
	_ =	sdelay $0x1  }
0x414: {  	(xrf0) =	vadd.scan.msk.s32 $0xffff, v7  }
0x415: {  	s25 =	simm.s32 $0x180D0  }
0x416: {  	v7 =	vld [tilespmem:s25+$0x0];
	_ =	sdelay $0x1  }
0x417: {  	v8, _, _ =	vpop (xrf0)  }
0x418: {  	s23 =	spop (v2sf);
	(v2sf) =	vpush v8, $0xF  }
0x419: {  	v9, _, _ =	vpop (xrf0)  }
0x41a: {  	v7 =	vperm.xlane v7, v4;
	s1 =	ssub.s32 s22, s23;
	(v2sf) =	vpush v9, $0xF  }
0x41b: {  	v6 =	vmov s1;
	s1 =	simm.s32 $0x0  }
0x41c: {  	(xrf0) =	vadd.scan.msk.s32 $0xffff, v7;
	v7 =	vadd.s32 s1, v8  }
0x41d: {  	vm12 =	vge.s32 v7, v6  }
0x41e: {  	v7 =	vsel vm12, $0x1, v1  }
0x41f: {  	(xrf0) =	vadd.scan.msk.s32 $0xffff, v7;
	_ =	sdelay $0x2  }
0x420: {  	s26 =	simm.s32 $0x180C0  }
0x421: {  	v10 =	vld [tilespmem:s26+$0x0]  }
0x422: {  	v7, _, _ =	vpop (xrf0)  }
0x423: {  	s28 =	simm.s32 $0x180B0;
	(v2sf) =	vpush v7, $0xF;
	v8, _, _ =	vpop (xrf0)  }
0x424: {  	(v2sf) =	vpush v8, $0xF;
	v8 =	vld [tilespmem:s28+$0x0]  }
0x425: {  	s29 =	spop (v2sf)  }
0x426: {  	v10 =	vperm.xlane v10, v4;
	s2 =	sadd.s32 $0x0, s29  }
0x427: {  	s3 =	spop (v2sf);
	v9 =	vadd.s32 s2, v9  }
0x428: {  	(xrf0) =	vadd.scan.msk.s32 $0xffff, v10;
	s2 =	sadd.s32 s2, s3;
	vm13 =	vge.s32 v9, v6  }
0x429: {  	v8 =	vperm.xlane v8, v4;
	v7 =	vadd.s32 s2, v7;
	v9 =	vsel vm13, $0x1, v1  }
0x42a: {  	vm14 =	vge.s32 v7, v6;
	(xrf0) =	vadd.scan.msk.s32 $0xffff, v9  }
0x42b: {  	(xrf0) =	vadd.scan.msk.s32 $0xffff, v8;
	v8 =	vsel vm14, $0x1, v1  }
0x42c: {  	s30 =	simm.s32 $0x180A0  }
0x42d: {  	v7 =	vld [tilespmem:s30+$0x0];
	(xrf0) =	vadd.scan.msk.s32 $0xffff, v8  }
0x42e: {  	v8, _, _ =	vpop (xrf0)  }
0x42f: {  	(v2sf) =	vpush v8, $0xF;
	_ =	sdelay $0x1  }
0x430: {  	v9, _, _ =	vpop (xrf0)  }
0x431: {  	v10 =	vperm.xlane v7, v4;
	(v2sf) =	vpush v9, $0xF;
	v7, _, _ =	vpop (xrf0)  }
0x432: {  	s31 =	spop (v2sf);
	(v2sf) =	vpush v7, $0xF;
	v9, _, _ =	vpop (xrf0)  }
0x433: {  	s12 =	spop (v2sf);
	(v2sf) =	vpush v9, $0xF;
	_ =	sdelay $0x1  }
0x434: {  	s8 =	sadd.s32 s2, s31  }
0x435: {  	p0 =	por $0x0, $0x0;
	s7 =	simm.s32 $0xDF;
	s6 =	simm.s32 $0xCF;
	v8 =	vadd.s32 s8, v8  }
0x436: {  	s5 =	simm.s32 $0xBF;
	s4 =	simm.s32 $0xAF;
	s10 =	simm.s32 $0x18090;
	(xrf0) =	vadd.scan.msk.s32 $0xffff, v10;
	vm15 =	vge.s32 v8, v6  }
0x437: {  	s11 =	simm.s32 $0x7F;
	s3 =	simm.s32 $0x8F;
	v8 =	vld [tilespmem:s10+$0x0];
	v10 =	vsel vm15, $0x1, v1;
	s9 =	sadd.s32 $0xEF, s12  }
0x438: {  	s2 =	simm.s32 $0x9F;
	(xrf0) =	vadd.scan.msk.s32 $0xffff, v10;
	p1 =	sgt.s32 s12, $0x0;
	s9 =	smov.u32 @p0 s1  }
.LBB2_22:
0x439: {  	p2 =	sne.s32 s11, $0xFFFFFFFF;
	s1 =	smov.u32 @p1 s9;
	p0 =	por p0, p1  }
0x43a: {  	s12 =	smov.u32 s4;
	s4 =	smov.u32 s2;
	s2 =	smov.u32 s3  }
0x43b: {  	s3 =	smov.u32 s11;
	s11 =	sadd.s32 $0xFFFFFFF0, s11  }
0x43c: {  	v8 =	vperm.xlane v8, v4;
	v9, _, _ =	vpop (xrf0);
	s9 =	spop (v2sf)  }
.Ltmp12:
0x43d: {  	(v2sf) =	vpush v9, $0xF;
	s8 =	sadd.s32 s8, s9;
	(pc) =	sbr.rel @p2 .LBB2_22-.Ltmp12, $4  }
0x43e: {  	s10 =	sadd.s32 $0xFFFFFFF0, s10;
	(xrf0) =	vadd.scan.msk.s32 $0xffff, v8;
	v10 =	vadd.s32 s8, v7;
	v7 =	vmov v9  }
0x43f: {  	v8 =	vld [tilespmem:s10+$0x0];
	vm0 =	vge.s32 v10, v6;
	v9, _, _ =	vpop (xrf0);
	s13 =	spop (v2sf)  }
0x440: {  	v10 =	vsel vm0, $0x1, v1;
	(v2sf) =	vpush v9, $0xF;
	s9 =	sadd.s32 s7, s13;
	s7 =	smov.u32 s6;
	s6 =	smov.u32 s5  }
0x441: {  	p1 =	sgt.s32 s13, $0x0;
	s5 =	smov.u32 s12;
	(xrf0) =	vadd.scan.msk.s32 $0xffff, v10;
	s9 =	smov.u32 @p0 s1  }
0x442: {  	_ =	sdelay $0x1  }
0x443: {  	v9, _, _ =	vpop (xrf0)  }
0x444: {  	(v2sf) =	vpush v9, $0xF;
	_ =	sdelay $0x7  }
0x445: {  	v8 =	vperm.xlane v8, v4  }
0x446: {  	s10 =	spop (v2sf)  }
0x447: {  	s8 =	sadd.s32 s8, s10;
	(xrf0) =	vadd.scan.msk.s32 $0xffff, v8  }
0x448: {  	v7 =	vadd.s32 s8, v7  }
0x449: {  	s18 =	spop (v2sf);
	vm0 =	vge.s32 v7, v6  }
0x44a: {  	v7 =	vsel vm0, $0x1, v1;
	s11 =	spop (v2sf)  }
0x44b: {  	s8 =	sadd.s32 s8, s11;
	s19 =	spop (v2sf)  }
0x44c: {  	v8 =	vadd.s32 s8, v9;
	v9, _, _ =	vpop (xrf0);
	s12 =	spop (v2sf)  }
0x44d: {  	(xrf0) =	vadd.scan.msk.s32 $0xffff, v7;
	vm0 =	vge.s32 v8, v6;
	v7, _, _ =	vpop (xrf0);
	s8 =	sadd.s32 s8, s12  }
0x44e: {  	v8 =	vsel vm0, $0x1, v1;
	v10 =	vadd.s32 s8, v7  }
0x44f: {  	(xrf0) =	vadd.scan.msk.s32 $0xffff, v8;
	vm0 =	vge.s32 v10, v6  }
0x450: {  	v6 =	vsel vm0, $0x1, v1  }
0x451: {  	(xrf0) =	vadd.scan.msk.s32 $0xffff, v6  }
0x452: {  	(v2sf) =	vpush v9, $0xF  }
0x453: {  	(v2sf) =	vpush v7, $0xF;
	v6, _, _ =	vpop (xrf0)  }
0x454: {  	(v2sf) =	vpush v6, $0xF  }
0x455: {  	v6, _, _ =	vpop (xrf0)  }
0x456: {  	(v2sf) =	vpush v6, $0xF  }
0x457: {  	v6, _, _ =	vpop (xrf0)  }
0x458: {  	(v2sf) =	vpush v6, $0xF;
	_ =	sdelay $0x4  }
0x459: {  	s1 =	smov.u32 @p1 s9  }
0x45a: {  	p0 =	por p0, p1;
	s7 =	sadd.s32 s7, s18;
	p1 =	sgt.s32 s18, $0x0  }
0x45b: {  	s28 =	sshll.u32 s21, $0x14;
	s7 =	smov.u32 @p0 s1;
	p0 =	por p0, p1  }
0x45c: {  	s1 =	smov.u32 @p1 s7;
	s6 =	sadd.s32 s6, s19;
	p1 =	sgt.s32 s19, $0x0  }
0x45d: {  	s6 =	smov.u32 @p0 s1;
	p0 =	por p0, p1;
	s22 =	spop (v2sf)  }
0x45e: {  	s1 =	smov.u32 @p1 s6;
	s5 =	sadd.s32 s5, s22;
	s23 =	spop (v2sf)  }
0x45f: {  	p1 =	sgt.s32 s22, $0x0;
	s5 =	smov.u32 @p0 s1;
	s24 =	spop (v2sf)  }
0x460: {  	p0 =	por p0, p1;
	s1 =	smov.u32 @p1 s5;
	s4 =	sadd.s32 s4, s24  }
0x461: {  	p1 =	sgt.s32 s24, $0x0;
	s25 =	spop (v2sf);
	s4 =	smov.u32 @p0 s1  }
0x462: {  	p0 =	por p0, p1;
	s2 =	sadd.s32 s2, s25;
	s1 =	smov.u32 @p1 s4  }
0x463: {  	p1 =	sgt.s32 s25, $0x0;
	s2 =	smov.u32 @p0 s1;
	s26 =	spop (v2sf)  }
0x464: {  	p0 =	por p0, p1;
	s1 =	smov.u32 @p1 s2;
	s3 =	sadd.s32 s3, s26  }
0x465: {  	s0 =	sshll.u32 s0, $0x8;
	p1 =	sgt.s32 s26, $0x0;
	s3 =	smov.u32 @p0 s1  }
0x466: {  	s0 =	sor.u32 s28, s0;
	s1 =	smov.u32 @p1 s3  }
0x467: {  	s0 =	sor.u32 s1, s0  }
0x468: {  	s0 =	sxor.u32 $0x80000000, s0  }
0x469: {  	v6 =	vmov s0  }
0x46a: {  	vm0 =	vlt.s32 v6, $0x0;
	v6 =	vxor.u32 $0x7FFFFFFF, v6  }
0x46b: {  	v6 =	vnsel vm0, s0, v6  }
0x46c: {  	v6 =	vadd.f32 $1.000000000e+00, v6;
	_ =	sdelay $0x1  }
0x46d: {  	v6 =	vmul.f32 v6, v2;
	_ =	sdelay $0x1  }
0x46e: {  	v6 =	vsub.f32 $0.0e+00, v6;
	_ =	sdelay $0x1  }
0x46f: {  	v6 =	vmul.f32 $1.442695020e+00, v6;
	_ =	sdelay $0x1  }
0x470: {  	(erf) = vpow2.f32 v6;
	_ =	sdelay $0x8  }
0x471: {  	v6 =	vpop (erf)  }
0x472: {  	v6 =	vadd.f32 $1.000000000e+00, v6;
	_ =	sdelay $0x1  }
0x473: {  	(erf) = vrcp.f32 v6;
	_ =	sdelay $0x3  }
0x474: {  	s29 =	simm.s32 $0x10040  }
0x475: {  	v7 =	vld [tilespmem:s29+$0xFFFFFFC0]  }
0x476: {  	v8 =	vld [tilespmem:s29+$0xFFFFFFD0]  }
0x477: {  	v9 =	vld [tilespmem:s29+$0xFFFFFFE0]  }
0x478: {  	v11 =	vld [tilespmem:s29+$0x0]  }
0x479: {  	v10 =	vld [tilespmem:s29+$0xFFFFFFF0];
	v6 =	vpop (erf)  }
0x47a: {  	vm0 =	vge.f32 v7, v6;
	v7 =	vld [tilespmem:s29+$0x10]  }
0x47b: {  	vm1 =	vge.f32 v8, v6;
	v8 =	vld [tilespmem:s29+$0x20]  }
0x47c: {  	v12 =	vsel vm0, $0x3F800000, v5;
	v13 =	vmpcnt.ones.xlane vm0;
	vm0 =	vge.f32 v9, v6;
	v9 =	vld [tilespmem:s29+$0x30]  }
0x47d: {  	vm2 =	vge.f32 v11, v6;
	v14 =	vsel vm1, $0x3F800000, v5;
	v15 =	vmpcnt.ones.xlane vm1  }
0x47e: {  	s30 =	simm.s32 $0x100C0;
	vm1 =	vge.f32 v10, v6;
	v16 =	vmpcnt.ones.xlane vm0;
	(v2sf) =	vpush v13, $0x0  }
0x47f: {  	v10 =	vmpcnt.ones.xlane vm1;
	(v2sf) =	vpush v15, $0x0;
	vm3 =	vge.f32 v7, v6;
	v7 =	vld [tilespmem:s30+$0xFFFFFFC0]  }
0x480: {  	v11 =	vmpcnt.ones.xlane vm2;
	(v2sf) =	vpush v16, $0x0;
	vm4 =	vge.f32 v8, v6;
	v8 =	vld [tilespmem:s30+$0xFFFFFFD0]  }
0x481: {  	v56 =	vmpcnt.ones.xlane vm3;
	(v2sf) =	vpush v10, $0x0;
	vm5 =	vge.f32 v9, v6;
	v9 =	vld [tilespmem:s30+$0xFFFFFFE0]  }
0x482: {  	s31 =	simm.s32 $0x40;
	v10 =	vmpcnt.ones.xlane vm4;
	(v2sf) =	vpush v11, $0x0;
	v11 =	vsel vm0, $0x3F800000, v5  }
0x483: {  	v57 =	vmpcnt.ones.xlane vm5;
	(v2sf) =	vpush v56, $0x0;
	[tilespmem:s31+$0xFFFFFFE0] =	vst v11;
	v11 =	vsel vm1, $0x3F800000, v5  }
0x484: {  	(v2sf) =	vpush v10, $0x0;
	[tilespmem:s31+$0xFFFFFFF0] =	vst v11;
	v11 =	vsel vm3, $0x3F800000, v5;
	vm0 =	vge.f32 v7, v6  }
0x485: {  	v7 =	vsel vm0, $0x3F800000, v5;
	v63 =	vmpcnt.ones.xlane vm0;
	vm0 =	vge.f32 v8, v6  }
0x486: {  	v58 =	vld [tilespmem:s30+$0xFFFFFFF0];
	[tilespmem:s31+$0xFFFFFFC0] =	vst v12;
	(v2sf) =	vpush v57, $0x0;
	vm1 =	vge.f32 v9, v6;
	v8 =	vmpcnt.ones.xlane vm0  }
0x487: {  	s0 =	simm.s32 $0xC0;
	v10 =	vld [tilespmem:s30+$0x0];
	[tilespmem:s31+$0x10] =	vst v11;
	v11 =	vmpcnt.ones.xlane vm1;
	(v2sf) =	vpush v63, $0x0  }
0x488: {  	v61 =	vld [tilespmem:s30+$0x10];
	[tilespmem:s0+$0xFFFFFFC0] =	vst v7;
	v7 =	vsel vm0, $0x3F800000, v5;
	(v2sf) =	vpush v8, $0x0  }
0x489: {  	[tilespmem:s0+$0xFFFFFFD0] =	vst v7;
	v7 =	vld [tilespmem:s30+$0x20];
	(v2sf) =	vpush v11, $0x0  }
0x48a: {  	v59 =	vsel vm2, $0x3F800000, v5;
	[tilespmem:s31+$0xFFFFFFD0] =	vst v14;
	v8 =	vld [tilespmem:s30+$0x30]  }
0x48b: {  	[tilespmem:s31+$0x0] =	vst v59;
	v60 =	vsel vm4, $0x3F800000, v5;
	vm0 =	vge.f32 v58, v6  }
0x48c: {  	s4 =	simm.s32 $0x0;
	v62 =	vsel vm5, $0x3F800000, v5;
	[tilespmem:s31+$0x20] =	vst v60;
	v9 =	vmpcnt.ones.xlane vm0;
	vm2 =	vge.f32 v10, v6  }
0x48d: {  	s2 =	simm.s32 $0x80;
	s3 =	simm.s32 $0x10140;
	s1 =	simm.s32 $0xC0;
	[tilespmem:s31+$0x30] =	vst v62;
	vm3 =	vge.f32 v61, v6;
	v10 =	vmpcnt.ones.xlane vm2  }
.LBB2_24:
0x48e: {  	v11 =	vld [tilespmem:s3+$0xFFFFFFC0];
	s2 =	sadd.s32 $0x80, s2;
	v12 =	vmpcnt.ones.xlane vm3;
	vm4 =	vge.f32 v7, v6;
	(v2sf) =	vpush v9, $0x0  }
0x48f: {  	v7 =	vld [tilespmem:s3+$0xFFFFFFD0];
	p0 =	slt.u32 s2, $0x7F80;
	v9 =	vmpcnt.ones.xlane vm4;
	vm5 =	vge.f32 v8, v6;
	(v2sf) =	vpush v10, $0x0;
	s5 =	spop (v2sf)  }
0x490: {  	v10 =	vsel vm1, $0x3F800000, v5;
	v8 =	vld [tilespmem:s3+$0xFFFFFFE0];
	v13 =	vmpcnt.ones.xlane vm5;
	(v2sf) =	vpush v12, $0x0;
	s4 =	sadd.s32 s4, s5;
	s5 =	spop (v2sf)  }
0x491: {  	v14 =	vsel vm2, $0x3F800000, v5;
	v12 =	vld [tilespmem:s3+$0xFFFFFFF0];
	[tilespmem:s0+$0xFFFFFFE0] =	vst v10;
	v10 =	vsel vm0, $0x3F800000, v5;
	(v2sf) =	vpush v9, $0x0;
	s4 =	sadd.s32 s5, s4;
	s5 =	spop (v2sf)  }
0x492: {  	v9 =	vsel vm3, $0x3F800000, v5;
	v15 =	vld [tilespmem:s3+$0x0];
	[tilespmem:s0+$0xFFFFFFF0] =	vst v10;
	v10 =	vsel vm4, $0x3F800000, v5;
	(v2sf) =	vpush v13, $0x0;
	s4 =	sadd.s32 s5, s4;
	s5 =	spop (v2sf)  }
0x493: {  	v13 =	vsel vm5, $0x3F800000, v5;
	vm0 =	vge.f32 v11, v6;
	v11 =	vld [tilespmem:s3+$0x10];
	[tilespmem:s0+$0x0] =	vst v14;
	s4 =	sadd.s32 s5, s4;
	s5 =	spop (v2sf);
	s0 =	sadd.s32 $0x80, s0  }
.Ltmp13:
0x494: {  	v14 =	vsel vm0, $0x3F800000, v5;
	v16 =	vmpcnt.ones.xlane vm0;
	vm0 =	vge.f32 v7, v6;
	v7 =	vld [tilespmem:s3+$0x20];
	[tilespmem:s1+$0x10] =	vst v9;
	s4 =	sadd.s32 s5, s4;
	s5 =	spop (v2sf);
	(pc) =	sbr.rel @p0 .LBB2_24-.Ltmp13, $4  }
0x495: {  	[tilespmem:s0+$0xFFFFFFC0] =	vst v14;
	v9 =	vsel vm0, $0x3F800000, v5;
	v14 =	vmpcnt.ones.xlane vm0;
	vm1 =	vge.f32 v8, v6;
	v8 =	vld [tilespmem:s3+$0x30];
	s4 =	sadd.s32 s5, s4;
	s5 =	spop (v2sf)  }
0x496: {  	[tilespmem:s0+$0xFFFFFFD0] =	vst v9;
	v17 =	vmpcnt.ones.xlane vm1;
	vm0 =	vge.f32 v12, v6;
	(v2sf) =	vpush v16, $0x0;
	s4 =	sadd.s32 s5, s4;
	s5 =	spop (v2sf)  }
0x497: {  	v9 =	vmpcnt.ones.xlane vm0;
	vm2 =	vge.f32 v15, v6;
	(v2sf) =	vpush v14, $0x0;
	[tilespmem:s1+$0x20] =	vst v10;
	s4 =	sadd.s32 s5, s4  }
0x498: {  	s3 =	sadd.s32 $0x80, s3;
	v10 =	vmpcnt.ones.xlane vm2;
	vm3 =	vge.f32 v11, v6;
	(v2sf) =	vpush v17, $0x0;
	[tilespmem:s1+$0x30] =	vst v13;
	s1 =	smov.u32 s0  }
0x499: {  	v11 =	vmpcnt.ones.xlane vm3;
	vm4 =	vge.f32 v7, v6;
	(v2sf) =	vpush v9, $0x0  }
0x49a: {  	v7 =	vmpcnt.ones.xlane vm4;
	vm5 =	vge.f32 v8, v6;
	(v2sf) =	vpush v10, $0x0  }
0x49b: {  	v8 =	vmpcnt.ones.xlane vm5;
	(v2sf) =	vpush v11, $0x0  }
0x49c: {  	(v2sf) =	vpush v7, $0x0  }
0x49d: {  	s2 =	spop (v2sf);
	(v2sf) =	vpush v8, $0x0  }
0x49e: {  	s2 =	sadd.s32 s4, s2;
	s3 =	spop (v2sf)  }
0x49f: {  	s2 =	sadd.s32 s3, s2;
	s15 =	spop (v2sf)  }
0x4a0: {  	s2 =	sadd.s32 s15, s2;
	s16 =	spop (v2sf)  }
0x4a1: {  	s2 =	sadd.s32 s16, s2;
	s17 =	spop (v2sf)  }
0x4a2: {  	s2 =	sadd.s32 s17, s2;
	s18 =	spop (v2sf)  }
0x4a3: {  	s2 =	sadd.s32 s18, s2;
	s19 =	spop (v2sf)  }
0x4a4: {  	s2 =	sadd.s32 s19, s2;
	s21 =	spop (v2sf)  }
0x4a5: {  	s2 =	sadd.s32 s21, s2;
	s22 =	spop (v2sf)  }
0x4a6: {  	s2 =	sadd.s32 s2, s22;
	s23 =	spop (v2sf)  }
0x4a7: {  	s2 =	sadd.s32 s23, s2;
	s24 =	spop (v2sf)  }
0x4a8: {  	s2 =	sadd.s32 s24, s2;
	s25 =	spop (v2sf)  }
0x4a9: {  	s2 =	sadd.s32 s25, s2;
	s26 =	spop (v2sf)  }
0x4aa: {  	v7 =	vsel vm1, $0x3F800000, v5;
	s2 =	sadd.s32 s26, s2;
	s28 =	spop (v2sf)  }
0x4ab: {  	[tilespmem:s0+$0xFFFFFFE0] =	vst v7;
	v7 =	vsel vm0, $0x3F800000, v5;
	s2 =	sadd.s32 s28, s2;
	s29 =	spop (v2sf)  }
0x4ac: {  	v8 =	vsel vm2, $0x3F800000, v5;
	[tilespmem:s0+$0xFFFFFFF0] =	vst v7;
	s30 =	sadd.s32 s29, s2;
	s31 =	spop (v2sf)  }
0x4ad: {  	[tilespmem:s0+$0x0] =	vst v8;
	s0 =	sadd.s32 s31, s30  }
0x4ae: {  	p0 =	seq.s32 s0, $0x800  }
.Ltmp14:
0x4af: {  	_ = 	snop;
	(pc) =	sbr.rel @p0 .LBB2_31-.Ltmp14, $4  }
0x4b0: {  	v7 =	vsel vm3, $0x3F800000, v5  }
0x4b1: {  	v8 =	vsel vm4, $0x3F800000, v5;
	[tilespmem:s1+$0x10] =	vst v7  }
0x4b2: {  	v7 =	vsel vm5, $0x3F800000, v5;
	[tilespmem:s1+$0x20] =	vst v8  }
0x4b3: {  	[tilespmem:s1+$0x30] =	vst v7  }
0x4b4: {  	s0 =	simm.s32 $0x10040  }
0x4b5: {  	v7 =	vld [tilespmem:s0+$0xFFFFFFC0]  }
0x4b6: {  	v8 =	vld [tilespmem:s0+$0xFFFFFFD0]  }
0x4b7: {  	v9 =	vld [tilespmem:s0+$0xFFFFFFE0]  }
0x4b8: {  	v10 =	vld [tilespmem:s0+$0xFFFFFFF0]  }
0x4b9: {  	v11 =	vld [tilespmem:s0+$0x0]  }
0x4ba: {  	vm0 =	vgt.f32 v7, v6;
	v7 =	vld [tilespmem:s0+$0x10]  }
0x4bb: {  	v12 =	vmpcnt.ones.xlane vm0;
	vm0 =	vgt.f32 v8, v6;
	v8 =	vld [tilespmem:s0+$0x20]  }
0x4bc: {  	s31 =	simm.s32 $0x100C0;
	v13 =	vmpcnt.ones.xlane vm0;
	vm0 =	vgt.f32 v9, v6;
	v9 =	vld [tilespmem:s0+$0x30]  }
0x4bd: {  	v14 =	vld [tilespmem:s31+$0xFFFFFFC0];
	v15 =	vmpcnt.ones.xlane vm0;
	vm0 =	vgt.f32 v10, v6;
	(v2sf) =	vpush v12, $0x0  }
0x4be: {  	v10 =	vld [tilespmem:s31+$0xFFFFFFD0];
	v12 =	vmpcnt.ones.xlane vm0;
	vm0 =	vgt.f32 v11, v6;
	(v2sf) =	vpush v13, $0x0  }
0x4bf: {  	v11 =	vld [tilespmem:s31+$0xFFFFFFE0];
	v13 =	vmpcnt.ones.xlane vm0;
	vm0 =	vgt.f32 v7, v6;
	(v2sf) =	vpush v15, $0x0  }
0x4c0: {  	v7 =	vld [tilespmem:s31+$0xFFFFFFF0];
	v15 =	vmpcnt.ones.xlane vm0;
	vm0 =	vgt.f32 v8, v6;
	(v2sf) =	vpush v12, $0x0  }
0x4c1: {  	v8 =	vld [tilespmem:s31+$0x0];
	v12 =	vmpcnt.ones.xlane vm0;
	vm0 =	vgt.f32 v9, v6;
	(v2sf) =	vpush v13, $0x0  }
0x4c2: {  	vm1 =	vgt.f32 v14, v6;
	v9 =	vld [tilespmem:s31+$0x10];
	v13 =	vmpcnt.ones.xlane vm0;
	(v2sf) =	vpush v15, $0x0  }
0x4c3: {  	v14 =	vmpcnt.ones.xlane vm1;
	vm0 =	vgt.f32 v10, v6;
	v15 =	vld [tilespmem:s31+$0x20];
	(v2sf) =	vpush v12, $0x0  }
0x4c4: {  	v10 =	vmpcnt.ones.xlane vm0;
	vm0 =	vgt.f32 v11, v6;
	v11 =	vld [tilespmem:s31+$0x30];
	(v2sf) =	vpush v13, $0x0  }
0x4c5: {  	v13 =	vmpcnt.ones.xlane vm0;
	vm0 =	vgt.f32 v7, v6;
	(v2sf) =	vpush v14, $0x0  }
0x4c6: {  	v7 =	vmpcnt.ones.xlane vm0;
	vm0 =	vgt.f32 v8, v6;
	(v2sf) =	vpush v10, $0x0  }
0x4c7: {  	v8 =	vmpcnt.ones.xlane vm0;
	vm0 =	vgt.f32 v9, v6;
	(v2sf) =	vpush v13, $0x0  }
0x4c8: {  	v9 =	vmpcnt.ones.xlane vm0;
	vm0 =	vgt.f32 v15, v6;
	(v2sf) =	vpush v7, $0x0  }
0x4c9: {  	v15 =	vmpcnt.ones.xlane vm0;
	vm0 =	vgt.f32 v11, v6;
	(v2sf) =	vpush v8, $0x0  }
0x4ca: {  	v17 =	vmpcnt.ones.xlane vm0;
	(v2sf) =	vpush v9, $0x0  }
0x4cb: {  	s1 =	simm.s32 $0x10140;
	(v2sf) =	vpush v15, $0x0  }
0x4cc: {  	v12 =	vld [tilespmem:s1+$0xFFFFFFC0];
	(v2sf) =	vpush v17, $0x0  }
0x4cd: {  	v14 =	vld [tilespmem:s1+$0xFFFFFFD0]  }
0x4ce: {  	v16 =	vld [tilespmem:s1+$0xFFFFFFE0]  }
0x4cf: {  	v10 =	vld [tilespmem:s1+$0xFFFFFFF0]  }
0x4d0: {  	v7 =	vld [tilespmem:s1+$0x0]  }
0x4d1: {  	vm1 =	vgt.f32 v12, v6;
	v8 =	vld [tilespmem:s1+$0x10]  }
0x4d2: {  	s2 =	simm.s32 $0x0;
	v11 =	vld [tilespmem:s1+$0x20];
	v13 =	vmpcnt.ones.xlane vm1;
	vm0 =	vgt.f32 v14, v6  }
0x4d3: {  	s0 =	simm.s32 $0x100;
	v9 =	vld [tilespmem:s1+$0x30];
	s1 =	simm.s32 $0x101C0;
	v12 =	vmpcnt.ones.xlane vm0;
	vm0 =	vgt.f32 v16, v6;
	s3 =	spop (v2sf)  }
.LBB2_27:
0x4d4: {  	v14 =	vld [tilespmem:s1+$0xFFFFFFC0];
	s0 =	sadd.s32 $0x80, s0;
	v15 =	vmpcnt.ones.xlane vm0;
	vm0 =	vgt.f32 v10, v6;
	(v2sf) =	vpush v13, $0x0;
	s2 =	sadd.s32 s2, s3;
	s3 =	spop (v2sf)  }
0x4d5: {  	v16 =	vld [tilespmem:s1+$0xFFFFFFD0];
	p0 =	slt.u32 s0, $0x7F80;
	v13 =	vmpcnt.ones.xlane vm0;
	vm0 =	vgt.f32 v7, v6;
	(v2sf) =	vpush v12, $0x0;
	s2 =	sadd.s32 s3, s2;
	s3 =	spop (v2sf)  }
0x4d6: {  	v17 =	vld [tilespmem:s1+$0xFFFFFFE0];
	v12 =	vmpcnt.ones.xlane vm0;
	vm0 =	vgt.f32 v8, v6;
	(v2sf) =	vpush v15, $0x0;
	s2 =	sadd.s32 s3, s2;
	s3 =	spop (v2sf)  }
.Ltmp15:
0x4d7: {  	v10 =	vld [tilespmem:s1+$0xFFFFFFF0];
	v15 =	vmpcnt.ones.xlane vm0;
	vm0 =	vgt.f32 v11, v6;
	(v2sf) =	vpush v13, $0x0;
	s2 =	sadd.s32 s3, s2;
	s3 =	spop (v2sf);
	(pc) =	sbr.rel @p0 .LBB2_27-.Ltmp15, $4  }
0x4d8: {  	v7 =	vld [tilespmem:s1+$0x0];
	v18 =	vmpcnt.ones.xlane vm0;
	vm0 =	vgt.f32 v9, v6;
	(v2sf) =	vpush v12, $0x0;
	s2 =	sadd.s32 s3, s2;
	s3 =	spop (v2sf)  }
0x4d9: {  	vm1 =	vgt.f32 v14, v6;
	v8 =	vld [tilespmem:s1+$0x10];
	v14 =	vmpcnt.ones.xlane vm0;
	(v2sf) =	vpush v15, $0x0;
	s2 =	sadd.s32 s3, s2;
	s3 =	spop (v2sf)  }
0x4da: {  	v13 =	vmpcnt.ones.xlane vm1;
	vm0 =	vgt.f32 v16, v6;
	v11 =	vld [tilespmem:s1+$0x20];
	(v2sf) =	vpush v18, $0x0;
	s2 =	sadd.s32 s3, s2;
	s4 =	spop (v2sf)  }
0x4db: {  	v12 =	vmpcnt.ones.xlane vm0;
	vm0 =	vgt.f32 v17, v6;
	v9 =	vld [tilespmem:s1+$0x30];
	s1 =	sadd.s32 $0x80, s1;
	(v2sf) =	vpush v14, $0x0;
	s3 =	spop (v2sf);
	s2 =	sadd.s32 s4, s2  }
0x4dc: {  	v14 =	vmpcnt.ones.xlane vm0;
	vm0 =	vgt.f32 v10, v6;
	(v2sf) =	vpush v13, $0x0;
	s0 =	sadd.s32 s2, s3;
	s1 =	spop (v2sf)  }
0x4dd: {  	v10 =	vmpcnt.ones.xlane vm0;
	(v2sf) =	vpush v12, $0x0;
	s0 =	sadd.s32 s1, s0;
	s9 =	spop (v2sf)  }
0x4de: {  	(v2sf) =	vpush v14, $0x0;
	s1 =	sadd.s32 s9, s0;
	s10 =	spop (v2sf);
	s0 =	simm.s32 $0x0  }
0x4df: {  	vm0 =	vgt.f32 v7, v6;
	(v2sf) =	vpush v10, $0x0;
	s1 =	sadd.s32 s10, s1;
	s11 =	spop (v2sf);
	v10 =	vld [tilespmem:s0+$0x10000]  }
0x4e0: {  	v7 =	vmpcnt.ones.xlane vm0;
	vm0 =	vgt.f32 v8, v6;
	s1 =	sadd.s32 s11, s1;
	s12 =	spop (v2sf)  }
0x4e1: {  	v8 =	vmpcnt.ones.xlane vm0;
	vm0 =	vgt.f32 v11, v6;
	s2 =	sadd.s32 s12, s1;
	s13 =	spop (v2sf)  }
0x4e2: {  	v11 =	vmpcnt.ones.xlane vm0;
	vm0 =	vgt.f32 v9, v6;
	(v2sf) =	vpush v7, $0x0;
	s2 =	sadd.s32 s13, s2;
	s15 =	spop (v2sf)  }
0x4e3: {  	v7 =	vmpcnt.ones.xlane vm0;
	(v2sf) =	vpush v8, $0x0;
	s4 =	spop (v2sf);
	s2 =	sadd.s32 s15, s2  }
0x4e4: {  	s1 =	simm.s32 $0x10;
	(v2sf) =	vpush v11, $0x0;
	s2 =	sadd.s32 s2, s4;
	s16 =	spop (v2sf);
	vm1 =	veq.f32 v10, v6  }
0x4e5: {  	v8 =	vld [tilespmem:s1+$0x10000];
	(v2sf) =	vpush v7, $0x0;
	s3 =	sadd.s32 s16, s2;
	v7 =	vsel vm1, $0x1, v1;
	s2 =	simm.s32 $0x20  }
0x4e6: {  	s17 =	spop (v2sf);
	(xrf0) =	vadd.scan.msk.s32 $0xffff, v7;
	v7 =	vld [tilespmem:s2+$0x10000]  }
0x4e7: {  	s3 =	sadd.s32 s17, s3;
	s18 =	spop (v2sf)  }
0x4e8: {  	s3 =	sadd.s32 s18, s3;
	s19 =	spop (v2sf)  }
0x4e9: {  	s3 =	sadd.s32 s19, s3;
	s21 =	spop (v2sf)  }
0x4ea: {  	vm2 =	veq.f32 v8, v6;
	s3 =	sadd.s32 s21, s3;
	s22 =	spop (v2sf)  }
0x4eb: {  	v9 =	vsel vm2, $0x1, v1;
	s3 =	sadd.s32 s22, s3;
	s23 =	spop (v2sf);
	vm0 =	veq.f32 v7, v6  }
0x4ec: {  	(xrf0) =	vadd.scan.msk.s32 $0xffff, v9;
	s5 =	spop (v2sf);
	s3 =	sadd.s32 s23, s3;
	v9 =	vsel vm0, $0x1, v1  }
0x4ed: {  	vm3 =	vgt.f32 v10, v6;
	s4 =	sadd.s32 s3, s5;
	v10, _, _ =	vpop (xrf0);
	s3 =	simm.s32 $0x30;
	(xrf0) =	vadd.scan.msk.s32 $0xffff, v9  }
0x4ee: {  	vm4 =	vgt.f32 v8, v6;
	s24 =	spop (v2sf);
	v8 =	vld [tilespmem:s3+$0x10000]  }
0x4ef: {  	s25 =	spop (v2sf)  }
0x4f0: {  	(v2sf) =	vpush v10, $0xF;
	s26 =	spop (v2sf)  }
0x4f1: {  	s28 =	spop (v2sf)  }
0x4f2: {  	vm5 =	vgt.f32 v7, v6;
	s4 =	sadd.s32 s24, s4;
	v7, _, _ =	vpop (xrf0);
	s29 =	spop (v2sf)  }
0x4f3: {  	s4 =	sadd.s32 s25, s4;
	(v2sf) =	vpush v7, $0xF;
	s30 =	spop (v2sf);
	vm8 =	vgt.f32 v8, v6;
	vm9 =	veq.f32 v8, v6;
	v8, _, _ =	vpop (xrf0)  }
0x4f4: {  	s4 =	sadd.s32 s26, s4;
	s31 =	spop (v2sf);
	(v2sf) =	vpush v8, $0xF  }
0x4f5: {  	s4 =	sadd.s32 s28, s4  }
0x4f6: {  	vm3 =	vmmov vm3;
	vm1 =	vmmov vm1;
	s4 =	sadd.s32 s29, s4  }
0x4f7: {  	vm3 =	vmmov vm3;
	vm1 =	vmmov vm1;
	s4 =	sadd.s32 s30, s4  }
0x4f8: {  	vm1 =	vmmov vm1;
	vm3 =	vmmov vm3;
	vm4 =	vmmov vm4;
	s4 =	sadd.s32 s31, s4  }
0x4f9: {  	vm2 =	vmmov vm2;
	vm4 =	vmmov vm4;
	v9 =	vsel vm9, $0x1, v1;
	s5 =	ssub.s32 $0x800, s4;
	s4 =	simm.s32 $0x40  }
0x4fa: {  	vm6 =	vmmov vm5;
	vm5 =	vmmov vm2;
	vm7 =	vmmov vm0;
	(xrf0) =	vadd.scan.msk.s32 $0xffff, v9;
	v9 =	vld [tilespmem:s4+$0x10000]  }
0x4fb: {  	vm2 =	vmmov vm1;
	vm0 =	vmmov vm5;
	vm5 =	vmmov vm3  }
0x4fc: {  	vm3 =	vmmov vm4;
	vm1 =	vmmov vm6;
	vm7 =	vmmov vm7  }
0x4fd: {  	s6 =	simm.s32 $0x140;
	vm4 =	vmmov vm8;
	vm6 =	vmmov vm9;
	vm8 =	vle.s32 v10, s5  }
.LBB2_29:
0x4fe: {  	s7 =	sshra.s32 s6, $0x2;
	vm8 =	vmand vm2, vm8;
	vm2 =	vmmov vm0;
	vm0 =	vmmov vm7;
	p0 =	sne.s32 s6, $0x1FFC0  }
.Ltmp16:
0x4ff: {  	s6 =	sadd.s32 $0x40, s6;
	vm7 =	vgt.f32 v9, v6;
	vm9 =	veq.f32 v9, v6;
	vm5 =	vmor vm5, vm8;
	s8 =	spop (v2sf);
	(pc) =	sbr.rel @p0 .LBB2_29-.Ltmp16, $4  }
0x500: {  	s9 =	smov.u32 s5;
	v9 =	vld [tilespmem:s7+$0x10000];
	v12 =	vsel vm9, $0x1, v1;
	v11 =	vsel vm5, $0x3F800000, v5;
	p1 =	slt.s32 s8, s5;
	vm5 =	vmmov vm3  }
0x501: {  	vm3 =	vmmov vm1;
	vm1 =	vmmov vm4;
	(xrf0) =	vadd.scan.msk.s32 $0xffff, v12;
	v10, _, _ =	vpop (xrf0);
	[tilespmem:s0+$0x0] =	vst v11;
	s9 =	smov.u32 @p1 s8;
	s0 =	smov.u32 s1;
	s1 =	smov.u32 s2  }
0x502: {  	vm4 =	vmmov vm7;
	vm7 =	vmmov vm6;
	s2 =	smov.u32 s3;
	s3 =	smov.u32 s4;
	(v2sf) =	vpush v10, $0xF;
	s5 =	ssub.s32 s5, s9  }
0x503: {  	vm6 =	vmmov vm9;
	s4 =	smov.u32 s7;
	vm8 =	vle.s32 v7, s5;
	v7 =	vmovc v8;
	v8 =	vmov v10  }
0x504: {  	_ =	sdelay $0x2  }
0x505: {  	vm9 =	veq.f32 v9, v6;
	v10, _, _ =	vpop (xrf0)  }
0x506: {  	v11 =	vsel vm9, $0x1, v1;
	(v2sf) =	vpush v10, $0xF  }
0x507: {  	(xrf0) =	vadd.scan.msk.s32 $0xffff, v11;
	_ =	sdelay $0x4  }
0x508: {  	s6 =	spop (v2sf)  }
0x509: {  	s7 =	smov.u32 s5;
	p0 =	slt.s32 s6, s5;
	v11, _, _ =	vpop (xrf0)  }
0x50a: {  	vm2 =	vmand vm2, vm8;
	s7 =	smov.u32 @p0 s6;
	(v2sf) =	vpush v11, $0xF  }
0x50b: {  	vm0 =	vmmov vm0;
	vm11 =	vmmov vm7;
	vm13 =	vmmov vm3;
	s6 =	spop (v2sf);
	s30 =	ssub.s32 s5, s7  }
0x50c: {  	vm1 =	vmmov vm1;
	vm14 =	vmmov vm4;
	vm6 =	vmmov vm6;
	p0 =	slt.s32 s6, s30;
	s7 =	smov.u32 s30  }
0x50d: {  	vm15 =	vgt.f32 v9, v6;
	vm2 =	vmor vm5, vm2;
	vm5 =	vmmov vm11;
	s7 =	smov.u32 @p0 s6  }
0x50e: {  	vm11 =	vmmov vm6;
	vm14 =	vmmov vm14;
	v6 =	vsel vm2, $0x3F800000, v5;
	s5 =	ssub.s32 s30, s7;
	s6 =	spop (v2sf)  }
0x50f: {  	vm15 =	vmmov vm15;
	vm10 =	vmmov vm9;
	vm2 =	vmmov vm11;
	s7 =	smov.u32 s5;
	p0 =	slt.s32 s6, s5  }
0x510: {  	vm15 =	vmmov vm15;
	vm8 =	vmmov vm10;
	vm12 =	vle.s32 v7, s30;
	s7 =	smov.u32 @p0 s6  }
0x511: {  	vm10 =	vmmov vm14;
	vm0 =	vmand vm0, vm12;
	vm12 =	vle.s32 v8, s5;
	s5 =	ssub.s32 s5, s7;
	s6 =	spop (v2sf)  }
0x512: {  	vm4 =	vmmov vm8;
	vm11 =	vmmov vm15;
	vm0 =	vmor vm13, vm0;
	s7 =	smov.u32 s5;
	p0 =	slt.s32 s6, s5  }
0x513: {  	vm13 =	vmmov vm1;
	vm1 =	vmmov vm11;
	v7 =	vsel vm0, $0x3F800000, v5;
	s7 =	smov.u32 @p0 s6  }
0x514: {  	vm5 =	vmand vm5, vm12;
	vm12 =	vmmov vm4;
	vm9 =	vle.s32 v10, s5;
	s5 =	ssub.s32 s5, s7  }
0x515: {  	[tilespmem:s0+$0x0] =	vst v6;
	vm0 =	vmor vm13, vm5;
	vm2 =	vmand vm2, vm9;
	vm13 =	vle.s32 v11, s5  }
0x516: {  	[tilespmem:s1+$0x0] =	vst v7;
	v63 =	vsel vm0, $0x3F800000, v5;
	vm0 =	vmor vm10, vm2;
	vm14 =	vmand vm12, vm13  }
0x517: {  	[tilespmem:s2+$0x0] =	vst v63;
	v6 =	vsel vm0, $0x3F800000, v5;
	vm15 =	vmor vm1, vm14  }
0x518: {  	[tilespmem:s3+$0x0] =	vst v6;
	v6 =	vsel vm15, $0x3F800000, v5  }
0x519: {  	s31 =	spop (v2sf);
	[tilespmem:s4+$0x0] =	vst v6  }
.LBB2_31:
0x51a: {  	s0 =	simm.s32 $0x0;
	s1 =	rddreg [dreg:$0x7]  }
0x51b: {  	s4 =	simm.s32 $0x80;
	s5 =	simm.s32 $0x400;
	s30 =	simm.s32 $0x2  }
0x51c: {  	[hbm4b:s1+s4] =	stream.strided.scatter [tilespmem:s0], [sflag:$0x3], $0x8000, s5, s4, $0x38;
	[tilespmem:$0x19180] =	vst v63  }
0x51d: {  	_ =	swait.ge [sflag:s30], $0x8000  }
0x51e: {  	[sflag:s30] =	ssyncset.done $0x0  }
0x51f: {  	s31 =	simm.s32 $0x1;
	[sflag:s30] =	ssyncadd.s32 $0xFFFF8000  }
0x520: {  	_ =	swait.ge [sflag:s31], $0x8000  }
0x521: {  	[sflag:s31] =	ssyncset.done $0x0  }
0x522: {  	s1 =	simm.s32 $0x18040;
	[sflag:s31] =	ssyncadd.s32 $0xFFFF8000  }
0x523: {  	[tilespmem:s1+$0xFFFFFFC0] =	vst v1  }
0x524: {  	[tilespmem:s1+$0x30] =	vst v1  }
0x525: {  	[tilespmem:s1+$0x20] =	vst v1  }
0x526: {  	[tilespmem:s1+$0x10] =	vst v1  }
0x527: {  	[tilespmem:s1+$0x0] =	vst v1  }
0x528: {  	[tilespmem:s1+$0xFFFFFFF0] =	vst v1  }
0x529: {  	s3 =	simm.s32 $0x0;
	[tilespmem:s1+$0xFFFFFFE0] =	vst v1  }
.LBB2_32:
0x52a: {  	s3 =	sadd.s32 $0x80, s3;
	[tilespmem:s1+$0xFFFFFFD0] =	vst v1;
	s1 =	sadd.s32 $0x80, s1;
	s2 =	simm.s32 $0x8040  }
0x52b: {  	[tilespmem:s1+$0xFFFFFFC0] =	vst v1;
	p0 =	slt.u32 s3, $0xF80  }
0x52c: {  	[tilespmem:s1+$0x30] =	vst v1  }
.Ltmp17:
0x52d: {  	[tilespmem:s1+$0x20] =	vst v1;
	(pc) =	sbr.rel @p0 .LBB2_32-.Ltmp17, $4  }
0x52e: {  	[tilespmem:s1+$0x10] =	vst v1  }
0x52f: {  	[tilespmem:s1+$0x0] =	vst v1  }
0x530: {  	[tilespmem:s1+$0xFFFFFFF0] =	vst v1  }
0x531: {  	s0 =	simm.s32 $0x10040;
	[tilespmem:s1+$0xFFFFFFE0] =	vst v1  }
0x532: {  	[tilespmem:s1+$0xFFFFFFD0] =	vst v1  }
0x533: {  	v7 =	vld [tilespmem:s2+$0x30]  }
0x534: {  	v6 =	vld [tilespmem:s2+$0xFFFFFFD0]  }
0x535: {  	v8 =	vld [tilespmem:s2+$0xFFFFFFE0]  }
0x536: {  	v9 =	vld [tilespmem:s2+$0xFFFFFFF0]  }
0x537: {  	v10 =	vld [tilespmem:s2+$0x0]  }
0x538: {  	v11 =	vld [tilespmem:s2+$0x10]  }
0x539: {  	v16 =	vld [tilespmem:s2+$0x20];
	v12 =	vadd.f32 $1.000000000e+00, v7  }
0x53a: {  	v17 =	vld [tilespmem:s2+$0xFFFFFFC0]  }
0x53b: {  	v13 =	vadd.f32 $1.000000000e+00, v6;
	v14 =	vshra.s32 v6, $0x1F;
	v12 =	vmul.f32 v12, v2  }
0x53c: {  	v15 =	vadd.f32 $1.000000000e+00, v8;
	v18 =	vadd.f32 $1.000000000e+00, v9;
	v19 =	vshra.s32 v8, $0x1F  }
0x53d: {  	v20 =	vadd.f32 $1.000000000e+00, v10;
	v21 =	vshra.s32 v9, $0x1F;
	v12 =	vsub.f32 $0.0e+00, v12  }
0x53e: {  	v22 =	vadd.f32 $1.000000000e+00, v11;
	v23 =	vadd.f32 $1.000000000e+00, v16;
	v13 =	vmul.f32 v13, v2  }
0x53f: {  	v24 =	vadd.f32 $1.000000000e+00, v17;
	v15 =	vmul.f32 v15, v2;
	v12 =	vmul.f32 $1.442695020e+00, v12  }
0x540: {  	v49 =	vshra.s32 v17, $0x1F;
	v18 =	vmul.f32 v18, v2;
	v20 =	vmul.f32 v20, v2  }
0x541: {  	s31 =	simm.s32 $0x80C0;
	v22 =	vmul.f32 v22, v2;
	v13 =	vsub.f32 $0.0e+00, v13;
	(erf) = vpow2.f32 v12  }
0x542: {  	v53 =	vld [tilespmem:s31+$0xFFFFFFF0];
	v47 =	vmul.f32 v23, v2;
	v15 =	vsub.f32 $0.0e+00, v15;
	v18 =	vsub.f32 $0.0e+00, v18  }
0x543: {  	v25 =	vld [tilespmem:s31+$0x20];
	v48 =	vmul.f32 v24, v2;
	v20 =	vsub.f32 $0.0e+00, v20;
	v12 =	vmul.f32 $1.442695020e+00, v13  }
0x544: {  	v26 =	vld [tilespmem:s31+$0xFFFFFFC0];
	v15 =	vmul.f32 $1.442695020e+00, v15;
	v18 =	vmul.f32 $1.442695020e+00, v18;
	v13 =	vsub.f32 $0.0e+00, v22  }
0x545: {  	v23 =	vsub.f32 $0.0e+00, v48;
	v20 =	vmul.f32 $1.442695020e+00, v20;
	(erf) = vpow2.f32 v12  }
0x546: {  	v52 =	vshra.s32 v16, $0x1F;
	v13 =	vmul.f32 $1.442695020e+00, v13;
	(erf) = vpow2.f32 v15  }
0x547: {  	v27 =	vshra.s32 v53, $0x1F;
	v50 =	vmul.f32 $1.442695020e+00, v23;
	(erf) = vpow2.f32 v18  }
0x548: {  	v28 =	vadd.f32 $1.000000000e+00, v53;
	v31 =	vadd.f32 $1.000000000e+00, v25;
	(erf) = vpow2.f32 v20  }
0x549: {  	v58 =	vshra.s32 v26, $0x1F;
	v61 =	vshra.s32 v25, $0x1F;
	(erf) = vpow2.f32 v50  }
0x54a: {  	v51 =	vor.u32 $0x80000000, v49;
	v12 =	vsub.f32 $0.0e+00, v47;
	(erf) = vpow2.f32 v13;
	v13 =	vpop (erf)  }
0x54b: {  	v14 =	vor.u32 $0x80000000, v14;
	v19 =	vor.u32 $0x80000000, v19;
	v13 =	vadd.f32 $1.000000000e+00, v13  }
0x54c: {  	v21 =	vor.u32 $0x80000000, v21;
	v15 =	vshra.s32 v10, $0x1F;
	v12 =	vmul.f32 $1.442695020e+00, v12  }
0x54d: {  	v60 =	vor.u32 $0x80000000, v58;
	v63 =	vor.u32 $0x80000000, v61;
	v15 =	vor.u32 $0x80000000, v15  }
0x54e: {  	v6 =	vxor.u32 v6, v14;
	v14 =	vor.u32 $0x80000000, v52;
	(erf) = vpow2.f32 v12  }
0x54f: {  	v8 =	vxor.u32 v8, v19;
	v28 =	vmul.f32 v28, v2;
	(erf) = vrcp.f32 v13;
	v13 =	vpop (erf)  }
0x550: {  	v14 =	vxor.u32 v16, v14;
	v18 =	vshra.s32 v11, $0x1F;
	v10 =	vxor.u32 v10, v15;
	v15 =	vpop (erf)  }
0x551: {  	v16 =	vshrl.u32 v6, $0x14;
	v18 =	vor.u32 $0x80000000, v18;
	v13 =	vadd.f32 $1.000000000e+00, v13;
	v6 =	vpop (erf)  }
0x552: {  	v11 =	vxor.u32 v11, v18;
	v15 =	vadd.f32 $1.000000000e+00, v15;
	v18 =	vadd.f32 $1.000000000e+00, v6;
	v6 =	vld [tilespmem:s31+$0x30]  }
0x553: {  	v9 =	vxor.u32 v9, v21;
	v31 =	vmul.f32 v31, v2;
	(erf) = vrcp.f32 v13  }
0x554: {  	v12 =	vxor.u32 v17, v51;
	v17 =	vshra.s32 v7, $0x1F;
	v19 =	vpop (erf);
	(erf) = vrcp.f32 v15;
	v15 =	vld [tilespmem:s31+$0xFFFFFFD0]  }
0x555: {  	v55 =	vshrl.u32 v14, $0x14;
	v17 =	vor.u32 $0x80000000, v17;
	v13 =	vadd.f32 $1.000000000e+00, v19;
	v19 =	vpop (erf)  }
0x556: {  	v7 =	vxor.u32 v7, v17;
	v17 =	vadd.f32 $1.000000000e+00, v19;
	(erf) = vrcp.f32 v18;
	v18 =	vpop (erf)  }
0x557: {  	v19 =	vld [tilespmem:s31+$0xFFFFFFE0];
	(erf) = vrcp.f32 v13;
	v18 =	vadd.f32 $1.000000000e+00, v18;
	v14 =	vadd.f32 $1.000000000e+00, v6  }
0x558: {  	v8 =	vshrl.u32 v8, $0x14;
	v9 =	vshrl.u32 v9, $0x14;
	(erf) = vrcp.f32 v17  }
0x559: {  	v17 =	vld [tilespmem:s31+$0x0];
	(erf) = vrcp.f32 v18;
	v18 =	vadd.f32 $1.000000000e+00, v15;
	v14 =	vmul.f32 v14, v2  }
0x55a: {  	v28 =	vsub.f32 $0.0e+00, v28;
	v31 =	vsub.f32 $0.0e+00, v31;
	v54 =	vshrl.u32 v11, $0x14  }
0x55b: {  	v11 =	vld [tilespmem:s31+$0x10];
	v7 =	vshrl.u32 v7, $0x14;
	v13 =	vpop (erf);
	v18 =	vmul.f32 v18, v2;
	v14 =	vsub.f32 $0.0e+00, v14  }
0x55c: {  	v28 =	vmul.f32 $1.442695020e+00, v28;
	v13 =	vadd.f32 $1.000000000e+00, v13;
	v57 =	vadd.f32 $1.000000000e+00, v19  }
0x55d: {  	v31 =	vmul.f32 $1.442695020e+00, v31;
	v18 =	vsub.f32 $0.0e+00, v18;
	v14 =	vmul.f32 $1.442695020e+00, v14  }
0x55e: {  	v32 =	vpop (erf);
	(erf) = vrcp.f32 v13;
	v24 =	vmul.f32 v57, v2;
	v29 =	vadd.f32 $1.000000000e+00, v17  }
0x55f: {  	[tilespmem:s0+$0x30] =	vst v32;
	(erf) = vpow2.f32 v14;
	v14 =	vadd.f32 $1.000000000e+00, v26;
	v18 =	vmul.f32 $1.442695020e+00, v18  }
0x560: {  	v30 =	vadd.f32 $1.000000000e+00, v11;
	[tilespmem:v7+s14+$0x0] =	vst.idx.add.s32.msk $0xffff, v3;
	v7 =	vpop (erf);
	v24 =	vsub.f32 $0.0e+00, v24;
	v29 =	vmul.f32 v29, v2  }
0x561: {  	v10 =	vshrl.u32 v10, $0x14;
	[tilespmem:s0+$0xFFFFFFD0] =	vst v7;
	v14 =	vmul.f32 v14, v2;
	(erf) = vpow2.f32 v18  }
0x562: {  	v30 =	vmul.f32 v30, v2;
	v7 =	vpop (erf);
	[tilespmem:v16+s14+$0x0] =	vst.idx.add.s32.msk $0xffff, v3;
	v29 =	vsub.f32 $0.0e+00, v29;
	v24 =	vmul.f32 $1.442695020e+00, v24  }
0x563: {  	v12 =	vshrl.u32 v12, $0x14;
	v59 =	vshra.s32 v11, $0x1F;
	v16 =	vpop (erf);
	[tilespmem:s0+$0xFFFFFFE0] =	vst v7;
	v14 =	vsub.f32 $0.0e+00, v14  }
0x564: {  	v30 =	vsub.f32 $0.0e+00, v30;
	v7 =	vpop (erf);
	[tilespmem:v8+s14+$0x0] =	vst.idx.add.s32.msk $0xffff, v3;
	v29 =	vmul.f32 $1.442695020e+00, v29;
	(erf) = vpow2.f32 v24  }
0x565: {  	[tilespmem:s0+$0xFFFFFFF0] =	vst v16;
	v8 =	vpop (erf);
	v18 =	vshra.s32 v17, $0x1F;
	(erf) = vpow2.f32 v28;
	v14 =	vmul.f32 $1.442695020e+00, v14  }
0x566: {  	v30 =	vmul.f32 $1.442695020e+00, v30;
	v56 =	vshra.s32 v19, $0x1F;
	[tilespmem:s0+$0xFFFFFFC0] =	vst v8;
	v8 =	vpop (erf);
	(erf) = vpow2.f32 v29  }
0x567: {  	v13 =	vshra.s32 v15, $0x1F;
	[tilespmem:v9+s14+$0x0] =	vst.idx.add.s32.msk $0xffff, v3;
	v9 =	vor.u32 $0x80000000, v59;
	v62 =	vpop (erf);
	(erf) = vpow2.f32 v14  }
0x568: {  	[tilespmem:s0+$0x0] =	vst v7;
	v7 =	vxor.u32 v26, v60;
	v16 =	vor.u32 $0x80000000, v18;
	(erf) = vpow2.f32 v30;
	v18 =	vpop (erf)  }
0x569: {  	[tilespmem:v12+s14+$0x0] =	vst.idx.add.s32.msk $0xffff, v3;
	v12 =	vor.u32 $0x80000000, v13;
	v18 =	vadd.f32 $1.000000000e+00, v18;
	(erf) = vpow2.f32 v31  }
0x56a: {  	v11 =	vxor.u32 v11, v9;
	v13 =	vor.u32 $0x80000000, v56;
	v15 =	vxor.u32 v15, v12;
	[tilespmem:s0+$0x10] =	vst v8;
	v8 =	vpop (erf)  }
0x56b: {  	v12 =	vxor.u32 v17, v16;
	(erf) = vrcp.f32 v18;
	v17 =	vadd.f32 $1.000000000e+00, v8  }
0x56c: {  	[tilespmem:v10+s14+$0x0] =	vst.idx.add.s32.msk $0xffff, v3;
	v10 =	vxor.u32 v25, v63;
	v7 =	vshrl.u32 v7, $0x14;
	v19 =	vxor.u32 v19, v13  }
0x56d: {  	v9 =	vshrl.u32 v15, $0x14;
	v16 =	vshra.s32 v6, $0x1F;
	[tilespmem:v54+s14+$0x0] =	vst.idx.add.s32.msk $0xffff, v3;
	v14 =	vor.u32 $0x80000000, v27;
	v8 =	vpop (erf)  }
0x56e: {  	[tilespmem:s0+$0x20] =	vst v62;
	v16 =	vor.u32 $0x80000000, v16;
	v13 =	vxor.u32 v53, v14;
	v14 =	vadd.f32 $1.000000000e+00, v8;
	v15 =	vpop (erf)  }
0x56f: {  	s1 =	simm.s32 $0x80;
	s2 =	simm.s32 $0x8140;
	[tilespmem:v55+s14+$0x0] =	vst.idx.add.s32.msk $0xffff, v3;
	v8 =	vshrl.u32 v19, $0x14;
	v15 =	vadd.f32 $1.000000000e+00, v15;
	(erf) = vrcp.f32 v17;
	v17 =	vpop (erf)  }
.LBB2_34:
0x570: {  	v20 =	vadd.f32 $1.000000000e+00, v17;
	v16 =	vxor.u32 v6, v16;
	v6 =	vld [tilespmem:s2+$0x30];
	v18 =	vpop (erf);
	(erf) = vrcp.f32 v14  }
0x571: {  	s1 =	sadd.s32 $0x80, s1;
	v14 =	vld [tilespmem:s2+$0xFFFFFFD0];
	v18 =	vadd.f32 $1.000000000e+00, v18;
	v16 =	vshrl.u32 v16, $0x14;
	(erf) = vrcp.f32 v15;
	v15 =	vpop (erf)  }
0x572: {  	v13 =	vshrl.u32 v13, $0x14;
	p0 =	slt.u32 s1, $0x7F80;
	v19 =	vld [tilespmem:s2+$0xFFFFFFE0];
	v21 =	vadd.f32 $1.000000000e+00, v15;
	(erf) = vrcp.f32 v20;
	v17 =	vpop (erf)  }
0x573: {  	v12 =	vshrl.u32 v12, $0x14;
	v20 =	vld [tilespmem:s2+$0xFFFFFFF0];
	v17 =	vadd.f32 $1.000000000e+00, v17;
	(erf) = vrcp.f32 v18  }
0x574: {  	v11 =	vshrl.u32 v11, $0x14;
	v10 =	vshrl.u32 v10, $0x14;
	s0 =	sadd.s32 $0x80, s0;
	v18 =	vld [tilespmem:s2+$0x0];
	(erf) = vrcp.f32 v21;
	v15 =	vpop (erf)  }
0x575: {  	v21 =	vld [tilespmem:s2+$0x10];
	v22 =	vadd.f32 $1.000000000e+00, v6;
	[tilespmem:s0+$0x30] =	vst v15;
	(erf) = vrcp.f32 v17  }
0x576: {  	v15 =	vshra.s32 v14, $0x1F;
	v17 =	vadd.f32 $1.000000000e+00, v14;
	[tilespmem:v16+s14+$0x0] =	vst.idx.add.s32.msk $0xffff, v3  }
0x577: {  	v16 =	vshra.s32 v19, $0x1F;
	v23 =	vadd.f32 $1.000000000e+00, v19;
	v24 =	vld [tilespmem:s2+$0x20];
	v22 =	vmul.f32 v22, v2  }
0x578: {  	v25 =	vld [tilespmem:s2+$0xFFFFFFC0];
	v17 =	vmul.f32 v17, v2;
	v26 =	vshra.s32 v20, $0x1F;
	v27 =	vadd.f32 $1.000000000e+00, v20;
	v28 =	vpop (erf)  }
0x579: {  	v23 =	vmul.f32 v23, v2;
	v29 =	vadd.f32 $1.000000000e+00, v18;
	v22 =	vsub.f32 $0.0e+00, v22;
	[tilespmem:s0+$0xFFFFFFD0] =	vst v28;
	v28 =	vpop (erf)  }
0x57a: {  	v17 =	vsub.f32 $0.0e+00, v17;
	v27 =	vmul.f32 v27, v2;
	v30 =	vadd.f32 $1.000000000e+00, v21;
	[tilespmem:v9+s14+$0x0] =	vst.idx.add.s32.msk $0xffff, v3;
	v9 =	vpop (erf)  }
0x57b: {  	v23 =	vsub.f32 $0.0e+00, v23;
	v29 =	vmul.f32 v29, v2;
	v22 =	vmul.f32 $1.442695020e+00, v22;
	[tilespmem:s0+$0xFFFFFFE0] =	vst v28;
	v28 =	vpop (erf)  }
0x57c: {  	v27 =	vsub.f32 $0.0e+00, v27;
	v30 =	vmul.f32 v30, v2;
	v31 =	vadd.f32 $1.000000000e+00, v24;
	[tilespmem:v8+s14+$0x0] =	vst.idx.add.s32.msk $0xffff, v3;
	v8 =	vpop (erf)  }
0x57d: {  	v32 =	vadd.f32 $1.000000000e+00, v25;
	v29 =	vsub.f32 $0.0e+00, v29;
	(erf) = vpow2.f32 v22;
	[tilespmem:s0+$0xFFFFFFC0] =	vst v8;
	v8 =	vpop (erf)  }
0x57e: {  	v17 =	vmul.f32 $1.442695020e+00, v17;
	v22 =	vsub.f32 $0.0e+00, v30;
	v30 =	vmul.f32 v31, v2;
	[tilespmem:v7+s14+$0x0] =	vst.idx.add.s32.msk $0xffff, v3;
	v7 =	vpop (erf)  }
0x57f: {  	v23 =	vmul.f32 $1.442695020e+00, v23;
	v31 =	vshra.s32 v25, $0x1F;
	v32 =	vmul.f32 v32, v2;
	[tilespmem:s0+$0xFFFFFFF0] =	vst v9  }
0x580: {  	v9 =	vmul.f32 $1.442695020e+00, v27;
	v27 =	vmul.f32 $1.442695020e+00, v29;
	v29 =	vsub.f32 $0.0e+00, v30;
	[tilespmem:v13+s14+$0x0] =	vst.idx.add.s32.msk $0xffff, v3  }
0x581: {  	v22 =	vmul.f32 $1.442695020e+00, v22;
	v13 =	vsub.f32 $0.0e+00, v32;
	(erf) = vpow2.f32 v17;
	[tilespmem:s0+$0x0] =	vst v28  }
0x582: {  	v17 =	vshra.s32 v18, $0x1F;
	v28 =	vmul.f32 $1.442695020e+00, v29;
	(erf) = vpow2.f32 v23;
	[tilespmem:v12+s14+$0x0] =	vst.idx.add.s32.msk $0xffff, v3  }
0x583: {  	v12 =	vmul.f32 $1.442695020e+00, v13;
	v13 =	vshra.s32 v21, $0x1F;
	(erf) = vpow2.f32 v9;
	[tilespmem:s0+$0x10] =	vst v8  }
0x584: {  	v8 =	vor.u32 $0x80000000, v31;
	v9 =	vshra.s32 v24, $0x1F;
	(erf) = vpow2.f32 v27;
	[tilespmem:v11+s14+$0x0] =	vst.idx.add.s32.msk $0xffff, v3  }
0x585: {  	v11 =	vor.u32 $0x80000000, v15;
	v15 =	vor.u32 $0x80000000, v16;
	(erf) = vpow2.f32 v12;
	[tilespmem:s0+$0x20] =	vst v7  }
0x586: {  	v7 =	vor.u32 $0x80000000, v26;
	v12 =	vor.u32 $0x80000000, v17;
	(erf) = vpow2.f32 v22;
	v16 =	vpop (erf);
	[tilespmem:v10+s14+$0x0] =	vst.idx.add.s32.msk $0xffff, v3  }
0x587: {  	v10 =	vor.u32 $0x80000000, v13;
	v16 =	vadd.f32 $1.000000000e+00, v16;
	(erf) = vpow2.f32 v28  }
0x588: {  	v8 =	vxor.u32 v25, v8;
	v14 =	vxor.u32 v14, v11;
	v17 =	vor.u32 $0x80000000, v9  }
.Ltmp18:
0x589: {  	v15 =	vxor.u32 v19, v15;
	v13 =	vxor.u32 v20, v7;
	(erf) = vrcp.f32 v16;
	(pc) =	sbr.rel @p0 .LBB2_34-.Ltmp18, $4  }
0x58a: {  	v12 =	vxor.u32 v18, v12;
	v11 =	vxor.u32 v21, v10;
	v10 =	vxor.u32 v24, v17;
	v9 =	vpop (erf)  }
0x58b: {  	v7 =	vshrl.u32 v8, $0x14;
	v18 =	vadd.f32 $1.000000000e+00, v9;
	v9 =	vshrl.u32 v14, $0x14;
	v8 =	vpop (erf)  }
0x58c: {  	v16 =	vshra.s32 v6, $0x1F;
	v14 =	vadd.f32 $1.000000000e+00, v8;
	v8 =	vshrl.u32 v15, $0x14;
	v15 =	vpop (erf)  }
0x58d: {  	s2 =	sadd.s32 $0x80, s2;
	v16 =	vor.u32 $0x80000000, v16;
	v15 =	vadd.f32 $1.000000000e+00, v15;
	(erf) = vrcp.f32 v18;
	v17 =	vpop (erf)  }
0x58e: {  	(erf) = vrcp.f32 v14;
	v14 =	vpop (erf)  }
0x58f: {  	v14 =	vadd.f32 $1.000000000e+00, v14  }
0x590: {  	v17 =	vadd.f32 $1.000000000e+00, v17  }
0x591: {  	v6 =	vxor.u32 v6, v16;
	(erf) = vrcp.f32 v15  }
0x592: {  	v6 =	vshrl.u32 v6, $0x14;
	(erf) = vrcp.f32 v17  }
0x593: {  	(erf) = vrcp.f32 v14;
	v14 =	vpop (erf)  }
0x594: {  	v15 =	vpop (erf)  }
0x595: {  	s0 =	sadd.s32 $0x80, s0;
	v63 =	vpop (erf)  }
0x596: {  	v14 =	vadd.f32 $1.000000000e+00, v14;
	[tilespmem:s0+$0x30] =	vst v63  }
0x597: {  	v15 =	vadd.f32 $1.000000000e+00, v15;
	[tilespmem:v6+s14+$0x0] =	vst.idx.add.s32.msk $0xffff, v3;
	v6 =	vpop (erf)  }
0x598: {  	v13 =	vshrl.u32 v13, $0x14;
	(erf) = vrcp.f32 v14;
	[tilespmem:s0+$0xFFFFFFD0] =	vst v6  }
0x599: {  	(erf) = vrcp.f32 v15;
	v6 =	vpop (erf);
	[tilespmem:v9+s14+$0x0] =	vst.idx.add.s32.msk $0xffff, v3  }
0x59a: {  	[tilespmem:s0+$0xFFFFFFE0] =	vst v6  }
0x59b: {  	v9 =	vpop (erf);
	[tilespmem:v8+s14+$0x0] =	vst.idx.add.s32.msk $0xffff, v3  }
0x59c: {  	v12 =	vshrl.u32 v12, $0x14;
	v6 =	vpop (erf);
	[tilespmem:s0+$0xFFFFFFF0] =	vst v9  }
0x59d: {  	v8 =	vpop (erf);
	[tilespmem:v13+s14+$0x0] =	vst.idx.add.s32.msk $0xffff, v3  }
0x59e: {  	[tilespmem:s0+$0xFFFFFFC0] =	vst v8  }
0x59f: {  	[tilespmem:v7+s14+$0x0] =	vst.idx.add.s32.msk $0xffff, v3;
	v7 =	vshrl.u32 v11, $0x14  }
0x5a0: {  	[tilespmem:s0+$0x0] =	vst v6;
	v8 =	vshrl.u32 v10, $0x14  }
0x5a1: {  	[tilespmem:v12+s14+$0x0] =	vst.idx.add.s32.msk $0xffff, v3;
	v6 =	vpop (erf)  }
0x5a2: {  	[tilespmem:s0+$0x10] =	vst v6;
	v6 =	vpop (erf)  }
0x5a3: {  	[tilespmem:s0+$0x20] =	vst v6  }
0x5a4: {  	[tilespmem:v7+s14+$0x0] =	vst.idx.add.s32.msk $0xffff, v3  }
0x5a5: {  	[tilespmem:v8+s14+$0x0] =	vst.idx.add.s32.msk $0xffff, v3  }
0x5a6: {  	s1 =	simm.s32 $0x10000;
	s15 =	simm.s32 $0x18040;
	s0 =	rddreg [dreg:$0x8]  }
0x5a7: {  	[hbm4b:s0+s4] =	stream.strided.scatter [tilespmem:s1], [sflag:$0x2], $0x8000, s5, s4, $0x38;
	[tilespmem:$0x19180] =	vst v63  }
0x5a8: {  	v6 =	vld [tilespmem:s15+$0xFFFFFFC0];
	_ =	sdelay $0x4  }
0x5a9: {  	(xrf0) =	vadd.scan.msk.s32 $0xffff, v6;
	_ =	sdelay $0x3  }
0x5aa: {  	s17 =	simm.s32 $0x180C0  }
0x5ab: {  	v6 =	vld [tilespmem:s17+$0xFFFFFFC0]  }
0x5ac: {  	v7, _, _ =	vpop (xrf0)  }
0x5ad: {  	v7 =	vbroadcast v7, $0xF  }
0x5ae: {  	s21 =	simm.s32 $0x19004  }
0x5af: {  	[tilespmem:s21+$0xFFFFFFFC] =	vst.msk $0x1, v7  }
0x5b0: {  	(xrf0) =	vadd.scan.msk.s32 $0xffff, v6;
	v7 =	vld [tilespmem:s15+$0xFFFFFFD0];
	_ =	sdelay $0x3  }
0x5b1: {  	s12 =	simm.s32 $0x18140  }
0x5b2: {  	v6 =	vld [tilespmem:s12+$0xFFFFFFC0];
	(xrf0) =	vadd.scan.msk.s32 $0xffff, v7  }
0x5b3: {  	v7, _, _ =	vpop (xrf0)  }
0x5b4: {  	v7 =	vbroadcast v7, $0xF  }
0x5b5: {  	s22 =	simm.s32 $0x1900C  }
0x5b6: {  	[tilespmem:s22+$0xFFFFFFFC] =	vst.msk $0x1, v7  }
0x5b7: {  	(xrf0) =	vadd.scan.msk.s32 $0xffff, v6;
	v6 =	vld [tilespmem:s17+$0xFFFFFFD0]  }
0x5b8: {  	v7, _, _ =	vpop (xrf0)  }
0x5b9: {  	v7 =	vbroadcast v7, $0xF  }
0x5ba: {  	s7 =	simm.s32 $0x181C0  }
0x5bb: {  	[tilespmem:s21+$0xFFFFFFFD] =	vst.msk $0x1, v7;
	v7 =	vld [tilespmem:s7+$0xFFFFFFC0]  }
0x5bc: {  	(xrf0) =	vadd.scan.msk.s32 $0xffff, v6;
	v8 =	vld [tilespmem:s15+$0xFFFFFFE0]  }
0x5bd: {  	v6, _, _ =	vpop (xrf0)  }
0x5be: {  	v6 =	vbroadcast v6, $0xF  }
0x5bf: {  	s23 =	simm.s32 $0x19014  }
0x5c0: {  	[tilespmem:s23+$0xFFFFFFFC] =	vst.msk $0x1, v6;
	(xrf0) =	vadd.scan.msk.s32 $0xffff, v7  }
0x5c1: {  	v6 =	vld [tilespmem:s12+$0xFFFFFFD0];
	(xrf0) =	vadd.scan.msk.s32 $0xffff, v8  }
0x5c2: {  	v7, _, _ =	vpop (xrf0)  }
0x5c3: {  	v7 =	vbroadcast v7, $0xF  }
0x5c4: {  	s4 =	simm.s32 $0x18240  }
0x5c5: {  	[tilespmem:s22+$0xFFFFFFFD] =	vst.msk $0x1, v7;
	v7 =	vld [tilespmem:s4+$0xFFFFFFC0]  }
0x5c6: {  	(xrf0) =	vadd.scan.msk.s32 $0xffff, v6;
	v6 =	vld [tilespmem:s17+$0xFFFFFFE0];
	v8, _, _ =	vpop (xrf0)  }
0x5c7: {  	v8 =	vbroadcast v8, $0xF;
	v9, _, _ =	vpop (xrf0)  }
0x5c8: {  	s24 =	simm.s32 $0x1901C;
	v9 =	vbroadcast v9, $0xF  }
0x5c9: {  	[tilespmem:s24+$0xFFFFFFFC] =	vst.msk $0x1, v8  }
0x5ca: {  	(xrf0) =	vadd.scan.msk.s32 $0xffff, v7;
	v8 =	vld [tilespmem:s7+$0xFFFFFFD0];
	[tilespmem:s21+$0xFFFFFFFE] =	vst.msk $0x1, v9  }
0x5cb: {  	(xrf0) =	vadd.scan.msk.s32 $0xffff, v6;
	v7 =	vld [tilespmem:s15+$0xFFFFFFF0]  }
0x5cc: {  	v6, _, _ =	vpop (xrf0)  }
0x5cd: {  	v6 =	vbroadcast v6, $0xF  }
0x5ce: {  	s2 =	simm.s32 $0x182C0  }
0x5cf: {  	[tilespmem:s23+$0xFFFFFFFD] =	vst.msk $0x1, v6;
	v6 =	vld [tilespmem:s2+$0xFFFFFFC0];
	(xrf0) =	vadd.scan.msk.s32 $0xffff, v8  }
0x5d0: {  	(xrf0) =	vadd.scan.msk.s32 $0xffff, v7;
	v7, _, _ =	vpop (xrf0)  }
0x5d1: {  	v8 =	vld [tilespmem:s12+$0xFFFFFFE0];
	v7 =	vbroadcast v7, $0xF;
	v9, _, _ =	vpop (xrf0)  }
0x5d2: {  	s25 =	simm.s32 $0x19024;
	v9 =	vbroadcast v9, $0xF  }
0x5d3: {  	[tilespmem:s25+$0xFFFFFFFC] =	vst.msk $0x1, v7  }
0x5d4: {  	(xrf0) =	vadd.scan.msk.s32 $0xffff, v6;
	v6 =	vld [tilespmem:s4+$0xFFFFFFD0]  }
0x5d5: {  	[tilespmem:s22+$0xFFFFFFFE] =	vst.msk $0x1, v9;
	v7, _, _ =	vpop (xrf0)  }
0x5d6: {  	(xrf0) =	vadd.scan.msk.s32 $0xffff, v8;
	v8 =	vld [tilespmem:s17+$0xFFFFFFF0];
	v7 =	vbroadcast v7, $0xF;
	v9, _, _ =	vpop (xrf0)  }
0x5d7: {  	s3 =	simm.s32 $0x18340;
	v9 =	vbroadcast v9, $0xF  }
0x5d8: {  	[tilespmem:s24+$0xFFFFFFFD] =	vst.msk $0x1, v7;
	v7 =	vld [tilespmem:s3+$0xFFFFFFC0]  }
0x5d9: {  	[tilespmem:s21+$0xFFFFFFFF] =	vst.msk $0x1, v9;
	v9 =	vld [tilespmem:s7+$0xFFFFFFE0];
	(xrf0) =	vadd.scan.msk.s32 $0xffff, v6  }
0x5da: {  	v10, _, _ =	vpop (xrf0);
	v6 =	vld [tilespmem:s15+$0x0]  }
0x5db: {  	(xrf0) =	vadd.scan.msk.s32 $0xffff, v8;
	v8 =	vbroadcast v10, $0xF  }
0x5dc: {  	s26 =	simm.s32 $0x1902C;
	v10, _, _ =	vpop (xrf0)  }
0x5dd: {  	v10 =	vbroadcast v10, $0xF;
	[tilespmem:s26+$0xFFFFFFFC] =	vst.msk $0x1, v8;
	(xrf0) =	vadd.scan.msk.s32 $0xffff, v7  }
0x5de: {  	v7 =	vld [tilespmem:s2+$0xFFFFFFD0];
	(xrf0) =	vadd.scan.msk.s32 $0xffff, v9  }
0x5df: {  	[tilespmem:s23+$0xFFFFFFFE] =	vst.msk $0x1, v10;
	(xrf0) =	vadd.scan.msk.s32 $0xffff, v6;
	v6, _, _ =	vpop (xrf0)  }
0x5e0: {  	v8 =	vld [tilespmem:s12+$0xFFFFFFF0];
	v6 =	vbroadcast v6, $0xF  }
0x5e1: {  	s1 =	simm.s32 $0x183C0;
	v9, _, _ =	vpop (xrf0)  }
0x5e2: {  	v9 =	vbroadcast v9, $0xF;
	[tilespmem:s25+$0xFFFFFFFD] =	vst.msk $0x1, v6;
	v6 =	vld [tilespmem:s1+$0xFFFFFFC0]  }
0x5e3: {  	(xrf0) =	vadd.scan.msk.s32 $0xffff, v7;
	v10, _, _ =	vpop (xrf0);
	v7 =	vld [tilespmem:s4+$0xFFFFFFE0]  }
0x5e4: {  	[tilespmem:s22+$0xFFFFFFFF] =	vst.msk $0x1, v9;
	v9 =	vbroadcast v10, $0xF;
	v10, _, _ =	vpop (xrf0)  }
0x5e5: {  	s28 =	simm.s32 $0x19034;
	(xrf0) =	vadd.scan.msk.s32 $0xffff, v8;
	v10 =	vbroadcast v10, $0xF;
	v11, _, _ =	vpop (xrf0)  }
0x5e6: {  	v8 =	vld [tilespmem:s17+$0x0];
	[tilespmem:s28+$0xFFFFFFFC] =	vst.msk $0x1, v9;
	v9 =	vbroadcast v11, $0xF  }
0x5e7: {  	v11 =	vld [tilespmem:s3+$0xFFFFFFD0];
	[tilespmem:s24+$0xFFFFFFFE] =	vst.msk $0x1, v10;
	(xrf0) =	vadd.scan.msk.s32 $0xffff, v6  }
0x5e8: {  	v6 =	vld [tilespmem:s7+$0xFFFFFFF0];
	[tilespmem:s21+$0x0] =	vst.msk $0x1, v9;
	(xrf0) =	vadd.scan.msk.s32 $0xffff, v7  }
0x5e9: {  	v7 =	vld [tilespmem:s15+$0x10]  }
0x5ea: {  	v9, _, _ =	vpop (xrf0)  }
0x5eb: {  	(xrf0) =	vadd.scan.msk.s32 $0xffff, v8;
	v8 =	vbroadcast v9, $0xF;
	v9, _, _ =	vpop (xrf0)  }
0x5ec: {  	s5 =	simm.s32 $0x18440;
	v9 =	vbroadcast v9, $0xF;
	(xrf0) =	vadd.scan.msk.s32 $0xffff, v11  }
0x5ed: {  	[tilespmem:s26+$0xFFFFFFFD] =	vst.msk $0x1, v8;
	v8 =	vld [tilespmem:s5+$0xFFFFFFC0];
	(xrf0) =	vadd.scan.msk.s32 $0xffff, v6;
	v6, _, _ =	vpop (xrf0)  }
0x5ee: {  	[tilespmem:s23+$0xFFFFFFFF] =	vst.msk $0x1, v9;
	v9 =	vld [tilespmem:s2+$0xFFFFFFE0];
	(xrf0) =	vadd.scan.msk.s32 $0xffff, v7;
	v7, _, _ =	vpop (xrf0)  }
0x5ef: {  	v10 =	vld [tilespmem:s12+$0x0];
	v7 =	vbroadcast v7, $0xF  }
0x5f0: {  	v6 =	vbroadcast v6, $0xF  }
0x5f1: {  	s0 =	simm.s32 $0x1903C;
	v11, _, _ =	vpop (xrf0)  }
0x5f2: {  	[tilespmem:s0+$0xFFFFFFFC] =	vst.msk $0x1, v6;
	v6 =	vbroadcast v11, $0xF;
	(xrf0) =	vadd.scan.msk.s32 $0xffff, v8  }
0x5f3: {  	[tilespmem:s25+$0xFFFFFFFE] =	vst.msk $0x1, v7;
	v8 =	vld [tilespmem:s1+$0xFFFFFFD0];
	v7, _, _ =	vpop (xrf0);
	(xrf0) =	vadd.scan.msk.s32 $0xffff, v9  }
0x5f4: {  	[tilespmem:s22+$0x0] =	vst.msk $0x1, v6;
	v9 =	vld [tilespmem:s4+$0xFFFFFFF0];
	v6 =	vbroadcast v7, $0xF;
	v7, _, _ =	vpop (xrf0);
	(xrf0) =	vadd.scan.msk.s32 $0xffff, v10  }
0x5f5: {  	s8 =	simm.s32 $0x184C0;
	v10 =	vld [tilespmem:s17+$0x10];
	v7 =	vbroadcast v7, $0xF;
	v11, _, _ =	vpop (xrf0)  }
0x5f6: {  	[tilespmem:s28+$0xFFFFFFFD] =	vst.msk $0x1, v6;
	v6 =	vbroadcast v11, $0xF;
	v11 =	vld [tilespmem:s8+$0xFFFFFFC0]  }
0x5f7: {  	[tilespmem:s24+$0xFFFFFFFF] =	vst.msk $0x1, v7;
	v7 =	vld [tilespmem:s3+$0xFFFFFFE0]  }
0x5f8: {  	(xrf0) =	vadd.scan.msk.s32 $0xffff, v8;
	[tilespmem:s21+$0x1] =	vst.msk $0x1, v6;
	v6 =	vld [tilespmem:s7+$0x0];
	v8, _, _ =	vpop (xrf0)  }
0x5f9: {  	(xrf0) =	vadd.scan.msk.s32 $0xffff, v9;
	v9 =	vld [tilespmem:s15+$0x20];
	v8 =	vbroadcast v8, $0xF;
	v12, _, _ =	vpop (xrf0)  }
0x5fa: {  	s6 =	simm.s32 $0x19044;
	(xrf0) =	vadd.scan.msk.s32 $0xffff, v10;
	v10 =	vbroadcast v12, $0xF;
	v12, _, _ =	vpop (xrf0)  }
0x5fb: {  	(xrf0) =	vadd.scan.msk.s32 $0xffff, v11;
	[tilespmem:s6+$0xFFFFFFFC] =	vst.msk $0x1, v8;
	v8 =	vbroadcast v12, $0xF  }
0x5fc: {  	(xrf0) =	vadd.scan.msk.s32 $0xffff, v7  }
0x5fd: {  	v7 =	vld [tilespmem:s5+$0xFFFFFFD0];
	[tilespmem:s26+$0xFFFFFFFE] =	vst.msk $0x1, v10;
	(xrf0) =	vadd.scan.msk.s32 $0xffff, v6  }
0x5fe: {  	v6, _, _ =	vpop (xrf0);
	v10 =	vld [tilespmem:s2+$0xFFFFFFF0];
	[tilespmem:s23+$0x0] =	vst.msk $0x1, v8;
	(xrf0) =	vadd.scan.msk.s32 $0xffff, v9  }
0x5ff: {  	v6 =	vbroadcast v6, $0xF;
	v9 =	vld [tilespmem:s12+$0x10];
	v8, _, _ =	vpop (xrf0)  }
0x600: {  	v8 =	vbroadcast v8, $0xF;
	v11, _, _ =	vpop (xrf0)  }
0x601: {  	s13 =	simm.s32 $0x18540;
	[tilespmem:s0+$0xFFFFFFFD] =	vst.msk $0x1, v6;
	v6 =	vbroadcast v11, $0xF;
	v12, _, _ =	vpop (xrf0)  }
0x602: {  	v11 =	vld [tilespmem:s13+$0xFFFFFFC0];
	(xrf0) =	vadd.scan.msk.s32 $0xffff, v7;
	[tilespmem:s25+$0xFFFFFFFF] =	vst.msk $0x1, v8;
	v8 =	vbroadcast v12, $0xF;
	v12, _, _ =	vpop (xrf0)  }
0x603: {  	s9 =	simm.s32 $0x1904C;
	v7 =	vld [tilespmem:s1+$0xFFFFFFE0];
	(xrf0) =	vadd.scan.msk.s32 $0xffff, v10;
	[tilespmem:s22+$0x1] =	vst.msk $0x1, v6;
	v10 =	vbroadcast v12, $0xF;
	v12, _, _ =	vpop (xrf0)  }
0x604: {  	v6 =	vld [tilespmem:s4+$0x0];
	(xrf0) =	vadd.scan.msk.s32 $0xffff, v9;
	[tilespmem:s9+$0xFFFFFFFC] =	vst.msk $0x1, v8;
	v8 =	vbroadcast v12, $0xF;
	v12, _, _ =	vpop (xrf0)  }
0x605: {  	v9 =	vld [tilespmem:s17+$0x20];
	[tilespmem:s28+$0xFFFFFFFE] =	vst.msk $0x1, v10;
	v10 =	vbroadcast v12, $0xF;
	_ =	sdelay $0x1  }
0x606: {  	(xrf0) =	vadd.scan.msk.s32 $0xffff, v11  }
0x607: {  	v13 =	vld [tilespmem:s8+$0xFFFFFFD0];
	[tilespmem:s24+$0x0] =	vst.msk $0x1, v8;
	(xrf0) =	vadd.scan.msk.s32 $0xffff, v7;
	v8, _, _ =	vpop (xrf0)  }
0x608: {  	v11 =	vld [tilespmem:s3+$0xFFFFFFF0];
	[tilespmem:s21+$0x2] =	vst.msk $0x1, v10;
	(xrf0) =	vadd.scan.msk.s32 $0xffff, v6;
	v8 =	vbroadcast v8, $0xF;
	v10, _, _ =	vpop (xrf0)  }
0x609: {  	v7 =	vld [tilespmem:s7+$0x10];
	(xrf0) =	vadd.scan.msk.s32 $0xffff, v9;
	v9 =	vbroadcast v10, $0xF;
	v10, _, _ =	vpop (xrf0)  }
0x60a: {  	[tilespmem:s6+$0xFFFFFFFD] =	vst.msk $0x1, v8;
	v8 =	vbroadcast v10, $0xF;
	_ =	sdelay $0x1  }
0x60b: {  	v6 =	vld [tilespmem:s15+$0x30];
	(xrf0) =	vadd.scan.msk.s32 $0xffff, v13  }
0x60c: {  	(xrf0) =	vadd.scan.msk.s32 $0xffff, v11;
	[tilespmem:s26+$0xFFFFFFFF] =	vst.msk $0x1, v9;
	v9, _, _ =	vpop (xrf0)  }
0x60d: {  	[tilespmem:s23+$0x1] =	vst.msk $0x1, v8;
	(xrf0) =	vadd.scan.msk.s32 $0xffff, v7;
	v7 =	vbroadcast v9, $0xF;
	v8, _, _ =	vpop (xrf0)  }
0x60e: {  	s15 =	simm.s32 $0x185C0;
	v12 =	vbroadcast v8, $0xF  }
0x60f: {  	v10 =	vld [tilespmem:s15+$0xFFFFFFC0]  }
0x610: {  	s10 =	simm.s32 $0x19054;
	v11 =	vld [tilespmem:s5+$0xFFFFFFE0];
	(xrf0) =	vadd.scan.msk.s32 $0xffff, v6;
	v6, _, _ =	vpop (xrf0)  }
0x611: {  	v9 =	vld [tilespmem:s2+$0x0];
	[tilespmem:s10+$0xFFFFFFFC] =	vst.msk $0x1, v7;
	v6 =	vbroadcast v6, $0xF;
	v7, _, _ =	vpop (xrf0)  }
0x612: {  	v13 =	vld [tilespmem:s12+$0x20];
	[tilespmem:s0+$0xFFFFFFFE] =	vst.msk $0x1, v12;
	v12, _, _ =	vpop (xrf0)  }
0x613: {  	[tilespmem:s25+$0x0] =	vst.msk $0x1, v6;
	v6 =	vbroadcast v12, $0xF  }
0x614: {  	(xrf0) =	vadd.scan.msk.s32 $0xffff, v10;
	v8 =	vld [tilespmem:s13+$0xFFFFFFD0];
	v10 =	vbroadcast v7, $0xF  }
0x615: {  	(xrf0) =	vadd.scan.msk.s32 $0xffff, v11;
	v7 =	vld [tilespmem:s1+$0xFFFFFFF0];
	v11, _, _ =	vpop (xrf0)  }
0x616: {  	(xrf0) =	vadd.scan.msk.s32 $0xffff, v9;
	v9 =	vld [tilespmem:s4+$0x10];
	[tilespmem:s22+$0x2] =	vst.msk $0x1, v10;
	v14, _, _ =	vpop (xrf0)  }
0x617: {  	s11 =	simm.s32 $0x58;
	s16 =	simm.s32 $0x18640;
	(xrf0) =	vadd.scan.msk.s32 $0xffff, v13;
	v12 =	vbroadcast v11, $0xF;
	v10 =	vld [tilespmem:s17+$0x30];
	[tilespmem:s9+$0xFFFFFFFD] =	vst.msk $0x1, v6;
	v11 =	vbroadcast v14, $0xF;
	s17 =	simm.s32 $0x19054;
	v6, _, _ =	vpop (xrf0)  }
.LBB2_36:
0x618: {  	s18 =	smov.u32 s1;
	s1 =	smov.u32 s5;
	s5 =	smov.u32 s8  }
0x619: {  	v13 =	vld [tilespmem:s16+$0xFFFFFFC0];
	(xrf0) =	vadd.scan.msk.s32 $0xffff, v8;
	[tilespmem:s28+$0xFFFFFFFF] =	vst.msk $0x1, v12;
	v6 =	vbroadcast v6, $0xF;
	s8 =	smov.u32 s13;
	s13 =	smov.u32 s15;
	s15 =	smov.u32 s16  }
0x61a: {  	v8, _, _ =	vpop (xrf0);
	v12 =	vld [tilespmem:s5+$0xFFFFFFE0];
	(xrf0) =	vadd.scan.msk.s32 $0xffff, v7;
	[tilespmem:s24+$0x1] =	vst.msk $0x1, v11  }
0x61b: {  	v15 =	vbroadcast v8, $0xF;
	v8, _, _ =	vpop (xrf0);
	v11 =	vld [tilespmem:s3+$0x0];
	(xrf0) =	vadd.scan.msk.s32 $0xffff, v9;
	[tilespmem:s21+$0x3] =	vst.msk $0x1, v6  }
0x61c: {  	s11 =	sadd.s32 $0x8, s11;
	s10 =	sadd.s32 $0x8, s10;
	s21 =	smov.u32 s22;
	v6 =	vbroadcast v8, $0xF;
	v8, _, _ =	vpop (xrf0);
	v14 =	vld [tilespmem:s7+$0x20];
	(xrf0) =	vadd.scan.msk.s32 $0xffff, v10  }
0x61d: {  	p0 =	slt.u32 s11, $0xF8;
	s22 =	smov.u32 s23;
	s23 =	smov.u32 s24;
	[tilespmem:s10+$0xFFFFFFFC] =	vst.msk $0x1, v15;
	v9 =	vbroadcast v8, $0xF;
	v7, _, _ =	vpop (xrf0)  }
.Ltmp19:
0x61e: {  	s24 =	smov.u32 s25;
	s25 =	smov.u32 s26;
	(xrf0) =	vadd.scan.msk.s32 $0xffff, v13;
	v8 =	vld [tilespmem:s13+$0xFFFFFFD0];
	[tilespmem:s6+$0xFFFFFFFE] =	vst.msk $0x1, v6;
	v15 =	vbroadcast v7, $0xF;
	(pc) =	sbr.rel @p0 .LBB2_36-.Ltmp19, $4  }
0x61f: {  	s26 =	smov.u32 s28;
	s28 =	smov.u32 s0;
	s0 =	smov.u32 s6;
	v10, _, _ =	vpop (xrf0);
	(xrf0) =	vadd.scan.msk.s32 $0xffff, v12;
	v7 =	vld [tilespmem:s1+$0xFFFFFFF0];
	[tilespmem:s25+$0x0] =	vst.msk $0x1, v9  }
0x620: {  	s6 =	smov.u32 s9;
	s9 =	smov.u32 s17;
	s17 =	smov.u32 s10;
	v13 =	vbroadcast v10, $0xF;
	v10, _, _ =	vpop (xrf0);
	(xrf0) =	vadd.scan.msk.s32 $0xffff, v11;
	v9 =	vld [tilespmem:s2+$0x10];
	[tilespmem:s22+$0x2] =	vst.msk $0x1, v15  }
0x621: {  	v12 =	vbroadcast v10, $0xF;
	v6, _, _ =	vpop (xrf0);
	(xrf0) =	vadd.scan.msk.s32 $0xffff, v14;
	v10 =	vld [tilespmem:s12+$0x30];
	s12 =	smov.u32 s7;
	s7 =	smov.u32 s4;
	s4 =	smov.u32 s2  }
0x622: {  	s16 =	sadd.s32 $0x80, s16;
	s2 =	smov.u32 s3;
	s3 =	smov.u32 s18;
	[tilespmem:s9+$0xFFFFFFFD] =	vst.msk $0x1, v13;
	v11 =	vbroadcast v6, $0xF;
	v6, _, _ =	vpop (xrf0)  }
0x623: {  	_ = 	snop  }
0x624: {  	[tilespmem:s28+$0xFFFFFFFF] =	vst.msk $0x1, v12;
	v12 =	vld [tilespmem:s8+$0xFFFFFFE0];
	v13, _, _ =	vpop (xrf0)  }
0x625: {  	(xrf0) =	vadd.scan.msk.s32 $0xffff, v8;
	[tilespmem:s24+$0x1] =	vst.msk $0x1, v11;
	v8 =	vld [tilespmem:s3+$0x0];
	v13 =	vbroadcast v13, $0xF  }
0x626: {  	s18 =	sadd.s32 $0x8, s10;
	(xrf0) =	vadd.scan.msk.s32 $0xffff, v7;
	v7 =	vld [tilespmem:s7+$0x20]  }
0x627: {  	(xrf0) =	vadd.scan.msk.s32 $0xffff, v9;
	[tilespmem:s18+$0xFFFFFFFC] =	vst.msk $0x1, v13  }
0x628: {  	v11, _, _ =	vpop (xrf0);
	(xrf0) =	vadd.scan.msk.s32 $0xffff, v10;
	v9 =	vld [tilespmem:s15+$0xFFFFFFD0]  }
0x629: {  	v11 =	vbroadcast v11, $0xF;
	v10, _, _ =	vpop (xrf0);
	(xrf0) =	vadd.scan.msk.s32 $0xffff, v12  }
0x62a: {  	v12, _, _ =	vpop (xrf0);
	(xrf0) =	vadd.scan.msk.s32 $0xffff, v8  }
0x62b: {  	v8 =	vbroadcast v10, $0xF;
	v10, _, _ =	vpop (xrf0);
	(xrf0) =	vadd.scan.msk.s32 $0xffff, v7;
	v7 =	vbroadcast v12, $0xF;
	_ =	sdelay $0x1  }
0x62c: {  	[tilespmem:s6+$0xFFFFFFFE] =	vst.msk $0x1, v11;
	v11, _, _ =	vpop (xrf0);
	(xrf0) =	vadd.scan.msk.s32 $0xffff, v9  }
0x62d: {  	[tilespmem:s26+$0x0] =	vst.msk $0x1, v8;
	v8 =	vbroadcast v10, $0xF;
	v10, _, _ =	vpop (xrf0);
	v9 =	vld [tilespmem:s5+$0xFFFFFFF0]  }
0x62e: {  	v12 =	vld [tilespmem:s2+$0x10];
	[tilespmem:s23+$0x2] =	vst.msk $0x1, v7;
	v11 =	vbroadcast v11, $0xF;
	v7, _, _ =	vpop (xrf0)  }
0x62f: {  	v13 =	vld [tilespmem:s12+$0x30];
	[tilespmem:s17+$0xFFFFFFFD] =	vst.msk $0x1, v8;
	v8 =	vbroadcast v10, $0xF;
	v10, _, _ =	vpop (xrf0)  }
0x630: {  	[tilespmem:s0+$0xFFFFFFFF] =	vst.msk $0x1, v11;
	v11 =	vld [tilespmem:s13+$0xFFFFFFE0];
	v10 =	vbroadcast v10, $0xF;
	v14, _, _ =	vpop (xrf0)  }
0x631: {  	[tilespmem:s25+$0x1] =	vst.msk $0x1, v8;
	v8 =	vld [tilespmem:s1+$0x0];
	v14 =	vbroadcast v14, $0xF;
	v15, _, _ =	vpop (xrf0)  }
0x632: {  	(xrf0) =	vadd.scan.msk.s32 $0xffff, v9;
	v9 =	vld [tilespmem:s4+$0x20];
	[tilespmem:s9+$0xFFFFFFFE] =	vst.msk $0x1, v10;
	v10 =	vbroadcast v15, $0xF;
	v15, _, _ =	vpop (xrf0)  }
0x633: {  	(xrf0) =	vadd.scan.msk.s32 $0xffff, v12;
	v12 =	vld [tilespmem:s8+$0xFFFFFFF0];
	[tilespmem:s28+$0x0] =	vst.msk $0x1, v14;
	v14 =	vbroadcast v15, $0xF  }
0x634: {  	(xrf0) =	vadd.scan.msk.s32 $0xffff, v13;
	v13 =	vld [tilespmem:s3+$0x10];
	[tilespmem:s24+$0x2] =	vst.msk $0x1, v10  }
0x635: {  	(xrf0) =	vadd.scan.msk.s32 $0xffff, v11;
	v10 =	vld [tilespmem:s7+$0x30];
	[tilespmem:s18+$0xFFFFFFFD] =	vst.msk $0x1, v14  }
0x636: {  	(xrf0) =	vadd.scan.msk.s32 $0xffff, v8;
	v11 =	vld [tilespmem:s15+$0xFFFFFFE0]  }
0x637: {  	(xrf0) =	vadd.scan.msk.s32 $0xffff, v9  }
0x638: {  	v9, _, _ =	vpop (xrf0);
	(xrf0) =	vadd.scan.msk.s32 $0xffff, v12  }
0x639: {  	v12, _, _ =	vpop (xrf0);
	(xrf0) =	vadd.scan.msk.s32 $0xffff, v13  }
0x63a: {  	v8, _, _ =	vpop (xrf0);
	(xrf0) =	vadd.scan.msk.s32 $0xffff, v10  }
0x63b: {  	v9 =	vbroadcast v9, $0xF;
	v10, _, _ =	vpop (xrf0);
	(xrf0) =	vadd.scan.msk.s32 $0xffff, v11  }
0x63c: {  	v11 =	vbroadcast v12, $0xF;
	v12, _, _ =	vpop (xrf0)  }
0x63d: {  	[tilespmem:s6+$0xFFFFFFFF] =	vst.msk $0x1, v9;
	v9 =	vbroadcast v10, $0xF;
	v10, _, _ =	vpop (xrf0)  }
0x63e: {  	v12 =	vbroadcast v12, $0xF;
	[tilespmem:s26+$0x1] =	vst.msk $0x1, v11;
	v11 =	vld [tilespmem:s5+$0x0];
	v13, _, _ =	vpop (xrf0)  }
0x63f: {  	[tilespmem:s17+$0xFFFFFFFE] =	vst.msk $0x1, v9;
	v9 =	vbroadcast v10, $0xF;
	v14 =	vld [tilespmem:s2+$0x20];
	v10, _, _ =	vpop (xrf0)  }
0x640: {  	v15 =	vld [tilespmem:s13+$0xFFFFFFF0];
	[tilespmem:s0+$0x0] =	vst.msk $0x1, v12;
	v12 =	vbroadcast v13, $0xF;
	v13, _, _ =	vpop (xrf0)  }
0x641: {  	v16 =	vld [tilespmem:s1+$0x10];
	[tilespmem:s25+$0x2] =	vst.msk $0x1, v9;
	v9 =	vbroadcast v10, $0xF;
	v10, _, _ =	vpop (xrf0)  }
0x642: {  	v17 =	vld [tilespmem:s4+$0x30];
	[tilespmem:s9+$0xFFFFFFFF] =	vst.msk $0x1, v12;
	v10 =	vbroadcast v10, $0xF  }
0x643: {  	[tilespmem:s28+$0x1] =	vst.msk $0x1, v9;
	v9 =	vld [tilespmem:s8+$0x0];
	(xrf0) =	vadd.scan.msk.s32 $0xffff, v11  }
0x644: {  	v11 =	vld [tilespmem:s3+$0x20];
	(xrf0) =	vadd.scan.msk.s32 $0xffff, v14;
	[tilespmem:s18+$0xFFFFFFFE] =	vst.msk $0x1, v10  }
0x645: {  	(xrf0) =	vadd.scan.msk.s32 $0xffff, v15;
	v10 =	vld [tilespmem:s15+$0xFFFFFFF0]  }
0x646: {  	(xrf0) =	vadd.scan.msk.s32 $0xffff, v16  }
0x647: {  	(xrf0) =	vadd.scan.msk.s32 $0xffff, v17  }
0x648: {  	(xrf0) =	vadd.scan.msk.s32 $0xffff, v9  }
0x649: {  	v9, _, _ =	vpop (xrf0);
	(xrf0) =	vadd.scan.msk.s32 $0xffff, v11  }
0x64a: {  	v11, _, _ =	vpop (xrf0);
	(xrf0) =	vadd.scan.msk.s32 $0xffff, v10  }
0x64b: {  	v9 =	vbroadcast v9, $0xF;
	v10, _, _ =	vpop (xrf0)  }
0x64c: {  	v11 =	vbroadcast v11, $0xF;
	v12, _, _ =	vpop (xrf0)  }
0x64d: {  	[tilespmem:s6+$0x0] =	vst.msk $0x1, v9;
	v9 =	vbroadcast v10, $0xF;
	v10, _, _ =	vpop (xrf0)  }
0x64e: {  	v14 =	vld [tilespmem:s5+$0x10];
	[tilespmem:s26+$0x2] =	vst.msk $0x1, v11;
	v11 =	vbroadcast v12, $0xF;
	v12, _, _ =	vpop (xrf0)  }
0x64f: {  	v15 =	vld [tilespmem:s2+$0x30];
	[tilespmem:s17+$0xFFFFFFFF] =	vst.msk $0x1, v9;
	v9 =	vbroadcast v12, $0xF;
	v12, _, _ =	vpop (xrf0)  }
0x650: {  	[tilespmem:s0+$0x1] =	vst.msk $0x1, v11;
	v11 =	vld [tilespmem:s13+$0x0];
	v12 =	vbroadcast v12, $0xF;
	v16, _, _ =	vpop (xrf0)  }
0x651: {  	v17 =	vld [tilespmem:s1+$0x20];
	[tilespmem:s9+$0x0] =	vst.msk $0x1, v9;
	v9 =	vbroadcast v16, $0xF  }
0x652: {  	v16 =	vld [tilespmem:s8+$0x10];
	[tilespmem:s28+$0x2] =	vst.msk $0x1, v12  }
0x653: {  	(xrf0) =	vadd.scan.msk.s32 $0xffff, v14;
	v12 =	vld [tilespmem:s3+$0x30];
	[tilespmem:s18+$0xFFFFFFFF] =	vst.msk $0x1, v9  }
0x654: {  	(xrf0) =	vadd.scan.msk.s32 $0xffff, v15;
	v9 =	vld [tilespmem:s15+$0x0]  }
0x655: {  	(xrf0) =	vadd.scan.msk.s32 $0xffff, v11  }
0x656: {  	(xrf0) =	vadd.scan.msk.s32 $0xffff, v17  }
0x657: {  	(xrf0) =	vadd.scan.msk.s32 $0xffff, v16  }
0x658: {  	(xrf0) =	vadd.scan.msk.s32 $0xffff, v12  }
0x659: {  	v11, _, _ =	vpop (xrf0);
	(xrf0) =	vadd.scan.msk.s32 $0xffff, v9  }
0x65a: {  	v9, _, _ =	vpop (xrf0)  }
0x65b: {  	v12, _, _ =	vpop (xrf0)  }
0x65c: {  	v11 =	vbroadcast v11, $0xF;
	v14, _, _ =	vpop (xrf0)  }
0x65d: {  	v12 =	vbroadcast v12, $0xF;
	v15, _, _ =	vpop (xrf0)  }
0x65e: {  	[tilespmem:s6+$0x1] =	vst.msk $0x1, v11;
	v11 =	vbroadcast v14, $0xF;
	v14, _, _ =	vpop (xrf0)  }
0x65f: {  	v16 =	vld [tilespmem:s5+$0x20];
	[tilespmem:s17+$0x0] =	vst.msk $0x1, v12;
	v12 =	vbroadcast v15, $0xF;
	v15, _, _ =	vpop (xrf0)  }
0x660: {  	v17 =	vld [tilespmem:s13+$0x10];
	[tilespmem:s0+$0x2] =	vst.msk $0x1, v11;
	v11 =	vbroadcast v15, $0xF  }
0x661: {  	[tilespmem:s9+$0x1] =	vst.msk $0x1, v12;
	v15 =	vld [tilespmem:s1+$0x30]  }
0x662: {  	v12 =	vld [tilespmem:s8+$0x20];
	[tilespmem:s18+$0x0] =	vst.msk $0x1, v11  }
0x663: {  	v11 =	vld [tilespmem:s15+$0x10]  }
0x664: {  	(xrf0) =	vadd.scan.msk.s32 $0xffff, v16  }
0x665: {  	(xrf0) =	vadd.scan.msk.s32 $0xffff, v17  }
0x666: {  	(xrf0) =	vadd.scan.msk.s32 $0xffff, v15  }
0x667: {  	(xrf0) =	vadd.scan.msk.s32 $0xffff, v12  }
0x668: {  	(xrf0) =	vadd.scan.msk.s32 $0xffff, v11;
	_ =	sdelay $0x1  }
0x669: {  	v11, _, _ =	vpop (xrf0)  }
0x66a: {  	v12, _, _ =	vpop (xrf0)  }
0x66b: {  	v11 =	vbroadcast v11, $0xF;
	v15, _, _ =	vpop (xrf0)  }
0x66c: {  	v12 =	vbroadcast v12, $0xF;
	v16, _, _ =	vpop (xrf0)  }
0x66d: {  	[tilespmem:s6+$0x2] =	vst.msk $0x1, v11;
	v11 =	vbroadcast v16, $0xF;
	v16, _, _ =	vpop (xrf0)  }
0x66e: {  	v17 =	vld [tilespmem:s5+$0x30];
	[tilespmem:s17+$0x1] =	vst.msk $0x1, v12;
	v12 =	vbroadcast v16, $0xF  }
0x66f: {  	v16 =	vld [tilespmem:s13+$0x20];
	[tilespmem:s9+$0x2] =	vst.msk $0x1, v11  }
0x670: {  	v11 =	vld [tilespmem:s8+$0x30];
	[tilespmem:s18+$0x1] =	vst.msk $0x1, v12  }
0x671: {  	v12 =	vld [tilespmem:s15+$0x20];
	_ =	sdelay $0x1  }
0x672: {  	(xrf0) =	vadd.scan.msk.s32 $0xffff, v17  }
0x673: {  	(xrf0) =	vadd.scan.msk.s32 $0xffff, v16  }
0x674: {  	(xrf0) =	vadd.scan.msk.s32 $0xffff, v11  }
0x675: {  	(xrf0) =	vadd.scan.msk.s32 $0xffff, v12;
	_ =	sdelay $0x2  }
0x676: {  	v11, _, _ =	vpop (xrf0)  }
0x677: {  	v12, _, _ =	vpop (xrf0)  }
0x678: {  	v16, _, _ =	vpop (xrf0)  }
0x679: {  	v12 =	vbroadcast v12, $0xF;
	v17, _, _ =	vpop (xrf0)  }
0x67a: {  	v17 =	vbroadcast v17, $0xF  }
0x67b: {  	[tilespmem:s17+$0x2] =	vst.msk $0x1, v12  }
0x67c: {  	v12 =	vld [tilespmem:s13+$0x30];
	[tilespmem:s18+$0x2] =	vst.msk $0x1, v17  }
0x67d: {  	v17 =	vld [tilespmem:s15+$0x30]  }
0x67e: {  	v6 =	vbroadcast v6, $0xF  }
0x67f: {  	v7 =	vbroadcast v7, $0xF  }
0x680: {  	[tilespmem:s21+$0x3] =	vst.msk $0x1, v6;
	v6 =	vbroadcast v8, $0xF  }
0x681: {  	[tilespmem:s22+$0x3] =	vst.msk $0x1, v7;
	v7 =	vbroadcast v13, $0xF;
	(xrf0) =	vadd.scan.msk.s32 $0xffff, v12  }
0x682: {  	[tilespmem:s23+$0x3] =	vst.msk $0x1, v6;
	v6 =	vbroadcast v10, $0xF;
	(xrf0) =	vadd.scan.msk.s32 $0xffff, v17  }
0x683: {  	[tilespmem:s24+$0x3] =	vst.msk $0x1, v7;
	v7 =	vbroadcast v9, $0xF  }
0x684: {  	[tilespmem:s25+$0x3] =	vst.msk $0x1, v6;
	v6 =	vbroadcast v14, $0xF  }
0x685: {  	[tilespmem:s26+$0x3] =	vst.msk $0x1, v7;
	v7 =	vbroadcast v15, $0xF  }
0x686: {  	[tilespmem:s28+$0x3] =	vst.msk $0x1, v6;
	v6 =	vbroadcast v11, $0xF  }
0x687: {  	[tilespmem:s0+$0x3] =	vst.msk $0x1, v7;
	v7 =	vbroadcast v16, $0xF;
	v8, _, _ =	vpop (xrf0)  }
0x688: {  	[tilespmem:s6+$0x3] =	vst.msk $0x1, v6;
	v6 =	vbroadcast v8, $0xF;
	v8, _, _ =	vpop (xrf0)  }
0x689: {  	[tilespmem:s9+$0x3] =	vst.msk $0x1, v7;
	v7 =	vbroadcast v8, $0xF  }
0x68a: {  	[tilespmem:s17+$0x3] =	vst.msk $0x1, v6  }
0x68b: {  	s13 =	simm.s32 $0x190F0;
	[tilespmem:s18+$0x3] =	vst.msk $0x1, v7  }
0x68c: {  	v6 =	vld [tilespmem:s13+$0x0];
	_ =	sdelay $0x2  }
0x68d: {  	s15 =	simm.s32 $0x190E0  }
0x68e: {  	v7 =	vld [tilespmem:s15+$0x0]  }
0x68f: {  	v6 =	vperm.xlane v6, v4;
	_ =	sdelay $0x1  }
0x690: {  	(xrf0) =	vadd.scan.msk.s32 $0xffff, v6;
	_ =	sdelay $0x1  }
0x691: {  	v9 =	vperm.xlane v7, v4;
	_ =	sdelay $0x1  }
0x692: {  	(xrf0) =	vadd.scan.msk.s32 $0xffff, v9;
	_ =	sdelay $0x1  }
0x693: {  	v7, _, _ =	vpop (xrf0)  }
0x694: {  	(v2sf) =	vpush v7, $0xF  }
0x695: {  	s16 =	simm.s32 $0x190D0;
	s0 =	simm.s32 $0x0  }
0x696: {  	v8 =	vld [tilespmem:s16+$0x0];
	v10 =	vadd.s32 s0, v7  }
0x697: {  	v7, _, _ =	vpop (xrf0);
	vm0 =	vgt.s32 v10, $0x7FF  }
0x698: {  	(v2sf) =	vpush v7, $0xF;
	v11 =	vsel vm0, $0x1, v1  }
0x699: {  	(xrf0) =	vadd.scan.msk.s32 $0xffff, v11;
	_ =	sdelay $0x1  }
0x69a: {  	v12 =	vperm.xlane v8, v4;
	_ =	sdelay $0x1  }
0x69b: {  	(xrf0) =	vadd.scan.msk.s32 $0xffff, v12;
	_ =	sdelay $0x1  }
0x69c: {  	v8, _, _ =	vpop (xrf0)  }
0x69d: {  	(v2sf) =	vpush v8, $0xF;
	_ =	sdelay $0x2  }
0x69e: {  	s17 =	simm.s32 $0x190C0;
	v8, _, _ =	vpop (xrf0);
	s18 =	spop (v2sf)  }
0x69f: {  	v11 =	vld [tilespmem:s17+$0x0];
	(v2sf) =	vpush v8, $0xF;
	s1 =	sadd.s32 $0x0, s18  }
0x6a0: {  	v13 =	vadd.s32 s1, v7  }
0x6a1: {  	vm8 =	vgt.s32 v13, $0x7FF  }
0x6a2: {  	s19 =	spop (v2sf);
	v14 =	vsel vm8, $0x1, v1  }
0x6a3: {  	s1 =	sadd.s32 s1, s19;
	(xrf0) =	vadd.scan.msk.s32 $0xffff, v14  }
0x6a4: {  	s21 =	simm.s32 $0x190B0;
	v7 =	vperm.xlane v11, v4;
	v14 =	vadd.s32 s1, v8  }
0x6a5: {  	v8 =	vld [tilespmem:s21+$0x0];
	vm9 =	vgt.s32 v14, $0x7FF  }
0x6a6: {  	(xrf0) =	vadd.scan.msk.s32 $0xffff, v7;
	v11 =	vsel vm9, $0x1, v1;
	_ =	sdelay $0x2  }
0x6a7: {  	(xrf0) =	vadd.scan.msk.s32 $0xffff, v11;
	v11, _, _ =	vpop (xrf0)  }
0x6a8: {  	v8 =	vperm.xlane v8, v4;
	s22 =	spop (v2sf);
	(v2sf) =	vpush v11, $0xF  }
0x6a9: {  	s23 =	ssub.s32 $0x10, s22  }
0x6aa: {  	v11, _, _ =	vpop (xrf0);
	(xrf0) =	vadd.scan.msk.s32 $0xffff, v8;
	v15 =	vmov s23  }
0x6ab: {  	(v2sf) =	vpush v11, $0xF  }
0x6ac: {  	s24 =	spop (v2sf)  }
0x6ad: {  	s1 =	sadd.s32 s1, s24;
	vm10 =	veq.s32 v15, v0;
	v15, _, _ =	vpop (xrf0)  }
0x6ae: {  	v6 =	vsub.s32 v10, v6;
	v10 =	vadd.s32 s1, v11;
	(v2sf) =	vpush v15, $0xF  }
0x6af: {  	v6 =	vnsel vm10, $0x0, v6;
	vm11 =	vgt.s32 v10, $0x7FF  }
0x6b0: {  	s25 =	simm.s32 $0x190A0;
	(xrf0) =	vadd.scan.msk.s32 $0xffff, v6;
	v6 =	vsel vm11, $0x1, v1;
	v11, _, _ =	vpop (xrf0)  }
0x6b1: {  	(xrf0) =	vadd.scan.msk.s32 $0xffff, v6;
	v6 =	vld [tilespmem:s25+$0x0];
	(v2sf) =	vpush v11, $0xF;
	_ =	sdelay $0x4  }
0x6b2: {  	v6 =	vperm.xlane v6, v4  }
0x6b3: {  	v15, _, _ =	vpop (xrf0);
	s5 =	spop (v2sf)  }
0x6b4: {  	s26 =	simm.s32 $0x19090;
	(v2sf) =	vpush v15, $0xF;
	v15, _, _ =	vpop (xrf0);
	(xrf0) =	vadd.scan.msk.s32 $0xffff, v6;
	s28 =	ssub.s32 $0x10, s5  }
0x6b5: {  	(v2sf) =	vpush v15, $0xF;
	v15 =	vld [tilespmem:s26+$0x0];
	v16 =	vmov s28  }
0x6b6: {  	v9 =	vsub.s32 v13, v9;
	s29 =	spop (v2sf);
	vm12 =	veq.s32 v16, v0  }
0x6b7: {  	s4 =	sadd.s32 s1, s29;
	v9 =	vnsel vm12, $0x0, v9  }
0x6b8: {  	v11 =	vadd.s32 s4, v11;
	(xrf0) =	vadd.scan.msk.s32 $0xffff, v9  }
0x6b9: {  	s8 =	spop (v2sf);
	vm13 =	vgt.s32 v11, $0x7FF  }
0x6ba: {  	v12 =	vsub.s32 v14, v12;
	v14, _, _ =	vpop (xrf0);
	s30 =	ssub.s32 $0x10, s8;
	v13 =	vsel vm13, $0x1, v1;
	v9 =	vperm.xlane v15, v4  }
0x6bb: {  	(v2sf) =	vpush v14, $0xF;
	v15 =	vmov s30;
	(xrf0) =	vadd.scan.msk.s32 $0xffff, v13  }
0x6bc: {  	vm14 =	veq.s32 v15, v0;
	(xrf0) =	vadd.scan.msk.s32 $0xffff, v9;
	s31 =	spop (v2sf)  }
0x6bd: {  	v12 =	vnsel vm14, $0x0, v12;
	s15 =	sadd.s32 s4, s31  }
0x6be: {  	(xrf0) =	vadd.scan.msk.s32 $0xffff, v12;
	v12 =	vadd.s32 s15, v14;
	v14, _, _ =	vpop (xrf0)  }
0x6bf: {  	(v2sf) =	vpush v14, $0xF  }
0x6c0: {  	s10 =	simm.s32 $0x19080  }
0x6c1: {  	p0 =	por $0x0, $0x0;
	v13 =	vld [tilespmem:s10+$0x0];
	v14, _, _ =	vpop (xrf0)  }
0x6c2: {  	p2 =	por !p0, !p0;
	p1 =	sgt.s32 s22, $0x0;
	(v2sf) =	vpush v14, $0xF;
	v14, _, _ =	vpop (xrf0)  }
0x6c3: {  	s2 =	simm.s32 $0x0;
	p2 =	por !p1, !p2;
	vm15 =	vgt.s32 v12, $0x7FF;
	(v2sf) =	vpush v14, $0xF  }
0x6c4: {  	s3 =	simm.s32 $0x9F;
	s9 =	sadd.s32 $0xEF, s22;
	p2 =	por !p2, !p2;
	v15 =	vsel vm15, $0x1, v1  }
0x6c5: {  	s6 =	simm.s32 $0x7F;
	s2 =	smov.u32 @p2 s9;
	s7 =	sadd.s32 $0xDF, s5;
	(xrf0) =	vadd.scan.msk.s32 $0xffff, v15  }
0x6c6: {  	s1 =	simm.s32 $0xAF;
	s9 =	sadd.s32 $0xCF, s8;
	s11 =	spop (v2sf);
	v13 =	vperm.xlane v13, v4  }
0x6c7: {  	s4 =	simm.s32 $0x8F;
	s0 =	smov.u32 @p2 s11;
	s13 =	spop (v2sf)  }
0x6c8: {  	s11 =	simm.s32 $0x6F;
	s16 =	ssub.s32 $0x10, s13;
	s12 =	sadd.s32 $0xBF, s13;
	(xrf0) =	vadd.scan.msk.s32 $0xffff, v13;
	v15, _, _ =	vpop (xrf0)  }
.LBB2_38:
0x6c9: {  	p2 =	sne.s32 s11, $0xFFFFFFFF;
	v16 =	vmov s16;
	(v2sf) =	vpush v15, $0xF;
	s17 =	smov.u32 s1;
	s1 =	smov.u32 s3  }
0x6ca: {  	s10 =	sadd.s32 $0xFFFFFFF0, s10;
	v15 =	vsub.s32 v10, v7;
	v10 =	vmovc v11;
	v11 =	vmovc v12;
	v7 =	vmov v8;
	s3 =	smov.u32 s4;
	s16 =	spop (v2sf);
	vm0 =	veq.s32 v16, v0  }
0x6cb: {  	p0 =	por p0, p1;
	v8 =	vmov v6;
	v6 =	vmov v9;
	s4 =	smov.u32 s6;
	v16 =	vld [tilespmem:s10+$0x0];
	s15 =	sadd.s32 s15, s16;
	v17, _, _ =	vpop (xrf0);
	v15 =	vnsel vm0, $0x0, v15  }
0x6cc: {  	p1 =	sgt.s32 s5, $0x0;
	v9 =	vmovc v13;
	s5 =	smov.u32 s8;
	p3 =	por !p0, !p0;
	v12 =	vadd.s32 s15, v14;
	(v2sf) =	vpush v17, $0xF;
	(xrf0) =	vadd.scan.msk.s32 $0xffff, v15  }
0x6cd: {  	s8 =	smov.u32 s13;
	s6 =	smov.u32 s11;
	p3 =	por !p1, !p3;
	vm0 =	vgt.s32 v12, $0x7FF  }
.Ltmp20:
0x6ce: {  	p3 =	por !p3, !p3;
	v14, _, _ =	vpop (xrf0);
	v13 =	vsel vm0, $0x1, v1;
	s13 =	spop (v2sf);
	(pc) =	sbr.rel @p2 .LBB2_38-.Ltmp20, $4  }
0x6cf: {  	s2 =	smov.u32 @p3 s7;
	s7 =	smov.u32 s9;
	(v2sf) =	vpush v14, $0xF;
	(xrf0) =	vadd.scan.msk.s32 $0xffff, v13;
	s0 =	smov.u32 @p3 s13  }
0x6d0: {  	s9 =	smov.u32 s12;
	v13 =	vperm.xlane v16, v4  }
0x6d1: {  	s13 =	spop (v2sf)  }
0x6d2: {  	s11 =	sadd.s32 $0xFFFFFFF0, s11;
	(xrf0) =	vadd.scan.msk.s32 $0xffff, v13;
	s16 =	ssub.s32 $0x10, s13;
	s12 =	sadd.s32 s17, s13;
	v15, _, _ =	vpop (xrf0)  }
0x6d3: {  	_ =	sdelay $0x7  }
0x6d4: {  	s10 =	spop (v2sf)  }
0x6d5: {  	s11 =	sadd.s32 s15, s10;
	s10 =	spop (v2sf)  }
0x6d6: {  	v16 =	vmov s16;
	v14 =	vadd.s32 s11, v14;
	s24 =	spop (v2sf)  }
0x6d7: {  	v7 =	vsub.s32 v10, v7;
	vm0 =	veq.s32 v16, v0;
	v60, _, _ =	vpop (xrf0);
	vm1 =	vgt.s32 v14, $0x7FF;
	s25 =	ssub.s32 $0x10, s24;
	s17 =	spop (v2sf)  }
0x6d8: {  	v7 =	vnsel vm0, $0x0, v7;
	v17 =	vsel vm1, $0x1, v1;
	v61, _, _ =	vpop (xrf0);
	v18 =	vmov s25;
	s11 =	sadd.s32 s11, s17  }
0x6d9: {  	(xrf0) =	vadd.scan.msk.s32 $0xffff, v7;
	v7 =	vsub.s32 v11, v8;
	vm11 =	veq.s32 v18, v0;
	v8 =	vadd.s32 s11, v61  }
0x6da: {  	(xrf0) =	vadd.scan.msk.s32 $0xffff, v17;
	v7 =	vnsel vm11, $0x0, v7;
	vm12 =	vgt.s32 v8, $0x7FF  }
0x6db: {  	(xrf0) =	vadd.scan.msk.s32 $0xffff, v7;
	v7 =	vsel vm12, $0x1, v1  }
0x6dc: {  	(xrf0) =	vadd.scan.msk.s32 $0xffff, v7  }
0x6dd: {  	(v2sf) =	vpush v15, $0xF  }
0x6de: {  	(v2sf) =	vpush v60, $0xF  }
0x6df: {  	(v2sf) =	vpush v61, $0xF;
	v7, _, _ =	vpop (xrf0)  }
0x6e0: {  	(v2sf) =	vpush v7, $0xF;
	v7, _, _ =	vpop (xrf0)  }
0x6e1: {  	(v2sf) =	vpush v7, $0xF;
	v7, _, _ =	vpop (xrf0)  }
0x6e2: {  	(v2sf) =	vpush v7, $0xF;
	v7, _, _ =	vpop (xrf0)  }
0x6e3: {  	(v2sf) =	vpush v7, $0xF;
	_ =	sdelay $0x8  }
0x6e4: {  	s11 =	spop (v2sf)  }
0x6e5: {  	s19 =	spop (v2sf)  }
0x6e6: {  	s26 =	spop (v2sf)  }
0x6e7: {  	s17 =	spop (v2sf)  }
0x6e8: {  	p2 =	sgt.s32 s5, $0x0;
	p3 =	sgt.s32 s8, $0x0;
	s18 =	spop (v2sf)  }
0x6e9: {  	p0 =	por p0, p1;
	s22 =	ssub.s32 $0x10, s19;
	s16 =	spop (v2sf)  }
0x6ea: {  	v6 =	vsub.s32 v12, v6;
	p1 =	por !p0, !p0;
	v7 =	vmov s22;
	s23 =	ssub.s32 $0x10, s18;
	s21 =	spop (v2sf)  }
0x6eb: {  	p0 =	por p0, p2;
	p1 =	por !p2, !p1;
	vm13 =	veq.s32 v7, v0;
	v7 =	vsub.s32 v14, v9;
	v62 =	vmov s23;
	s28 =	ssub.s32 $0x10, s21  }
0x6ec: {  	p4 =	sgt.s32 s13, $0x0;
	p6 =	por !p0, !p0;
	p1 =	por !p1, !p1;
	v6 =	vnsel vm13, $0x0, v6;
	vm14 =	veq.s32 v62, v0;
	v63 =	vmov s28  }
0x6ed: {  	p0 =	por p0, p3;
	p2 =	por !p3, !p6;
	s5 =	simm.s32 @!p1 $0x0;
	(xrf0) =	vadd.scan.msk.s32 $0xffff, v6;
	v6 =	vnsel vm14, $0x0, v7;
	v7 =	vsub.s32 v8, v13;
	vm15 =	veq.s32 v63, v0  }
0x6ee: {  	p5 =	por !p0, !p0;
	p0 =	por p0, p4;
	s5 =	simm.s32 @p1 $0x1;
	(xrf0) =	vadd.scan.msk.s32 $0xffff, v6;
	v6 =	vnsel vm15, $0x0, v7  }
0x6ef: {  	p1 =	por !p4, !p5;
	p4 =	por !p0, !p0;
	p6 =	sgt.s32 s24, $0x0;
	(xrf0) =	vadd.scan.msk.s32 $0xffff, v6  }
0x6f0: {  	p2 =	por !p2, !p2;
	[smem:$0x7F7] =	sst s5;
	p3 =	por !p6, !p4  }
0x6f1: {  	s29 =	sld [smem:$0x7F7];
	p0 =	por p0, p6;
	s5 =	simm.s32 @!p3 $0x0  }
0x6f2: {  	s5 =	simm.s32 @p3 $0x1;
	p3 =	por !p0, !p0;
	p5 =	sgt.s32 s19, $0x0  }
0x6f3: {  	p1 =	por !p1, !p1;
	p6 =	por p0, p5;
	p0 =	por !p5, !p3;
	v6, _, _ =	vpop (xrf0)  }
0x6f4: {  	s1 =	sadd.s32 s1, s24;
	[smem:$0x7F8] =	sst s5;
	s5 =	simm.s32 @!p0 $0x0;
	(v2sf) =	vpush v6, $0xF;
	v6, _, _ =	vpop (xrf0)  }
0x6f5: {  	s30 =	sld [smem:$0x7F8];
	s5 =	simm.s32 @p0 $0x1;
	p0 =	seq.s32 s29, $0x1;
	(v2sf) =	vpush v6, $0xF;
	v6, _, _ =	vpop (xrf0)  }
0x6f6: {  	p4 =	por !p6, !p6;
	[smem:$0x7F9] =	sst s5;
	s2 =	smov.u32 @p0 s7;
	(v2sf) =	vpush v6, $0xF  }
0x6f7: {  	s2 =	smov.u32 @p2 s9;
	s31 =	sld [smem:$0x7F9];
	p3 =	sgt.s32 s18, $0x0  }
0x6f8: {  	s2 =	smov.u32 @p1 s12;
	p4 =	por !p3, !p4;
	p5 =	por p6, p3  }
0x6f9: {  	p6 =	seq.s32 s30, $0x1;
	p5 =	por !p5, !p5;
	p3 =	sgt.s32 s21, $0x0  }
0x6fa: {  	p6 =	por !p6, !p6;
	p3 =	por !p3, !p5;
	p5 =	seq.s32 s31, $0x1  }
0x6fb: {  	s3 =	sadd.s32 s3, s19;
	s2 =	smov.u32 @p6 s1;
	p5 =	por !p5, !p5  }
0x6fc: {  	p4 =	por !p4, !p4;
	s1 =	sadd.s32 s4, s18;
	s2 =	smov.u32 @p5 s3  }
0x6fd: {  	p3 =	por !p3, !p3;
	s3 =	sadd.s32 s6, s21;
	s2 =	smov.u32 @p4 s1  }
0x6fe: {  	s2 =	smov.u32 @p3 s3  }
0x6ff: {  	s1 =	sshll.u32 s2, $0x4;
	s2 =	simm.s32 $0x18040  }
0x700: {  	s0 =	smov.u32 @p0 s10;
	v6 =	vld [tilespmem:s1+$0x18000];
	[tilespmem:s2+$0xFFFFFFC0] =	vst v1  }
0x701: {  	s0 =	smov.u32 @p2 s11;
	[tilespmem:s2+$0x30] =	vst v1  }
0x702: {  	s0 =	smov.u32 @p1 s17;
	[tilespmem:s2+$0x20] =	vst v1  }
0x703: {  	s0 =	smov.u32 @p6 s16;
	[tilespmem:s2+$0x10] =	vst v1;
	s3 =	spop (v2sf)  }
0x704: {  	[tilespmem:s2+$0x0] =	vst v1;
	s0 =	smov.u32 @p5 s3;
	s3 =	spop (v2sf)  }
0x705: {  	[tilespmem:s2+$0xFFFFFFF0] =	vst v1;
	s0 =	smov.u32 @p4 s3;
	s3 =	spop (v2sf)  }
0x706: {  	[tilespmem:s2+$0xFFFFFFE0] =	vst v1;
	v6 =	vperm.xlane v6, v4;
	s0 =	smov.u32 @p3 s3;
	s3 =	simm.s32 $0x0  }
.LBB2_40:
0x707: {  	s3 =	sadd.s32 $0x80, s3;
	[tilespmem:s2+$0xFFFFFFD0] =	vst v1;
	s2 =	sadd.s32 $0x80, s2  }
0x708: {  	[tilespmem:s2+$0xFFFFFFC0] =	vst v1;
	p0 =	slt.u32 s3, $0xF80  }
0x709: {  	[tilespmem:s2+$0x30] =	vst v1  }
.Ltmp21:
0x70a: {  	[tilespmem:s2+$0x20] =	vst v1;
	(pc) =	sbr.rel @p0 .LBB2_40-.Ltmp21, $4  }
0x70b: {  	[tilespmem:s2+$0x10] =	vst v1  }
0x70c: {  	[tilespmem:s2+$0x0] =	vst v1  }
0x70d: {  	[tilespmem:s2+$0xFFFFFFF0] =	vst v1  }
0x70e: {  	[tilespmem:s2+$0xFFFFFFE0] =	vst v1  }
0x70f: {  	(xrf0) =	vadd.scan.msk.s32 $0xffff, v6;
	_ =	sdelay $0x5  }
0x710: {  	v7, _, _ =	vpop (xrf0)  }
0x711: {  	v7 =	vadd.s32 s0, v7  }
0x712: {  	vm0 =	vgt.s32 v7, $0x7FF  }
0x713: {  	v8 =	vsel vm0, $0x1, v1  }
0x714: {  	(xrf0) =	vadd.scan.msk.s32 $0xffff, v8;
	_ =	sdelay $0x5  }
0x715: {  	v8, _, _ =	vpop (xrf0)  }
0x716: {  	(v2sf) =	vpush v8, $0xF;
	_ =	sdelay $0x3  }
0x717: {  	[tilespmem:s2+$0xFFFFFFD0] =	vst v1;
	s31 =	simm.s32 $0x8040  }
0x718: {  	v9 =	vld [tilespmem:s31+$0x30]  }
0x719: {  	v10 =	vld [tilespmem:s31+$0xFFFFFFD0]  }
0x71a: {  	v11 =	vld [tilespmem:s31+$0xFFFFFFE0]  }
0x71b: {  	v13 =	vld [tilespmem:s31+$0x0]  }
0x71c: {  	v18 =	vld [tilespmem:s31+$0xFFFFFFC0]  }
0x71d: {  	v12 =	vld [tilespmem:s31+$0xFFFFFFF0];
	_ =	sdelay $0x1  }
0x71e: {  	v15 =	vshra.s32 v9, $0x1F  }
0x71f: {  	v17 =	vld [tilespmem:s31+$0x20];
	v16 =	vshra.s32 v10, $0x1F;
	v19 =	vshra.s32 v11, $0x1F;
	v21 =	vshra.s32 v13, $0x1F  }
0x720: {  	v23 =	vshra.s32 v18, $0x1F;
	v15 =	vor.u32 $0x80000000, v15;
	v16 =	vor.u32 $0x80000000, v16  }
0x721: {  	v9 =	vxor.u32 v9, v15;
	v15 =	vor.u32 $0x80000000, v19;
	v19 =	vshra.s32 v12, $0x1F;
	s22 =	spop (v2sf)  }
0x722: {  	v24 =	vxor.u32 v10, v16;
	v20 =	vshrl.u32 v9, $0x14;
	v9 =	vshrl.u32 v9, $0x8;
	s1 =	sadd.s32 s22, s1  }
0x723: {  	v14 =	vld [tilespmem:s31+$0x10];
	v10 =	vor.u32 $0x80000000, v23;
	v19 =	vor.u32 $0x80000000, v19;
	v22 =	vand.u32 $0xFFF, v9;
	s21 =	sadd.s32 $0xFFFFFFFF, s1  }
0x724: {  	v9 =	vor.u32 $0x80000000, v21;
	v21 =	vshra.s32 v17, $0x1F;
	v8 =	vmov s21  }
0x725: {  	v23 =	vxor.u32 v12, v19;
	v12 =	vxor.u32 v18, v10;
	vm15 =	veq.s32 v20, v8  }
0x726: {  	v16 =	vor.u32 $0x80000000, v21;
	v21 =	vxor.u32 v11, v15;
	v10 =	vxor.u32 v13, v9  }
0x727: {  	v13 =	vshrl.u32 v12, $0x14;
	v19 =	vshrl.u32 v12, $0x8;
	v11 =	vxor.u32 v17, v16  }
0x728: {  	v18 =	vshrl.u32 v21, $0x14;
	v16 =	vshrl.u32 v23, $0x14;
	v20 =	vshra.s32 v14, $0x1F  }
0x729: {  	v15 =	vshrl.u32 v10, $0x14;
	v21 =	vshrl.u32 v21, $0x8;
	v20 =	vor.u32 $0x80000000, v20  }
0x72a: {  	v12 =	vshrl.u32 v11, $0x14;
	v9 =	vxor.u32 v14, v20;
	v14 =	vshrl.u32 v24, $0x14  }
0x72b: {  	s0 =	simm.s32 $0x0;
	s1 =	simm.s32 $0x80C0;
	v20 =	vshrl.u32 v23, $0x8;
	v17 =	vshrl.u32 v9, $0x14;
	[tilespmem:v22+s14+$0x0] =	vst.idx.add.s32.msk vm15, v3;
	v22 =	vshrl.u32 v24, $0x8  }
.LBB2_42:
0x72c: {  	v23 =	vld [tilespmem:s1+$0x30];
	s0 =	sadd.s32 $0x80, s0;
	v10 =	vshrl.u32 v10, $0x8;
	v9 =	vshrl.u32 v9, $0x8;
	v11 =	vshrl.u32 v11, $0x8  }
0x72d: {  	vm6 =	veq.s32 v13, v8;
	vm5 =	veq.s32 v14, v8;
	vm4 =	veq.s32 v18, v8;
	v24 =	vld [tilespmem:s1+$0xFFFFFFD0];
	p0 =	slt.u32 s0, $0x7F80  }
0x72e: {  	vm3 =	veq.s32 v16, v8;
	vm2 =	veq.s32 v15, v8;
	vm1 =	veq.s32 v17, v8;
	v13 =	vld [tilespmem:s1+$0xFFFFFFE0]  }
0x72f: {  	v15 =	vand.u32 $0xFFF, v19;
	v16 =	vand.u32 $0xFFF, v22;
	vm0 =	veq.s32 v12, v8;
	v14 =	vld [tilespmem:s1+$0xFFFFFFF0]  }
0x730: {  	v17 =	vand.u32 $0xFFF, v21;
	v18 =	vand.u32 $0xFFF, v20;
	v10 =	vand.u32 $0xFFF, v10;
	v12 =	vld [tilespmem:s1+$0x0]  }
0x731: {  	v9 =	vand.u32 $0xFFF, v9;
	v21 =	vand.u32 $0xFFF, v11;
	v19 =	vld [tilespmem:s1+$0x10];
	v20 =	vshra.s32 v23, $0x1F  }
0x732: {  	v11 =	vshra.s32 v24, $0x1F;
	v22 =	vld [tilespmem:s1+$0x20];
	v20 =	vor.u32 $0x80000000, v20  }
0x733: {  	v25 =	vld [tilespmem:s1+$0xFFFFFFC0];
	v11 =	vor.u32 $0x80000000, v11;
	v26 =	vshra.s32 v13, $0x1F;
	v20 =	vxor.u32 v23, v20  }
0x734: {  	v23 =	vor.u32 $0x80000000, v26;
	v26 =	vshra.s32 v14, $0x1F;
	v27 =	vshrl.u32 v20, $0x14;
	[tilespmem:v15+s14+$0x0] =	vst.idx.add.s32.msk vm6, v3  }
0x735: {  	v20 =	vshrl.u32 v20, $0x8;
	v15 =	vshra.s32 v12, $0x1F;
	vm6 =	veq.s32 v27, v8;
	[tilespmem:v16+s14+$0x0] =	vst.idx.add.s32.msk vm5, v3  }
0x736: {  	v16 =	vor.u32 $0x80000000, v26;
	v20 =	vand.u32 $0xFFF, v20;
	v26 =	vshra.s32 v19, $0x1F;
	[tilespmem:v17+s14+$0x0] =	vst.idx.add.s32.msk vm4, v3  }
0x737: {  	v15 =	vor.u32 $0x80000000, v15;
	v17 =	vor.u32 $0x80000000, v26;
	v26 =	vshra.s32 v22, $0x1F;
	[tilespmem:v18+s14+$0x0] =	vst.idx.add.s32.msk vm3, v3  }
0x738: {  	v24 =	vxor.u32 v24, v11;
	v18 =	vshra.s32 v25, $0x1F;
	v11 =	vor.u32 $0x80000000, v26;
	[tilespmem:v10+s14+$0x0] =	vst.idx.add.s32.msk vm2, v3  }
0x739: {  	v23 =	vxor.u32 v13, v23;
	v26 =	vxor.u32 v14, v16;
	v10 =	vor.u32 $0x80000000, v18;
	[tilespmem:v9+s14+$0x0] =	vst.idx.add.s32.msk vm1, v3  }
.Ltmp22:
0x73a: {  	v9 =	vxor.u32 v19, v17;
	v25 =	vxor.u32 v25, v10;
	v10 =	vxor.u32 v12, v15;
	(pc) =	sbr.rel @p0 .LBB2_42-.Ltmp22, $4  }
0x73b: {  	s18 =	simm.s32 $0x18040;
	s23 =	simm.s32 $0x19004;
	v14 =	vshrl.u32 v24, $0x14;
	v11 =	vxor.u32 v22, v11;
	v13 =	vshrl.u32 v25, $0x14;
	[tilespmem:v20+s14+$0x0] =	vst.idx.add.s32.msk vm6, v3  }
0x73c: {  	v18 =	vshrl.u32 v23, $0x14;
	v16 =	vshrl.u32 v26, $0x14;
	v15 =	vshrl.u32 v10, $0x14;
	[tilespmem:v21+s14+$0x0] =	vst.idx.add.s32.msk vm0, v3  }
0x73d: {  	v17 =	vshrl.u32 v9, $0x14;
	v12 =	vshrl.u32 v11, $0x14;
	v19 =	vshrl.u32 v25, $0x8  }
0x73e: {  	s1 =	sadd.s32 $0x80, s1;
	v22 =	vshrl.u32 v24, $0x8;
	v20 =	vshrl.u32 v26, $0x8;
	v21 =	vshrl.u32 v23, $0x8  }
0x73f: {  	vm0 =	veq.s32 v13, v8  }
0x740: {  	vm1 =	veq.s32 v14, v8;
	v13 =	vand.u32 $0xFFF, v19  }
0x741: {  	vm2 =	veq.s32 v18, v8;
	v14 =	vand.u32 $0xFFF, v22  }
0x742: {  	vm3 =	veq.s32 v16, v8;
	v16 =	vand.u32 $0xFFF, v21  }
0x743: {  	v10 =	vshrl.u32 v10, $0x8;
	vm4 =	veq.s32 v15, v8;
	v15 =	vand.u32 $0xFFF, v20  }
0x744: {  	v9 =	vshrl.u32 v9, $0x8;
	vm5 =	veq.s32 v17, v8;
	v10 =	vand.u32 $0xFFF, v10  }
0x745: {  	v11 =	vshrl.u32 v11, $0x8;
	vm6 =	veq.s32 v12, v8;
	v8 =	vand.u32 $0xFFF, v9;
	[tilespmem:v13+s14+$0x0] =	vst.idx.add.s32.msk vm0, v3  }
0x746: {  	v9 =	vand.u32 $0xFFF, v11;
	[tilespmem:v14+s14+$0x0] =	vst.idx.add.s32.msk vm1, v3  }
0x747: {  	[tilespmem:v16+s14+$0x0] =	vst.idx.add.s32.msk vm2, v3  }
0x748: {  	[tilespmem:v15+s14+$0x0] =	vst.idx.add.s32.msk vm3, v3  }
0x749: {  	[tilespmem:v10+s14+$0x0] =	vst.idx.add.s32.msk vm4, v3  }
0x74a: {  	[tilespmem:v8+s14+$0x0] =	vst.idx.add.s32.msk vm5, v3  }
0x74b: {  	[tilespmem:v9+s14+$0x0] =	vst.idx.add.s32.msk vm6, v3  }
0x74c: {  	v8 =	vld [tilespmem:s18+$0xFFFFFFC0];
	_ =	sdelay $0x4  }
0x74d: {  	(xrf0) =	vadd.scan.msk.s32 $0xffff, v8;
	_ =	sdelay $0x2  }
0x74e: {  	s19 =	simm.s32 $0x180C0  }
0x74f: {  	v8 =	vld [tilespmem:s19+$0xFFFFFFC0];
	_ =	sdelay $0x1  }
0x750: {  	v9, _, _ =	vpop (xrf0)  }
0x751: {  	v9 =	vbroadcast v9, $0xF;
	_ =	sdelay $0x1  }
0x752: {  	(xrf0) =	vadd.scan.msk.s32 $0xffff, v8;
	[tilespmem:s23+$0xFFFFFFFC] =	vst.msk $0x1, v9  }
0x753: {  	v8 =	vld [tilespmem:s18+$0xFFFFFFD0];
	_ =	sdelay $0x1  }
0x754: {  	s8 =	simm.s32 $0x18140  }
0x755: {  	v9 =	vld [tilespmem:s8+$0xFFFFFFC0];
	_ =	sdelay $0x1  }
0x756: {  	v10, _, _ =	vpop (xrf0);
	(xrf0) =	vadd.scan.msk.s32 $0xffff, v8  }
0x757: {  	v8 =	vbroadcast v10, $0xF  }
0x758: {  	s24 =	simm.s32 $0x1900C  }
0x759: {  	(xrf0) =	vadd.scan.msk.s32 $0xffff, v9;
	[tilespmem:s24+$0xFFFFFFFC] =	vst.msk $0x1, v8  }
0x75a: {  	v8 =	vld [tilespmem:s19+$0xFFFFFFD0]  }
0x75b: {  	s6 =	simm.s32 $0x181C0  }
0x75c: {  	v10 =	vld [tilespmem:s6+$0xFFFFFFC0];
	v9, _, _ =	vpop (xrf0)  }
0x75d: {  	v9 =	vbroadcast v9, $0xF;
	_ =	sdelay $0x1  }
0x75e: {  	(xrf0) =	vadd.scan.msk.s32 $0xffff, v8;
	v8, _, _ =	vpop (xrf0);
	[tilespmem:s23+$0xFFFFFFFD] =	vst.msk $0x1, v9  }
0x75f: {  	v8 =	vbroadcast v8, $0xF;
	v9 =	vld [tilespmem:s18+$0xFFFFFFE0]  }
0x760: {  	s25 =	simm.s32 $0x19014;
	(xrf0) =	vadd.scan.msk.s32 $0xffff, v10  }
0x761: {  	[tilespmem:s25+$0xFFFFFFFC] =	vst.msk $0x1, v8  }
0x762: {  	s3 =	simm.s32 $0x18240;
	v8 =	vld [tilespmem:s8+$0xFFFFFFD0]  }
0x763: {  	v11 =	vld [tilespmem:s3+$0xFFFFFFC0]  }
0x764: {  	v10, _, _ =	vpop (xrf0);
	(xrf0) =	vadd.scan.msk.s32 $0xffff, v9  }
0x765: {  	v10 =	vbroadcast v10, $0xF  }
0x766: {  	v9, _, _ =	vpop (xrf0)  }
0x767: {  	[tilespmem:s24+$0xFFFFFFFD] =	vst.msk $0x1, v10;
	(xrf0) =	vadd.scan.msk.s32 $0xffff, v8;
	v8 =	vbroadcast v9, $0xF  }
0x768: {  	s26 =	simm.s32 $0x1901C;
	v9 =	vld [tilespmem:s19+$0xFFFFFFE0];
	(xrf0) =	vadd.scan.msk.s32 $0xffff, v11  }
0x769: {  	[tilespmem:s26+$0xFFFFFFFC] =	vst.msk $0x1, v8  }
0x76a: {  	v8 =	vld [tilespmem:s6+$0xFFFFFFD0];
	v10, _, _ =	vpop (xrf0)  }
0x76b: {  	v10 =	vbroadcast v10, $0xF  }
0x76c: {  	s2 =	simm.s32 $0x182C0  }
0x76d: {  	v11 =	vld [tilespmem:s2+$0xFFFFFFC0];
	(xrf0) =	vadd.scan.msk.s32 $0xffff, v9;
	v9, _, _ =	vpop (xrf0);
	[tilespmem:s23+$0xFFFFFFFE] =	vst.msk $0x1, v10  }
0x76e: {  	v9 =	vbroadcast v9, $0xF;
	v12, _, _ =	vpop (xrf0);
	v10 =	vld [tilespmem:s18+$0xFFFFFFF0]  }
0x76f: {  	(xrf0) =	vadd.scan.msk.s32 $0xffff, v8;
	v8 =	vbroadcast v12, $0xF  }
0x770: {  	s28 =	simm.s32 $0x19024;
	[tilespmem:s25+$0xFFFFFFFD] =	vst.msk $0x1, v9  }
0x771: {  	v9 =	vld [tilespmem:s8+$0xFFFFFFE0];
	[tilespmem:s28+$0xFFFFFFFC] =	vst.msk $0x1, v8  }
0x772: {  	(xrf0) =	vadd.scan.msk.s32 $0xffff, v11;
	v11 =	vld [tilespmem:s3+$0xFFFFFFD0]  }
0x773: {  	v8, _, _ =	vpop (xrf0);
	(xrf0) =	vadd.scan.msk.s32 $0xffff, v10  }
0x774: {  	s1 =	simm.s32 $0x18340;
	v8 =	vbroadcast v8, $0xF  }
0x775: {  	v12 =	vld [tilespmem:s1+$0xFFFFFFC0];
	v10, _, _ =	vpop (xrf0)  }
0x776: {  	[tilespmem:s24+$0xFFFFFFFE] =	vst.msk $0x1, v8;
	v8 =	vbroadcast v10, $0xF;
	(xrf0) =	vadd.scan.msk.s32 $0xffff, v9  }
0x777: {  	v9 =	vld [tilespmem:s19+$0xFFFFFFF0];
	(xrf0) =	vadd.scan.msk.s32 $0xffff, v11  }
0x778: {  	v10, _, _ =	vpop (xrf0);
	[tilespmem:s26+$0xFFFFFFFD] =	vst.msk $0x1, v8  }
0x779: {  	v8 =	vbroadcast v10, $0xF;
	v11 =	vld [tilespmem:s6+$0xFFFFFFE0];
	v10, _, _ =	vpop (xrf0)  }
0x77a: {  	s29 =	simm.s32 $0x1902C;
	(xrf0) =	vadd.scan.msk.s32 $0xffff, v12;
	v10 =	vbroadcast v10, $0xF  }
0x77b: {  	[tilespmem:s29+$0xFFFFFFFC] =	vst.msk $0x1, v8  }
0x77c: {  	v8 =	vld [tilespmem:s2+$0xFFFFFFD0];
	(xrf0) =	vadd.scan.msk.s32 $0xffff, v9;
	v9, _, _ =	vpop (xrf0);
	[tilespmem:s23+$0xFFFFFFFF] =	vst.msk $0x1, v10  }
0x77d: {  	s13 =	simm.s32 $0x183C0;
	v12, _, _ =	vpop (xrf0);
	v10 =	vld [tilespmem:s18+$0x0]  }
0x77e: {  	(xrf0) =	vadd.scan.msk.s32 $0xffff, v11;
	v11 =	vld [tilespmem:s13+$0xFFFFFFC0];
	v12 =	vbroadcast v12, $0xF  }
0x77f: {  	v9 =	vbroadcast v9, $0xF  }
0x780: {  	v13, _, _ =	vpop (xrf0)  }
0x781: {  	[tilespmem:s25+$0xFFFFFFFE] =	vst.msk $0x1, v9;
	(xrf0) =	vadd.scan.msk.s32 $0xffff, v8;
	v8 =	vbroadcast v13, $0xF  }
0x782: {  	s30 =	simm.s32 $0x19034;
	v9 =	vld [tilespmem:s8+$0xFFFFFFF0];
	[tilespmem:s28+$0xFFFFFFFD] =	vst.msk $0x1, v12;
	v12, _, _ =	vpop (xrf0);
	(xrf0) =	vadd.scan.msk.s32 $0xffff, v10  }
0x783: {  	[tilespmem:s30+$0xFFFFFFFC] =	vst.msk $0x1, v8;
	v10 =	vld [tilespmem:s3+$0xFFFFFFE0];
	v12 =	vbroadcast v12, $0xF;
	(xrf0) =	vadd.scan.msk.s32 $0xffff, v11  }
0x784: {  	v8 =	vld [tilespmem:s1+$0xFFFFFFD0];
	_ =	sdelay $0x1  }
0x785: {  	v11, _, _ =	vpop (xrf0)  }
0x786: {  	[tilespmem:s24+$0xFFFFFFFF] =	vst.msk $0x1, v12;
	(xrf0) =	vadd.scan.msk.s32 $0xffff, v9;
	v9 =	vbroadcast v11, $0xF;
	v12, _, _ =	vpop (xrf0)  }
0x787: {  	s15 =	simm.s32 $0x18440;
	v11 =	vld [tilespmem:s19+$0x0];
	(xrf0) =	vadd.scan.msk.s32 $0xffff, v10;
	v10, _, _ =	vpop (xrf0)  }
0x788: {  	v13 =	vld [tilespmem:s15+$0xFFFFFFC0];
	[tilespmem:s26+$0xFFFFFFFE] =	vst.msk $0x1, v9;
	v9 =	vbroadcast v12, $0xF;
	(xrf0) =	vadd.scan.msk.s32 $0xffff, v8;
	v8, _, _ =	vpop (xrf0)  }
0x789: {  	v12 =	vld [tilespmem:s6+$0xFFFFFFF0];
	v10 =	vbroadcast v10, $0xF;
	v8 =	vbroadcast v8, $0xF  }
0x78a: {  	[tilespmem:s29+$0xFFFFFFFD] =	vst.msk $0x1, v9  }
0x78b: {  	[tilespmem:s23+$0x0] =	vst.msk $0x1, v10;
	v10 =	vld [tilespmem:s2+$0xFFFFFFE0]  }
0x78c: {  	s31 =	simm.s32 $0x1903C;
	(xrf0) =	vadd.scan.msk.s32 $0xffff, v11;
	v9, _, _ =	vpop (xrf0);
	v11 =	vld [tilespmem:s18+$0x10]  }
0x78d: {  	(xrf0) =	vadd.scan.msk.s32 $0xffff, v13;
	v9 =	vbroadcast v9, $0xF;
	[tilespmem:s31+$0xFFFFFFFC] =	vst.msk $0x1, v8;
	v8, _, _ =	vpop (xrf0)  }
0x78e: {  	(xrf0) =	vadd.scan.msk.s32 $0xffff, v12;
	v8 =	vbroadcast v8, $0xF  }
0x78f: {  	v12 =	vld [tilespmem:s13+$0xFFFFFFD0];
	[tilespmem:s25+$0xFFFFFFFF] =	vst.msk $0x1, v9  }
0x790: {  	s4 =	simm.s32 $0x184C0;
	v9 =	vld [tilespmem:s8+$0x0];
	(xrf0) =	vadd.scan.msk.s32 $0xffff, v10  }
0x791: {  	v14 =	vld [tilespmem:s4+$0xFFFFFFC0];
	v13, _, _ =	vpop (xrf0);
	(xrf0) =	vadd.scan.msk.s32 $0xffff, v11  }
0x792: {  	v13 =	vbroadcast v13, $0xF;
	[tilespmem:s28+$0xFFFFFFFE] =	vst.msk $0x1, v8;
	v8, _, _ =	vpop (xrf0)  }
0x793: {  	v10 =	vld [tilespmem:s3+$0xFFFFFFF0];
	v8 =	vbroadcast v8, $0xF;
	v11, _, _ =	vpop (xrf0)  }
0x794: {  	[tilespmem:s30+$0xFFFFFFFD] =	vst.msk $0x1, v13;
	(xrf0) =	vadd.scan.msk.s32 $0xffff, v12;
	v11 =	vbroadcast v11, $0xF;
	v12, _, _ =	vpop (xrf0)  }
0x795: {  	s0 =	simm.s32 $0x19044;
	(xrf0) =	vadd.scan.msk.s32 $0xffff, v9;
	[tilespmem:s24+$0x0] =	vst.msk $0x1, v8;
	v8 =	vld [tilespmem:s1+$0xFFFFFFE0];
	v9 =	vbroadcast v12, $0xF  }
0x796: {  	(xrf0) =	vadd.scan.msk.s32 $0xffff, v14;
	v13, _, _ =	vpop (xrf0);
	v12 =	vld [tilespmem:s19+$0x10];
	[tilespmem:s0+$0xFFFFFFFC] =	vst.msk $0x1, v11  }
0x797: {  	v11 =	vld [tilespmem:s15+$0xFFFFFFD0];
	[tilespmem:s26+$0xFFFFFFFF] =	vst.msk $0x1, v9;
	v9 =	vbroadcast v13, $0xF;
	v13, _, _ =	vpop (xrf0)  }
0x798: {  	(xrf0) =	vadd.scan.msk.s32 $0xffff, v10;
	v13 =	vbroadcast v13, $0xF;
	_ =	sdelay $0x1  }
0x799: {  	s7 =	simm.s32 $0x18540;
	v10 =	vld [tilespmem:s6+$0x0];
	(xrf0) =	vadd.scan.msk.s32 $0xffff, v8;
	v8, _, _ =	vpop (xrf0)  }
0x79a: {  	v14 =	vld [tilespmem:s7+$0xFFFFFFC0];
	[tilespmem:s29+$0xFFFFFFFE] =	vst.msk $0x1, v9;
	(xrf0) =	vadd.scan.msk.s32 $0xffff, v12;
	v8 =	vbroadcast v8, $0xF;
	v9, _, _ =	vpop (xrf0)  }
0x79b: {  	[tilespmem:s23+$0x1] =	vst.msk $0x1, v13;
	v12 =	vld [tilespmem:s2+$0xFFFFFFF0];
	v9 =	vbroadcast v9, $0xF;
	v13, _, _ =	vpop (xrf0);
	(xrf0) =	vadd.scan.msk.s32 $0xffff, v11  }
0x79c: {  	v11 =	vld [tilespmem:s18+$0x20];
	[tilespmem:s31+$0xFFFFFFFD] =	vst.msk $0x1, v8  }
0x79d: {  	v8 =	vbroadcast v13, $0xF;
	v13, _, _ =	vpop (xrf0);
	[tilespmem:s25+$0x0] =	vst.msk $0x1, v9;
	v9 =	vld [tilespmem:s13+$0xFFFFFFE0]  }
0x79e: {  	s5 =	simm.s32 $0x1904C;
	(xrf0) =	vadd.scan.msk.s32 $0xffff, v10;
	v10 =	vbroadcast v13, $0xF  }
0x79f: {  	(xrf0) =	vadd.scan.msk.s32 $0xffff, v14;
	[tilespmem:s5+$0xFFFFFFFC] =	vst.msk $0x1, v8;
	v8 =	vld [tilespmem:s8+$0x10];
	v13, _, _ =	vpop (xrf0)  }
0x7a0: {  	v14 =	vld [tilespmem:s4+$0xFFFFFFD0];
	(xrf0) =	vadd.scan.msk.s32 $0xffff, v12;
	[tilespmem:s28+$0xFFFFFFFF] =	vst.msk $0x1, v10;
	v10 =	vbroadcast v13, $0xF;
	v12, _, _ =	vpop (xrf0)  }
0x7a1: {  	s12 =	simm.s32 $0x185C0;
	v13 =	vld [tilespmem:s3+$0x0];
	(xrf0) =	vadd.scan.msk.s32 $0xffff, v11;
	v11 =	vbroadcast v12, $0xF;
	v12, _, _ =	vpop (xrf0)  }
0x7a2: {  	v15 =	vld [tilespmem:s12+$0xFFFFFFC0];
	[tilespmem:s30+$0xFFFFFFFE] =	vst.msk $0x1, v10;
	v10 =	vbroadcast v12, $0xF;
	(xrf0) =	vadd.scan.msk.s32 $0xffff, v9  }
0x7a3: {  	v12 =	vld [tilespmem:s1+$0xFFFFFFF0]  }
0x7a4: {  	v9, _, _ =	vpop (xrf0);
	(xrf0) =	vadd.scan.msk.s32 $0xffff, v8  }
0x7a5: {  	[tilespmem:s24+$0x1] =	vst.msk $0x1, v11;
	v8, _, _ =	vpop (xrf0);
	(xrf0) =	vadd.scan.msk.s32 $0xffff, v14  }
0x7a6: {  	v9 =	vbroadcast v9, $0xF;
	[tilespmem:s0+$0xFFFFFFFD] =	vst.msk $0x1, v10;
	(xrf0) =	vadd.scan.msk.s32 $0xffff, v13;
	v10, _, _ =	vpop (xrf0)  }
0x7a7: {  	v11 =	vld [tilespmem:s19+$0x20];
	(xrf0) =	vadd.scan.msk.s32 $0xffff, v15;
	v10 =	vbroadcast v10, $0xF;
	v13, _, _ =	vpop (xrf0)  }
0x7a8: {  	v8 =	vbroadcast v8, $0xF;
	[tilespmem:s26+$0x0] =	vst.msk $0x1, v9;
	v13 =	vbroadcast v13, $0xF;
	(xrf0) =	vadd.scan.msk.s32 $0xffff, v12;
	v12, _, _ =	vpop (xrf0)  }
0x7a9: {  	s9 =	simm.s32 $0x19054;
	v9 =	vld [tilespmem:s15+$0xFFFFFFE0];
	[tilespmem:s29+$0xFFFFFFFF] =	vst.msk $0x1, v10;
	v10 =	vbroadcast v12, $0xF  }
0x7aa: {  	[tilespmem:s9+$0xFFFFFFFC] =	vst.msk $0x1, v8;
	v8 =	vld [tilespmem:s6+$0x10];
	v12, _, _ =	vpop (xrf0)  }
0x7ab: {  	v14 =	vld [tilespmem:s7+$0xFFFFFFD0];
	v12 =	vbroadcast v12, $0xF  }
0x7ac: {  	(xrf0) =	vadd.scan.msk.s32 $0xffff, v11;
	[tilespmem:s23+$0x2] =	vst.msk $0x1, v13;
	v13, _, _ =	vpop (xrf0)  }
0x7ad: {  	v11 =	vld [tilespmem:s2+$0x0];
	[tilespmem:s31+$0xFFFFFFFE] =	vst.msk $0x1, v10;
	v10, _, _ =	vpop (xrf0)  }
0x7ae: {  	s17 =	simm.s32 $0x18640;
	v15 =	vld [tilespmem:s18+$0x30];
	(xrf0) =	vadd.scan.msk.s32 $0xffff, v9;
	v10 =	vbroadcast v10, $0xF  }
0x7af: {  	v9 =	vld [tilespmem:s17+$0xFFFFFFC0];
	[tilespmem:s25+$0x1] =	vst.msk $0x1, v12;
	v13 =	vbroadcast v13, $0xF;
	(xrf0) =	vadd.scan.msk.s32 $0xffff, v8;
	v12, _, _ =	vpop (xrf0)  }
0x7b0: {  	v8 =	vld [tilespmem:s13+$0xFFFFFFF0];
	(xrf0) =	vadd.scan.msk.s32 $0xffff, v14;
	v16, _, _ =	vpop (xrf0)  }
0x7b1: {  	[tilespmem:s5+$0xFFFFFFFD] =	vst.msk $0x1, v13;
	v13 =	vld [tilespmem:s8+$0x20];
	v14 =	vbroadcast v12, $0xF;
	v16 =	vbroadcast v16, $0xF  }
0x7b2: {  	s10 =	simm.s32 $0x1905C;
	(xrf0) =	vadd.scan.msk.s32 $0xffff, v11;
	[tilespmem:s28+$0x0] =	vst.msk $0x1, v10;
	v12 =	vld [tilespmem:s4+$0xFFFFFFE0];
	v10, _, _ =	vpop (xrf0)  }
0x7b3: {  	(xrf0) =	vadd.scan.msk.s32 $0xffff, v15;
	[tilespmem:s10+$0xFFFFFFFC] =	vst.msk $0x1, v14;
	v11 =	vld [tilespmem:s3+$0x10];
	v14 =	vbroadcast v10, $0xF  }
0x7b4: {  	(xrf0) =	vadd.scan.msk.s32 $0xffff, v9;
	[tilespmem:s30+$0xFFFFFFFF] =	vst.msk $0x1, v16;
	v10 =	vld [tilespmem:s12+$0xFFFFFFD0];
	v15, _, _ =	vpop (xrf0)  }
0x7b5: {  	(xrf0) =	vadd.scan.msk.s32 $0xffff, v8;
	v9 =	vld [tilespmem:s1+$0x0];
	v16, _, _ =	vpop (xrf0);
	[tilespmem:s24+$0x2] =	vst.msk $0x1, v14  }
0x7b6: {  	s11 =	simm.s32 $0x60;
	s16 =	simm.s32 $0x186C0;
	s18 =	simm.s32 $0x1905C;
	v8 =	vbroadcast v15, $0xF;
	(xrf0) =	vadd.scan.msk.s32 $0xffff, v13;
	v15, _, _ =	vpop (xrf0);
	v14 =	vbroadcast v16, $0xF;
	v13 =	vld [tilespmem:s19+$0x30]  }
.LBB2_44:
0x7b7: {  	s19 =	smov.u32 s8;
	s8 =	smov.u32 s6;
	s6 =	smov.u32 s3  }
0x7b8: {  	v16 =	vld [tilespmem:s16+$0xFFFFFFC0];
	v18 =	vbroadcast v15, $0xF;
	(xrf0) =	vadd.scan.msk.s32 $0xffff, v12;
	[tilespmem:s0+$0xFFFFFFFE] =	vst.msk $0x1, v8;
	v8, _, _ =	vpop (xrf0);
	s3 =	smov.u32 s2;
	s2 =	smov.u32 s1;
	s1 =	smov.u32 s13  }
0x7b9: {  	s13 =	smov.u32 s15;
	v17 =	vld [tilespmem:s15+$0xFFFFFFF0];
	v8 =	vbroadcast v8, $0xF;
	(xrf0) =	vadd.scan.msk.s32 $0xffff, v11;
	[tilespmem:s26+$0x1] =	vst.msk $0x1, v14;
	v11, _, _ =	vpop (xrf0);
	s15 =	smov.u32 s4;
	s4 =	smov.u32 s7  }
0x7ba: {  	s11 =	sadd.s32 $0x8, s11;
	s7 =	smov.u32 s12;
	s12 =	smov.u32 s17;
	v12, _, _ =	vpop (xrf0);
	(xrf0) =	vadd.scan.msk.s32 $0xffff, v10;
	[tilespmem:s9+$0xFFFFFFFD] =	vst.msk $0x1, v18;
	v14 =	vld [tilespmem:s8+$0x20];
	v10 =	vbroadcast v11, $0xF  }
0x7bb: {  	p0 =	slt.u32 s11, $0xF8;
	s17 =	smov.u32 s16;
	v11 =	vbroadcast v12, $0xF;
	v15, _, _ =	vpop (xrf0);
	(xrf0) =	vadd.scan.msk.s32 $0xffff, v9;
	[tilespmem:s29+$0x0] =	vst.msk $0x1, v8  }
.Ltmp23:
0x7bc: {  	s10 =	sadd.s32 $0x8, s10;
	v12 =	vld [tilespmem:s4+$0xFFFFFFE0];
	v8 =	vbroadcast v15, $0xF;
	v9, _, _ =	vpop (xrf0);
	(xrf0) =	vadd.scan.msk.s32 $0xffff, v13;
	[tilespmem:s23+$0x3] =	vst.msk $0x1, v10;
	s23 =	smov.u32 s24;
	(pc) =	sbr.rel @p0 .LBB2_44-.Ltmp23, $4  }
0x7bd: {  	s24 =	smov.u32 s25;
	s25 =	smov.u32 s26;
	s26 =	smov.u32 s28;
	(xrf0) =	vadd.scan.msk.s32 $0xffff, v16;
	[tilespmem:s10+$0xFFFFFFFC] =	vst.msk $0x1, v11;
	v11 =	vld [tilespmem:s3+$0x10];
	v13 =	vbroadcast v9, $0xF  }
0x7be: {  	s28 =	smov.u32 s29;
	s29 =	smov.u32 s30;
	s30 =	smov.u32 s31;
	v10 =	vld [tilespmem:s12+$0xFFFFFFD0];
	v9, _, _ =	vpop (xrf0);
	(xrf0) =	vadd.scan.msk.s32 $0xffff, v17;
	[tilespmem:s31+$0xFFFFFFFF] =	vst.msk $0x1, v8  }
0x7bf: {  	s31 =	smov.u32 s0;
	s0 =	smov.u32 s5;
	s5 =	smov.u32 s9;
	v8 =	vbroadcast v9, $0xF;
	v9 =	vld [tilespmem:s1+$0x0];
	v16, _, _ =	vpop (xrf0);
	(xrf0) =	vadd.scan.msk.s32 $0xffff, v14;
	[tilespmem:s24+$0x2] =	vst.msk $0x1, v13  }
0x7c0: {  	s16 =	sadd.s32 $0x80, s16;
	s9 =	smov.u32 s18;
	s18 =	smov.u32 s10;
	v15, _, _ =	vpop (xrf0);
	v14 =	vbroadcast v16, $0xF;
	v13 =	vld [tilespmem:s19+$0x30]  }
0x7c1: {  	v16, _, _ =	vpop (xrf0)  }
0x7c2: {  	[tilespmem:s0+$0xFFFFFFFE] =	vst.msk $0x1, v8;
	v8, _, _ =	vpop (xrf0)  }
0x7c3: {  	[tilespmem:s26+$0x1] =	vst.msk $0x1, v14;
	v14, _, _ =	vpop (xrf0)  }
0x7c4: {  	(xrf0) =	vadd.scan.msk.s32 $0xffff, v12;
	v12 =	vld [tilespmem:s15+$0xFFFFFFF0];
	v14 =	vbroadcast v14, $0xF  }
0x7c5: {  	v15 =	vbroadcast v15, $0xF;
	(xrf0) =	vadd.scan.msk.s32 $0xffff, v11;
	v11 =	vld [tilespmem:s6+$0x20]  }
0x7c6: {  	(xrf0) =	vadd.scan.msk.s32 $0xffff, v10  }
0x7c7: {  	s19 =	sadd.s32 $0x8, s10;
	v16 =	vbroadcast v16, $0xF;
	[tilespmem:s9+$0xFFFFFFFD] =	vst.msk $0x1, v15;
	(xrf0) =	vadd.scan.msk.s32 $0xffff, v9  }
0x7c8: {  	v10 =	vld [tilespmem:s7+$0xFFFFFFE0];
	[tilespmem:s19+$0xFFFFFFFC] =	vst.msk $0x1, v14;
	v14, _, _ =	vpop (xrf0);
	(xrf0) =	vadd.scan.msk.s32 $0xffff, v13  }
0x7c9: {  	[tilespmem:s29+$0x0] =	vst.msk $0x1, v16;
	v15, _, _ =	vpop (xrf0);
	(xrf0) =	vadd.scan.msk.s32 $0xffff, v12;
	v12 =	vbroadcast v14, $0xF  }
0x7ca: {  	v9 =	vld [tilespmem:s2+$0x10];
	v14, _, _ =	vpop (xrf0);
	(xrf0) =	vadd.scan.msk.s32 $0xffff, v11;
	v11 =	vbroadcast v15, $0xF  }
0x7cb: {  	v13 =	vld [tilespmem:s17+$0xFFFFFFD0];
	v15, _, _ =	vpop (xrf0)  }
0x7cc: {  	[tilespmem:s25+$0x2] =	vst.msk $0x1, v11;
	v11 =	vbroadcast v15, $0xF  }
0x7cd: {  	(xrf0) =	vadd.scan.msk.s32 $0xffff, v10;
	[tilespmem:s31+$0xFFFFFFFF] =	vst.msk $0x1, v12;
	v10 =	vbroadcast v14, $0xF;
	v12, _, _ =	vpop (xrf0)  }
0x7ce: {  	v15, _, _ =	vpop (xrf0)  }
0x7cf: {  	v14 =	vld [tilespmem:s13+$0x0];
	(xrf0) =	vadd.scan.msk.s32 $0xffff, v9;
	[tilespmem:s5+$0xFFFFFFFE] =	vst.msk $0x1, v10;
	v9, _, _ =	vpop (xrf0)  }
0x7d0: {  	(xrf0) =	vadd.scan.msk.s32 $0xffff, v13;
	v13 =	vld [tilespmem:s8+$0x30];
	v12 =	vbroadcast v12, $0xF;
	[tilespmem:s28+$0x1] =	vst.msk $0x1, v11;
	v11, _, _ =	vpop (xrf0)  }
0x7d1: {  	v10 =	vld [tilespmem:s4+$0xFFFFFFF0];
	v15 =	vbroadcast v15, $0xF;
	v16, _, _ =	vpop (xrf0)  }
0x7d2: {  	[tilespmem:s18+$0xFFFFFFFD] =	vst.msk $0x1, v12;
	v12 =	vld [tilespmem:s3+$0x20];
	v11 =	vbroadcast v11, $0xF;
	v16 =	vbroadcast v16, $0xF  }
0x7d3: {  	[tilespmem:s30+$0x0] =	vst.msk $0x1, v15;
	v15 =	vld [tilespmem:s12+$0xFFFFFFE0];
	v17, _, _ =	vpop (xrf0)  }
0x7d4: {  	(xrf0) =	vadd.scan.msk.s32 $0xffff, v14;
	v14 =	vld [tilespmem:s1+$0x10];
	[tilespmem:s0+$0xFFFFFFFF] =	vst.msk $0x1, v11;
	v11 =	vbroadcast v17, $0xF  }
0x7d5: {  	v17, _, _ =	vpop (xrf0);
	(xrf0) =	vadd.scan.msk.s32 $0xffff, v13;
	v13 =	vld [tilespmem:s15+$0x0];
	[tilespmem:s26+$0x2] =	vst.msk $0x1, v16  }
0x7d6: {  	v17 =	vbroadcast v17, $0xF;
	(xrf0) =	vadd.scan.msk.s32 $0xffff, v10;
	v18 =	vld [tilespmem:s6+$0x30];
	[tilespmem:s9+$0xFFFFFFFE] =	vst.msk $0x1, v11;
	v16, _, _ =	vpop (xrf0)  }
0x7d7: {  	(xrf0) =	vadd.scan.msk.s32 $0xffff, v12;
	v11 =	vld [tilespmem:s7+$0xFFFFFFF0];
	v10 =	vbroadcast v16, $0xF  }
0x7d8: {  	[tilespmem:s29+$0x1] =	vst.msk $0x1, v17;
	(xrf0) =	vadd.scan.msk.s32 $0xffff, v15  }
0x7d9: {  	v12 =	vld [tilespmem:s2+$0x20];
	(xrf0) =	vadd.scan.msk.s32 $0xffff, v14;
	[tilespmem:s19+$0xFFFFFFFD] =	vst.msk $0x1, v10  }
0x7da: {  	v15, _, _ =	vpop (xrf0);
	(xrf0) =	vadd.scan.msk.s32 $0xffff, v13;
	v14 =	vld [tilespmem:s17+$0xFFFFFFE0]  }
0x7db: {  	v10, _, _ =	vpop (xrf0);
	(xrf0) =	vadd.scan.msk.s32 $0xffff, v18  }
0x7dc: {  	v13, _, _ =	vpop (xrf0);
	(xrf0) =	vadd.scan.msk.s32 $0xffff, v11;
	v11 =	vbroadcast v15, $0xF  }
0x7dd: {  	v15, _, _ =	vpop (xrf0)  }
0x7de: {  	(xrf0) =	vadd.scan.msk.s32 $0xffff, v12;
	v12 =	vbroadcast v13, $0xF;
	v13, _, _ =	vpop (xrf0);
	[tilespmem:s31+$0x0] =	vst.msk $0x1, v11;
	v11 =	vbroadcast v15, $0xF  }
0x7df: {  	(xrf0) =	vadd.scan.msk.s32 $0xffff, v14;
	v14, _, _ =	vpop (xrf0)  }
0x7e0: {  	v14 =	vbroadcast v14, $0xF  }
0x7e1: {  	v15 =	vld [tilespmem:s13+$0x10];
	[tilespmem:s5+$0xFFFFFFFF] =	vst.msk $0x1, v12;
	v12 =	vbroadcast v13, $0xF;
	v13, _, _ =	vpop (xrf0)  }
0x7e2: {  	v16 =	vld [tilespmem:s4+$0x0];
	[tilespmem:s28+$0x2] =	vst.msk $0x1, v11;
	v11, _, _ =	vpop (xrf0)  }
0x7e3: {  	v17 =	vld [tilespmem:s3+$0x30];
	[tilespmem:s18+$0xFFFFFFFE] =	vst.msk $0x1, v12;
	v12 =	vbroadcast v13, $0xF;
	v13, _, _ =	vpop (xrf0)  }
0x7e4: {  	v18 =	vld [tilespmem:s12+$0xFFFFFFF0];
	[tilespmem:s30+$0x1] =	vst.msk $0x1, v14;
	v13 =	vbroadcast v13, $0xF;
	v14, _, _ =	vpop (xrf0)  }
0x7e5: {  	v19 =	vld [tilespmem:s1+$0x20];
	[tilespmem:s0+$0x0] =	vst.msk $0x1, v12;
	v12 =	vbroadcast v14, $0xF;
	v14, _, _ =	vpop (xrf0)  }
0x7e6: {  	(xrf0) =	vadd.scan.msk.s32 $0xffff, v15;
	v15 =	vld [tilespmem:s15+$0x10];
	[tilespmem:s9+$0xFFFFFFFF] =	vst.msk $0x1, v13;
	v13 =	vbroadcast v14, $0xF  }
0x7e7: {  	(xrf0) =	vadd.scan.msk.s32 $0xffff, v16;
	v14 =	vld [tilespmem:s7+$0x0];
	[tilespmem:s29+$0x2] =	vst.msk $0x1, v12  }
0x7e8: {  	(xrf0) =	vadd.scan.msk.s32 $0xffff, v17;
	v12 =	vld [tilespmem:s2+$0x30];
	[tilespmem:s19+$0xFFFFFFFE] =	vst.msk $0x1, v13  }
0x7e9: {  	(xrf0) =	vadd.scan.msk.s32 $0xffff, v18;
	v13 =	vld [tilespmem:s17+$0xFFFFFFF0]  }
0x7ea: {  	(xrf0) =	vadd.scan.msk.s32 $0xffff, v19  }
0x7eb: {  	(xrf0) =	vadd.scan.msk.s32 $0xffff, v15  }
0x7ec: {  	v15, _, _ =	vpop (xrf0);
	(xrf0) =	vadd.scan.msk.s32 $0xffff, v14  }
0x7ed: {  	v14, _, _ =	vpop (xrf0);
	(xrf0) =	vadd.scan.msk.s32 $0xffff, v12  }
0x7ee: {  	v12, _, _ =	vpop (xrf0);
	(xrf0) =	vadd.scan.msk.s32 $0xffff, v13  }
0x7ef: {  	v13 =	vbroadcast v15, $0xF;
	v15, _, _ =	vpop (xrf0)  }
0x7f0: {  	v14 =	vbroadcast v14, $0xF;
	v16, _, _ =	vpop (xrf0)  }
0x7f1: {  	[tilespmem:s31+$0x1] =	vst.msk $0x1, v13;
	v13 =	vbroadcast v15, $0xF;
	v15, _, _ =	vpop (xrf0)  }
0x7f2: {  	[tilespmem:s5+$0x0] =	vst.msk $0x1, v14;
	v14 =	vbroadcast v16, $0xF;
	v17 =	vld [tilespmem:s13+$0x20];
	v16, _, _ =	vpop (xrf0)  }
0x7f3: {  	v18 =	vld [tilespmem:s4+$0x10];
	[tilespmem:s18+$0xFFFFFFFF] =	vst.msk $0x1, v13;
	v13 =	vbroadcast v15, $0xF;
	v15, _, _ =	vpop (xrf0)  }
0x7f4: {  	[tilespmem:s30+$0x2] =	vst.msk $0x1, v14;
	v19 =	vld [tilespmem:s12+$0x0];
	v14 =	vbroadcast v16, $0xF;
	v16, _, _ =	vpop (xrf0)  }
0x7f5: {  	v20 =	vld [tilespmem:s1+$0x30];
	[tilespmem:s0+$0x1] =	vst.msk $0x1, v13;
	v13 =	vbroadcast v16, $0xF  }
0x7f6: {  	v16 =	vld [tilespmem:s15+$0x20];
	[tilespmem:s9+$0x0] =	vst.msk $0x1, v14  }
0x7f7: {  	(xrf0) =	vadd.scan.msk.s32 $0xffff, v17;
	v14 =	vld [tilespmem:s7+$0x10];
	[tilespmem:s19+$0xFFFFFFFF] =	vst.msk $0x1, v13  }
0x7f8: {  	(xrf0) =	vadd.scan.msk.s32 $0xffff, v18;
	v13 =	vld [tilespmem:s17+$0x0]  }
0x7f9: {  	(xrf0) =	vadd.scan.msk.s32 $0xffff, v19  }
0x7fa: {  	(xrf0) =	vadd.scan.msk.s32 $0xffff, v20  }
0x7fb: {  	(xrf0) =	vadd.scan.msk.s32 $0xffff, v16  }
0x7fc: {  	(xrf0) =	vadd.scan.msk.s32 $0xffff, v14  }
0x7fd: {  	v14, _, _ =	vpop (xrf0);
	(xrf0) =	vadd.scan.msk.s32 $0xffff, v13  }
0x7fe: {  	v13, _, _ =	vpop (xrf0)  }
0x7ff: {  	v14 =	vbroadcast v14, $0xF;
	v16, _, _ =	vpop (xrf0)  }
0x800: {  	v13 =	vbroadcast v13, $0xF;
	v17, _, _ =	vpop (xrf0)  }
0x801: {  	[tilespmem:s31+$0x2] =	vst.msk $0x1, v14;
	v14 =	vbroadcast v16, $0xF;
	v16, _, _ =	vpop (xrf0)  }
0x802: {  	v18 =	vld [tilespmem:s13+$0x30];
	[tilespmem:s5+$0x1] =	vst.msk $0x1, v13;
	v13 =	vbroadcast v16, $0xF;
	v16, _, _ =	vpop (xrf0)  }
0x803: {  	v19 =	vld [tilespmem:s4+$0x20];
	[tilespmem:s18+$0x0] =	vst.msk $0x1, v14;
	v14 =	vbroadcast v16, $0xF;
	v16, _, _ =	vpop (xrf0)  }
0x804: {  	v61 =	vld [tilespmem:s12+$0x10];
	[tilespmem:s0+$0x2] =	vst.msk $0x1, v13;
	v13 =	vbroadcast v16, $0xF  }
0x805: {  	v16 =	vld [tilespmem:s15+$0x30];
	[tilespmem:s9+$0x1] =	vst.msk $0x1, v14  }
0x806: {  	v14 =	vld [tilespmem:s7+$0x20];
	[tilespmem:s19+$0x0] =	vst.msk $0x1, v13  }
0x807: {  	(xrf0) =	vadd.scan.msk.s32 $0xffff, v18;
	v13 =	vld [tilespmem:s17+$0x10]  }
0x808: {  	(xrf0) =	vadd.scan.msk.s32 $0xffff, v19  }
0x809: {  	(xrf0) =	vadd.scan.msk.s32 $0xffff, v61  }
0x80a: {  	(xrf0) =	vadd.scan.msk.s32 $0xffff, v16  }
0x80b: {  	(xrf0) =	vadd.scan.msk.s32 $0xffff, v14  }
0x80c: {  	(xrf0) =	vadd.scan.msk.s32 $0xffff, v13  }
0x80d: {  	v13, _, _ =	vpop (xrf0)  }
0x80e: {  	v14, _, _ =	vpop (xrf0)  }
0x80f: {  	v16, _, _ =	vpop (xrf0)  }
0x810: {  	v14 =	vbroadcast v14, $0xF;
	v18, _, _ =	vpop (xrf0)  }
0x811: {  	v16 =	vbroadcast v16, $0xF;
	v19, _, _ =	vpop (xrf0)  }
0x812: {  	[tilespmem:s5+$0x2] =	vst.msk $0x1, v14;
	v14 =	vbroadcast v19, $0xF;
	v19, _, _ =	vpop (xrf0)  }
0x813: {  	v62 =	vld [tilespmem:s4+$0x30];
	[tilespmem:s18+$0x1] =	vst.msk $0x1, v16;
	v16 =	vbroadcast v19, $0xF  }
0x814: {  	v19 =	vld [tilespmem:s12+$0x20];
	[tilespmem:s9+$0x2] =	vst.msk $0x1, v14  }
0x815: {  	v14 =	vld [tilespmem:s7+$0x30];
	[tilespmem:s19+$0x1] =	vst.msk $0x1, v16  }
0x816: {  	v16 =	vld [tilespmem:s17+$0x20];
	_ =	sdelay $0x1  }
0x817: {  	(xrf0) =	vadd.scan.msk.s32 $0xffff, v62  }
0x818: {  	(xrf0) =	vadd.scan.msk.s32 $0xffff, v19  }
0x819: {  	(xrf0) =	vadd.scan.msk.s32 $0xffff, v14  }
0x81a: {  	(xrf0) =	vadd.scan.msk.s32 $0xffff, v16;
	_ =	sdelay $0x2  }
0x81b: {  	v14, _, _ =	vpop (xrf0)  }
0x81c: {  	v16, _, _ =	vpop (xrf0)  }
0x81d: {  	v19, _, _ =	vpop (xrf0)  }
0x81e: {  	v16 =	vbroadcast v16, $0xF;
	v63, _, _ =	vpop (xrf0)  }
0x81f: {  	v20 =	vbroadcast v63, $0xF  }
0x820: {  	[tilespmem:s18+$0x2] =	vst.msk $0x1, v16  }
0x821: {  	v16 =	vld [tilespmem:s12+$0x30];
	[tilespmem:s19+$0x2] =	vst.msk $0x1, v20  }
0x822: {  	v8 =	vbroadcast v8, $0xF;
	v20 =	vld [tilespmem:s17+$0x30]  }
0x823: {  	v9 =	vbroadcast v9, $0xF  }
0x824: {  	[tilespmem:s23+$0x3] =	vst.msk $0x1, v8;
	v8 =	vbroadcast v10, $0xF  }
0x825: {  	[tilespmem:s24+$0x3] =	vst.msk $0x1, v9;
	v9 =	vbroadcast v11, $0xF  }
0x826: {  	[tilespmem:s25+$0x3] =	vst.msk $0x1, v8;
	v8 =	vbroadcast v12, $0xF;
	(xrf0) =	vadd.scan.msk.s32 $0xffff, v16  }
0x827: {  	[tilespmem:s26+$0x3] =	vst.msk $0x1, v9;
	v9 =	vbroadcast v15, $0xF;
	(xrf0) =	vadd.scan.msk.s32 $0xffff, v20  }
0x828: {  	[tilespmem:s28+$0x3] =	vst.msk $0x1, v8;
	v8 =	vbroadcast v17, $0xF  }
0x829: {  	[tilespmem:s29+$0x3] =	vst.msk $0x1, v9;
	v9 =	vbroadcast v13, $0xF  }
0x82a: {  	[tilespmem:s30+$0x3] =	vst.msk $0x1, v8;
	v8 =	vbroadcast v18, $0xF  }
0x82b: {  	[tilespmem:s31+$0x3] =	vst.msk $0x1, v9;
	v9 =	vbroadcast v14, $0xF  }
0x82c: {  	[tilespmem:s0+$0x3] =	vst.msk $0x1, v8;
	v8 =	vbroadcast v19, $0xF;
	v10, _, _ =	vpop (xrf0)  }
0x82d: {  	[tilespmem:s5+$0x3] =	vst.msk $0x1, v9;
	v9 =	vbroadcast v10, $0xF;
	v10, _, _ =	vpop (xrf0)  }
0x82e: {  	[tilespmem:s9+$0x3] =	vst.msk $0x1, v8;
	v8 =	vbroadcast v10, $0xF  }
0x82f: {  	s9 =	ssub.s32 $0x10, s22  }
0x830: {  	[tilespmem:s19+$0x3] =	vst.msk $0x1, v8;
	v8 =	vmov s9  }
0x831: {  	v6 =	vsub.s32 v7, v6;
	vm0 =	veq.s32 v8, v0  }
0x832: {  	v6 =	vnsel vm0, $0x0, v6  }
0x833: {  	(xrf0) =	vadd.scan.msk.s32 $0xffff, v6;
	_ =	sdelay $0x5  }
0x834: {  	v6, _, _ =	vpop (xrf0)  }
0x835: {  	s11 =	simm.s32 $0x190F0;
	[tilespmem:s18+$0x3] =	vst.msk $0x1, v9;
	(v2sf) =	vpush v6, $0xF  }
0x836: {  	v7 =	vld [tilespmem:s11+$0x0];
	_ =	sdelay $0x2  }
0x837: {  	s12 =	simm.s32 $0x190E0  }
0x838: {  	v8 =	vld [tilespmem:s12+$0x0]  }
0x839: {  	v7 =	vperm.xlane v7, v4;
	_ =	sdelay $0x1  }
0x83a: {  	(xrf0) =	vadd.scan.msk.s32 $0xffff, v7;
	_ =	sdelay $0x1  }
0x83b: {  	v10 =	vperm.xlane v8, v4;
	_ =	sdelay $0x1  }
0x83c: {  	(xrf0) =	vadd.scan.msk.s32 $0xffff, v10;
	_ =	sdelay $0x1  }
0x83d: {  	v8, _, _ =	vpop (xrf0)  }
0x83e: {  	(v2sf) =	vpush v8, $0xF;
	s10 =	spop (v2sf)  }
0x83f: {  	s13 =	simm.s32 $0x190D0;
	s0 =	simm.s32 $0x0;
	s22 =	ssub.s32 $0x800, s10  }
0x840: {  	v9 =	vld [tilespmem:s13+$0x0];
	v11 =	vadd.s32 s0, v8;
	v6 =	vmov s22  }
0x841: {  	v8, _, _ =	vpop (xrf0);
	vm7 =	vge.s32 v11, v6  }
0x842: {  	(v2sf) =	vpush v8, $0xF;
	v12 =	vsel vm7, $0x1, v1  }
0x843: {  	(xrf0) =	vadd.scan.msk.s32 $0xffff, v12;
	_ =	sdelay $0x1  }
0x844: {  	v13 =	vperm.xlane v9, v4;
	_ =	sdelay $0x1  }
0x845: {  	(xrf0) =	vadd.scan.msk.s32 $0xffff, v13;
	_ =	sdelay $0x1  }
0x846: {  	v9, _, _ =	vpop (xrf0)  }
0x847: {  	(v2sf) =	vpush v9, $0xF;
	_ =	sdelay $0x2  }
0x848: {  	s15 =	simm.s32 $0x190C0;
	s16 =	spop (v2sf);
	v9, _, _ =	vpop (xrf0)  }
0x849: {  	v12 =	vld [tilespmem:s15+$0x0];
	s1 =	sadd.s32 $0x0, s16;
	(v2sf) =	vpush v9, $0xF  }
0x84a: {  	v14 =	vadd.s32 s1, v8  }
0x84b: {  	vm8 =	vge.s32 v14, v6  }
0x84c: {  	s17 =	spop (v2sf);
	v15 =	vsel vm8, $0x1, v1  }
0x84d: {  	s1 =	sadd.s32 s1, s17;
	(xrf0) =	vadd.scan.msk.s32 $0xffff, v15  }
0x84e: {  	v8 =	vperm.xlane v12, v4;
	v15 =	vadd.s32 s1, v9  }
0x84f: {  	vm9 =	vge.s32 v15, v6  }
0x850: {  	(xrf0) =	vadd.scan.msk.s32 $0xffff, v8;
	v12 =	vsel vm9, $0x1, v1  }
0x851: {  	s18 =	simm.s32 $0x190B0  }
0x852: {  	v9 =	vld [tilespmem:s18+$0x0]  }
0x853: {  	(xrf0) =	vadd.scan.msk.s32 $0xffff, v12;
	v12, _, _ =	vpop (xrf0)  }
0x854: {  	(v2sf) =	vpush v12, $0xF;
	s19 =	spop (v2sf)  }
0x855: {  	s23 =	ssub.s32 $0x10, s19  }
0x856: {  	v12, _, _ =	vpop (xrf0);
	v16 =	vmov s23  }
0x857: {  	v9 =	vperm.xlane v9, v4;
	(v2sf) =	vpush v12, $0xF  }
0x858: {  	s24 =	spop (v2sf)  }
0x859: {  	(xrf0) =	vadd.scan.msk.s32 $0xffff, v9;
	s1 =	sadd.s32 s1, s24;
	vm10 =	veq.s32 v16, v0;
	v16, _, _ =	vpop (xrf0)  }
0x85a: {  	v7 =	vsub.s32 v11, v7;
	v11 =	vadd.s32 s1, v12;
	(v2sf) =	vpush v16, $0xF  }
0x85b: {  	v7 =	vnsel vm10, $0x0, v7;
	vm11 =	vge.s32 v11, v6  }
0x85c: {  	s25 =	simm.s32 $0x190A0;
	(xrf0) =	vadd.scan.msk.s32 $0xffff, v7;
	v7 =	vsel vm11, $0x1, v1  }
0x85d: {  	(xrf0) =	vadd.scan.msk.s32 $0xffff, v7;
	v7 =	vld [tilespmem:s25+$0x0];
	_ =	sdelay $0x1  }
0x85e: {  	v12, _, _ =	vpop (xrf0)  }
0x85f: {  	(v2sf) =	vpush v12, $0xF;
	_ =	sdelay $0x1  }
0x860: {  	v7 =	vperm.xlane v7, v4  }
0x861: {  	s5 =	spop (v2sf);
	v16, _, _ =	vpop (xrf0)  }
0x862: {  	s26 =	simm.s32 $0x19090;
	s28 =	ssub.s32 $0x10, s5;
	(v2sf) =	vpush v16, $0xF;
	v16, _, _ =	vpop (xrf0);
	(xrf0) =	vadd.scan.msk.s32 $0xffff, v7  }
0x863: {  	v17 =	vmov s28;
	(v2sf) =	vpush v16, $0xF;
	v16 =	vld [tilespmem:s26+$0x0]  }
0x864: {  	v10 =	vsub.s32 v14, v10;
	s29 =	spop (v2sf);
	vm12 =	veq.s32 v17, v0  }
0x865: {  	s4 =	sadd.s32 s1, s29;
	v10 =	vnsel vm12, $0x0, v10  }
0x866: {  	v12 =	vadd.s32 s4, v12;
	(xrf0) =	vadd.scan.msk.s32 $0xffff, v10  }
0x867: {  	vm13 =	vge.s32 v12, v6;
	s8 =	spop (v2sf)  }
0x868: {  	v13 =	vsub.s32 v15, v13;
	v14 =	vsel vm13, $0x1, v1;
	v10 =	vperm.xlane v16, v4;
	v15, _, _ =	vpop (xrf0);
	s30 =	ssub.s32 $0x10, s8  }
0x869: {  	(xrf0) =	vadd.scan.msk.s32 $0xffff, v14;
	(v2sf) =	vpush v15, $0xF;
	v16 =	vmov s30  }
0x86a: {  	(xrf0) =	vadd.scan.msk.s32 $0xffff, v10;
	_ =	sdelay $0x1  }
0x86b: {  	vm14 =	veq.s32 v16, v0;
	v16, _, _ =	vpop (xrf0)  }
0x86c: {  	s31 =	spop (v2sf);
	(v2sf) =	vpush v16, $0xF  }
0x86d: {  	s10 =	simm.s32 $0x19080;
	s15 =	sadd.s32 s4, s31;
	v13 =	vnsel vm14, $0x0, v13  }
0x86e: {  	p0 =	por $0x0, $0x0;
	v14 =	vld [tilespmem:s10+$0x0];
	(xrf0) =	vadd.scan.msk.s32 $0xffff, v13;
	v13 =	vadd.s32 s15, v15;
	v15, _, _ =	vpop (xrf0)  }
0x86f: {  	p2 =	por !p0, !p0;
	p1 =	sgt.s32 s19, $0x0;
	(v2sf) =	vpush v15, $0xF;
	v15, _, _ =	vpop (xrf0)  }
0x870: {  	s6 =	simm.s32 $0x7F;
	p2 =	por !p1, !p2;
	vm15 =	vge.s32 v13, v6;
	(v2sf) =	vpush v15, $0xF  }
0x871: {  	s2 =	simm.s32 $0x0;
	s9 =	sadd.s32 $0xEF, s19;
	p2 =	por !p2, !p2;
	v16 =	vsel vm15, $0x1, v1  }
0x872: {  	s3 =	simm.s32 $0x9F;
	s2 =	smov.u32 @p2 s9;
	s7 =	sadd.s32 $0xDF, s5;
	(xrf0) =	vadd.scan.msk.s32 $0xffff, v16  }
0x873: {  	s1 =	simm.s32 $0xAF;
	v14 =	vperm.xlane v14, v4;
	s9 =	sadd.s32 $0xCF, s8;
	s11 =	spop (v2sf)  }
0x874: {  	s4 =	simm.s32 $0x8F;
	s0 =	smov.u32 @p2 s11;
	s13 =	spop (v2sf)  }
0x875: {  	s11 =	simm.s32 $0x6F;
	s16 =	ssub.s32 $0x10, s13;
	s12 =	sadd.s32 $0xBF, s13;
	(xrf0) =	vadd.scan.msk.s32 $0xffff, v14;
	v16, _, _ =	vpop (xrf0)  }
.LBB2_46:
0x876: {  	p2 =	sne.s32 s11, $0xFFFFFFFF;
	v17 =	vmov s16;
	(v2sf) =	vpush v16, $0xF;
	s17 =	smov.u32 s1;
	s1 =	smov.u32 s3  }
0x877: {  	s10 =	sadd.s32 $0xFFFFFFF0, s10;
	v16 =	vsub.s32 v11, v8;
	v11 =	vmovc v12;
	v12 =	vmovc v13;
	v8 =	vmov v9;
	s3 =	smov.u32 s4;
	s16 =	spop (v2sf);
	vm0 =	veq.s32 v17, v0  }
0x878: {  	p0 =	por p0, p1;
	v9 =	vmov v7;
	v7 =	vmov v10;
	s4 =	smov.u32 s6;
	v17 =	vld [tilespmem:s10+$0x0];
	s15 =	sadd.s32 s15, s16;
	v18, _, _ =	vpop (xrf0);
	v16 =	vnsel vm0, $0x0, v16  }
0x879: {  	p1 =	sgt.s32 s5, $0x0;
	v10 =	vmovc v14;
	s5 =	smov.u32 s8;
	p3 =	por !p0, !p0;
	v13 =	vadd.s32 s15, v15;
	(v2sf) =	vpush v18, $0xF;
	(xrf0) =	vadd.scan.msk.s32 $0xffff, v16  }
0x87a: {  	s8 =	smov.u32 s13;
	s6 =	smov.u32 s11;
	p3 =	por !p1, !p3;
	vm0 =	vge.s32 v13, v6  }
.Ltmp24:
0x87b: {  	p3 =	por !p3, !p3;
	v15, _, _ =	vpop (xrf0);
	v14 =	vsel vm0, $0x1, v1;
	s13 =	spop (v2sf);
	(pc) =	sbr.rel @p2 .LBB2_46-.Ltmp24, $4  }
0x87c: {  	s2 =	smov.u32 @p3 s7;
	s7 =	smov.u32 s9;
	(v2sf) =	vpush v15, $0xF;
	(xrf0) =	vadd.scan.msk.s32 $0xffff, v14;
	s0 =	smov.u32 @p3 s13  }
0x87d: {  	s9 =	smov.u32 s12;
	v14 =	vperm.xlane v17, v4  }
0x87e: {  	s13 =	spop (v2sf)  }
0x87f: {  	s11 =	sadd.s32 $0xFFFFFFF0, s11;
	(xrf0) =	vadd.scan.msk.s32 $0xffff, v14;
	s16 =	ssub.s32 $0x10, s13;
	s12 =	sadd.s32 s17, s13;
	v16, _, _ =	vpop (xrf0)  }
0x880: {  	_ =	sdelay $0x7  }
0x881: {  	s10 =	spop (v2sf)  }
0x882: {  	s11 =	sadd.s32 s15, s10;
	s10 =	spop (v2sf)  }
0x883: {  	v17 =	vmov s16;
	v15 =	vadd.s32 s11, v15;
	s26 =	spop (v2sf)  }
0x884: {  	v8 =	vsub.s32 v11, v8;
	vm0 =	veq.s32 v17, v0;
	v59, _, _ =	vpop (xrf0);
	vm1 =	vge.s32 v15, v6;
	s28 =	ssub.s32 $0x10, s26;
	s17 =	spop (v2sf)  }
0x885: {  	v8 =	vnsel vm0, $0x0, v8;
	v18 =	vsel vm1, $0x1, v1;
	v60, _, _ =	vpop (xrf0);
	v19 =	vmov s28;
	s11 =	sadd.s32 s11, s17  }
0x886: {  	(xrf0) =	vadd.scan.msk.s32 $0xffff, v8;
	v8 =	vsub.s32 v12, v9;
	vm11 =	veq.s32 v19, v0;
	v61 =	vadd.s32 s11, v60  }
0x887: {  	(xrf0) =	vadd.scan.msk.s32 $0xffff, v18;
	v8 =	vnsel vm11, $0x0, v8;
	vm12 =	vge.s32 v61, v6  }
0x888: {  	(xrf0) =	vadd.scan.msk.s32 $0xffff, v8;
	v8 =	vsel vm12, $0x1, v1  }
0x889: {  	(xrf0) =	vadd.scan.msk.s32 $0xffff, v8  }
0x88a: {  	(v2sf) =	vpush v16, $0xF  }
0x88b: {  	(v2sf) =	vpush v59, $0xF  }
0x88c: {  	(v2sf) =	vpush v60, $0xF;
	v8, _, _ =	vpop (xrf0)  }
0x88d: {  	(v2sf) =	vpush v8, $0xF;
	v8, _, _ =	vpop (xrf0)  }
0x88e: {  	(v2sf) =	vpush v8, $0xF;
	v8, _, _ =	vpop (xrf0)  }
0x88f: {  	(v2sf) =	vpush v8, $0xF;
	v8, _, _ =	vpop (xrf0)  }
0x890: {  	(v2sf) =	vpush v8, $0xF;
	_ =	sdelay $0x8  }
0x891: {  	s11 =	spop (v2sf)  }
0x892: {  	s19 =	spop (v2sf)  }
0x893: {  	s29 =	spop (v2sf)  }
0x894: {  	s16 =	spop (v2sf)  }
0x895: {  	s18 =	spop (v2sf)  }
0x896: {  	s24 =	ssub.s32 $0x10, s19;
	s17 =	spop (v2sf)  }
0x897: {  	v7 =	vsub.s32 v13, v7;
	v8 =	vmov s24;
	s25 =	ssub.s32 $0x10, s18;
	s23 =	spop (v2sf)  }
0x898: {  	vm13 =	veq.s32 v8, v0;
	v8 =	vsub.s32 v15, v10;
	v62 =	vmov s25;
	s30 =	ssub.s32 $0x10, s23  }
0x899: {  	v7 =	vnsel vm13, $0x0, v7;
	vm14 =	veq.s32 v62, v0;
	v63 =	vmov s30  }
0x89a: {  	(xrf0) =	vadd.scan.msk.s32 $0xffff, v7;
	v7 =	vnsel vm14, $0x0, v8;
	v8 =	vsub.s32 v61, v14;
	vm15 =	veq.s32 v63, v0  }
0x89b: {  	p2 =	sgt.s32 s5, $0x0;
	p3 =	sgt.s32 s8, $0x0;
	p0 =	por p0, p1;
	(xrf0) =	vadd.scan.msk.s32 $0xffff, v7;
	v7 =	vnsel vm15, $0x0, v8  }
0x89c: {  	p4 =	sgt.s32 s13, $0x0;
	p1 =	por !p0, !p0;
	p0 =	por p0, p2;
	(xrf0) =	vadd.scan.msk.s32 $0xffff, v7  }
0x89d: {  	p1 =	por !p2, !p1;
	p6 =	por !p0, !p0;
	p5 =	por p0, p3  }
0x89e: {  	p0 =	por !p1, !p1;
	p2 =	por !p3, !p6;
	p6 =	por !p5, !p5  }
0x89f: {  	s5 =	simm.s32 @!p0 $0x0;
	p1 =	por !p4, !p6;
	p2 =	por !p2, !p2  }
0x8a0: {  	s5 =	simm.s32 @p0 $0x1;
	p0 =	por p5, p4;
	p1 =	por !p1, !p1;
	v7, _, _ =	vpop (xrf0)  }
0x8a1: {  	[smem:$0x7F6] =	sst s5;
	p5 =	por !p0, !p0;
	p4 =	sgt.s32 s26, $0x0;
	(v2sf) =	vpush v7, $0xF;
	v7, _, _ =	vpop (xrf0)  }
0x8a2: {  	s5 =	sld [smem:$0x7F6];
	p6 =	por p0, p4;
	p0 =	sgt.s32 s19, $0x0;
	(v2sf) =	vpush v7, $0xF;
	v7, _, _ =	vpop (xrf0)  }
0x8a3: {  	p3 =	por !p4, !p5;
	p5 =	por !p6, !p6;
	p6 =	por p6, p0;
	(v2sf) =	vpush v7, $0xF  }
0x8a4: {  	p5 =	por !p0, !p5;
	p4 =	por !p6, !p6;
	p0 =	sgt.s32 s18, $0x0  }
0x8a5: {  	p4 =	por !p0, !p4;
	p0 =	por p6, p0;
	p6 =	seq.s32 s5, $0x1  }
0x8a6: {  	s31 =	sld [smem:$0x7F6];
	s1 =	sadd.s32 s1, s26;
	s2 =	smov.u32 @p6 s7  }
0x8a7: {  	p3 =	por !p3, !p3;
	s3 =	sadd.s32 s3, s19;
	s2 =	smov.u32 @p2 s9  }
0x8a8: {  	p5 =	por !p5, !p5;
	p0 =	por !p0, !p0;
	s2 =	smov.u32 @p1 s12  }
0x8a9: {  	p4 =	por !p4, !p4;
	p6 =	sgt.s32 s23, $0x0;
	s2 =	smov.u32 @p3 s1  }
0x8aa: {  	p0 =	por !p6, !p0;
	s1 =	sadd.s32 s4, s18;
	s2 =	smov.u32 @p5 s3  }
0x8ab: {  	p0 =	por !p0, !p0;
	s3 =	sadd.s32 s6, s23;
	s2 =	smov.u32 @p4 s1  }
0x8ac: {  	p6 =	seq.s32 s31, $0x1;
	s2 =	smov.u32 @p0 s3  }
0x8ad: {  	s0 =	smov.u32 @p6 s10;
	s2 =	sshll.u32 s2, $0x4  }
0x8ae: {  	s0 =	smov.u32 @p2 s11;
	v7 =	vld [tilespmem:s2+$0x18000]  }
0x8af: {  	s0 =	smov.u32 @p1 s16  }
0x8b0: {  	s0 =	smov.u32 @p3 s17;
	s1 =	spop (v2sf)  }
0x8b1: {  	s0 =	smov.u32 @p5 s1;
	s1 =	spop (v2sf)  }
0x8b2: {  	s0 =	smov.u32 @p4 s1;
	s1 =	spop (v2sf)  }
0x8b3: {  	v7 =	vperm.xlane v7, v4;
	s0 =	smov.u32 @p0 s1;
	s1 =	simm.s32 $0x0;
	p0 =	por $0x1, $0x1  }
.LBB2_48:
0x8b4: {  	[tilespmem:s1+$0x18000] =	vst v1  }
0x8b5: {  	[tilespmem:s1+$0x18010] =	vst v1  }
0x8b6: {  	[tilespmem:s1+$0x18020] =	vst v1;
	p1 =	por p0, p0  }
.Ltmp25:
0x8b7: {  	[tilespmem:s1+$0x18030] =	vst v1;
	(pc) =	sbr.rel @p1 .LBB2_48-.Ltmp25, $4  }
0x8b8: {  	[tilespmem:s1+$0x18040] =	vst v1  }
0x8b9: {  	[tilespmem:s1+$0x18050] =	vst v1  }
0x8ba: {  	[tilespmem:s1+$0x18060] =	vst v1  }
0x8bb: {  	[tilespmem:s1+$0x18070] =	vst v1;
	s1 =	simm.s32 $0x80;
	p0 =	por $0x0, $0x0  }
0x8bc: {  	(xrf0) =	vadd.scan.msk.s32 $0xffff, v7;
	_ =	sdelay $0x5  }
0x8bd: {  	v8, _, _ =	vpop (xrf0)  }
0x8be: {  	v8 =	vadd.s32 s0, v8  }
0x8bf: {  	vm0 =	vge.s32 v8, v6  }
0x8c0: {  	v6 =	vsel vm0, $0x1, v1  }
0x8c1: {  	(xrf0) =	vadd.scan.msk.s32 $0xffff, v6;
	_ =	sdelay $0x5  }
0x8c2: {  	v6, _, _ =	vpop (xrf0)  }
0x8c3: {  	(v2sf) =	vpush v6, $0xF;
	_ =	sdelay $0x9  }
0x8c4: {  	s31 =	simm.s32 $0x8040  }
0x8c5: {  	v12 =	vld [tilespmem:s31+$0x20]  }
0x8c6: {  	v9 =	vld [tilespmem:s31+$0xFFFFFFE0]  }
0x8c7: {  	v13 =	vld [tilespmem:s31+$0xFFFFFFC0]  }
0x8c8: {  	v10 =	vld [tilespmem:s31+$0xFFFFFFF0]  }
0x8c9: {  	v18 =	vld [tilespmem:s31+$0x0];
	s1 =	spop (v2sf)  }
0x8ca: {  	v11 =	vshra.s32 v12, $0x1F;
	s29 =	sadd.s32 s1, s2  }
0x8cb: {  	s30 =	sshll.u32 s21, $0xC;
	v14 =	vld [tilespmem:s31+$0x30];
	v15 =	vor.u32 $0x80000000, v11;
	s0 =	sadd.s32 $0xFFFFFFFF, s29  }
0x8cc: {  	v16 =	vshra.s32 v13, $0x1F;
	v11 =	vld [tilespmem:s31+$0x10];
	v15 =	vxor.u32 v12, v15;
	s2 =	sor.u32 s30, s0  }
0x8cd: {  	v17 =	vshra.s32 v10, $0x1F;
	v19 =	vshrl.u32 v15, $0x8;
	v6 =	vmov s2  }
0x8ce: {  	v20 =	vshra.s32 v9, $0x1F;
	v21 =	vshra.s32 v18, $0x1F;
	v12 =	vld [tilespmem:s31+$0xFFFFFFD0];
	vm1 =	veq.s32 v19, v6  }
0x8cf: {  	v16 =	vor.u32 $0x80000000, v16;
	v17 =	vor.u32 $0x80000000, v17;
	v22 =	vand.u32 $0xFF, v15  }
0x8d0: {  	v13 =	vxor.u32 v13, v16;
	v16 =	vor.u32 $0x80000000, v20;
	v19 =	vshra.s32 v14, $0x1F  }
0x8d1: {  	v20 =	vshrl.u32 v13, $0x8;
	v15 =	vshra.s32 v11, $0x1F;
	v19 =	vor.u32 $0x80000000, v19  }
0x8d2: {  	vm0 =	veq.s32 v20, v6;
	v20 =	vor.u32 $0x80000000, v21;
	v19 =	vxor.u32 v14, v19  }
0x8d3: {  	v21 =	vshra.s32 v12, $0x1F;
	v14 =	vxor.u32 v18, v20;
	v23 =	vshrl.u32 v19, $0x8  }
0x8d4: {  	s3 =	simm.s32 $0x80C0;
	s2 =	simm.s32 $0x0;
	v18 =	vor.u32 $0x80000000, v21;
	v20 =	vshrl.u32 v14, $0x8;
	[tilespmem:v22+s14+$0x0] =	vst.idx.add.s32.msk vm1, v3;
	vm1 =	veq.s32 v23, v6  }
.LBB2_50:
0x8d5: {  	v21 =	vld [tilespmem:s3+$0x20];
	s2 =	sadd.s32 $0x80, s2;
	v16 =	vxor.u32 v9, v16;
	v17 =	vxor.u32 v10, v17;
	v19 =	vand.u32 $0xFF, v19  }
0x8d6: {  	v15 =	vor.u32 $0x80000000, v15;
	v9 =	vld [tilespmem:s3+$0xFFFFFFE0];
	p0 =	slt.u32 s2, $0x7F80;
	v10 =	vshrl.u32 v16, $0x8;
	v22 =	vshrl.u32 v17, $0x8  }
0x8d7: {  	v13 =	vand.u32 $0xFF, v13;
	v11 =	vxor.u32 v11, v15;
	v23 =	vld [tilespmem:s3+$0xFFFFFFC0];
	vm2 =	veq.s32 v10, v6  }
0x8d8: {  	v12 =	vxor.u32 v12, v18;
	vm4 =	veq.s32 v20, v6;
	v15 =	vshrl.u32 v11, $0x8;
	v10 =	vld [tilespmem:s3+$0xFFFFFFF0]  }
0x8d9: {  	v14 =	vand.u32 $0xFF, v14;
	v20 =	vand.u32 $0xFF, v12;
	v24 =	vand.u32 $0xFF, v16;
	v18 =	vld [tilespmem:s3+$0x30]  }
0x8da: {  	vm5 =	veq.s32 v15, v6;
	v15 =	vand.u32 $0xFF, v11;
	v25 =	vld [tilespmem:s3+$0x0];
	v16 =	vshra.s32 v21, $0x1F  }
0x8db: {  	v26 =	vshrl.u32 v12, $0x8;
	vm3 =	veq.s32 v22, v6;
	v11 =	vld [tilespmem:s3+$0x10];
	v16 =	vor.u32 $0x80000000, v16  }
0x8dc: {  	vm6 =	veq.s32 v26, v6;
	v12 =	vld [tilespmem:s3+$0xFFFFFFD0];
	v16 =	vxor.u32 v21, v16;
	v21 =	vand.u32 $0xFF, v17  }
0x8dd: {  	v17 =	vshra.s32 v23, $0x1F;
	v22 =	vshra.s32 v10, $0x1F;
	v26 =	vshrl.u32 v16, $0x8;
	[tilespmem:v13+s14+$0x0] =	vst.idx.add.s32.msk vm0, v3  }
0x8de: {  	v27 =	vshra.s32 v9, $0x1F;
	vm7 =	veq.s32 v26, v6;
	v26 =	vshra.s32 v18, $0x1F;
	[tilespmem:v14+s14+$0x0] =	vst.idx.add.s32.msk vm4, v3  }
0x8df: {  	v13 =	vor.u32 $0x80000000, v17;
	v28 =	vand.u32 $0xFF, v16;
	v14 =	vshra.s32 v25, $0x1F;
	[tilespmem:v19+s14+$0x0] =	vst.idx.add.s32.msk vm1, v3  }
.Ltmp26:
0x8e0: {  	v16 =	vor.u32 $0x80000000, v27;
	v13 =	vxor.u32 v23, v13;
	v17 =	vor.u32 $0x80000000, v22;
	[tilespmem:v15+s14+$0x0] =	vst.idx.add.s32.msk vm5, v3;
	(pc) =	sbr.rel @p0 .LBB2_50-.Ltmp26, $4  }
0x8e1: {  	v19 =	vshrl.u32 v13, $0x8;
	v22 =	vor.u32 $0x80000000, v26;
	v15 =	vshra.s32 v11, $0x1F;
	[tilespmem:v24+s14+$0x0] =	vst.idx.add.s32.msk vm2, v3  }
0x8e2: {  	vm0 =	veq.s32 v19, v6;
	v14 =	vor.u32 $0x80000000, v14;
	v19 =	vxor.u32 v18, v22;
	[tilespmem:v20+s14+$0x0] =	vst.idx.add.s32.msk vm6, v3  }
0x8e3: {  	v18 =	vshra.s32 v12, $0x1F;
	v14 =	vxor.u32 v25, v14;
	v22 =	vshrl.u32 v19, $0x8;
	[tilespmem:v21+s14+$0x0] =	vst.idx.add.s32.msk vm3, v3  }
0x8e4: {  	s3 =	sadd.s32 $0x80, s3;
	v18 =	vor.u32 $0x80000000, v18;
	v20 =	vshrl.u32 v14, $0x8;
	vm1 =	veq.s32 v22, v6;
	[tilespmem:v28+s14+$0x0] =	vst.idx.add.s32.msk vm7, v3  }
0x8e5: {  	v9 =	vxor.u32 v9, v16;
	v10 =	vxor.u32 v10, v17;
	v15 =	vor.u32 $0x80000000, v15  }
0x8e6: {  	vm2 =	veq.s32 v20, v6;
	v12 =	vxor.u32 v12, v18;
	v11 =	vxor.u32 v11, v15  }
0x8e7: {  	v61 =	vshrl.u32 v9, $0x8;
	v62 =	vshrl.u32 v12, $0x8;
	v63 =	vshrl.u32 v10, $0x8  }
0x8e8: {  	v60 =	vshrl.u32 v11, $0x8;
	vm4 =	veq.s32 v61, v6;
	vm6 =	veq.s32 v63, v6  }
0x8e9: {  	vm5 =	veq.s32 v62, v6;
	vm3 =	veq.s32 v60, v6;
	v6 =	vand.u32 $0xFF, v10;
	_ =	sdelay $0x3  }
0x8ea: {  	s1 =	ssub.s32 $0x10, s1  }
0x8eb: {  	v13 =	vand.u32 $0xFF, v13;
	[tilespmem:v6+s14+$0x0] =	vst.idx.add.s32.msk vm6, v3;
	v6 =	vmov s1  }
0x8ec: {  	v59 =	vand.u32 $0xFF, v19;
	vm11 =	veq.s32 v6, v0;
	v6 =	vsub.s32 v8, v7  }
0x8ed: {  	v14 =	vand.u32 $0xFF, v14;
	v6 =	vnsel vm11, $0x0, v6  }
0x8ee: {  	v9 =	vand.u32 $0xFF, v9;
	(xrf0) =	vadd.scan.msk.s32 $0xffff, v6  }
0x8ef: {  	v12 =	vand.u32 $0xFF, v12  }
0x8f0: {  	v11 =	vand.u32 $0xFF, v11;
	[tilespmem:v13+s14+$0x0] =	vst.idx.add.s32.msk vm0, v3  }
0x8f1: {  	[tilespmem:v59+s14+$0x0] =	vst.idx.add.s32.msk vm1, v3  }
0x8f2: {  	[tilespmem:v14+s14+$0x0] =	vst.idx.add.s32.msk vm2, v3  }
0x8f3: {  	[tilespmem:v9+s14+$0x0] =	vst.idx.add.s32.msk vm4, v3  }
0x8f4: {  	[tilespmem:v12+s14+$0x0] =	vst.idx.add.s32.msk vm5, v3;
	v6, _, _ =	vpop (xrf0)  }
0x8f5: {  	s2 =	simm.s32 $0x180F0;
	[tilespmem:v11+s14+$0x0] =	vst.idx.add.s32.msk vm3, v3;
	(v2sf) =	vpush v6, $0xF  }
0x8f6: {  	v7 =	vld [tilespmem:s2+$0x0]  }
0x8f7: {  	s24 =	simm.s32 $0x180E0  }
0x8f8: {  	v8 =	vld [tilespmem:s24+$0x0];
	_ =	sdelay $0x2  }
0x8f9: {  	v7 =	vperm.xlane v7, v4;
	_ =	sdelay $0x1  }
0x8fa: {  	(xrf0) =	vadd.scan.msk.s32 $0xffff, v7;
	v7 =	vperm.xlane v8, v4;
	_ =	sdelay $0x1  }
0x8fb: {  	(xrf0) =	vadd.scan.msk.s32 $0xffff, v7  }
0x8fc: {  	s25 =	simm.s32 $0x180D0  }
0x8fd: {  	v7 =	vld [tilespmem:s25+$0x0];
	_ =	sdelay $0x1  }
0x8fe: {  	v8, _, _ =	vpop (xrf0)  }
0x8ff: {  	s23 =	spop (v2sf);
	(v2sf) =	vpush v8, $0xF  }
0x900: {  	v9, _, _ =	vpop (xrf0)  }
0x901: {  	v7 =	vperm.xlane v7, v4;
	s1 =	ssub.s32 s22, s23;
	(v2sf) =	vpush v9, $0xF  }
0x902: {  	v6 =	vmov s1;
	s1 =	simm.s32 $0x0  }
0x903: {  	(xrf0) =	vadd.scan.msk.s32 $0xffff, v7;
	v7 =	vadd.s32 s1, v8  }
0x904: {  	vm12 =	vge.s32 v7, v6  }
0x905: {  	v7 =	vsel vm12, $0x1, v1  }
0x906: {  	(xrf0) =	vadd.scan.msk.s32 $0xffff, v7;
	_ =	sdelay $0x2  }
0x907: {  	s26 =	simm.s32 $0x180C0  }
0x908: {  	v10 =	vld [tilespmem:s26+$0x0]  }
0x909: {  	v7, _, _ =	vpop (xrf0)  }
0x90a: {  	s28 =	simm.s32 $0x180B0;
	(v2sf) =	vpush v7, $0xF;
	v8, _, _ =	vpop (xrf0)  }
0x90b: {  	(v2sf) =	vpush v8, $0xF;
	v8 =	vld [tilespmem:s28+$0x0]  }
0x90c: {  	s29 =	spop (v2sf)  }
0x90d: {  	v10 =	vperm.xlane v10, v4;
	s2 =	sadd.s32 $0x0, s29  }
0x90e: {  	s3 =	spop (v2sf);
	v9 =	vadd.s32 s2, v9  }
0x90f: {  	(xrf0) =	vadd.scan.msk.s32 $0xffff, v10;
	s2 =	sadd.s32 s2, s3;
	vm13 =	vge.s32 v9, v6  }
0x910: {  	v8 =	vperm.xlane v8, v4;
	v7 =	vadd.s32 s2, v7;
	v9 =	vsel vm13, $0x1, v1  }
0x911: {  	vm14 =	vge.s32 v7, v6;
	(xrf0) =	vadd.scan.msk.s32 $0xffff, v9  }
0x912: {  	(xrf0) =	vadd.scan.msk.s32 $0xffff, v8;
	v8 =	vsel vm14, $0x1, v1  }
0x913: {  	s30 =	simm.s32 $0x180A0  }
0x914: {  	v7 =	vld [tilespmem:s30+$0x0];
	(xrf0) =	vadd.scan.msk.s32 $0xffff, v8  }
0x915: {  	v8, _, _ =	vpop (xrf0)  }
0x916: {  	(v2sf) =	vpush v8, $0xF;
	_ =	sdelay $0x1  }
0x917: {  	v9, _, _ =	vpop (xrf0)  }
0x918: {  	v10 =	vperm.xlane v7, v4;
	(v2sf) =	vpush v9, $0xF;
	v7, _, _ =	vpop (xrf0)  }
0x919: {  	s31 =	spop (v2sf);
	(v2sf) =	vpush v7, $0xF;
	v9, _, _ =	vpop (xrf0)  }
0x91a: {  	s12 =	spop (v2sf);
	(v2sf) =	vpush v9, $0xF;
	_ =	sdelay $0x1  }
0x91b: {  	s8 =	sadd.s32 s2, s31  }
0x91c: {  	p0 =	por $0x0, $0x0;
	s7 =	simm.s32 $0xDF;
	s6 =	simm.s32 $0xCF;
	v8 =	vadd.s32 s8, v8  }
0x91d: {  	s5 =	simm.s32 $0xBF;
	s4 =	simm.s32 $0xAF;
	s10 =	simm.s32 $0x18090;
	(xrf0) =	vadd.scan.msk.s32 $0xffff, v10;
	vm15 =	vge.s32 v8, v6  }
0x91e: {  	s11 =	simm.s32 $0x7F;
	s3 =	simm.s32 $0x8F;
	v8 =	vld [tilespmem:s10+$0x0];
	v10 =	vsel vm15, $0x1, v1;
	s9 =	sadd.s32 $0xEF, s12  }
0x91f: {  	s2 =	simm.s32 $0x9F;
	(xrf0) =	vadd.scan.msk.s32 $0xffff, v10;
	p1 =	sgt.s32 s12, $0x0;
	s9 =	smov.u32 @p0 s1  }
.LBB2_52:
0x920: {  	p2 =	sne.s32 s11, $0xFFFFFFFF;
	s1 =	smov.u32 @p1 s9;
	p0 =	por p0, p1  }
0x921: {  	s12 =	smov.u32 s4;
	s4 =	smov.u32 s2;
	s2 =	smov.u32 s3  }
0x922: {  	s3 =	smov.u32 s11;
	s11 =	sadd.s32 $0xFFFFFFF0, s11  }
0x923: {  	v8 =	vperm.xlane v8, v4;
	v9, _, _ =	vpop (xrf0);
	s9 =	spop (v2sf)  }
.Ltmp27:
0x924: {  	(v2sf) =	vpush v9, $0xF;
	s8 =	sadd.s32 s8, s9;
	(pc) =	sbr.rel @p2 .LBB2_52-.Ltmp27, $4  }
0x925: {  	s10 =	sadd.s32 $0xFFFFFFF0, s10;
	(xrf0) =	vadd.scan.msk.s32 $0xffff, v8;
	v10 =	vadd.s32 s8, v7;
	v7 =	vmov v9  }
0x926: {  	v8 =	vld [tilespmem:s10+$0x0];
	vm0 =	vge.s32 v10, v6;
	v9, _, _ =	vpop (xrf0);
	s13 =	spop (v2sf)  }
0x927: {  	v10 =	vsel vm0, $0x1, v1;
	(v2sf) =	vpush v9, $0xF;
	s9 =	sadd.s32 s7, s13;
	s7 =	smov.u32 s6;
	s6 =	smov.u32 s5  }
0x928: {  	p1 =	sgt.s32 s13, $0x0;
	s5 =	smov.u32 s12;
	(xrf0) =	vadd.scan.msk.s32 $0xffff, v10;
	s9 =	smov.u32 @p0 s1  }
0x929: {  	_ =	sdelay $0x1  }
0x92a: {  	v9, _, _ =	vpop (xrf0)  }
0x92b: {  	(v2sf) =	vpush v9, $0xF;
	_ =	sdelay $0x7  }
0x92c: {  	v8 =	vperm.xlane v8, v4  }
0x92d: {  	s10 =	spop (v2sf)  }
0x92e: {  	s8 =	sadd.s32 s8, s10;
	(xrf0) =	vadd.scan.msk.s32 $0xffff, v8  }
0x92f: {  	v7 =	vadd.s32 s8, v7  }
0x930: {  	s18 =	spop (v2sf);
	vm0 =	vge.s32 v7, v6  }
0x931: {  	v7 =	vsel vm0, $0x1, v1;
	s11 =	spop (v2sf)  }
0x932: {  	s8 =	sadd.s32 s8, s11;
	s19 =	spop (v2sf)  }
0x933: {  	v8 =	vadd.s32 s8, v9;
	v9, _, _ =	vpop (xrf0);
	s12 =	spop (v2sf)  }
0x934: {  	(xrf0) =	vadd.scan.msk.s32 $0xffff, v7;
	vm0 =	vge.s32 v8, v6;
	v7, _, _ =	vpop (xrf0);
	s8 =	sadd.s32 s8, s12  }
0x935: {  	v8 =	vsel vm0, $0x1, v1;
	v10 =	vadd.s32 s8, v7  }
0x936: {  	(xrf0) =	vadd.scan.msk.s32 $0xffff, v8;
	vm0 =	vge.s32 v10, v6  }
0x937: {  	v6 =	vsel vm0, $0x1, v1  }
0x938: {  	(xrf0) =	vadd.scan.msk.s32 $0xffff, v6  }
0x939: {  	(v2sf) =	vpush v9, $0xF  }
0x93a: {  	(v2sf) =	vpush v7, $0xF;
	v6, _, _ =	vpop (xrf0)  }
0x93b: {  	(v2sf) =	vpush v6, $0xF  }
0x93c: {  	v6, _, _ =	vpop (xrf0)  }
0x93d: {  	(v2sf) =	vpush v6, $0xF  }
0x93e: {  	v6, _, _ =	vpop (xrf0)  }
0x93f: {  	(v2sf) =	vpush v6, $0xF;
	_ =	sdelay $0x4  }
0x940: {  	s1 =	smov.u32 @p1 s9  }
0x941: {  	p0 =	por p0, p1;
	s7 =	sadd.s32 s7, s18;
	p1 =	sgt.s32 s18, $0x0  }
0x942: {  	s28 =	sshll.u32 s21, $0x14;
	s7 =	smov.u32 @p0 s1;
	p0 =	por p0, p1  }
0x943: {  	s1 =	smov.u32 @p1 s7;
	s6 =	sadd.s32 s6, s19;
	p1 =	sgt.s32 s19, $0x0  }
0x944: {  	s6 =	smov.u32 @p0 s1;
	p0 =	por p0, p1;
	s22 =	spop (v2sf)  }
0x945: {  	s1 =	smov.u32 @p1 s6;
	s5 =	sadd.s32 s5, s22;
	s23 =	spop (v2sf)  }
0x946: {  	p1 =	sgt.s32 s22, $0x0;
	s5 =	smov.u32 @p0 s1;
	s24 =	spop (v2sf)  }
0x947: {  	p0 =	por p0, p1;
	s1 =	smov.u32 @p1 s5;
	s4 =	sadd.s32 s4, s24  }
0x948: {  	p1 =	sgt.s32 s24, $0x0;
	s25 =	spop (v2sf);
	s4 =	smov.u32 @p0 s1  }
0x949: {  	p0 =	por p0, p1;
	s2 =	sadd.s32 s2, s25;
	s1 =	smov.u32 @p1 s4  }
0x94a: {  	p1 =	sgt.s32 s25, $0x0;
	s2 =	smov.u32 @p0 s1;
	s26 =	spop (v2sf)  }
0x94b: {  	p0 =	por p0, p1;
	s1 =	smov.u32 @p1 s2;
	s3 =	sadd.s32 s3, s26  }
0x94c: {  	s0 =	sshll.u32 s0, $0x8;
	p1 =	sgt.s32 s26, $0x0;
	s3 =	smov.u32 @p0 s1  }
0x94d: {  	s0 =	sor.u32 s28, s0;
	s1 =	smov.u32 @p1 s3  }
0x94e: {  	s0 =	sor.u32 s1, s0  }
0x94f: {  	s0 =	sxor.u32 $0x80000000, s0  }
0x950: {  	v6 =	vmov s0  }
0x951: {  	vm0 =	vlt.s32 v6, $0x0;
	v6 =	vxor.u32 $0x7FFFFFFF, v6  }
0x952: {  	v6 =	vnsel vm0, s0, v6  }
0x953: {  	v6 =	vadd.f32 $1.000000000e+00, v6;
	_ =	sdelay $0x1  }
0x954: {  	v6 =	vmul.f32 v6, v2;
	_ =	sdelay $0x1  }
0x955: {  	v6 =	vsub.f32 $0.0e+00, v6;
	_ =	sdelay $0x1  }
0x956: {  	v6 =	vmul.f32 $1.442695020e+00, v6;
	_ =	sdelay $0x1  }
0x957: {  	(erf) = vpow2.f32 v6;
	_ =	sdelay $0x8  }
0x958: {  	v6 =	vpop (erf)  }
0x959: {  	v6 =	vadd.f32 $1.000000000e+00, v6;
	_ =	sdelay $0x1  }
0x95a: {  	(erf) = vrcp.f32 v6;
	_ =	sdelay $0x3  }
0x95b: {  	s29 =	simm.s32 $0x10040  }
0x95c: {  	v7 =	vld [tilespmem:s29+$0xFFFFFFC0]  }
0x95d: {  	v8 =	vld [tilespmem:s29+$0xFFFFFFD0]  }
0x95e: {  	v9 =	vld [tilespmem:s29+$0xFFFFFFE0]  }
0x95f: {  	v11 =	vld [tilespmem:s29+$0x0]  }
0x960: {  	v10 =	vld [tilespmem:s29+$0xFFFFFFF0];
	v6 =	vpop (erf)  }
0x961: {  	vm0 =	vge.f32 v7, v6;
	v7 =	vld [tilespmem:s29+$0x10]  }
0x962: {  	vm1 =	vge.f32 v8, v6;
	v8 =	vld [tilespmem:s29+$0x20]  }
0x963: {  	v12 =	vsel vm0, $0x3F800000, v5;
	v13 =	vmpcnt.ones.xlane vm0;
	vm0 =	vge.f32 v9, v6;
	v9 =	vld [tilespmem:s29+$0x30]  }
0x964: {  	vm2 =	vge.f32 v11, v6;
	v14 =	vsel vm1, $0x3F800000, v5;
	v15 =	vmpcnt.ones.xlane vm1  }
0x965: {  	s30 =	simm.s32 $0x100C0;
	vm1 =	vge.f32 v10, v6;
	v16 =	vmpcnt.ones.xlane vm0;
	(v2sf) =	vpush v13, $0x0  }
0x966: {  	v10 =	vmpcnt.ones.xlane vm1;
	(v2sf) =	vpush v15, $0x0;
	vm3 =	vge.f32 v7, v6;
	v7 =	vld [tilespmem:s30+$0xFFFFFFC0]  }
0x967: {  	v11 =	vmpcnt.ones.xlane vm2;
	(v2sf) =	vpush v16, $0x0;
	vm4 =	vge.f32 v8, v6;
	v8 =	vld [tilespmem:s30+$0xFFFFFFD0]  }
0x968: {  	v56 =	vmpcnt.ones.xlane vm3;
	(v2sf) =	vpush v10, $0x0;
	vm5 =	vge.f32 v9, v6;
	v9 =	vld [tilespmem:s30+$0xFFFFFFE0]  }
0x969: {  	s31 =	simm.s32 $0x8040;
	v10 =	vmpcnt.ones.xlane vm4;
	(v2sf) =	vpush v11, $0x0;
	v11 =	vsel vm0, $0x3F800000, v5  }
0x96a: {  	v57 =	vmpcnt.ones.xlane vm5;
	(v2sf) =	vpush v56, $0x0;
	[tilespmem:s31+$0xFFFFFFE0] =	vst v11;
	v11 =	vsel vm1, $0x3F800000, v5  }
0x96b: {  	(v2sf) =	vpush v10, $0x0;
	[tilespmem:s31+$0xFFFFFFF0] =	vst v11;
	v11 =	vsel vm3, $0x3F800000, v5;
	vm0 =	vge.f32 v7, v6  }
0x96c: {  	v7 =	vsel vm0, $0x3F800000, v5;
	v63 =	vmpcnt.ones.xlane vm0;
	vm0 =	vge.f32 v8, v6  }
0x96d: {  	v58 =	vld [tilespmem:s30+$0xFFFFFFF0];
	[tilespmem:s31+$0xFFFFFFC0] =	vst v12;
	(v2sf) =	vpush v57, $0x0;
	vm1 =	vge.f32 v9, v6;
	v8 =	vmpcnt.ones.xlane vm0  }
0x96e: {  	s0 =	simm.s32 $0x80C0;
	v10 =	vld [tilespmem:s30+$0x0];
	[tilespmem:s31+$0x10] =	vst v11;
	v11 =	vmpcnt.ones.xlane vm1;
	(v2sf) =	vpush v63, $0x0  }
0x96f: {  	v61 =	vld [tilespmem:s30+$0x10];
	[tilespmem:s0+$0xFFFFFFC0] =	vst v7;
	v7 =	vsel vm0, $0x3F800000, v5;
	(v2sf) =	vpush v8, $0x0  }
0x970: {  	[tilespmem:s0+$0xFFFFFFD0] =	vst v7;
	v7 =	vld [tilespmem:s30+$0x20];
	(v2sf) =	vpush v11, $0x0  }
0x971: {  	v59 =	vsel vm2, $0x3F800000, v5;
	[tilespmem:s31+$0xFFFFFFD0] =	vst v14;
	v8 =	vld [tilespmem:s30+$0x30]  }
0x972: {  	[tilespmem:s31+$0x0] =	vst v59;
	v60 =	vsel vm4, $0x3F800000, v5;
	vm0 =	vge.f32 v58, v6  }
0x973: {  	s4 =	simm.s32 $0x0;
	v62 =	vsel vm5, $0x3F800000, v5;
	[tilespmem:s31+$0x20] =	vst v60;
	v9 =	vmpcnt.ones.xlane vm0;
	vm2 =	vge.f32 v10, v6  }
0x974: {  	s2 =	simm.s32 $0x80;
	s3 =	simm.s32 $0x10140;
	s1 =	simm.s32 $0x80C0;
	[tilespmem:s31+$0x30] =	vst v62;
	vm3 =	vge.f32 v61, v6;
	v10 =	vmpcnt.ones.xlane vm2  }
.LBB2_54:
0x975: {  	v11 =	vld [tilespmem:s3+$0xFFFFFFC0];
	s2 =	sadd.s32 $0x80, s2;
	v12 =	vmpcnt.ones.xlane vm3;
	vm4 =	vge.f32 v7, v6;
	(v2sf) =	vpush v9, $0x0  }
0x976: {  	v7 =	vld [tilespmem:s3+$0xFFFFFFD0];
	p0 =	slt.u32 s2, $0x7F80;
	v9 =	vmpcnt.ones.xlane vm4;
	vm5 =	vge.f32 v8, v6;
	(v2sf) =	vpush v10, $0x0;
	s5 =	spop (v2sf)  }
0x977: {  	v10 =	vsel vm1, $0x3F800000, v5;
	v8 =	vld [tilespmem:s3+$0xFFFFFFE0];
	v13 =	vmpcnt.ones.xlane vm5;
	(v2sf) =	vpush v12, $0x0;
	s4 =	sadd.s32 s4, s5;
	s5 =	spop (v2sf)  }
0x978: {  	v14 =	vsel vm2, $0x3F800000, v5;
	v12 =	vld [tilespmem:s3+$0xFFFFFFF0];
	[tilespmem:s0+$0xFFFFFFE0] =	vst v10;
	v10 =	vsel vm0, $0x3F800000, v5;
	(v2sf) =	vpush v9, $0x0;
	s4 =	sadd.s32 s5, s4;
	s5 =	spop (v2sf)  }
0x979: {  	v9 =	vsel vm3, $0x3F800000, v5;
	v15 =	vld [tilespmem:s3+$0x0];
	[tilespmem:s0+$0xFFFFFFF0] =	vst v10;
	v10 =	vsel vm4, $0x3F800000, v5;
	(v2sf) =	vpush v13, $0x0;
	s4 =	sadd.s32 s5, s4;
	s5 =	spop (v2sf)  }
0x97a: {  	v13 =	vsel vm5, $0x3F800000, v5;
	vm0 =	vge.f32 v11, v6;
	v11 =	vld [tilespmem:s3+$0x10];
	[tilespmem:s0+$0x0] =	vst v14;
	s4 =	sadd.s32 s5, s4;
	s5 =	spop (v2sf);
	s0 =	sadd.s32 $0x80, s0  }
.Ltmp28:
0x97b: {  	v14 =	vsel vm0, $0x3F800000, v5;
	v16 =	vmpcnt.ones.xlane vm0;
	vm0 =	vge.f32 v7, v6;
	v7 =	vld [tilespmem:s3+$0x20];
	[tilespmem:s1+$0x10] =	vst v9;
	s4 =	sadd.s32 s5, s4;
	s5 =	spop (v2sf);
	(pc) =	sbr.rel @p0 .LBB2_54-.Ltmp28, $4  }
0x97c: {  	[tilespmem:s0+$0xFFFFFFC0] =	vst v14;
	v9 =	vsel vm0, $0x3F800000, v5;
	v14 =	vmpcnt.ones.xlane vm0;
	vm1 =	vge.f32 v8, v6;
	v8 =	vld [tilespmem:s3+$0x30];
	s4 =	sadd.s32 s5, s4;
	s5 =	spop (v2sf)  }
0x97d: {  	[tilespmem:s0+$0xFFFFFFD0] =	vst v9;
	v17 =	vmpcnt.ones.xlane vm1;
	vm0 =	vge.f32 v12, v6;
	(v2sf) =	vpush v16, $0x0;
	s4 =	sadd.s32 s5, s4;
	s5 =	spop (v2sf)  }
0x97e: {  	v9 =	vmpcnt.ones.xlane vm0;
	vm2 =	vge.f32 v15, v6;
	(v2sf) =	vpush v14, $0x0;
	[tilespmem:s1+$0x20] =	vst v10;
	s4 =	sadd.s32 s5, s4  }
0x97f: {  	s3 =	sadd.s32 $0x80, s3;
	v10 =	vmpcnt.ones.xlane vm2;
	vm3 =	vge.f32 v11, v6;
	(v2sf) =	vpush v17, $0x0;
	[tilespmem:s1+$0x30] =	vst v13;
	s1 =	smov.u32 s0  }
0x980: {  	v11 =	vmpcnt.ones.xlane vm3;
	vm4 =	vge.f32 v7, v6;
	(v2sf) =	vpush v9, $0x0  }
0x981: {  	v7 =	vmpcnt.ones.xlane vm4;
	vm5 =	vge.f32 v8, v6;
	(v2sf) =	vpush v10, $0x0  }
0x982: {  	v8 =	vmpcnt.ones.xlane vm5;
	(v2sf) =	vpush v11, $0x0  }
0x983: {  	(v2sf) =	vpush v7, $0x0  }
0x984: {  	s2 =	spop (v2sf);
	(v2sf) =	vpush v8, $0x0  }
0x985: {  	s2 =	sadd.s32 s4, s2;
	s3 =	spop (v2sf)  }
0x986: {  	s2 =	sadd.s32 s3, s2;
	s15 =	spop (v2sf)  }
0x987: {  	s2 =	sadd.s32 s15, s2;
	s16 =	spop (v2sf)  }
0x988: {  	s2 =	sadd.s32 s16, s2;
	s17 =	spop (v2sf)  }
0x989: {  	s2 =	sadd.s32 s17, s2;
	s18 =	spop (v2sf)  }
0x98a: {  	s2 =	sadd.s32 s18, s2;
	s19 =	spop (v2sf)  }
0x98b: {  	s2 =	sadd.s32 s19, s2;
	s21 =	spop (v2sf)  }
0x98c: {  	s2 =	sadd.s32 s21, s2;
	s22 =	spop (v2sf)  }
0x98d: {  	s2 =	sadd.s32 s2, s22;
	s23 =	spop (v2sf)  }
0x98e: {  	s2 =	sadd.s32 s23, s2;
	s24 =	spop (v2sf)  }
0x98f: {  	s2 =	sadd.s32 s24, s2;
	s25 =	spop (v2sf)  }
0x990: {  	s2 =	sadd.s32 s25, s2;
	s26 =	spop (v2sf)  }
0x991: {  	v7 =	vsel vm1, $0x3F800000, v5;
	s2 =	sadd.s32 s26, s2;
	s28 =	spop (v2sf)  }
0x992: {  	[tilespmem:s0+$0xFFFFFFE0] =	vst v7;
	v7 =	vsel vm0, $0x3F800000, v5;
	s2 =	sadd.s32 s28, s2;
	s29 =	spop (v2sf)  }
0x993: {  	v8 =	vsel vm2, $0x3F800000, v5;
	[tilespmem:s0+$0xFFFFFFF0] =	vst v7;
	s30 =	sadd.s32 s29, s2;
	s31 =	spop (v2sf)  }
0x994: {  	[tilespmem:s0+$0x0] =	vst v8;
	s0 =	sadd.s32 s31, s30  }
0x995: {  	p0 =	seq.s32 s0, $0x800  }
.Ltmp29:
0x996: {  	_ = 	snop;
	(pc) =	sbr.rel @p0 .LBB2_61-.Ltmp29, $4  }
0x997: {  	v7 =	vsel vm3, $0x3F800000, v5  }
0x998: {  	v8 =	vsel vm4, $0x3F800000, v5;
	[tilespmem:s1+$0x10] =	vst v7  }
0x999: {  	v7 =	vsel vm5, $0x3F800000, v5;
	[tilespmem:s1+$0x20] =	vst v8  }
0x99a: {  	[tilespmem:s1+$0x30] =	vst v7  }
0x99b: {  	s0 =	simm.s32 $0x10040  }
0x99c: {  	v7 =	vld [tilespmem:s0+$0xFFFFFFC0]  }
0x99d: {  	v8 =	vld [tilespmem:s0+$0xFFFFFFD0]  }
0x99e: {  	v9 =	vld [tilespmem:s0+$0xFFFFFFE0]  }
0x99f: {  	v10 =	vld [tilespmem:s0+$0xFFFFFFF0]  }
0x9a0: {  	v11 =	vld [tilespmem:s0+$0x0]  }
0x9a1: {  	vm0 =	vgt.f32 v7, v6;
	v7 =	vld [tilespmem:s0+$0x10]  }
0x9a2: {  	v12 =	vmpcnt.ones.xlane vm0;
	vm0 =	vgt.f32 v8, v6;
	v8 =	vld [tilespmem:s0+$0x20]  }
0x9a3: {  	s31 =	simm.s32 $0x100C0;
	v13 =	vmpcnt.ones.xlane vm0;
	vm0 =	vgt.f32 v9, v6;
	v9 =	vld [tilespmem:s0+$0x30]  }
0x9a4: {  	v14 =	vld [tilespmem:s31+$0xFFFFFFC0];
	v15 =	vmpcnt.ones.xlane vm0;
	vm0 =	vgt.f32 v10, v6;
	(v2sf) =	vpush v12, $0x0  }
0x9a5: {  	v10 =	vld [tilespmem:s31+$0xFFFFFFD0];
	v12 =	vmpcnt.ones.xlane vm0;
	vm0 =	vgt.f32 v11, v6;
	(v2sf) =	vpush v13, $0x0  }
0x9a6: {  	v11 =	vld [tilespmem:s31+$0xFFFFFFE0];
	v13 =	vmpcnt.ones.xlane vm0;
	vm0 =	vgt.f32 v7, v6;
	(v2sf) =	vpush v15, $0x0  }
0x9a7: {  	v7 =	vld [tilespmem:s31+$0xFFFFFFF0];
	v15 =	vmpcnt.ones.xlane vm0;
	vm0 =	vgt.f32 v8, v6;
	(v2sf) =	vpush v12, $0x0  }
0x9a8: {  	v8 =	vld [tilespmem:s31+$0x0];
	v12 =	vmpcnt.ones.xlane vm0;
	vm0 =	vgt.f32 v9, v6;
	(v2sf) =	vpush v13, $0x0  }
0x9a9: {  	vm1 =	vgt.f32 v14, v6;
	v9 =	vld [tilespmem:s31+$0x10];
	v13 =	vmpcnt.ones.xlane vm0;
	(v2sf) =	vpush v15, $0x0  }
0x9aa: {  	v14 =	vmpcnt.ones.xlane vm1;
	vm0 =	vgt.f32 v10, v6;
	v15 =	vld [tilespmem:s31+$0x20];
	(v2sf) =	vpush v12, $0x0  }
0x9ab: {  	v10 =	vmpcnt.ones.xlane vm0;
	vm0 =	vgt.f32 v11, v6;
	v11 =	vld [tilespmem:s31+$0x30];
	(v2sf) =	vpush v13, $0x0  }
0x9ac: {  	v13 =	vmpcnt.ones.xlane vm0;
	vm0 =	vgt.f32 v7, v6;
	(v2sf) =	vpush v14, $0x0  }
0x9ad: {  	v7 =	vmpcnt.ones.xlane vm0;
	vm0 =	vgt.f32 v8, v6;
	(v2sf) =	vpush v10, $0x0  }
0x9ae: {  	v8 =	vmpcnt.ones.xlane vm0;
	vm0 =	vgt.f32 v9, v6;
	(v2sf) =	vpush v13, $0x0  }
0x9af: {  	v9 =	vmpcnt.ones.xlane vm0;
	vm0 =	vgt.f32 v15, v6;
	(v2sf) =	vpush v7, $0x0  }
0x9b0: {  	v15 =	vmpcnt.ones.xlane vm0;
	vm0 =	vgt.f32 v11, v6;
	(v2sf) =	vpush v8, $0x0  }
0x9b1: {  	v17 =	vmpcnt.ones.xlane vm0;
	(v2sf) =	vpush v9, $0x0  }
0x9b2: {  	s1 =	simm.s32 $0x10140;
	(v2sf) =	vpush v15, $0x0  }
0x9b3: {  	v12 =	vld [tilespmem:s1+$0xFFFFFFC0];
	(v2sf) =	vpush v17, $0x0  }
0x9b4: {  	v14 =	vld [tilespmem:s1+$0xFFFFFFD0]  }
0x9b5: {  	v16 =	vld [tilespmem:s1+$0xFFFFFFE0]  }
0x9b6: {  	v10 =	vld [tilespmem:s1+$0xFFFFFFF0]  }
0x9b7: {  	v7 =	vld [tilespmem:s1+$0x0]  }
0x9b8: {  	vm1 =	vgt.f32 v12, v6;
	v8 =	vld [tilespmem:s1+$0x10]  }
0x9b9: {  	s2 =	simm.s32 $0x0;
	v11 =	vld [tilespmem:s1+$0x20];
	v13 =	vmpcnt.ones.xlane vm1;
	vm0 =	vgt.f32 v14, v6  }
0x9ba: {  	s0 =	simm.s32 $0x100;
	v9 =	vld [tilespmem:s1+$0x30];
	s1 =	simm.s32 $0x101C0;
	v12 =	vmpcnt.ones.xlane vm0;
	vm0 =	vgt.f32 v16, v6;
	s3 =	spop (v2sf)  }
.LBB2_57:
0x9bb: {  	v14 =	vld [tilespmem:s1+$0xFFFFFFC0];
	s0 =	sadd.s32 $0x80, s0;
	v15 =	vmpcnt.ones.xlane vm0;
	vm0 =	vgt.f32 v10, v6;
	(v2sf) =	vpush v13, $0x0;
	s2 =	sadd.s32 s2, s3;
	s3 =	spop (v2sf)  }
0x9bc: {  	v16 =	vld [tilespmem:s1+$0xFFFFFFD0];
	p0 =	slt.u32 s0, $0x7F80;
	v13 =	vmpcnt.ones.xlane vm0;
	vm0 =	vgt.f32 v7, v6;
	(v2sf) =	vpush v12, $0x0;
	s2 =	sadd.s32 s3, s2;
	s3 =	spop (v2sf)  }
0x9bd: {  	v17 =	vld [tilespmem:s1+$0xFFFFFFE0];
	v12 =	vmpcnt.ones.xlane vm0;
	vm0 =	vgt.f32 v8, v6;
	(v2sf) =	vpush v15, $0x0;
	s2 =	sadd.s32 s3, s2;
	s3 =	spop (v2sf)  }
.Ltmp30:
0x9be: {  	v10 =	vld [tilespmem:s1+$0xFFFFFFF0];
	v15 =	vmpcnt.ones.xlane vm0;
	vm0 =	vgt.f32 v11, v6;
	(v2sf) =	vpush v13, $0x0;
	s2 =	sadd.s32 s3, s2;
	s3 =	spop (v2sf);
	(pc) =	sbr.rel @p0 .LBB2_57-.Ltmp30, $4  }
0x9bf: {  	v7 =	vld [tilespmem:s1+$0x0];
	v18 =	vmpcnt.ones.xlane vm0;
	vm0 =	vgt.f32 v9, v6;
	(v2sf) =	vpush v12, $0x0;
	s2 =	sadd.s32 s3, s2;
	s3 =	spop (v2sf)  }
0x9c0: {  	vm1 =	vgt.f32 v14, v6;
	v8 =	vld [tilespmem:s1+$0x10];
	v14 =	vmpcnt.ones.xlane vm0;
	(v2sf) =	vpush v15, $0x0;
	s2 =	sadd.s32 s3, s2;
	s3 =	spop (v2sf)  }
0x9c1: {  	v13 =	vmpcnt.ones.xlane vm1;
	vm0 =	vgt.f32 v16, v6;
	v11 =	vld [tilespmem:s1+$0x20];
	(v2sf) =	vpush v18, $0x0;
	s2 =	sadd.s32 s3, s2;
	s4 =	spop (v2sf)  }
0x9c2: {  	v12 =	vmpcnt.ones.xlane vm0;
	vm0 =	vgt.f32 v17, v6;
	v9 =	vld [tilespmem:s1+$0x30];
	s1 =	sadd.s32 $0x80, s1;
	(v2sf) =	vpush v14, $0x0;
	s3 =	spop (v2sf);
	s2 =	sadd.s32 s4, s2  }
0x9c3: {  	v14 =	vmpcnt.ones.xlane vm0;
	vm0 =	vgt.f32 v10, v6;
	(v2sf) =	vpush v13, $0x0;
	s0 =	sadd.s32 s2, s3;
	s1 =	spop (v2sf)  }
0x9c4: {  	v10 =	vmpcnt.ones.xlane vm0;
	(v2sf) =	vpush v12, $0x0;
	s0 =	sadd.s32 s1, s0;
	s9 =	spop (v2sf)  }
0x9c5: {  	(v2sf) =	vpush v14, $0x0;
	s1 =	sadd.s32 s9, s0;
	s0 =	simm.s32 $0x0  }
0x9c6: {  	vm0 =	vgt.f32 v7, v6;
	s10 =	spop (v2sf);
	(v2sf) =	vpush v10, $0x0;
	v10 =	vld [tilespmem:s0+$0x10000]  }
0x9c7: {  	v7 =	vmpcnt.ones.xlane vm0;
	vm0 =	vgt.f32 v8, v6  }
0x9c8: {  	v8 =	vmpcnt.ones.xlane vm0;
	vm0 =	vgt.f32 v11, v6;
	s1 =	sadd.s32 s10, s1;
	s11 =	spop (v2sf)  }
0x9c9: {  	v11 =	vmpcnt.ones.xlane vm0;
	vm0 =	vgt.f32 v9, v6;
	(v2sf) =	vpush v7, $0x0;
	s1 =	sadd.s32 s11, s1;
	s12 =	spop (v2sf)  }
0x9ca: {  	v7 =	vmpcnt.ones.xlane vm0;
	(v2sf) =	vpush v8, $0x0;
	s2 =	sadd.s32 s12, s1;
	s13 =	spop (v2sf)  }
0x9cb: {  	(v2sf) =	vpush v11, $0x0;
	s2 =	sadd.s32 s13, s2;
	s15 =	spop (v2sf);
	vm1 =	veq.f32 v10, v6  }
0x9cc: {  	(v2sf) =	vpush v7, $0x0;
	s4 =	spop (v2sf);
	s2 =	sadd.s32 s15, s2;
	v7 =	vsel vm1, $0x1, v1  }
0x9cd: {  	s1 =	simm.s32 $0x10;
	s2 =	sadd.s32 s2, s4;
	s16 =	spop (v2sf);
	(xrf0) =	vadd.scan.msk.s32 $0xffff, v7  }
0x9ce: {  	v8 =	vld [tilespmem:s1+$0x10000];
	s3 =	sadd.s32 s16, s2;
	s17 =	spop (v2sf);
	s2 =	simm.s32 $0x20  }
0x9cf: {  	s3 =	sadd.s32 s17, s3;
	s18 =	spop (v2sf);
	v7 =	vld [tilespmem:s2+$0x10000]  }
0x9d0: {  	s3 =	sadd.s32 s18, s3;
	s19 =	spop (v2sf)  }
0x9d1: {  	s3 =	sadd.s32 s19, s3;
	s21 =	spop (v2sf)  }
0x9d2: {  	s3 =	sadd.s32 s21, s3;
	s22 =	spop (v2sf)  }
0x9d3: {  	vm3 =	vgt.f32 v10, v6;
	vm2 =	veq.f32 v8, v6;
	s3 =	sadd.s32 s22, s3;
	s23 =	spop (v2sf);
	v10, _, _ =	vpop (xrf0)  }
0x9d4: {  	v9 =	vsel vm2, $0x1, v1;
	s5 =	spop (v2sf);
	s3 =	sadd.s32 s23, s3;
	vm0 =	veq.f32 v7, v6;
	(v2sf) =	vpush v10, $0xF  }
0x9d5: {  	(xrf0) =	vadd.scan.msk.s32 $0xffff, v9;
	s4 =	sadd.s32 s3, s5;
	s24 =	spop (v2sf);
	v9 =	vsel vm0, $0x1, v1  }
0x9d6: {  	s3 =	simm.s32 $0x30;
	s4 =	sadd.s32 s24, s4;
	s25 =	spop (v2sf);
	(xrf0) =	vadd.scan.msk.s32 $0xffff, v9  }
0x9d7: {  	vm4 =	vgt.f32 v8, v6;
	v8 =	vld [tilespmem:s3+$0x10000];
	s4 =	sadd.s32 s25, s4;
	s26 =	spop (v2sf)  }
0x9d8: {  	vm3 =	vmmov vm3;
	vm1 =	vmmov vm1;
	s4 =	sadd.s32 s26, s4;
	s28 =	spop (v2sf)  }
0x9d9: {  	vm3 =	vmmov vm3;
	vm1 =	vmmov vm1;
	s4 =	sadd.s32 s28, s4;
	s29 =	spop (v2sf)  }
0x9da: {  	vm1 =	vmmov vm1;
	vm3 =	vmmov vm3;
	s4 =	sadd.s32 s29, s4;
	s30 =	spop (v2sf)  }
0x9db: {  	vm4 =	vmmov vm4;
	vm2 =	vmmov vm2;
	vm5 =	vgt.f32 v7, v6;
	v7, _, _ =	vpop (xrf0);
	s4 =	sadd.s32 s30, s4;
	s31 =	spop (v2sf)  }
0x9dc: {  	(v2sf) =	vpush v7, $0xF;
	vm8 =	vgt.f32 v8, v6;
	vm9 =	veq.f32 v8, v6;
	s4 =	sadd.s32 s31, s4;
	v8, _, _ =	vpop (xrf0)  }
0x9dd: {  	vm4 =	vmmov vm4;
	v9 =	vsel vm9, $0x1, v1;
	s5 =	ssub.s32 $0x800, s4;
	s4 =	simm.s32 $0x40;
	(v2sf) =	vpush v8, $0xF  }
0x9de: {  	vm6 =	vmmov vm5;
	vm5 =	vmmov vm2;
	vm7 =	vmmov vm0;
	(xrf0) =	vadd.scan.msk.s32 $0xffff, v9;
	v9 =	vld [tilespmem:s4+$0x10000]  }
0x9df: {  	vm2 =	vmmov vm1;
	vm0 =	vmmov vm5;
	vm5 =	vmmov vm3  }
0x9e0: {  	vm3 =	vmmov vm4;
	vm1 =	vmmov vm6;
	vm7 =	vmmov vm7  }
0x9e1: {  	s6 =	simm.s32 $0x140;
	vm4 =	vmmov vm8;
	vm6 =	vmmov vm9;
	vm8 =	vle.s32 v10, s5  }
.LBB2_59:
0x9e2: {  	s7 =	sshra.s32 s6, $0x2;
	vm8 =	vmand vm2, vm8;
	vm2 =	vmmov vm0;
	vm0 =	vmmov vm7;
	p0 =	sne.s32 s6, $0x1FFC0  }
.Ltmp31:
0x9e3: {  	s6 =	sadd.s32 $0x40, s6;
	vm7 =	vgt.f32 v9, v6;
	vm9 =	veq.f32 v9, v6;
	vm5 =	vmor vm5, vm8;
	s8 =	spop (v2sf);
	(pc) =	sbr.rel @p0 .LBB2_59-.Ltmp31, $4  }
0x9e4: {  	s9 =	smov.u32 s5;
	v12 =	vsel vm9, $0x1, v1;
	v9 =	vld [tilespmem:s7+$0x10000];
	v11 =	vsel vm5, $0x3F800000, v5;
	p1 =	slt.s32 s8, s5;
	vm5 =	vmmov vm3  }
0x9e5: {  	vm3 =	vmmov vm1;
	vm1 =	vmmov vm4;
	(xrf0) =	vadd.scan.msk.s32 $0xffff, v12;
	v10, _, _ =	vpop (xrf0);
	[tilespmem:s0+$0x8000] =	vst v11;
	s9 =	smov.u32 @p1 s8;
	s0 =	smov.u32 s1;
	s1 =	smov.u32 s2  }
0x9e6: {  	vm4 =	vmmov vm7;
	vm7 =	vmmov vm6;
	s2 =	smov.u32 s3;
	s3 =	smov.u32 s4;
	(v2sf) =	vpush v10, $0xF;
	s5 =	ssub.s32 s5, s9  }
0x9e7: {  	vm6 =	vmmov vm9;
	s4 =	smov.u32 s7;
	vm8 =	vle.s32 v7, s5;
	v7 =	vmovc v8;
	v8 =	vmov v10  }
.Ltmp32:
0x9e8: {  	_ = 	snop;
	(pc) =	sbr.rel .LBB2_60-.Ltmp32, $1  }
0x9e9: {  	_ =	sdelay $0x3  }
.LBB2_62:
0x9ea: {  	_ =	sfence.sel $0x180000  }
0x9eb: {  	[bflag:$0x0] =	sbarrier.arrive $0xFFFF  }
0x9ec: {  	_ =	strace $0x90000047  }
0x9ed: {  	s0 =	stileid.u32;
	[bflag:$0x2] =	sbarrier.arrive $0xFFFF  }
0x9ee: {  	p0 =	sne.s32 s0, $0x0;
	s0 =	rddreg [dreg:$0x3]  }
0x9ef: {  	s0 =	sadd.s32 @!p0 $0x100000, s0  }
0x9f0: {  	[sflag:s0] =	ssyncadd.tile.s32 @!p0 $0x1;
	_ =	shalt  }
.Lfunc_end2:
_tile_overlayer_lowered:
.L_overlay_start_2:
0x9f1: {  	(tag) =	ssettag $0x2  }
0x9f2: {  	s0 =	rddreg [dreg:$0x0];
	s2 =	stileid.u32  }
0x9f3: {  	s1 =	rddreg [dreg:$0x1];
	p0 =	sne.s32 s2, $0x0  }
0x9f4: {  	s3 =	rddreg [dreg:$0x2];
	[bflag:$0x3] =	sbarrier.arrive $0xFFFF;
	s2 =	simm.s32 @!p0 $0x1C05  }
0x9f5: {  	[timem:s3], [sflag:s2] =	dma.local @!p0 [hbm:s0], s1  }
0x9f6: {  	s0 =	simm.s32 @!p0 $0x5  }
0x9f7: {  	_ =	swait.ge @!p0 [sflag:s0], s1  }
0x9f8: {  	s1 =	ssub.s32 @!p0 $0x0, s1;
	[sflag:s0] =	ssyncset.done @!p0 $0x0  }
0x9f9: {  	[sflag:s0] =	ssyncadd.s32 @!p0 s1  }
0x9fa: {  	[bflag:$0x3] =	sbarrier.arrive $0xFFFF  }
0x9fb: {  	_ =	shalt  }

</sc_bundles>
